<compile_context>
chip_gen: v7x
topology: tpu7x:2x2x1
jax: 0.10.2.dev20260603
libtpu: 0.0.44.dev20260713+nightly
codegen_flags: <defaults>
</compile_context>

<pallas_src>
import functools

import jax
import jax.numpy as jnp
from jax import lax
from jax.experimental import pallas as pl
from jax.experimental.pallas import tpu as pltpu
from jax.experimental.pallas import tpu_sc as plsc

N = 10000
E = 320000
D_IN = 128
D_HID = 256
D_OUT = 128

NC = 2
NS = 16
CH = 128
NCHUNK = 80
EPT = NCHUNK * CH
EPAD = NC * NS * EPT
NPAD = 10112
RPT = NPAD // NS
ZR = 64

_MESH = plsc.VectorSubcoreMesh(core_axis_name="c", subcore_axis_name="s")


def _zero_fill_vmem(ref, rows, cols):
    z = jnp.zeros((16,), jnp.float32)

    def fill(i, carry):
        for j in range(cols // 16):
            ref[i, pl.ds(j * 16, 16)] = z
        return carry

    lax.fori_loop(0, rows, fill, 0)


def _zero_acc_slice(acc, zero_v, base, width):
    nfull = RPT // ZR
    rem = RPT - nfull * ZR
    for k in range(nfull):
        pltpu.sync_copy(zero_v, acc.at[pl.ds(base + k * ZR, ZR)])
    if rem:
        pltpu.sync_copy(zero_v.at[pl.ds(0, rem)], acc.at[pl.ds(base + nfull * ZR, rem)])


def _make_deg_kernel():
    @functools.partial(
        pl.kernel,
        out_type=jax.ShapeDtypeStruct((NC, NPAD, 16), jnp.float32),
        mesh=_MESH,
        scratch_types=[
            pltpu.VMEM((NCHUNK, CH), jnp.int32),
            pltpu.VMEM((CH, 16), jnp.float32),
            pltpu.VMEM((ZR, 16), jnp.float32),
            pltpu.VMEM_SHARED((NPAD, 16), jnp.float32),
        ],
    )
    def deg_kernel(dst_hbm, out_hbm, dst_v, ones_v, zero_v, acc):
        c = lax.axis_index("c")
        s = lax.axis_index("s")
        wid = s * NC + c
        base = s * RPT
        pltpu.sync_copy(dst_hbm.at[wid], dst_v)
        one = jnp.full((16,), 1.0, jnp.float32)

        def fill(i, carry):
            ones_v[i, pl.ds(0, 16)] = one
            return carry

        lax.fori_loop(0, CH, fill, 0)
        _zero_fill_vmem(zero_v, ZR, 16)
        _zero_acc_slice(acc, zero_v, base, 16)
        plsc.subcore_barrier()

        def body(j, carry):
            pltpu.sync_copy(ones_v, acc.at[dst_v.at[j]], add=True)
            return carry

        lax.fori_loop(0, NCHUNK, body, 0)
        plsc.subcore_barrier()
        pltpu.sync_copy(acc.at[pl.ds(base, RPT)], out_hbm.at[c, pl.ds(base, RPT)])

    return deg_kernel


def _make_agg_kernel(ntab):
    @functools.partial(
        pl.kernel,
        out_type=[jax.ShapeDtypeStruct((NC, NPAD, 128), jnp.float32)] * ntab,
        mesh=_MESH,
        scratch_types=[
            pltpu.VMEM((NCHUNK // 2, CH), jnp.int32),
            pltpu.VMEM((NCHUNK // 2, CH), jnp.int32),
            pltpu.VMEM((CH, 128), jnp.float32),
            pltpu.VMEM((CH, 128), jnp.float32),
            pltpu.VMEM_SHARED((NPAD, 128), jnp.float32),
            pltpu.SemaphoreType.DMA,
        ],
    )
    def agg_kernel(*refs):
        tabs = refs[:ntab]
        src_hbm = refs[ntab]
        dst_hbm = refs[ntab + 1]
        outs = refs[ntab + 2 : 2 * ntab + 2]
        src_v, dst_v, rows0, rows1, acc, gsem = refs[2 * ntab + 2 :]
        c = lax.axis_index("c")
        s = lax.axis_index("s")
        wid = s * NC + c
        base = s * RPT
        HC = NCHUNK // 2
        for t in range(ntab):
            tab = tabs[t]
            _zero_fill_vmem(rows0, CH, 128)
            nfull = RPT // CH
            rem = RPT - nfull * CH
            for k in range(nfull):
                pltpu.sync_copy(rows0, acc.at[pl.ds(base + k * CH, CH)])
            if rem:
                pltpu.sync_copy(rows0.at[pl.ds(0, rem)], acc.at[pl.ds(base + nfull * CH, rem)])
            plsc.subcore_barrier()

            def wait_gather(buf, _tab=tab):
                pltpu.make_async_copy(_tab.at[pl.ds(0, CH)], buf, gsem).wait()

            for h in range(2):
                pltpu.sync_copy(src_hbm.at[wid, pl.ds(h * HC, HC)], src_v)
                pltpu.sync_copy(dst_hbm.at[wid, pl.ds(h * HC, HC)], dst_v)
                pltpu.async_copy(tab.at[src_v.at[0]], rows0, gsem)

                def body(k, carry, _tab=tab):
                    j0 = 2 * k
                    wait_gather(rows0)
                    pltpu.async_copy(_tab.at[src_v.at[j0 + 1]], rows1, gsem)
                    pltpu.sync_copy(rows0, acc.at[dst_v.at[j0]], add=True)
                    wait_gather(rows1)

                    @pl.when(k < HC // 2 - 1)
                    def _():
                        pltpu.async_copy(_tab.at[src_v.at[j0 + 2]], rows0, gsem)

                    pltpu.sync_copy(rows1, acc.at[dst_v.at[j0 + 1]], add=True)
                    return carry

                lax.fori_loop(0, HC // 2, body, 0)
            plsc.subcore_barrier()
            pltpu.sync_copy(acc.at[pl.ds(base, RPT)], outs[t].at[c, pl.ds(base, RPT)])
            if t + 1 < ntab:
                plsc.subcore_barrier()

    return agg_kernel



RB = 1000
GRID = (N // RB,)

_row_spec128 = pl.BlockSpec((RB, 128), lambda i: (i, 0))
_acc_spec = pl.BlockSpec((NC, RB, 128), lambda i: (0, i, 0))
_deg_spec = pl.BlockSpec((NC, RB, 16), lambda i: (0, i, 0))


def _dinv_of(degp_ref):
    deg = degp_ref[0, :, 0:1] + degp_ref[1, :, 0:1] + 1.0
    return lax.rsqrt(deg)


def _scale_body(x_ref, degp_ref, o_ref):
    o_ref[...] = x_ref[...] * _dinv_of(degp_ref)


def _l1_body(sp_ref, g0_ref, degp_ref, w1_ref, b1_ref, oa_ref, ob_ref):
    dinv = _dinv_of(degp_ref)
    a0 = dinv * (sp_ref[0] + sp_ref[1] + g0_ref[...])
    h1 = jnp.dot(a0, w1_ref[...], preferred_element_type=jnp.float32) + b1_ref[...]
    g1 = dinv * jnp.maximum(h1, 0.0)
    oa_ref[...] = g1[:, :128]
    ob_ref[...] = g1[:, 128:]


def _l2_body(spa_ref, spb_ref, g1a_ref, g1b_ref, degp_ref, w2_ref, b2_ref, w3_ref, o_ref):
    dinv = _dinv_of(degp_ref)
    a1 = jnp.concatenate(
        [
            dinv * (spa_ref[0] + spa_ref[1] + g1a_ref[...]),
            dinv * (spb_ref[0] + spb_ref[1] + g1b_ref[...]),
        ],
        axis=1,
    )
    h2 = jnp.dot(a1, w2_ref[...], preferred_element_type=jnp.float32) + b2_ref[...]
    h2 = jnp.maximum(h2, 0.0)
    m = jnp.dot(h2, w3_ref[...], preferred_element_type=jnp.float32)
    o_ref[...] = dinv * m


def _l3_body(sp_ref, g2_ref, degp_ref, b3_ref, o_ref):
    dinv = _dinv_of(degp_ref)
    a2 = dinv * (sp_ref[0] + sp_ref[1] + g2_ref[...])
    o_ref[...] = jax.nn.sigmoid(a2 + b3_ref[...])


def _full_spec(shape):
    nd = len(shape)
    return pl.BlockSpec(shape, lambda i: (0,) * nd)


def kernel(x, edge_index, W1, b1, W2, b2, W3, b3):
    src = edge_index[0]
    dst = edge_index[1]
    pad = EPAD - E
    src_p = jnp.concatenate([src, jnp.zeros((pad,), jnp.int32)]).reshape(NC * NS, NCHUNK, CH)
    dst_p = jnp.concatenate([dst, jnp.full((pad,), N, jnp.int32)]).reshape(NC * NS, NCHUNK, CH)
    b1r = b1.reshape(1, D_HID)
    b2r = b2.reshape(1, D_HID)
    b3r = b3.reshape(1, D_OUT)

    degp = _make_deg_kernel()(dst_p)

    g0 = pl.pallas_call(
        _scale_body,
        grid=GRID,
        in_specs=[_row_spec128, _deg_spec],
        out_specs=_row_spec128,
        out_shape=jax.ShapeDtypeStruct((N, 128), jnp.float32),
    )(x, degp)

    (sp0,) = _make_agg_kernel(1)(g0, src_p, dst_p)

    g1a, g1b = pl.pallas_call(
        _l1_body,
        grid=GRID,
        in_specs=[
            _acc_spec,
            _row_spec128,
            _deg_spec,
            _full_spec((D_IN, D_HID)),
            _full_spec((1, D_HID)),
        ],
        out_specs=[_row_spec128, _row_spec128],
        out_shape=[
            jax.ShapeDtypeStruct((N, 128), jnp.float32),
            jax.ShapeDtypeStruct((N, 128), jnp.float32),
        ],
    )(sp0, g0, degp, W1, b1r)

    spa, spb = _make_agg_kernel(2)(g1a, g1b, src_p, dst_p)

    g2 = pl.pallas_call(
        _l2_body,
        grid=GRID,
        in_specs=[
            _acc_spec,
            _acc_spec,
            _row_spec128,
            _row_spec128,
            _deg_spec,
            _full_spec((D_HID, D_HID)),
            _full_spec((1, D_HID)),
            _full_spec((D_HID, D_OUT)),
        ],
        out_specs=_row_spec128,
        out_shape=jax.ShapeDtypeStruct((N, 128), jnp.float32),
    )(spa, spb, g1a, g1b, degp, W2, b2r, W3)

    (sp2,) = _make_agg_kernel(1)(g2, src_p, dst_p)

    out = pl.pallas_call(
        _l3_body,
        grid=GRID,
        in_specs=[_acc_spec, _row_spec128, _deg_spec, _full_spec((1, D_OUT))],
        out_specs=_row_spec128,
        out_shape=jax.ShapeDtypeStruct((N, 128), jnp.float32),
    )(sp2, g2, degp, b3r)

    return out

# --- scband reference (transcript-rebuilt; emitter-appended) ---
"""Pipeline reference for scband-graph-convolutional-network-62534723830156 (READ-ONLY COPY).

The authoritative reference and input builder live on the scoring server;
editing this copy changes nothing except your own understanding.
"""

import jax, jax.numpy as jnp
import numpy as np

N_NODES = 10000
N_EDGES = 320000
D_IN = 128
D_HID = 256
D_OUT = 128


def gcn_conv(x, W, b, src, dst, n):
    # PyG GCNConv (eval): h = D^{-1/2} (A + I) D^{-1/2} (x @ W) + b
    h = x @ W
    loop = jnp.arange(n, dtype=src.dtype)
    s = jnp.concatenate([src, loop])
    d = jnp.concatenate([dst, loop])
    deg = jnp.zeros((n,), dtype=h.dtype).at[d].add(1.0)
    dinv = jnp.where(deg > 0, jax.lax.rsqrt(jnp.maximum(deg, 1e-12)), 0.0)
    norm = dinv[s] * dinv[d]
    msg = h[s] * norm[:, None]
    out = jnp.zeros((n, h.shape[1]), dtype=h.dtype).at[d].add(msg)
    return out + b


def setup_inputs(seed: int = 0) -> dict:
    key = jax.random.key(seed)
    ks = jax.random.split(key, 8)
    x = jax.random.normal(ks[0], (N_NODES, D_IN), dtype=jnp.float32)
    edge_index = jax.random.randint(ks[1], (2, N_EDGES), 0, N_NODES, dtype=jnp.int32)
    W1 = jax.random.normal(ks[2], (D_IN, D_HID), dtype=jnp.float32) * 0.05
    b1 = jnp.zeros((D_HID,), dtype=jnp.float32)
    W2 = jax.random.normal(ks[3], (D_HID, D_HID), dtype=jnp.float32) * 0.05
    b2 = jnp.zeros((D_HID,), dtype=jnp.float32)
    W3 = jax.random.normal(ks[4], (D_HID, D_OUT), dtype=jnp.float32) * 0.05
    b3 = jnp.zeros((D_OUT,), dtype=jnp.float32)
    return {"x": x, "edge_index": edge_index, "W1": W1, "b1": b1, "W2": W2, "b2": b2, "W3": W3, "b3": b3}


def reference(x, edge_index, W1, b1, W2, b2, W3, b3):
    # Inference mode: dropout is identity.
    src = edge_index[0]
    dst = edge_index[1]
    n = x.shape[0]
    h = gcn_conv(x, W1, b1, src, dst, n)
    h = jax.nn.relu(h)
    h = gcn_conv(h, W2, b2, src, dst, n)
    h = jax.nn.relu(h)
    h = gcn_conv(h, W3, b3, src, dst, n)
    h = jnp.squeeze(h)
    return jax.nn.sigmoid(h)

if __name__ == "__main__":
    import jax
    _d = setup_inputs()
    print(jax.jit(kernel)(*tuple(_d.values())))

</pallas_src>

<mosaic_0001>
#map = affine_map<(d0, d1) -> (0, 0, 0)>
module attributes {stable_mosaic.version = 14 : i64} {
  func.func @deg_kernel(%arg0: i32, %arg1: i32, %arg2: memref<32x80x128xi32, #tpu.memory_space<hbm>>, %arg3: memref<2x10112x16xf32, #tpu.memory_space<hbm>>, %arg4: memref<80x128xi32, #tpu.memory_space<vmem>>, %arg5: memref<128x16xf32, #tpu.memory_space<vmem>>, %arg6: memref<64x16xf32, #tpu.memory_space<vmem>>, %arg7: memref<10112x16xf32, #tpu.memory_space<vmem_shared>>) attributes {dimension_semantics = [#tpu.dimension_semantics<core_parallel>, #tpu.dimension_semantics<subcore_parallel>], iteration_bounds = array<i64: 2, 16>, scalar_prefetch = 0 : i64, scratch_operands = 4 : i64, tpu.core_type = #tpu.core_type<sc_vector_subcore>, window_params = [{transform_indices = #map}, {transform_indices = #map}]} {
    %mul3A = arith.constant 2 : i32
    %mul3A_0 = arith.muli %arg1, %mul3A : i32
    %add3A = arith.addi %mul3A_0, %arg0 : i32
    %mul3A_1 = arith.constant 632 : i32
    %mul3A_2 = arith.muli %arg1, %mul3A_1 : i32
    "tpu.region"() ({
      %run_scoped3A = tpu.sem_alloc : memref<!tpu.dma_semaphore, #tpu.memory_space<semaphore_mem>>
      %dma_start3A = arith.constant 0 : i32
      %dma_start3A_44 = arith.constant 0 : i32
      %dma_start3A_45 = tpu.memref_slice %arg2[%add3A, %dma_start3A, %dma_start3A_44] : memref<32x80x128xi32, #tpu.memory_space<hbm>> -> memref<1x80x128xi32, #tpu.memory_space<hbm>>
      %dma_start3A_46 = tpu.memref_squeeze %dma_start3A_45 : memref<1x80x128xi32, #tpu.memory_space<hbm>> -> memref<80x128xi32, #tpu.memory_space<hbm>>
      %dma_start3A_47 = arith.constant 0 : i32
      %dma_start3A_48 = arith.constant 0 : i32
      %dma_start3A_49 = tpu.memref_slice %arg2[%add3A, %dma_start3A_47, %dma_start3A_48] : memref<32x80x128xi32, #tpu.memory_space<hbm>> -> memref<1x80x128xi32, #tpu.memory_space<hbm>>
      %dma_start3A_50 = tpu.memref_squeeze %dma_start3A_49 : memref<1x80x128xi32, #tpu.memory_space<hbm>> -> memref<80x128xi32, #tpu.memory_space<hbm>>
      tpu.enqueue_dma source(%dma_start3A_50 : memref<80x128xi32, #tpu.memory_space<hbm>>) target(%arg4 : memref<80x128xi32, #tpu.memory_space<vmem>>) target_semaphore(%run_scoped3A : memref<!tpu.dma_semaphore, #tpu.memory_space<semaphore_mem>>)
      %dma_wait3A = arith.constant 0 : i32
      %dma_wait3A_51 = arith.constant 0 : i32
      %dma_wait3A_52 = tpu.memref_slice %arg2[%add3A, %dma_wait3A, %dma_wait3A_51] : memref<32x80x128xi32, #tpu.memory_space<hbm>> -> memref<1x80x128xi32, #tpu.memory_space<hbm>>
      %dma_wait3A_53 = tpu.memref_squeeze %dma_wait3A_52 : memref<1x80x128xi32, #tpu.memory_space<hbm>> -> memref<80x128xi32, #tpu.memory_space<hbm>>
      %dma_wait3A_54 = arith.constant 0 : i32
      %dma_wait3A_55 = arith.constant 0 : i32
      %dma_wait3A_56 = tpu.memref_slice %arg2[%add3A, %dma_wait3A_54, %dma_wait3A_55] : memref<32x80x128xi32, #tpu.memory_space<hbm>> -> memref<1x80x128xi32, #tpu.memory_space<hbm>>
      %dma_wait3A_57 = tpu.memref_squeeze %dma_wait3A_56 : memref<1x80x128xi32, #tpu.memory_space<hbm>> -> memref<80x128xi32, #tpu.memory_space<hbm>>
      tpu.wait_dma2 semaphore(%run_scoped3A : memref<!tpu.dma_semaphore, #tpu.memory_space<semaphore_mem>>) src(%dma_wait3A_57 : memref<80x128xi32, #tpu.memory_space<hbm>>) dst(%arg4 : memref<80x128xi32, #tpu.memory_space<vmem>>)
      tpu.yield
    }) : () -> ()
    %broadcast_in_dim3A = arith.constant 1.000000e+00 : f32
    %broadcast_in_dim3A_3 = vector.broadcast %broadcast_in_dim3A : f32 to vector<16xf32>
    %scan3A = arith.constant 0 : i32
    %scan3A_4 = arith.constant 0 : i32
    %scan3A_5 = arith.constant 128 : i32
    %scan3A_6 = arith.addi %scan3A_4, %scan3A_5 : i32
    %scan3A_7 = arith.constant 1 : i32
    scf.for %scan3A_44 = %scan3A_4 to %scan3A_6 step %scan3A_7  : i32 {
      %swap3A = arith.index_cast %scan3A_44 : i32 to index
      %swap3A_45 = arith.constant 0 : index
      %swap3A_46 = tpu.vector_load %arg5[%swap3A, %swap3A_45] {strides = array<i32>} : memref<128x16xf32, #tpu.memory_space<vmem>>, vector<1x16xf32>,
      %swap3A_47 = vector.shape_cast %swap3A_46 : vector<1x16xf32> to vector<16xf32>
      %swap3A_48 = vector.shape_cast %broadcast_in_dim3A_3 : vector<16xf32> to vector<1x16xf32>
      tpu.vector_store %arg5[%swap3A, %swap3A_45], %swap3A_48 {strides = array<i32>} : memref<128x16xf32, #tpu.memory_space<vmem>>, vector<1x16xf32>,
    }
    %scan3A_8 = arith.constant 128 : i32
    %broadcast_in_dim3A_9 = arith.constant 0.000000e+00 : f32
    %broadcast_in_dim3A_10 = vector.broadcast %broadcast_in_dim3A_9 : f32 to vector<16xf32>
    %scan3A_11 = arith.constant 0 : i32
    %scan3A_12 = arith.constant 0 : i32
    %scan3A_13 = arith.constant 64 : i32
    %scan3A_14 = arith.addi %scan3A_12, %scan3A_13 : i32
    %scan3A_15 = arith.constant 1 : i32
    scf.for %scan3A_44 = %scan3A_12 to %scan3A_14 step %scan3A_15  : i32 {
      %swap3A = arith.index_cast %scan3A_44 : i32 to index
      %swap3A_45 = arith.constant 0 : index
      %swap3A_46 = tpu.vector_load %arg6[%swap3A, %swap3A_45] {strides = array<i32>} : memref<64x16xf32, #tpu.memory_space<vmem>>, vector<1x16xf32>,
      %swap3A_47 = vector.shape_cast %swap3A_46 : vector<1x16xf32> to vector<16xf32>
      %swap3A_48 = vector.shape_cast %broadcast_in_dim3A_10 : vector<16xf32> to vector<1x16xf32>
      tpu.vector_store %arg6[%swap3A, %swap3A_45], %swap3A_48 {strides = array<i32>} : memref<64x16xf32, #tpu.memory_space<vmem>>, vector<1x16xf32>,
    }
    %scan3A_16 = arith.constant 64 : i32
    %add3A_17 = arith.constant 0 : i32
    %add3A_18 = arith.addi %mul3A_2, %add3A_17 : i32
    "tpu.region"() ({
      %run_scoped3A = tpu.sem_alloc : memref<!tpu.dma_semaphore, #tpu.memory_space<semaphore_mem>>
      %dma_start3A = arith.constant 0 : i32
      %dma_start3A_44 = tpu.memref_slice %arg7[%add3A_18, %dma_start3A] : memref<10112x16xf32, #tpu.memory_space<vmem_shared>> -> memref<64x16xf32, #tpu.memory_space<vmem_shared>>
      %dma_start3A_45 = arith.constant 0 : i32
      %dma_start3A_46 = tpu.memref_slice %arg7[%add3A_18, %dma_start3A_45] : memref<10112x16xf32, #tpu.memory_space<vmem_shared>> -> memref<64x16xf32, #tpu.memory_space<vmem_shared>>
      tpu.enqueue_dma source(%arg6 : memref<64x16xf32, #tpu.memory_space<vmem>>) target(%dma_start3A_46 : memref<64x16xf32, #tpu.memory_space<vmem_shared>>) target_semaphore(%run_scoped3A : memref<!tpu.dma_semaphore, #tpu.memory_space<semaphore_mem>>)
      %dma_wait3A = arith.constant 0 : i32
      %dma_wait3A_47 = tpu.memref_slice %arg7[%add3A_18, %dma_wait3A] : memref<10112x16xf32, #tpu.memory_space<vmem_shared>> -> memref<64x16xf32, #tpu.memory_space<vmem_shared>>
      %dma_wait3A_48 = arith.constant 0 : i32
      %dma_wait3A_49 = tpu.memref_slice %arg7[%add3A_18, %dma_wait3A_48] : memref<10112x16xf32, #tpu.memory_space<vmem_shared>> -> memref<64x16xf32, #tpu.memory_space<vmem_shared>>
      tpu.wait_dma2 semaphore(%run_scoped3A : memref<!tpu.dma_semaphore, #tpu.memory_space<semaphore_mem>>) src(%arg6 : memref<64x16xf32, #tpu.memory_space<vmem>>) dst(%dma_wait3A_49 : memref<64x16xf32, #tpu.memory_space<vmem_shared>>)
      tpu.yield
    }) : () -> ()
    %add3A_19 = arith.constant 64 : i32
    %add3A_20 = arith.addi %mul3A_2, %add3A_19 : i32
    "tpu.region"() ({
      %run_scoped3A = tpu.sem_alloc : memref<!tpu.dma_semaphore, #tpu.memory_space<semaphore_mem>>
      %dma_start3A = arith.constant 0 : i32
      %dma_start3A_44 = tpu.memref_slice %arg7[%add3A_20, %dma_start3A] : memref<10112x16xf32, #tpu.memory_space<vmem_shared>> -> memref<64x16xf32, #tpu.memory_space<vmem_shared>>
      %dma_start3A_45 = arith.constant 0 : i32
      %dma_start3A_46 = tpu.memref_slice %arg7[%add3A_20, %dma_start3A_45] : memref<10112x16xf32, #tpu.memory_space<vmem_shared>> -> memref<64x16xf32, #tpu.memory_space<vmem_shared>>
      tpu.enqueue_dma source(%arg6 : memref<64x16xf32, #tpu.memory_space<vmem>>) target(%dma_start3A_46 : memref<64x16xf32, #tpu.memory_space<vmem_shared>>) target_semaphore(%run_scoped3A : memref<!tpu.dma_semaphore, #tpu.memory_space<semaphore_mem>>)
      %dma_wait3A = arith.constant 0 : i32
      %dma_wait3A_47 = tpu.memref_slice %arg7[%add3A_20, %dma_wait3A] : memref<10112x16xf32, #tpu.memory_space<vmem_shared>> -> memref<64x16xf32, #tpu.memory_space<vmem_shared>>
      %dma_wait3A_48 = arith.constant 0 : i32
      %dma_wait3A_49 = tpu.memref_slice %arg7[%add3A_20, %dma_wait3A_48] : memref<10112x16xf32, #tpu.memory_space<vmem_shared>> -> memref<64x16xf32, #tpu.memory_space<vmem_shared>>
      tpu.wait_dma2 semaphore(%run_scoped3A : memref<!tpu.dma_semaphore, #tpu.memory_space<semaphore_mem>>) src(%arg6 : memref<64x16xf32, #tpu.memory_space<vmem>>) dst(%dma_wait3A_49 : memref<64x16xf32, #tpu.memory_space<vmem_shared>>)
      tpu.yield
    }) : () -> ()
    %add3A_21 = arith.constant 128 : i32
    %add3A_22 = arith.addi %mul3A_2, %add3A_21 : i32
    "tpu.region"() ({
      %run_scoped3A = tpu.sem_alloc : memref<!tpu.dma_semaphore, #tpu.memory_space<semaphore_mem>>
      %dma_start3A = arith.constant 0 : i32
      %dma_start3A_44 = tpu.memref_slice %arg7[%add3A_22, %dma_start3A] : memref<10112x16xf32, #tpu.memory_space<vmem_shared>> -> memref<64x16xf32, #tpu.memory_space<vmem_shared>>
      %dma_start3A_45 = arith.constant 0 : i32
      %dma_start3A_46 = tpu.memref_slice %arg7[%add3A_22, %dma_start3A_45] : memref<10112x16xf32, #tpu.memory_space<vmem_shared>> -> memref<64x16xf32, #tpu.memory_space<vmem_shared>>
      tpu.enqueue_dma source(%arg6 : memref<64x16xf32, #tpu.memory_space<vmem>>) target(%dma_start3A_46 : memref<64x16xf32, #tpu.memory_space<vmem_shared>>) target_semaphore(%run_scoped3A : memref<!tpu.dma_semaphore, #tpu.memory_space<semaphore_mem>>)
      %dma_wait3A = arith.constant 0 : i32
      %dma_wait3A_47 = tpu.memref_slice %arg7[%add3A_22, %dma_wait3A] : memref<10112x16xf32, #tpu.memory_space<vmem_shared>> -> memref<64x16xf32, #tpu.memory_space<vmem_shared>>
      %dma_wait3A_48 = arith.constant 0 : i32
      %dma_wait3A_49 = tpu.memref_slice %arg7[%add3A_22, %dma_wait3A_48] : memref<10112x16xf32, #tpu.memory_space<vmem_shared>> -> memref<64x16xf32, #tpu.memory_space<vmem_shared>>
      tpu.wait_dma2 semaphore(%run_scoped3A : memref<!tpu.dma_semaphore, #tpu.memory_space<semaphore_mem>>) src(%arg6 : memref<64x16xf32, #tpu.memory_space<vmem>>) dst(%dma_wait3A_49 : memref<64x16xf32, #tpu.memory_space<vmem_shared>>)
      tpu.yield
    }) : () -> ()
    %add3A_23 = arith.constant 192 : i32
    %add3A_24 = arith.addi %mul3A_2, %add3A_23 : i32
    "tpu.region"() ({
      %run_scoped3A = tpu.sem_alloc : memref<!tpu.dma_semaphore, #tpu.memory_space<semaphore_mem>>
      %dma_start3A = arith.constant 0 : i32
      %dma_start3A_44 = tpu.memref_slice %arg7[%add3A_24, %dma_start3A] : memref<10112x16xf32, #tpu.memory_space<vmem_shared>> -> memref<64x16xf32, #tpu.memory_space<vmem_shared>>
      %dma_start3A_45 = arith.constant 0 : i32
      %dma_start3A_46 = tpu.memref_slice %arg7[%add3A_24, %dma_start3A_45] : memref<10112x16xf32, #tpu.memory_space<vmem_shared>> -> memref<64x16xf32, #tpu.memory_space<vmem_shared>>
      tpu.enqueue_dma source(%arg6 : memref<64x16xf32, #tpu.memory_space<vmem>>) target(%dma_start3A_46 : memref<64x16xf32, #tpu.memory_space<vmem_shared>>) target_semaphore(%run_scoped3A : memref<!tpu.dma_semaphore, #tpu.memory_space<semaphore_mem>>)
      %dma_wait3A = arith.constant 0 : i32
      %dma_wait3A_47 = tpu.memref_slice %arg7[%add3A_24, %dma_wait3A] : memref<10112x16xf32, #tpu.memory_space<vmem_shared>> -> memref<64x16xf32, #tpu.memory_space<vmem_shared>>
      %dma_wait3A_48 = arith.constant 0 : i32
      %dma_wait3A_49 = tpu.memref_slice %arg7[%add3A_24, %dma_wait3A_48] : memref<10112x16xf32, #tpu.memory_space<vmem_shared>> -> memref<64x16xf32, #tpu.memory_space<vmem_shared>>
      tpu.wait_dma2 semaphore(%run_scoped3A : memref<!tpu.dma_semaphore, #tpu.memory_space<semaphore_mem>>) src(%arg6 : memref<64x16xf32, #tpu.memory_space<vmem>>) dst(%dma_wait3A_49 : memref<64x16xf32, #tpu.memory_space<vmem_shared>>)
      tpu.yield
    }) : () -> ()
    %add3A_25 = arith.constant 256 : i32
    %add3A_26 = arith.addi %mul3A_2, %add3A_25 : i32
    "tpu.region"() ({
      %run_scoped3A = tpu.sem_alloc : memref<!tpu.dma_semaphore, #tpu.memory_space<semaphore_mem>>
      %dma_start3A = arith.constant 0 : i32
      %dma_start3A_44 = tpu.memref_slice %arg7[%add3A_26, %dma_start3A] : memref<10112x16xf32, #tpu.memory_space<vmem_shared>> -> memref<64x16xf32, #tpu.memory_space<vmem_shared>>
      %dma_start3A_45 = arith.constant 0 : i32
      %dma_start3A_46 = tpu.memref_slice %arg7[%add3A_26, %dma_start3A_45] : memref<10112x16xf32, #tpu.memory_space<vmem_shared>> -> memref<64x16xf32, #tpu.memory_space<vmem_shared>>
      tpu.enqueue_dma source(%arg6 : memref<64x16xf32, #tpu.memory_space<vmem>>) target(%dma_start3A_46 : memref<64x16xf32, #tpu.memory_space<vmem_shared>>) target_semaphore(%run_scoped3A : memref<!tpu.dma_semaphore, #tpu.memory_space<semaphore_mem>>)
      %dma_wait3A = arith.constant 0 : i32
      %dma_wait3A_47 = tpu.memref_slice %arg7[%add3A_26, %dma_wait3A] : memref<10112x16xf32, #tpu.memory_space<vmem_shared>> -> memref<64x16xf32, #tpu.memory_space<vmem_shared>>
      %dma_wait3A_48 = arith.constant 0 : i32
      %dma_wait3A_49 = tpu.memref_slice %arg7[%add3A_26, %dma_wait3A_48] : memref<10112x16xf32, #tpu.memory_space<vmem_shared>> -> memref<64x16xf32, #tpu.memory_space<vmem_shared>>
      tpu.wait_dma2 semaphore(%run_scoped3A : memref<!tpu.dma_semaphore, #tpu.memory_space<semaphore_mem>>) src(%arg6 : memref<64x16xf32, #tpu.memory_space<vmem>>) dst(%dma_wait3A_49 : memref<64x16xf32, #tpu.memory_space<vmem_shared>>)
      tpu.yield
    }) : () -> ()
    %add3A_27 = arith.constant 320 : i32
    %add3A_28 = arith.addi %mul3A_2, %add3A_27 : i32
    "tpu.region"() ({
      %run_scoped3A = tpu.sem_alloc : memref<!tpu.dma_semaphore, #tpu.memory_space<semaphore_mem>>
      %dma_start3A = arith.constant 0 : i32
      %dma_start3A_44 = tpu.memref_slice %arg7[%add3A_28, %dma_start3A] : memref<10112x16xf32, #tpu.memory_space<vmem_shared>> -> memref<64x16xf32, #tpu.memory_space<vmem_shared>>
      %dma_start3A_45 = arith.constant 0 : i32
      %dma_start3A_46 = tpu.memref_slice %arg7[%add3A_28, %dma_start3A_45] : memref<10112x16xf32, #tpu.memory_space<vmem_shared>> -> memref<64x16xf32, #tpu.memory_space<vmem_shared>>
      tpu.enqueue_dma source(%arg6 : memref<64x16xf32, #tpu.memory_space<vmem>>) target(%dma_start3A_46 : memref<64x16xf32, #tpu.memory_space<vmem_shared>>) target_semaphore(%run_scoped3A : memref<!tpu.dma_semaphore, #tpu.memory_space<semaphore_mem>>)
      %dma_wait3A = arith.constant 0 : i32
      %dma_wait3A_47 = tpu.memref_slice %arg7[%add3A_28, %dma_wait3A] : memref<10112x16xf32, #tpu.memory_space<vmem_shared>> -> memref<64x16xf32, #tpu.memory_space<vmem_shared>>
      %dma_wait3A_48 = arith.constant 0 : i32
      %dma_wait3A_49 = tpu.memref_slice %arg7[%add3A_28, %dma_wait3A_48] : memref<10112x16xf32, #tpu.memory_space<vmem_shared>> -> memref<64x16xf32, #tpu.memory_space<vmem_shared>>
      tpu.wait_dma2 semaphore(%run_scoped3A : memref<!tpu.dma_semaphore, #tpu.memory_space<semaphore_mem>>) src(%arg6 : memref<64x16xf32, #tpu.memory_space<vmem>>) dst(%dma_wait3A_49 : memref<64x16xf32, #tpu.memory_space<vmem_shared>>)
      tpu.yield
    }) : () -> ()
    %add3A_29 = arith.constant 384 : i32
    %add3A_30 = arith.addi %mul3A_2, %add3A_29 : i32
    "tpu.region"() ({
      %run_scoped3A = tpu.sem_alloc : memref<!tpu.dma_semaphore, #tpu.memory_space<semaphore_mem>>
      %dma_start3A = arith.constant 0 : i32
      %dma_start3A_44 = tpu.memref_slice %arg7[%add3A_30, %dma_start3A] : memref<10112x16xf32, #tpu.memory_space<vmem_shared>> -> memref<64x16xf32, #tpu.memory_space<vmem_shared>>
      %dma_start3A_45 = arith.constant 0 : i32
      %dma_start3A_46 = tpu.memref_slice %arg7[%add3A_30, %dma_start3A_45] : memref<10112x16xf32, #tpu.memory_space<vmem_shared>> -> memref<64x16xf32, #tpu.memory_space<vmem_shared>>
      tpu.enqueue_dma source(%arg6 : memref<64x16xf32, #tpu.memory_space<vmem>>) target(%dma_start3A_46 : memref<64x16xf32, #tpu.memory_space<vmem_shared>>) target_semaphore(%run_scoped3A : memref<!tpu.dma_semaphore, #tpu.memory_space<semaphore_mem>>)
      %dma_wait3A = arith.constant 0 : i32
      %dma_wait3A_47 = tpu.memref_slice %arg7[%add3A_30, %dma_wait3A] : memref<10112x16xf32, #tpu.memory_space<vmem_shared>> -> memref<64x16xf32, #tpu.memory_space<vmem_shared>>
      %dma_wait3A_48 = arith.constant 0 : i32
      %dma_wait3A_49 = tpu.memref_slice %arg7[%add3A_30, %dma_wait3A_48] : memref<10112x16xf32, #tpu.memory_space<vmem_shared>> -> memref<64x16xf32, #tpu.memory_space<vmem_shared>>
      tpu.wait_dma2 semaphore(%run_scoped3A : memref<!tpu.dma_semaphore, #tpu.memory_space<semaphore_mem>>) src(%arg6 : memref<64x16xf32, #tpu.memory_space<vmem>>) dst(%dma_wait3A_49 : memref<64x16xf32, #tpu.memory_space<vmem_shared>>)
      tpu.yield
    }) : () -> ()
    %add3A_31 = arith.constant 448 : i32
    %add3A_32 = arith.addi %mul3A_2, %add3A_31 : i32
    "tpu.region"() ({
      %run_scoped3A = tpu.sem_alloc : memref<!tpu.dma_semaphore, #tpu.memory_space<semaphore_mem>>
      %dma_start3A = arith.constant 0 : i32
      %dma_start3A_44 = tpu.memref_slice %arg7[%add3A_32, %dma_start3A] : memref<10112x16xf32, #tpu.memory_space<vmem_shared>> -> memref<64x16xf32, #tpu.memory_space<vmem_shared>>
      %dma_start3A_45 = arith.constant 0 : i32
      %dma_start3A_46 = tpu.memref_slice %arg7[%add3A_32, %dma_start3A_45] : memref<10112x16xf32, #tpu.memory_space<vmem_shared>> -> memref<64x16xf32, #tpu.memory_space<vmem_shared>>
      tpu.enqueue_dma source(%arg6 : memref<64x16xf32, #tpu.memory_space<vmem>>) target(%dma_start3A_46 : memref<64x16xf32, #tpu.memory_space<vmem_shared>>) target_semaphore(%run_scoped3A : memref<!tpu.dma_semaphore, #tpu.memory_space<semaphore_mem>>)
      %dma_wait3A = arith.constant 0 : i32
      %dma_wait3A_47 = tpu.memref_slice %arg7[%add3A_32, %dma_wait3A] : memref<10112x16xf32, #tpu.memory_space<vmem_shared>> -> memref<64x16xf32, #tpu.memory_space<vmem_shared>>
      %dma_wait3A_48 = arith.constant 0 : i32
      %dma_wait3A_49 = tpu.memref_slice %arg7[%add3A_32, %dma_wait3A_48] : memref<10112x16xf32, #tpu.memory_space<vmem_shared>> -> memref<64x16xf32, #tpu.memory_space<vmem_shared>>
      tpu.wait_dma2 semaphore(%run_scoped3A : memref<!tpu.dma_semaphore, #tpu.memory_space<semaphore_mem>>) src(%arg6 : memref<64x16xf32, #tpu.memory_space<vmem>>) dst(%dma_wait3A_49 : memref<64x16xf32, #tpu.memory_space<vmem_shared>>)
      tpu.yield
    }) : () -> ()
    %add3A_33 = arith.constant 512 : i32
    %add3A_34 = arith.addi %mul3A_2, %add3A_33 : i32
    "tpu.region"() ({
      %run_scoped3A = tpu.sem_alloc : memref<!tpu.dma_semaphore, #tpu.memory_space<semaphore_mem>>
      %dma_start3A = arith.constant 0 : i32
      %dma_start3A_44 = tpu.memref_slice %arg7[%add3A_34, %dma_start3A] : memref<10112x16xf32, #tpu.memory_space<vmem_shared>> -> memref<64x16xf32, #tpu.memory_space<vmem_shared>>
      %dma_start3A_45 = arith.constant 0 : i32
      %dma_start3A_46 = tpu.memref_slice %arg7[%add3A_34, %dma_start3A_45] : memref<10112x16xf32, #tpu.memory_space<vmem_shared>> -> memref<64x16xf32, #tpu.memory_space<vmem_shared>>
      tpu.enqueue_dma source(%arg6 : memref<64x16xf32, #tpu.memory_space<vmem>>) target(%dma_start3A_46 : memref<64x16xf32, #tpu.memory_space<vmem_shared>>) target_semaphore(%run_scoped3A : memref<!tpu.dma_semaphore, #tpu.memory_space<semaphore_mem>>)
      %dma_wait3A = arith.constant 0 : i32
      %dma_wait3A_47 = tpu.memref_slice %arg7[%add3A_34, %dma_wait3A] : memref<10112x16xf32, #tpu.memory_space<vmem_shared>> -> memref<64x16xf32, #tpu.memory_space<vmem_shared>>
      %dma_wait3A_48 = arith.constant 0 : i32
      %dma_wait3A_49 = tpu.memref_slice %arg7[%add3A_34, %dma_wait3A_48] : memref<10112x16xf32, #tpu.memory_space<vmem_shared>> -> memref<64x16xf32, #tpu.memory_space<vmem_shared>>
      tpu.wait_dma2 semaphore(%run_scoped3A : memref<!tpu.dma_semaphore, #tpu.memory_space<semaphore_mem>>) src(%arg6 : memref<64x16xf32, #tpu.memory_space<vmem>>) dst(%dma_wait3A_49 : memref<64x16xf32, #tpu.memory_space<vmem_shared>>)
      tpu.yield
    }) : () -> ()
    %add3A_35 = arith.constant 576 : i32
    %add3A_36 = arith.addi %mul3A_2, %add3A_35 : i32
    "tpu.region"() ({
      %run_scoped3A = tpu.sem_alloc : memref<!tpu.dma_semaphore, #tpu.memory_space<semaphore_mem>>
      %dma_start3A = arith.constant 0 : i32
      %dma_start3A_44 = arith.constant 0 : i32
      %dma_start3A_45 = tpu.memref_slice %arg6[%dma_start3A, %dma_start3A_44] : memref<64x16xf32, #tpu.memory_space<vmem>> -> memref<56x16xf32, #tpu.memory_space<vmem>>
      %dma_start3A_46 = arith.constant 0 : i32
      %dma_start3A_47 = tpu.memref_slice %arg7[%add3A_36, %dma_start3A_46] : memref<10112x16xf32, #tpu.memory_space<vmem_shared>> -> memref<56x16xf32, #tpu.memory_space<vmem_shared>>
      %dma_start3A_48 = arith.constant 0 : i32
      %dma_start3A_49 = tpu.memref_slice %arg7[%add3A_36, %dma_start3A_48] : memref<10112x16xf32, #tpu.memory_space<vmem_shared>> -> memref<56x16xf32, #tpu.memory_space<vmem_shared>>
      %dma_start3A_50 = arith.constant 0 : i32
      %dma_start3A_51 = arith.constant 0 : i32
      %dma_start3A_52 = tpu.memref_slice %arg6[%dma_start3A_50, %dma_start3A_51] : memref<64x16xf32, #tpu.memory_space<vmem>> -> memref<56x16xf32, #tpu.memory_space<vmem>>
      tpu.enqueue_dma source(%dma_start3A_52 : memref<56x16xf32, #tpu.memory_space<vmem>>) target(%dma_start3A_49 : memref<56x16xf32, #tpu.memory_space<vmem_shared>>) target_semaphore(%run_scoped3A : memref<!tpu.dma_semaphore, #tpu.memory_space<semaphore_mem>>)
      %dma_wait3A = arith.constant 0 : i32
      %dma_wait3A_53 = arith.constant 0 : i32
      %dma_wait3A_54 = tpu.memref_slice %arg6[%dma_wait3A, %dma_wait3A_53] : memref<64x16xf32, #tpu.memory_space<vmem>> -> memref<56x16xf32, #tpu.memory_space<vmem>>
      %dma_wait3A_55 = arith.constant 0 : i32
      %dma_wait3A_56 = tpu.memref_slice %arg7[%add3A_36, %dma_wait3A_55] : memref<10112x16xf32, #tpu.memory_space<vmem_shared>> -> memref<56x16xf32, #tpu.memory_space<vmem_shared>>
      %dma_wait3A_57 = arith.constant 0 : i32
      %dma_wait3A_58 = tpu.memref_slice %arg7[%add3A_36, %dma_wait3A_57] : memref<10112x16xf32, #tpu.memory_space<vmem_shared>> -> memref<56x16xf32, #tpu.memory_space<vmem_shared>>
      %dma_wait3A_59 = arith.constant 0 : i32
      %dma_wait3A_60 = arith.constant 0 : i32
      %dma_wait3A_61 = tpu.memref_slice %arg6[%dma_wait3A_59, %dma_wait3A_60] : memref<64x16xf32, #tpu.memory_space<vmem>> -> memref<56x16xf32, #tpu.memory_space<vmem>>
      tpu.wait_dma2 semaphore(%run_scoped3A : memref<!tpu.dma_semaphore, #tpu.memory_space<semaphore_mem>>) src(%dma_wait3A_61 : memref<56x16xf32, #tpu.memory_space<vmem>>) dst(%dma_wait3A_58 : memref<56x16xf32, #tpu.memory_space<vmem_shared>>)
      tpu.yield
    }) : () -> ()
    %barrier3A = arith.constant 0 : index
    tpu.barrier barrier_id(%barrier3A)
    %scan3A_37 = arith.constant 0 : i32
    %scan3A_38 = arith.constant 0 : i32
    %scan3A_39 = arith.constant 80 : i32
    %scan3A_40 = arith.addi %scan3A_38, %scan3A_39 : i32
    %scan3A_41 = arith.constant 1 : i32
    scf.for %scan3A_44 = %scan3A_38 to %scan3A_40 step %scan3A_41  : i32 {
      "tpu.region"() ({
        %run_scoped3A = tpu.sem_alloc : memref<!tpu.dma_semaphore, #tpu.memory_space<semaphore_mem>>
        %dma_start3A = arith.constant 0 : i32
        %dma_start3A_45 = tpu.memref_slice %arg4[%scan3A_44, %dma_start3A] : memref<80x128xi32, #tpu.memory_space<vmem>> -> memref<1x128xi32, #tpu.memory_space<vmem>>
        %dma_start3A_46 = tpu.memref_squeeze %dma_start3A_45 : memref<1x128xi32, #tpu.memory_space<vmem>> -> memref<128xi32, #tpu.memory_space<vmem>>
        %dma_start3A_47 = arith.constant 0 : i32
        %dma_start3A_48 = arith.constant 0 : i32
        %dma_start3A_49 = tpu.memref_slice %arg7[%dma_start3A_47, %dma_start3A_48] : memref<10112x16xf32, #tpu.memory_space<vmem_shared>> -> memref<10112x16xf32, #tpu.memory_space<vmem_shared>>
        tpu.enqueue_indirect_dma source(%arg5 : memref<128x16xf32, #tpu.memory_space<vmem>>) target(%dma_start3A_49 : memref<10112x16xf32, #tpu.memory_space<vmem_shared>>) offsets(%dma_start3A_46 : memref<128xi32, #tpu.memory_space<vmem>>) semaphore(%run_scoped3A : memref<!tpu.dma_semaphore, #tpu.memory_space<semaphore_mem>>) {add = true}
        %dma_wait3A = arith.constant 0 : i32
        %dma_wait3A_50 = tpu.memref_slice %arg4[%scan3A_44, %dma_wait3A] : memref<80x128xi32, #tpu.memory_space<vmem>> -> memref<1x128xi32, #tpu.memory_space<vmem>>
        %dma_wait3A_51 = tpu.memref_squeeze %dma_wait3A_50 : memref<1x128xi32, #tpu.memory_space<vmem>> -> memref<128xi32, #tpu.memory_space<vmem>>
        %dma_wait3A_52 = arith.constant 0 : i32
        %dma_wait3A_53 = arith.constant 0 : i32
        %dma_wait3A_54 = tpu.memref_slice %arg7[%dma_wait3A_52, %dma_wait3A_53] : memref<10112x16xf32, #tpu.memory_space<vmem_shared>> -> memref<10112x16xf32, #tpu.memory_space<vmem_shared>>
        tpu.wait_indirect_dma semaphore(%run_scoped3A : memref<!tpu.dma_semaphore, #tpu.memory_space<semaphore_mem>>) src(%arg5 : memref<128x16xf32, #tpu.memory_space<vmem>>) dst(%dma_wait3A_54 : memref<10112x16xf32, #tpu.memory_space<vmem_shared>>)
        tpu.yield
      }) : () -> ()
    }
    %scan3A_42 = arith.constant 80 : i32
    %barrier3A_43 = arith.constant 0 : index
    tpu.barrier barrier_id(%barrier3A_43)
    "tpu.region"() ({
      %run_scoped3A = tpu.sem_alloc : memref<!tpu.dma_semaphore, #tpu.memory_space<semaphore_mem>>
      %dma_start3A = arith.constant 0 : i32
      %dma_start3A_44 = tpu.memref_slice %arg3[%arg0, %mul3A_2, %dma_start3A] : memref<2x10112x16xf32, #tpu.memory_space<hbm>> -> memref<1x632x16xf32, #tpu.memory_space<hbm>>
      %dma_start3A_45 = tpu.memref_squeeze %dma_start3A_44 : memref<1x632x16xf32, #tpu.memory_space<hbm>> -> memref<632x16xf32, #tpu.memory_space<hbm>>
      %dma_start3A_46 = arith.constant 0 : i32
      %dma_start3A_47 = tpu.memref_slice %arg7[%mul3A_2, %dma_start3A_46] : memref<10112x16xf32, #tpu.memory_space<vmem_shared>> -> memref<632x16xf32, #tpu.memory_space<vmem_shared>>
      tpu.enqueue_dma source(%dma_start3A_47 : memref<632x16xf32, #tpu.memory_space<vmem_shared>>) target(%dma_start3A_45 : memref<632x16xf32, #tpu.memory_space<hbm>>) target_semaphore(%run_scoped3A : memref<!tpu.dma_semaphore, #tpu.memory_space<semaphore_mem>>)
      %dma_wait3A = arith.constant 0 : i32
      %dma_wait3A_48 = tpu.memref_slice %arg3[%arg0, %mul3A_2, %dma_wait3A] : memref<2x10112x16xf32, #tpu.memory_space<hbm>> -> memref<1x632x16xf32, #tpu.memory_space<hbm>>
      %dma_wait3A_49 = tpu.memref_squeeze %dma_wait3A_48 : memref<1x632x16xf32, #tpu.memory_space<hbm>> -> memref<632x16xf32, #tpu.memory_space<hbm>>
      %dma_wait3A_50 = arith.constant 0 : i32
      %dma_wait3A_51 = tpu.memref_slice %arg7[%mul3A_2, %dma_wait3A_50] : memref<10112x16xf32, #tpu.memory_space<vmem_shared>> -> memref<632x16xf32, #tpu.memory_space<vmem_shared>>
      tpu.wait_dma2 semaphore(%run_scoped3A : memref<!tpu.dma_semaphore, #tpu.memory_space<semaphore_mem>>) src(%dma_wait3A_51 : memref<632x16xf32, #tpu.memory_space<vmem_shared>>) dst(%dma_wait3A_49 : memref<632x16xf32, #tpu.memory_space<hbm>>)
      tpu.yield
    }) : () -> ()
    return
  }
}

#map = affine_map<(d0, d1) -> (0, 0)>
#map1 = affine_map<(d0, d1) -> (0, 0, 0)>
module attributes {stable_mosaic.version = 14 : i64} {
  func.func @agg_kernel(%arg0: i32, %arg1: i32, %arg2: memref<10000x128xf32, #tpu.memory_space<hbm>>, %arg3: memref<32x80x128xi32, #tpu.memory_space<hbm>>, %arg4: memref<32x80x128xi32, #tpu.memory_space<hbm>>, %arg5: memref<2x10112x128xf32, #tpu.memory_space<hbm>>, %arg6: memref<40x128xi32, #tpu.memory_space<vmem>>, %arg7: memref<40x128xi32, #tpu.memory_space<vmem>>, %arg8: memref<128x128xf32, #tpu.memory_space<vmem>>, %arg9: memref<128x128xf32, #tpu.memory_space<vmem>>, %arg10: memref<10112x128xf32, #tpu.memory_space<vmem_shared>>, %arg11: memref<!tpu.dma_semaphore, #tpu.memory_space<semaphore_mem>>) attributes {dimension_semantics = [#tpu.dimension_semantics<core_parallel>, #tpu.dimension_semantics<subcore_parallel>], iteration_bounds = array<i64: 2, 16>, scalar_prefetch = 0 : i64, scratch_operands = 6 : i64, tpu.core_type = #tpu.core_type<sc_vector_subcore>, window_params = [{transform_indices = #map}, {transform_indices = #map1}, {transform_indices = #map1}, {transform_indices = #map1}]} {
    %mul3A = arith.constant 2 : i32
    %mul3A_0 = arith.muli %arg1, %mul3A : i32
    %add3A = arith.addi %mul3A_0, %arg0 : i32
    %mul3A_1 = arith.constant 632 : i32
    %mul3A_2 = arith.muli %arg1, %mul3A_1 : i32
    %broadcast_in_dim3A = arith.constant 0.000000e+00 : f32
    %broadcast_in_dim3A_3 = vector.broadcast %broadcast_in_dim3A : f32 to vector<16xf32>
    %scan3A = arith.constant 0 : i32
    %scan3A_4 = arith.constant 0 : i32
    %scan3A_5 = arith.constant 128 : i32
    %scan3A_6 = arith.addi %scan3A_4, %scan3A_5 : i32
    %scan3A_7 = arith.constant 1 : i32
    scf.for %scan3A_45 = %scan3A_4 to %scan3A_6 step %scan3A_7  : i32 {
      %swap3A = arith.index_cast %scan3A_45 : i32 to index
      %swap3A_46 = arith.constant 0 : index
      %swap3A_47 = tpu.vector_load %arg8[%swap3A, %swap3A_46] {strides = array<i32>} : memref<128x128xf32, #tpu.memory_space<vmem>>, vector<1x16xf32>,
      %swap3A_48 = vector.shape_cast %swap3A_47 : vector<1x16xf32> to vector<16xf32>
      %swap3A_49 = vector.shape_cast %broadcast_in_dim3A_3 : vector<16xf32> to vector<1x16xf32>
      tpu.vector_store %arg8[%swap3A, %swap3A_46], %swap3A_49 {strides = array<i32>} : memref<128x128xf32, #tpu.memory_space<vmem>>, vector<1x16xf32>,
      %swap3A_50 = arith.index_cast %scan3A_45 : i32 to index
      %swap3A_51 = arith.constant 16 : index
      %swap3A_52 = tpu.vector_load %arg8[%swap3A_50, %swap3A_51] {strides = array<i32>} : memref<128x128xf32, #tpu.memory_space<vmem>>, vector<1x16xf32>,
      %swap3A_53 = vector.shape_cast %swap3A_52 : vector<1x16xf32> to vector<16xf32>
      %swap3A_54 = vector.shape_cast %broadcast_in_dim3A_3 : vector<16xf32> to vector<1x16xf32>
      tpu.vector_store %arg8[%swap3A_50, %swap3A_51], %swap3A_54 {strides = array<i32>} : memref<128x128xf32, #tpu.memory_space<vmem>>, vector<1x16xf32>,
      %swap3A_55 = arith.index_cast %scan3A_45 : i32 to index
      %swap3A_56 = arith.constant 32 : index
      %swap3A_57 = tpu.vector_load %arg8[%swap3A_55, %swap3A_56] {strides = array<i32>} : memref<128x128xf32, #tpu.memory_space<vmem>>, vector<1x16xf32>,
      %swap3A_58 = vector.shape_cast %swap3A_57 : vector<1x16xf32> to vector<16xf32>
      %swap3A_59 = vector.shape_cast %broadcast_in_dim3A_3 : vector<16xf32> to vector<1x16xf32>
      tpu.vector_store %arg8[%swap3A_55, %swap3A_56], %swap3A_59 {strides = array<i32>} : memref<128x128xf32, #tpu.memory_space<vmem>>, vector<1x16xf32>,
      %swap3A_60 = arith.index_cast %scan3A_45 : i32 to index
      %swap3A_61 = arith.constant 48 : index
      %swap3A_62 = tpu.vector_load %arg8[%swap3A_60, %swap3A_61] {strides = array<i32>} : memref<128x128xf32, #tpu.memory_space<vmem>>, vector<1x16xf32>,
      %swap3A_63 = vector.shape_cast %swap3A_62 : vector<1x16xf32> to vector<16xf32>
      %swap3A_64 = vector.shape_cast %broadcast_in_dim3A_3 : vector<16xf32> to vector<1x16xf32>
      tpu.vector_store %arg8[%swap3A_60, %swap3A_61], %swap3A_64 {strides = array<i32>} : memref<128x128xf32, #tpu.memory_space<vmem>>, vector<1x16xf32>,
      %swap3A_65 = arith.index_cast %scan3A_45 : i32 to index
      %swap3A_66 = arith.constant 64 : index
      %swap3A_67 = tpu.vector_load %arg8[%swap3A_65, %swap3A_66] {strides = array<i32>} : memref<128x128xf32, #tpu.memory_space<vmem>>, vector<1x16xf32>,
      %swap3A_68 = vector.shape_cast %swap3A_67 : vector<1x16xf32> to vector<16xf32>
      %swap3A_69 = vector.shape_cast %broadcast_in_dim3A_3 : vector<16xf32> to vector<1x16xf32>
      tpu.vector_store %arg8[%swap3A_65, %swap3A_66], %swap3A_69 {strides = array<i32>} : memref<128x128xf32, #tpu.memory_space<vmem>>, vector<1x16xf32>,
      %swap3A_70 = arith.index_cast %scan3A_45 : i32 to index
      %swap3A_71 = arith.constant 80 : index
      %swap3A_72 = tpu.vector_load %arg8[%swap3A_70, %swap3A_71] {strides = array<i32>} : memref<128x128xf32, #tpu.memory_space<vmem>>, vector<1x16xf32>,
      %swap3A_73 = vector.shape_cast %swap3A_72 : vector<1x16xf32> to vector<16xf32>
      %swap3A_74 = vector.shape_cast %broadcast_in_dim3A_3 : vector<16xf32> to vector<1x16xf32>
      tpu.vector_store %arg8[%swap3A_70, %swap3A_71], %swap3A_74 {strides = array<i32>} : memref<128x128xf32, #tpu.memory_space<vmem>>, vector<1x16xf32>,
      %swap3A_75 = arith.index_cast %scan3A_45 : i32 to index
      %swap3A_76 = arith.constant 96 : index
      %swap3A_77 = tpu.vector_load %arg8[%swap3A_75, %swap3A_76] {strides = array<i32>} : memref<128x128xf32, #tpu.memory_space<vmem>>, vector<1x16xf32>,
      %swap3A_78 = vector.shape_cast %swap3A_77 : vector<1x16xf32> to vector<16xf32>
      %swap3A_79 = vector.shape_cast %broadcast_in_dim3A_3 : vector<16xf32> to vector<1x16xf32>
      tpu.vector_store %arg8[%swap3A_75, %swap3A_76], %swap3A_79 {strides = array<i32>} : memref<128x128xf32, #tpu.memory_space<vmem>>, vector<1x16xf32>,
      %swap3A_80 = arith.index_cast %scan3A_45 : i32 to index
      %swap3A_81 = arith.constant 112 : index
      %swap3A_82 = tpu.vector_load %arg8[%swap3A_80, %swap3A_81] {strides = array<i32>} : memref<128x128xf32, #tpu.memory_space<vmem>>, vector<1x16xf32>,
      %swap3A_83 = vector.shape_cast %swap3A_82 : vector<1x16xf32> to vector<16xf32>
      %swap3A_84 = vector.shape_cast %broadcast_in_dim3A_3 : vector<16xf32> to vector<1x16xf32>
      tpu.vector_store %arg8[%swap3A_80, %swap3A_81], %swap3A_84 {strides = array<i32>} : memref<128x128xf32, #tpu.memory_space<vmem>>, vector<1x16xf32>,
    }
    %scan3A_8 = arith.constant 128 : i32
    %add3A_9 = arith.constant 0 : i32
    %add3A_10 = arith.addi %mul3A_2, %add3A_9 : i32
    "tpu.region"() ({
      %run_scoped3A = tpu.sem_alloc : memref<!tpu.dma_semaphore, #tpu.memory_space<semaphore_mem>>
      %dma_start3A_45 = arith.constant 0 : i32
      %dma_start3A_46 = tpu.memref_slice %arg10[%add3A_10, %dma_start3A_45] : memref<10112x128xf32, #tpu.memory_space<vmem_shared>> -> memref<128x128xf32, #tpu.memory_space<vmem_shared>>
      %dma_start3A_47 = arith.constant 0 : i32
      %dma_start3A_48 = tpu.memref_slice %arg10[%add3A_10, %dma_start3A_47] : memref<10112x128xf32, #tpu.memory_space<vmem_shared>> -> memref<128x128xf32, #tpu.memory_space<vmem_shared>>
      tpu.enqueue_dma source(%arg8 : memref<128x128xf32, #tpu.memory_space<vmem>>) target(%dma_start3A_48 : memref<128x128xf32, #tpu.memory_space<vmem_shared>>) target_semaphore(%run_scoped3A : memref<!tpu.dma_semaphore, #tpu.memory_space<semaphore_mem>>)
      %dma_wait3A = arith.constant 0 : i32
      %dma_wait3A_49 = tpu.memref_slice %arg10[%add3A_10, %dma_wait3A] : memref<10112x128xf32, #tpu.memory_space<vmem_shared>> -> memref<128x128xf32, #tpu.memory_space<vmem_shared>>
      %dma_wait3A_50 = arith.constant 0 : i32
      %dma_wait3A_51 = tpu.memref_slice %arg10[%add3A_10, %dma_wait3A_50] : memref<10112x128xf32, #tpu.memory_space<vmem_shared>> -> memref<128x128xf32, #tpu.memory_space<vmem_shared>>
      tpu.wait_dma2 semaphore(%run_scoped3A : memref<!tpu.dma_semaphore, #tpu.memory_space<semaphore_mem>>) src(%arg8 : memref<128x128xf32, #tpu.memory_space<vmem>>) dst(%dma_wait3A_51 : memref<128x128xf32, #tpu.memory_space<vmem_shared>>)
      tpu.yield
    }) : () -> ()
    %add3A_11 = arith.constant 128 : i32
    %add3A_12 = arith.addi %mul3A_2, %add3A_11 : i32
    "tpu.region"() ({
      %run_scoped3A = tpu.sem_alloc : memref<!tpu.dma_semaphore, #tpu.memory_space<semaphore_mem>>
      %dma_start3A_45 = arith.constant 0 : i32
      %dma_start3A_46 = tpu.memref_slice %arg10[%add3A_12, %dma_start3A_45] : memref<10112x128xf32, #tpu.memory_space<vmem_shared>> -> memref<128x128xf32, #tpu.memory_space<vmem_shared>>
      %dma_start3A_47 = arith.constant 0 : i32
      %dma_start3A_48 = tpu.memref_slice %arg10[%add3A_12, %dma_start3A_47] : memref<10112x128xf32, #tpu.memory_space<vmem_shared>> -> memref<128x128xf32, #tpu.memory_space<vmem_shared>>
      tpu.enqueue_dma source(%arg8 : memref<128x128xf32, #tpu.memory_space<vmem>>) target(%dma_start3A_48 : memref<128x128xf32, #tpu.memory_space<vmem_shared>>) target_semaphore(%run_scoped3A : memref<!tpu.dma_semaphore, #tpu.memory_space<semaphore_mem>>)
      %dma_wait3A = arith.constant 0 : i32
      %dma_wait3A_49 = tpu.memref_slice %arg10[%add3A_12, %dma_wait3A] : memref<10112x128xf32, #tpu.memory_space<vmem_shared>> -> memref<128x128xf32, #tpu.memory_space<vmem_shared>>
      %dma_wait3A_50 = arith.constant 0 : i32
      %dma_wait3A_51 = tpu.memref_slice %arg10[%add3A_12, %dma_wait3A_50] : memref<10112x128xf32, #tpu.memory_space<vmem_shared>> -> memref<128x128xf32, #tpu.memory_space<vmem_shared>>
      tpu.wait_dma2 semaphore(%run_scoped3A : memref<!tpu.dma_semaphore, #tpu.memory_space<semaphore_mem>>) src(%arg8 : memref<128x128xf32, #tpu.memory_space<vmem>>) dst(%dma_wait3A_51 : memref<128x128xf32, #tpu.memory_space<vmem_shared>>)
      tpu.yield
    }) : () -> ()
    %add3A_13 = arith.constant 256 : i32
    %add3A_14 = arith.addi %mul3A_2, %add3A_13 : i32
    "tpu.region"() ({
      %run_scoped3A = tpu.sem_alloc : memref<!tpu.dma_semaphore, #tpu.memory_space<semaphore_mem>>
      %dma_start3A_45 = arith.constant 0 : i32
      %dma_start3A_46 = tpu.memref_slice %arg10[%add3A_14, %dma_start3A_45] : memref<10112x128xf32, #tpu.memory_space<vmem_shared>> -> memref<128x128xf32, #tpu.memory_space<vmem_shared>>
      %dma_start3A_47 = arith.constant 0 : i32
      %dma_start3A_48 = tpu.memref_slice %arg10[%add3A_14, %dma_start3A_47] : memref<10112x128xf32, #tpu.memory_space<vmem_shared>> -> memref<128x128xf32, #tpu.memory_space<vmem_shared>>
      tpu.enqueue_dma source(%arg8 : memref<128x128xf32, #tpu.memory_space<vmem>>) target(%dma_start3A_48 : memref<128x128xf32, #tpu.memory_space<vmem_shared>>) target_semaphore(%run_scoped3A : memref<!tpu.dma_semaphore, #tpu.memory_space<semaphore_mem>>)
      %dma_wait3A = arith.constant 0 : i32
      %dma_wait3A_49 = tpu.memref_slice %arg10[%add3A_14, %dma_wait3A] : memref<10112x128xf32, #tpu.memory_space<vmem_shared>> -> memref<128x128xf32, #tpu.memory_space<vmem_shared>>
      %dma_wait3A_50 = arith.constant 0 : i32
      %dma_wait3A_51 = tpu.memref_slice %arg10[%add3A_14, %dma_wait3A_50] : memref<10112x128xf32, #tpu.memory_space<vmem_shared>> -> memref<128x128xf32, #tpu.memory_space<vmem_shared>>
      tpu.wait_dma2 semaphore(%run_scoped3A : memref<!tpu.dma_semaphore, #tpu.memory_space<semaphore_mem>>) src(%arg8 : memref<128x128xf32, #tpu.memory_space<vmem>>) dst(%dma_wait3A_51 : memref<128x128xf32, #tpu.memory_space<vmem_shared>>)
      tpu.yield
    }) : () -> ()
    %add3A_15 = arith.constant 384 : i32
    %add3A_16 = arith.addi %mul3A_2, %add3A_15 : i32
    "tpu.region"() ({
      %run_scoped3A = tpu.sem_alloc : memref<!tpu.dma_semaphore, #tpu.memory_space<semaphore_mem>>
      %dma_start3A_45 = arith.constant 0 : i32
      %dma_start3A_46 = tpu.memref_slice %arg10[%add3A_16, %dma_start3A_45] : memref<10112x128xf32, #tpu.memory_space<vmem_shared>> -> memref<128x128xf32, #tpu.memory_space<vmem_shared>>
      %dma_start3A_47 = arith.constant 0 : i32
      %dma_start3A_48 = tpu.memref_slice %arg10[%add3A_16, %dma_start3A_47] : memref<10112x128xf32, #tpu.memory_space<vmem_shared>> -> memref<128x128xf32, #tpu.memory_space<vmem_shared>>
      tpu.enqueue_dma source(%arg8 : memref<128x128xf32, #tpu.memory_space<vmem>>) target(%dma_start3A_48 : memref<128x128xf32, #tpu.memory_space<vmem_shared>>) target_semaphore(%run_scoped3A : memref<!tpu.dma_semaphore, #tpu.memory_space<semaphore_mem>>)
      %dma_wait3A = arith.constant 0 : i32
      %dma_wait3A_49 = tpu.memref_slice %arg10[%add3A_16, %dma_wait3A] : memref<10112x128xf32, #tpu.memory_space<vmem_shared>> -> memref<128x128xf32, #tpu.memory_space<vmem_shared>>
      %dma_wait3A_50 = arith.constant 0 : i32
      %dma_wait3A_51 = tpu.memref_slice %arg10[%add3A_16, %dma_wait3A_50] : memref<10112x128xf32, #tpu.memory_space<vmem_shared>> -> memref<128x128xf32, #tpu.memory_space<vmem_shared>>
      tpu.wait_dma2 semaphore(%run_scoped3A : memref<!tpu.dma_semaphore, #tpu.memory_space<semaphore_mem>>) src(%arg8 : memref<128x128xf32, #tpu.memory_space<vmem>>) dst(%dma_wait3A_51 : memref<128x128xf32, #tpu.memory_space<vmem_shared>>)
      tpu.yield
    }) : () -> ()
    %add3A_17 = arith.constant 512 : i32
    %add3A_18 = arith.addi %mul3A_2, %add3A_17 : i32
    "tpu.region"() ({
      %run_scoped3A = tpu.sem_alloc : memref<!tpu.dma_semaphore, #tpu.memory_space<semaphore_mem>>
      %dma_start3A_45 = arith.constant 0 : i32
      %dma_start3A_46 = arith.constant 0 : i32
      %dma_start3A_47 = tpu.memref_slice %arg8[%dma_start3A_45, %dma_start3A_46] : memref<128x128xf32, #tpu.memory_space<vmem>> -> memref<120x128xf32, #tpu.memory_space<vmem>>
      %dma_start3A_48 = arith.constant 0 : i32
      %dma_start3A_49 = tpu.memref_slice %arg10[%add3A_18, %dma_start3A_48] : memref<10112x128xf32, #tpu.memory_space<vmem_shared>> -> memref<120x128xf32, #tpu.memory_space<vmem_shared>>
      %dma_start3A_50 = arith.constant 0 : i32
      %dma_start3A_51 = tpu.memref_slice %arg10[%add3A_18, %dma_start3A_50] : memref<10112x128xf32, #tpu.memory_space<vmem_shared>> -> memref<120x128xf32, #tpu.memory_space<vmem_shared>>
      %dma_start3A_52 = arith.constant 0 : i32
      %dma_start3A_53 = arith.constant 0 : i32
      %dma_start3A_54 = tpu.memref_slice %arg8[%dma_start3A_52, %dma_start3A_53] : memref<128x128xf32, #tpu.memory_space<vmem>> -> memref<120x128xf32, #tpu.memory_space<vmem>>
      tpu.enqueue_dma source(%dma_start3A_54 : memref<120x128xf32, #tpu.memory_space<vmem>>) target(%dma_start3A_51 : memref<120x128xf32, #tpu.memory_space<vmem_shared>>) target_semaphore(%run_scoped3A : memref<!tpu.dma_semaphore, #tpu.memory_space<semaphore_mem>>)
      %dma_wait3A = arith.constant 0 : i32
      %dma_wait3A_55 = arith.constant 0 : i32
      %dma_wait3A_56 = tpu.memref_slice %arg8[%dma_wait3A, %dma_wait3A_55] : memref<128x128xf32, #tpu.memory_space<vmem>> -> memref<120x128xf32, #tpu.memory_space<vmem>>
      %dma_wait3A_57 = arith.constant 0 : i32
      %dma_wait3A_58 = tpu.memref_slice %arg10[%add3A_18, %dma_wait3A_57] : memref<10112x128xf32, #tpu.memory_space<vmem_shared>> -> memref<120x128xf32, #tpu.memory_space<vmem_shared>>
      %dma_wait3A_59 = arith.constant 0 : i32
      %dma_wait3A_60 = tpu.memref_slice %arg10[%add3A_18, %dma_wait3A_59] : memref<10112x128xf32, #tpu.memory_space<vmem_shared>> -> memref<120x128xf32, #tpu.memory_space<vmem_shared>>
      %dma_wait3A_61 = arith.constant 0 : i32
      %dma_wait3A_62 = arith.constant 0 : i32
      %dma_wait3A_63 = tpu.memref_slice %arg8[%dma_wait3A_61, %dma_wait3A_62] : memref<128x128xf32, #tpu.memory_space<vmem>> -> memref<120x128xf32, #tpu.memory_space<vmem>>
      tpu.wait_dma2 semaphore(%run_scoped3A : memref<!tpu.dma_semaphore, #tpu.memory_space<semaphore_mem>>) src(%dma_wait3A_63 : memref<120x128xf32, #tpu.memory_space<vmem>>) dst(%dma_wait3A_60 : memref<120x128xf32, #tpu.memory_space<vmem_shared>>)
      tpu.yield
    }) : () -> ()
    %barrier3A = arith.constant 0 : index
    tpu.barrier barrier_id(%barrier3A)
    "tpu.region"() ({
      %run_scoped3A = tpu.sem_alloc : memref<!tpu.dma_semaphore, #tpu.memory_space<semaphore_mem>>
      %dma_start3A_45 = arith.constant 0 : i32
      %dma_start3A_46 = arith.constant 0 : i32
      %dma_start3A_47 = tpu.memref_slice %arg3[%add3A, %dma_start3A_45, %dma_start3A_46] : memref<32x80x128xi32, #tpu.memory_space<hbm>> -> memref<1x40x128xi32, #tpu.memory_space<hbm>>
      %dma_start3A_48 = tpu.memref_squeeze %dma_start3A_47 : memref<1x40x128xi32, #tpu.memory_space<hbm>> -> memref<40x128xi32, #tpu.memory_space<hbm>>
      %dma_start3A_49 = arith.constant 0 : i32
      %dma_start3A_50 = arith.constant 0 : i32
      %dma_start3A_51 = tpu.memref_slice %arg3[%add3A, %dma_start3A_49, %dma_start3A_50] : memref<32x80x128xi32, #tpu.memory_space<hbm>> -> memref<1x40x128xi32, #tpu.memory_space<hbm>>
      %dma_start3A_52 = tpu.memref_squeeze %dma_start3A_51 : memref<1x40x128xi32, #tpu.memory_space<hbm>> -> memref<40x128xi32, #tpu.memory_space<hbm>>
      tpu.enqueue_dma source(%dma_start3A_52 : memref<40x128xi32, #tpu.memory_space<hbm>>) target(%arg6 : memref<40x128xi32, #tpu.memory_space<vmem>>) target_semaphore(%run_scoped3A : memref<!tpu.dma_semaphore, #tpu.memory_space<semaphore_mem>>)
      %dma_wait3A = arith.constant 0 : i32
      %dma_wait3A_53 = arith.constant 0 : i32
      %dma_wait3A_54 = tpu.memref_slice %arg3[%add3A, %dma_wait3A, %dma_wait3A_53] : memref<32x80x128xi32, #tpu.memory_space<hbm>> -> memref<1x40x128xi32, #tpu.memory_space<hbm>>
      %dma_wait3A_55 = tpu.memref_squeeze %dma_wait3A_54 : memref<1x40x128xi32, #tpu.memory_space<hbm>> -> memref<40x128xi32, #tpu.memory_space<hbm>>
      %dma_wait3A_56 = arith.constant 0 : i32
      %dma_wait3A_57 = arith.constant 0 : i32
      %dma_wait3A_58 = tpu.memref_slice %arg3[%add3A, %dma_wait3A_56, %dma_wait3A_57] : memref<32x80x128xi32, #tpu.memory_space<hbm>> -> memref<1x40x128xi32, #tpu.memory_space<hbm>>
      %dma_wait3A_59 = tpu.memref_squeeze %dma_wait3A_58 : memref<1x40x128xi32, #tpu.memory_space<hbm>> -> memref<40x128xi32, #tpu.memory_space<hbm>>
      tpu.wait_dma2 semaphore(%run_scoped3A : memref<!tpu.dma_semaphore, #tpu.memory_space<semaphore_mem>>) src(%dma_wait3A_59 : memref<40x128xi32, #tpu.memory_space<hbm>>) dst(%arg6 : memref<40x128xi32, #tpu.memory_space<vmem>>)
      tpu.yield
    }) : () -> ()
    "tpu.region"() ({
      %run_scoped3A = tpu.sem_alloc : memref<!tpu.dma_semaphore, #tpu.memory_space<semaphore_mem>>
      %dma_start3A_45 = arith.constant 0 : i32
      %dma_start3A_46 = arith.constant 0 : i32
      %dma_start3A_47 = tpu.memref_slice %arg4[%add3A, %dma_start3A_45, %dma_start3A_46] : memref<32x80x128xi32, #tpu.memory_space<hbm>> -> memref<1x40x128xi32, #tpu.memory_space<hbm>>
      %dma_start3A_48 = tpu.memref_squeeze %dma_start3A_47 : memref<1x40x128xi32, #tpu.memory_space<hbm>> -> memref<40x128xi32, #tpu.memory_space<hbm>>
      %dma_start3A_49 = arith.constant 0 : i32
      %dma_start3A_50 = arith.constant 0 : i32
      %dma_start3A_51 = tpu.memref_slice %arg4[%add3A, %dma_start3A_49, %dma_start3A_50] : memref<32x80x128xi32, #tpu.memory_space<hbm>> -> memref<1x40x128xi32, #tpu.memory_space<hbm>>
      %dma_start3A_52 = tpu.memref_squeeze %dma_start3A_51 : memref<1x40x128xi32, #tpu.memory_space<hbm>> -> memref<40x128xi32, #tpu.memory_space<hbm>>
      tpu.enqueue_dma source(%dma_start3A_52 : memref<40x128xi32, #tpu.memory_space<hbm>>) target(%arg7 : memref<40x128xi32, #tpu.memory_space<vmem>>) target_semaphore(%run_scoped3A : memref<!tpu.dma_semaphore, #tpu.memory_space<semaphore_mem>>)
      %dma_wait3A = arith.constant 0 : i32
      %dma_wait3A_53 = arith.constant 0 : i32
      %dma_wait3A_54 = tpu.memref_slice %arg4[%add3A, %dma_wait3A, %dma_wait3A_53] : memref<32x80x128xi32, #tpu.memory_space<hbm>> -> memref<1x40x128xi32, #tpu.memory_space<hbm>>
      %dma_wait3A_55 = tpu.memref_squeeze %dma_wait3A_54 : memref<1x40x128xi32, #tpu.memory_space<hbm>> -> memref<40x128xi32, #tpu.memory_space<hbm>>
      %dma_wait3A_56 = arith.constant 0 : i32
      %dma_wait3A_57 = arith.constant 0 : i32
      %dma_wait3A_58 = tpu.memref_slice %arg4[%add3A, %dma_wait3A_56, %dma_wait3A_57] : memref<32x80x128xi32, #tpu.memory_space<hbm>> -> memref<1x40x128xi32, #tpu.memory_space<hbm>>
      %dma_wait3A_59 = tpu.memref_squeeze %dma_wait3A_58 : memref<1x40x128xi32, #tpu.memory_space<hbm>> -> memref<40x128xi32, #tpu.memory_space<hbm>>
      tpu.wait_dma2 semaphore(%run_scoped3A : memref<!tpu.dma_semaphore, #tpu.memory_space<semaphore_mem>>) src(%dma_wait3A_59 : memref<40x128xi32, #tpu.memory_space<hbm>>) dst(%arg7 : memref<40x128xi32, #tpu.memory_space<vmem>>)
      tpu.yield
    }) : () -> ()
    %dma_start3A = arith.constant 0 : i32
    %dma_start3A_19 = arith.constant 0 : i32
    %dma_start3A_20 = tpu.memref_slice %arg6[%dma_start3A, %dma_start3A_19] : memref<40x128xi32, #tpu.memory_space<vmem>> -> memref<1x128xi32, #tpu.memory_space<vmem>>
    %dma_start3A_21 = tpu.memref_squeeze %dma_start3A_20 : memref<1x128xi32, #tpu.memory_space<vmem>> -> memref<128xi32, #tpu.memory_space<vmem>>
    %dma_start3A_22 = arith.constant 0 : i32
    %dma_start3A_23 = arith.constant 0 : i32
    %dma_start3A_24 = tpu.memref_slice %arg2[%dma_start3A_22, %dma_start3A_23] : memref<10000x128xf32, #tpu.memory_space<hbm>> -> memref<10000x128xf32, #tpu.memory_space<hbm>>
    tpu.enqueue_indirect_dma source(%dma_start3A_24 : memref<10000x128xf32, #tpu.memory_space<hbm>>) target(%arg8 : memref<128x128xf32, #tpu.memory_space<vmem>>) offsets(%dma_start3A_21 : memref<128xi32, #tpu.memory_space<vmem>>) semaphore(%arg11 : memref<!tpu.dma_semaphore, #tpu.memory_space<semaphore_mem>>)
    %scan3A_25 = arith.constant 0 : i32
    %scan3A_26 = arith.constant 0 : i32
    %scan3A_27 = arith.constant 20 : i32
    %scan3A_28 = arith.addi %scan3A_26, %scan3A_27 : i32
    %scan3A_29 = arith.constant 1 : i32
    scf.for %scan3A_45 = %scan3A_26 to %scan3A_28 step %scan3A_29  : i32 {
      %mul3A_46 = arith.constant 2 : i32
      %mul3A_47 = arith.muli %mul3A_46, %scan3A_45 : i32
      %dma_wait3A = arith.constant 0 : i32
      %dma_wait3A_48 = arith.constant 0 : i32
      %dma_wait3A_49 = tpu.memref_slice %arg2[%dma_wait3A, %dma_wait3A_48] : memref<10000x128xf32, #tpu.memory_space<hbm>> -> memref<128x128xf32, #tpu.memory_space<hbm>>
      %dma_wait3A_50 = arith.constant 0 : i32
      %dma_wait3A_51 = arith.constant 0 : i32
      %dma_wait3A_52 = tpu.memref_slice %arg2[%dma_wait3A_50, %dma_wait3A_51] : memref<10000x128xf32, #tpu.memory_space<hbm>> -> memref<128x128xf32, #tpu.memory_space<hbm>>
      tpu.wait_dma2 semaphore(%arg11 : memref<!tpu.dma_semaphore, #tpu.memory_space<semaphore_mem>>) src(%dma_wait3A_52 : memref<128x128xf32, #tpu.memory_space<hbm>>) dst(%arg8 : memref<128x128xf32, #tpu.memory_space<vmem>>)
      %add3A_53 = arith.constant 1 : i32
      %add3A_54 = arith.addi %mul3A_47, %add3A_53 : i32
      %dma_start3A_55 = arith.constant 0 : i32
      %dma_start3A_56 = tpu.memref_slice %arg6[%add3A_54, %dma_start3A_55] : memref<40x128xi32, #tpu.memory_space<vmem>> -> memref<1x128xi32, #tpu.memory_space<vmem>>
      %dma_start3A_57 = tpu.memref_squeeze %dma_start3A_56 : memref<1x128xi32, #tpu.memory_space<vmem>> -> memref<128xi32, #tpu.memory_space<vmem>>
      %dma_start3A_58 = arith.constant 0 : i32
      %dma_start3A_59 = arith.constant 0 : i32
      %dma_start3A_60 = tpu.memref_slice %arg2[%dma_start3A_58, %dma_start3A_59] : memref<10000x128xf32, #tpu.memory_space<hbm>> -> memref<10000x128xf32, #tpu.memory_space<hbm>>
      tpu.enqueue_indirect_dma source(%dma_start3A_60 : memref<10000x128xf32, #tpu.memory_space<hbm>>) target(%arg9 : memref<128x128xf32, #tpu.memory_space<vmem>>) offsets(%dma_start3A_57 : memref<128xi32, #tpu.memory_space<vmem>>) semaphore(%arg11 : memref<!tpu.dma_semaphore, #tpu.memory_space<semaphore_mem>>)
      "tpu.region"() ({
        %run_scoped3A = tpu.sem_alloc : memref<!tpu.dma_semaphore, #tpu.memory_space<semaphore_mem>>
        %dma_start3A_71 = arith.constant 0 : i32
        %dma_start3A_72 = tpu.memref_slice %arg7[%mul3A_47, %dma_start3A_71] : memref<40x128xi32, #tpu.memory_space<vmem>> -> memref<1x128xi32, #tpu.memory_space<vmem>>
        %dma_start3A_73 = tpu.memref_squeeze %dma_start3A_72 : memref<1x128xi32, #tpu.memory_space<vmem>> -> memref<128xi32, #tpu.memory_space<vmem>>
        %dma_start3A_74 = arith.constant 0 : i32
        %dma_start3A_75 = arith.constant 0 : i32
        %dma_start3A_76 = tpu.memref_slice %arg10[%dma_start3A_74, %dma_start3A_75] : memref<10112x128xf32, #tpu.memory_space<vmem_shared>> -> memref<10112x128xf32, #tpu.memory_space<vmem_shared>>
        tpu.enqueue_indirect_dma source(%arg8 : memref<128x128xf32, #tpu.memory_space<vmem>>) target(%dma_start3A_76 : memref<10112x128xf32, #tpu.memory_space<vmem_shared>>) offsets(%dma_start3A_73 : memref<128xi32, #tpu.memory_space<vmem>>) semaphore(%run_scoped3A : memref<!tpu.dma_semaphore, #tpu.memory_space<semaphore_mem>>) {add = true}
        %dma_wait3A_77 = arith.constant 0 : i32
        %dma_wait3A_78 = tpu.memref_slice %arg7[%mul3A_47, %dma_wait3A_77] : memref<40x128xi32, #tpu.memory_space<vmem>> -> memref<1x128xi32, #tpu.memory_space<vmem>>
        %dma_wait3A_79 = tpu.memref_squeeze %dma_wait3A_78 : memref<1x128xi32, #tpu.memory_space<vmem>> -> memref<128xi32, #tpu.memory_space<vmem>>
        %dma_wait3A_80 = arith.constant 0 : i32
        %dma_wait3A_81 = arith.constant 0 : i32
        %dma_wait3A_82 = tpu.memref_slice %arg10[%dma_wait3A_80, %dma_wait3A_81] : memref<10112x128xf32, #tpu.memory_space<vmem_shared>> -> memref<10112x128xf32, #tpu.memory_space<vmem_shared>>
        tpu.wait_indirect_dma semaphore(%run_scoped3A : memref<!tpu.dma_semaphore, #tpu.memory_space<semaphore_mem>>) src(%arg8 : memref<128x128xf32, #tpu.memory_space<vmem>>) dst(%dma_wait3A_82 : memref<10112x128xf32, #tpu.memory_space<vmem_shared>>)
        tpu.yield
      }) : () -> ()
      %dma_wait3A_61 = arith.constant 0 : i32
      %dma_wait3A_62 = arith.constant 0 : i32
      %dma_wait3A_63 = tpu.memref_slice %arg2[%dma_wait3A_61, %dma_wait3A_62] : memref<10000x128xf32, #tpu.memory_space<hbm>> -> memref<128x128xf32, #tpu.memory_space<hbm>>
      %dma_wait3A_64 = arith.constant 0 : i32
      %dma_wait3A_65 = arith.constant 0 : i32
      %dma_wait3A_66 = tpu.memref_slice %arg2[%dma_wait3A_64, %dma_wait3A_65] : memref<10000x128xf32, #tpu.memory_space<hbm>> -> memref<128x128xf32, #tpu.memory_space<hbm>>
      tpu.wait_dma2 semaphore(%arg11 : memref<!tpu.dma_semaphore, #tpu.memory_space<semaphore_mem>>) src(%dma_wait3A_66 : memref<128x128xf32, #tpu.memory_space<hbm>>) dst(%arg9 : memref<128x128xf32, #tpu.memory_space<vmem>>)
      %lt3A = arith.constant 19 : i32
      %lt3A_67 = arith.cmpi slt, %scan3A_45, %lt3A : i32
      %convert_element_type3A = arith.extui %lt3A_67 : i1 to i32
      %cond3A = arith.constant 0 : i32
      %cond3A_68 = arith.cmpi ne, %convert_element_type3A, %cond3A : i32
      scf.if %cond3A_68 {
        %add3A_71 = arith.constant 2 : i32
        %add3A_72 = arith.addi %mul3A_47, %add3A_71 : i32
        %dma_start3A_73 = arith.constant 0 : i32
        %dma_start3A_74 = tpu.memref_slice %arg6[%add3A_72, %dma_start3A_73] : memref<40x128xi32, #tpu.memory_space<vmem>> -> memref<1x128xi32, #tpu.memory_space<vmem>>
        %dma_start3A_75 = tpu.memref_squeeze %dma_start3A_74 : memref<1x128xi32, #tpu.memory_space<vmem>> -> memref<128xi32, #tpu.memory_space<vmem>>
        %dma_start3A_76 = arith.constant 0 : i32
        %dma_start3A_77 = arith.constant 0 : i32
        %dma_start3A_78 = tpu.memref_slice %arg2[%dma_start3A_76, %dma_start3A_77] : memref<10000x128xf32, #tpu.memory_space<hbm>> -> memref<10000x128xf32, #tpu.memory_space<hbm>>
        tpu.enqueue_indirect_dma source(%dma_start3A_78 : memref<10000x128xf32, #tpu.memory_space<hbm>>) target(%arg8 : memref<128x128xf32, #tpu.memory_space<vmem>>) offsets(%dma_start3A_75 : memref<128xi32, #tpu.memory_space<vmem>>) semaphore(%arg11 : memref<!tpu.dma_semaphore, #tpu.memory_space<semaphore_mem>>)
      } else {
      }
      %add3A_69 = arith.constant 1 : i32
      %add3A_70 = arith.addi %mul3A_47, %add3A_69 : i32
      "tpu.region"() ({
        %run_scoped3A = tpu.sem_alloc : memref<!tpu.dma_semaphore, #tpu.memory_space<semaphore_mem>>
        %dma_start3A_71 = arith.constant 0 : i32
        %dma_start3A_72 = tpu.memref_slice %arg7[%add3A_70, %dma_start3A_71] : memref<40x128xi32, #tpu.memory_space<vmem>> -> memref<1x128xi32, #tpu.memory_space<vmem>>
        %dma_start3A_73 = tpu.memref_squeeze %dma_start3A_72 : memref<1x128xi32, #tpu.memory_space<vmem>> -> memref<128xi32, #tpu.memory_space<vmem>>
        %dma_start3A_74 = arith.constant 0 : i32
        %dma_start3A_75 = arith.constant 0 : i32
        %dma_start3A_76 = tpu.memref_slice %arg10[%dma_start3A_74, %dma_start3A_75] : memref<10112x128xf32, #tpu.memory_space<vmem_shared>> -> memref<10112x128xf32, #tpu.memory_space<vmem_shared>>
        tpu.enqueue_indirect_dma source(%arg9 : memref<128x128xf32, #tpu.memory_space<vmem>>) target(%dma_start3A_76 : memref<10112x128xf32, #tpu.memory_space<vmem_shared>>) offsets(%dma_start3A_73 : memref<128xi32, #tpu.memory_space<vmem>>) semaphore(%run_scoped3A : memref<!tpu.dma_semaphore, #tpu.memory_space<semaphore_mem>>) {add = true}
        %dma_wait3A_77 = arith.constant 0 : i32
        %dma_wait3A_78 = tpu.memref_slice %arg7[%add3A_70, %dma_wait3A_77] : memref<40x128xi32, #tpu.memory_space<vmem>> -> memref<1x128xi32, #tpu.memory_space<vmem>>
        %dma_wait3A_79 = tpu.memref_squeeze %dma_wait3A_78 : memref<1x128xi32, #tpu.memory_space<vmem>> -> memref<128xi32, #tpu.memory_space<vmem>>
        %dma_wait3A_80 = arith.constant 0 : i32
        %dma_wait3A_81 = arith.constant 0 : i32
        %dma_wait3A_82 = tpu.memref_slice %arg10[%dma_wait3A_80, %dma_wait3A_81] : memref<10112x128xf32, #tpu.memory_space<vmem_shared>> -> memref<10112x128xf32, #tpu.memory_space<vmem_shared>>
        tpu.wait_indirect_dma semaphore(%run_scoped3A : memref<!tpu.dma_semaphore, #tpu.memory_space<semaphore_mem>>) src(%arg9 : memref<128x128xf32, #tpu.memory_space<vmem>>) dst(%dma_wait3A_82 : memref<10112x128xf32, #tpu.memory_space<vmem_shared>>)
        tpu.yield
      }) : () -> ()
    }
    %scan3A_30 = arith.constant 20 : i32
    "tpu.region"() ({
      %run_scoped3A = tpu.sem_alloc : memref<!tpu.dma_semaphore, #tpu.memory_space<semaphore_mem>>
      %dma_start3A_45 = arith.constant 40 : i32
      %dma_start3A_46 = arith.constant 0 : i32
      %dma_start3A_47 = tpu.memref_slice %arg3[%add3A, %dma_start3A_45, %dma_start3A_46] : memref<32x80x128xi32, #tpu.memory_space<hbm>> -> memref<1x40x128xi32, #tpu.memory_space<hbm>>
      %dma_start3A_48 = tpu.memref_squeeze %dma_start3A_47 : memref<1x40x128xi32, #tpu.memory_space<hbm>> -> memref<40x128xi32, #tpu.memory_space<hbm>>
      %dma_start3A_49 = arith.constant 40 : i32
      %dma_start3A_50 = arith.constant 0 : i32
      %dma_start3A_51 = tpu.memref_slice %arg3[%add3A, %dma_start3A_49, %dma_start3A_50] : memref<32x80x128xi32, #tpu.memory_space<hbm>> -> memref<1x40x128xi32, #tpu.memory_space<hbm>>
      %dma_start3A_52 = tpu.memref_squeeze %dma_start3A_51 : memref<1x40x128xi32, #tpu.memory_space<hbm>> -> memref<40x128xi32, #tpu.memory_space<hbm>>
      tpu.enqueue_dma source(%dma_start3A_52 : memref<40x128xi32, #tpu.memory_space<hbm>>) target(%arg6 : memref<40x128xi32, #tpu.memory_space<vmem>>) target_semaphore(%run_scoped3A : memref<!tpu.dma_semaphore, #tpu.memory_space<semaphore_mem>>)
      %dma_wait3A = arith.constant 40 : i32
      %dma_wait3A_53 = arith.constant 0 : i32
      %dma_wait3A_54 = tpu.memref_slice %arg3[%add3A, %dma_wait3A, %dma_wait3A_53] : memref<32x80x128xi32, #tpu.memory_space<hbm>> -> memref<1x40x128xi32, #tpu.memory_space<hbm>>
      %dma_wait3A_55 = tpu.memref_squeeze %dma_wait3A_54 : memref<1x40x128xi32, #tpu.memory_space<hbm>> -> memref<40x128xi32, #tpu.memory_space<hbm>>
      %dma_wait3A_56 = arith.constant 40 : i32
      %dma_wait3A_57 = arith.constant 0 : i32
      %dma_wait3A_58 = tpu.memref_slice %arg3[%add3A, %dma_wait3A_56, %dma_wait3A_57] : memref<32x80x128xi32, #tpu.memory_space<hbm>> -> memref<1x40x128xi32, #tpu.memory_space<hbm>>
      %dma_wait3A_59 = tpu.memref_squeeze %dma_wait3A_58 : memref<1x40x128xi32, #tpu.memory_space<hbm>> -> memref<40x128xi32, #tpu.memory_space<hbm>>
      tpu.wait_dma2 semaphore(%run_scoped3A : memref<!tpu.dma_semaphore, #tpu.memory_space<semaphore_mem>>) src(%dma_wait3A_59 : memref<40x128xi32, #tpu.memory_space<hbm>>) dst(%arg6 : memref<40x128xi32, #tpu.memory_space<vmem>>)
      tpu.yield
    }) : () -> ()
    "tpu.region"() ({
      %run_scoped3A = tpu.sem_alloc : memref<!tpu.dma_semaphore, #tpu.memory_space<semaphore_mem>>
      %dma_start3A_45 = arith.constant 40 : i32
      %dma_start3A_46 = arith.constant 0 : i32
      %dma_start3A_47 = tpu.memref_slice %arg4[%add3A, %dma_start3A_45, %dma_start3A_46] : memref<32x80x128xi32, #tpu.memory_space<hbm>> -> memref<1x40x128xi32, #tpu.memory_space<hbm>>
      %dma_start3A_48 = tpu.memref_squeeze %dma_start3A_47 : memref<1x40x128xi32, #tpu.memory_space<hbm>> -> memref<40x128xi32, #tpu.memory_space<hbm>>
      %dma_start3A_49 = arith.constant 40 : i32
      %dma_start3A_50 = arith.constant 0 : i32
      %dma_start3A_51 = tpu.memref_slice %arg4[%add3A, %dma_start3A_49, %dma_start3A_50] : memref<32x80x128xi32, #tpu.memory_space<hbm>> -> memref<1x40x128xi32, #tpu.memory_space<hbm>>
      %dma_start3A_52 = tpu.memref_squeeze %dma_start3A_51 : memref<1x40x128xi32, #tpu.memory_space<hbm>> -> memref<40x128xi32, #tpu.memory_space<hbm>>
      tpu.enqueue_dma source(%dma_start3A_52 : memref<40x128xi32, #tpu.memory_space<hbm>>) target(%arg7 : memref<40x128xi32, #tpu.memory_space<vmem>>) target_semaphore(%run_scoped3A : memref<!tpu.dma_semaphore, #tpu.memory_space<semaphore_mem>>)
      %dma_wait3A = arith.constant 40 : i32
      %dma_wait3A_53 = arith.constant 0 : i32
      %dma_wait3A_54 = tpu.memref_slice %arg4[%add3A, %dma_wait3A, %dma_wait3A_53] : memref<32x80x128xi32, #tpu.memory_space<hbm>> -> memref<1x40x128xi32, #tpu.memory_space<hbm>>
      %dma_wait3A_55 = tpu.memref_squeeze %dma_wait3A_54 : memref<1x40x128xi32, #tpu.memory_space<hbm>> -> memref<40x128xi32, #tpu.memory_space<hbm>>
      %dma_wait3A_56 = arith.constant 40 : i32
      %dma_wait3A_57 = arith.constant 0 : i32
      %dma_wait3A_58 = tpu.memref_slice %arg4[%add3A, %dma_wait3A_56, %dma_wait3A_57] : memref<32x80x128xi32, #tpu.memory_space<hbm>> -> memref<1x40x128xi32, #tpu.memory_space<hbm>>
      %dma_wait3A_59 = tpu.memref_squeeze %dma_wait3A_58 : memref<1x40x128xi32, #tpu.memory_space<hbm>> -> memref<40x128xi32, #tpu.memory_space<hbm>>
      tpu.wait_dma2 semaphore(%run_scoped3A : memref<!tpu.dma_semaphore, #tpu.memory_space<semaphore_mem>>) src(%dma_wait3A_59 : memref<40x128xi32, #tpu.memory_space<hbm>>) dst(%arg7 : memref<40x128xi32, #tpu.memory_space<vmem>>)
      tpu.yield
    }) : () -> ()
    %dma_start3A_31 = arith.constant 0 : i32
    %dma_start3A_32 = arith.constant 0 : i32
    %dma_start3A_33 = tpu.memref_slice %arg6[%dma_start3A_31, %dma_start3A_32] : memref<40x128xi32, #tpu.memory_space<vmem>> -> memref<1x128xi32, #tpu.memory_space<vmem>>
    %dma_start3A_34 = tpu.memref_squeeze %dma_start3A_33 : memref<1x128xi32, #tpu.memory_space<vmem>> -> memref<128xi32, #tpu.memory_space<vmem>>
    %dma_start3A_35 = arith.constant 0 : i32
    %dma_start3A_36 = arith.constant 0 : i32
    %dma_start3A_37 = tpu.memref_slice %arg2[%dma_start3A_35, %dma_start3A_36] : memref<10000x128xf32, #tpu.memory_space<hbm>> -> memref<10000x128xf32, #tpu.memory_space<hbm>>
    tpu.enqueue_indirect_dma source(%dma_start3A_37 : memref<10000x128xf32, #tpu.memory_space<hbm>>) target(%arg8 : memref<128x128xf32, #tpu.memory_space<vmem>>) offsets(%dma_start3A_34 : memref<128xi32, #tpu.memory_space<vmem>>) semaphore(%arg11 : memref<!tpu.dma_semaphore, #tpu.memory_space<semaphore_mem>>)
    %scan3A_38 = arith.constant 0 : i32
    %scan3A_39 = arith.constant 0 : i32
    %scan3A_40 = arith.constant 20 : i32
    %scan3A_41 = arith.addi %scan3A_39, %scan3A_40 : i32
    %scan3A_42 = arith.constant 1 : i32
    scf.for %scan3A_45 = %scan3A_39 to %scan3A_41 step %scan3A_42  : i32 {
      %mul3A_46 = arith.constant 2 : i32
      %mul3A_47 = arith.muli %mul3A_46, %scan3A_45 : i32
      %dma_wait3A = arith.constant 0 : i32
      %dma_wait3A_48 = arith.constant 0 : i32
      %dma_wait3A_49 = tpu.memref_slice %arg2[%dma_wait3A, %dma_wait3A_48] : memref<10000x128xf32, #tpu.memory_space<hbm>> -> memref<128x128xf32, #tpu.memory_space<hbm>>
      %dma_wait3A_50 = arith.constant 0 : i32
      %dma_wait3A_51 = arith.constant 0 : i32
      %dma_wait3A_52 = tpu.memref_slice %arg2[%dma_wait3A_50, %dma_wait3A_51] : memref<10000x128xf32, #tpu.memory_space<hbm>> -> memref<128x128xf32, #tpu.memory_space<hbm>>
      tpu.wait_dma2 semaphore(%arg11 : memref<!tpu.dma_semaphore, #tpu.memory_space<semaphore_mem>>) src(%dma_wait3A_52 : memref<128x128xf32, #tpu.memory_space<hbm>>) dst(%arg8 : memref<128x128xf32, #tpu.memory_space<vmem>>)
      %add3A_53 = arith.constant 1 : i32
      %add3A_54 = arith.addi %mul3A_47, %add3A_53 : i32
      %dma_start3A_55 = arith.constant 0 : i32
      %dma_start3A_56 = tpu.memref_slice %arg6[%add3A_54, %dma_start3A_55] : memref<40x128xi32, #tpu.memory_space<vmem>> -> memref<1x128xi32, #tpu.memory_space<vmem>>
      %dma_start3A_57 = tpu.memref_squeeze %dma_start3A_56 : memref<1x128xi32, #tpu.memory_space<vmem>> -> memref<128xi32, #tpu.memory_space<vmem>>
      %dma_start3A_58 = arith.constant 0 : i32
      %dma_start3A_59 = arith.constant 0 : i32
      %dma_start3A_60 = tpu.memref_slice %arg2[%dma_start3A_58, %dma_start3A_59] : memref<10000x128xf32, #tpu.memory_space<hbm>> -> memref<10000x128xf32, #tpu.memory_space<hbm>>
      tpu.enqueue_indirect_dma source(%dma_start3A_60 : memref<10000x128xf32, #tpu.memory_space<hbm>>) target(%arg9 : memref<128x128xf32, #tpu.memory_space<vmem>>) offsets(%dma_start3A_57 : memref<128xi32, #tpu.memory_space<vmem>>) semaphore(%arg11 : memref<!tpu.dma_semaphore, #tpu.memory_space<semaphore_mem>>)
      "tpu.region"() ({
        %run_scoped3A = tpu.sem_alloc : memref<!tpu.dma_semaphore, #tpu.memory_space<semaphore_mem>>
        %dma_start3A_71 = arith.constant 0 : i32
        %dma_start3A_72 = tpu.memref_slice %arg7[%mul3A_47, %dma_start3A_71] : memref<40x128xi32, #tpu.memory_space<vmem>> -> memref<1x128xi32, #tpu.memory_space<vmem>>
        %dma_start3A_73 = tpu.memref_squeeze %dma_start3A_72 : memref<1x128xi32, #tpu.memory_space<vmem>> -> memref<128xi32, #tpu.memory_space<vmem>>
        %dma_start3A_74 = arith.constant 0 : i32
        %dma_start3A_75 = arith.constant 0 : i32
        %dma_start3A_76 = tpu.memref_slice %arg10[%dma_start3A_74, %dma_start3A_75] : memref<10112x128xf32, #tpu.memory_space<vmem_shared>> -> memref<10112x128xf32, #tpu.memory_space<vmem_shared>>
        tpu.enqueue_indirect_dma source(%arg8 : memref<128x128xf32, #tpu.memory_space<vmem>>) target(%dma_start3A_76 : memref<10112x128xf32, #tpu.memory_space<vmem_shared>>) offsets(%dma_start3A_73 : memref<128xi32, #tpu.memory_space<vmem>>) semaphore(%run_scoped3A : memref<!tpu.dma_semaphore, #tpu.memory_space<semaphore_mem>>) {add = true}
        %dma_wait3A_77 = arith.constant 0 : i32
        %dma_wait3A_78 = tpu.memref_slice %arg7[%mul3A_47, %dma_wait3A_77] : memref<40x128xi32, #tpu.memory_space<vmem>> -> memref<1x128xi32, #tpu.memory_space<vmem>>
        %dma_wait3A_79 = tpu.memref_squeeze %dma_wait3A_78 : memref<1x128xi32, #tpu.memory_space<vmem>> -> memref<128xi32, #tpu.memory_space<vmem>>
        %dma_wait3A_80 = arith.constant 0 : i32
        %dma_wait3A_81 = arith.constant 0 : i32
        %dma_wait3A_82 = tpu.memref_slice %arg10[%dma_wait3A_80, %dma_wait3A_81] : memref<10112x128xf32, #tpu.memory_space<vmem_shared>> -> memref<10112x128xf32, #tpu.memory_space<vmem_shared>>
        tpu.wait_indirect_dma semaphore(%run_scoped3A : memref<!tpu.dma_semaphore, #tpu.memory_space<semaphore_mem>>) src(%arg8 : memref<128x128xf32, #tpu.memory_space<vmem>>) dst(%dma_wait3A_82 : memref<10112x128xf32, #tpu.memory_space<vmem_shared>>)
        tpu.yield
      }) : () -> ()
      %dma_wait3A_61 = arith.constant 0 : i32
      %dma_wait3A_62 = arith.constant 0 : i32
      %dma_wait3A_63 = tpu.memref_slice %arg2[%dma_wait3A_61, %dma_wait3A_62] : memref<10000x128xf32, #tpu.memory_space<hbm>> -> memref<128x128xf32, #tpu.memory_space<hbm>>
      %dma_wait3A_64 = arith.constant 0 : i32
      %dma_wait3A_65 = arith.constant 0 : i32
      %dma_wait3A_66 = tpu.memref_slice %arg2[%dma_wait3A_64, %dma_wait3A_65] : memref<10000x128xf32, #tpu.memory_space<hbm>> -> memref<128x128xf32, #tpu.memory_space<hbm>>
      tpu.wait_dma2 semaphore(%arg11 : memref<!tpu.dma_semaphore, #tpu.memory_space<semaphore_mem>>) src(%dma_wait3A_66 : memref<128x128xf32, #tpu.memory_space<hbm>>) dst(%arg9 : memref<128x128xf32, #tpu.memory_space<vmem>>)
      %lt3A = arith.constant 19 : i32
      %lt3A_67 = arith.cmpi slt, %scan3A_45, %lt3A : i32
      %convert_element_type3A = arith.extui %lt3A_67 : i1 to i32
      %cond3A = arith.constant 0 : i32
      %cond3A_68 = arith.cmpi ne, %convert_element_type3A, %cond3A : i32
      scf.if %cond3A_68 {
        %add3A_71 = arith.constant 2 : i32
        %add3A_72 = arith.addi %mul3A_47, %add3A_71 : i32
        %dma_start3A_73 = arith.constant 0 : i32
        %dma_start3A_74 = tpu.memref_slice %arg6[%add3A_72, %dma_start3A_73] : memref<40x128xi32, #tpu.memory_space<vmem>> -> memref<1x128xi32, #tpu.memory_space<vmem>>
        %dma_start3A_75 = tpu.memref_squeeze %dma_start3A_74 : memref<1x128xi32, #tpu.memory_space<vmem>> -> memref<128xi32, #tpu.memory_space<vmem>>
        %dma_start3A_76 = arith.constant 0 : i32
        %dma_start3A_77 = arith.constant 0 : i32
        %dma_start3A_78 = tpu.memref_slice %arg2[%dma_start3A_76, %dma_start3A_77] : memref<10000x128xf32, #tpu.memory_space<hbm>> -> memref<10000x128xf32, #tpu.memory_space<hbm>>
        tpu.enqueue_indirect_dma source(%dma_start3A_78 : memref<10000x128xf32, #tpu.memory_space<hbm>>) target(%arg8 : memref<128x128xf32, #tpu.memory_space<vmem>>) offsets(%dma_start3A_75 : memref<128xi32, #tpu.memory_space<vmem>>) semaphore(%arg11 : memref<!tpu.dma_semaphore, #tpu.memory_space<semaphore_mem>>)
      } else {
      }
      %add3A_69 = arith.constant 1 : i32
      %add3A_70 = arith.addi %mul3A_47, %add3A_69 : i32
      "tpu.region"() ({
        %run_scoped3A = tpu.sem_alloc : memref<!tpu.dma_semaphore, #tpu.memory_space<semaphore_mem>>
        %dma_start3A_71 = arith.constant 0 : i32
        %dma_start3A_72 = tpu.memref_slice %arg7[%add3A_70, %dma_start3A_71] : memref<40x128xi32, #tpu.memory_space<vmem>> -> memref<1x128xi32, #tpu.memory_space<vmem>>
        %dma_start3A_73 = tpu.memref_squeeze %dma_start3A_72 : memref<1x128xi32, #tpu.memory_space<vmem>> -> memref<128xi32, #tpu.memory_space<vmem>>
        %dma_start3A_74 = arith.constant 0 : i32
        %dma_start3A_75 = arith.constant 0 : i32
        %dma_start3A_76 = tpu.memref_slice %arg10[%dma_start3A_74, %dma_start3A_75] : memref<10112x128xf32, #tpu.memory_space<vmem_shared>> -> memref<10112x128xf32, #tpu.memory_space<vmem_shared>>
        tpu.enqueue_indirect_dma source(%arg9 : memref<128x128xf32, #tpu.memory_space<vmem>>) target(%dma_start3A_76 : memref<10112x128xf32, #tpu.memory_space<vmem_shared>>) offsets(%dma_start3A_73 : memref<128xi32, #tpu.memory_space<vmem>>) semaphore(%run_scoped3A : memref<!tpu.dma_semaphore, #tpu.memory_space<semaphore_mem>>) {add = true}
        %dma_wait3A_77 = arith.constant 0 : i32
        %dma_wait3A_78 = tpu.memref_slice %arg7[%add3A_70, %dma_wait3A_77] : memref<40x128xi32, #tpu.memory_space<vmem>> -> memref<1x128xi32, #tpu.memory_space<vmem>>
        %dma_wait3A_79 = tpu.memref_squeeze %dma_wait3A_78 : memref<1x128xi32, #tpu.memory_space<vmem>> -> memref<128xi32, #tpu.memory_space<vmem>>
        %dma_wait3A_80 = arith.constant 0 : i32
        %dma_wait3A_81 = arith.constant 0 : i32
        %dma_wait3A_82 = tpu.memref_slice %arg10[%dma_wait3A_80, %dma_wait3A_81] : memref<10112x128xf32, #tpu.memory_space<vmem_shared>> -> memref<10112x128xf32, #tpu.memory_space<vmem_shared>>
        tpu.wait_indirect_dma semaphore(%run_scoped3A : memref<!tpu.dma_semaphore, #tpu.memory_space<semaphore_mem>>) src(%arg9 : memref<128x128xf32, #tpu.memory_space<vmem>>) dst(%dma_wait3A_82 : memref<10112x128xf32, #tpu.memory_space<vmem_shared>>)
        tpu.yield
      }) : () -> ()
    }
    %scan3A_43 = arith.constant 20 : i32
    %barrier3A_44 = arith.constant 0 : index
    tpu.barrier barrier_id(%barrier3A_44)
    "tpu.region"() ({
      %run_scoped3A = tpu.sem_alloc : memref<!tpu.dma_semaphore, #tpu.memory_space<semaphore_mem>>
      %dma_start3A_45 = arith.constant 0 : i32
      %dma_start3A_46 = tpu.memref_slice %arg5[%arg0, %mul3A_2, %dma_start3A_45] : memref<2x10112x128xf32, #tpu.memory_space<hbm>> -> memref<1x632x128xf32, #tpu.memory_space<hbm>>
      %dma_start3A_47 = tpu.memref_squeeze %dma_start3A_46 : memref<1x632x128xf32, #tpu.memory_space<hbm>> -> memref<632x128xf32, #tpu.memory_space<hbm>>
      %dma_start3A_48 = arith.constant 0 : i32
      %dma_start3A_49 = tpu.memref_slice %arg10[%mul3A_2, %dma_start3A_48] : memref<10112x128xf32, #tpu.memory_space<vmem_shared>> -> memref<632x128xf32, #tpu.memory_space<vmem_shared>>
      tpu.enqueue_dma source(%dma_start3A_49 : memref<632x128xf32, #tpu.memory_space<vmem_shared>>) target(%dma_start3A_47 : memref<632x128xf32, #tpu.memory_space<hbm>>) target_semaphore(%run_scoped3A : memref<!tpu.dma_semaphore, #tpu.memory_space<semaphore_mem>>)
      %dma_wait3A = arith.constant 0 : i32
      %dma_wait3A_50 = tpu.memref_slice %arg5[%arg0, %mul3A_2, %dma_wait3A] : memref<2x10112x128xf32, #tpu.memory_space<hbm>> -> memref<1x632x128xf32, #tpu.memory_space<hbm>>
      %dma_wait3A_51 = tpu.memref_squeeze %dma_wait3A_50 : memref<1x632x128xf32, #tpu.memory_space<hbm>> -> memref<632x128xf32, #tpu.memory_space<hbm>>
      %dma_wait3A_52 = arith.constant 0 : i32
      %dma_wait3A_53 = tpu.memref_slice %arg10[%mul3A_2, %dma_wait3A_52] : memref<10112x128xf32, #tpu.memory_space<vmem_shared>> -> memref<632x128xf32, #tpu.memory_space<vmem_shared>>
      tpu.wait_dma2 semaphore(%run_scoped3A : memref<!tpu.dma_semaphore, #tpu.memory_space<semaphore_mem>>) src(%dma_wait3A_53 : memref<632x128xf32, #tpu.memory_space<vmem_shared>>) dst(%dma_wait3A_51 : memref<632x128xf32, #tpu.memory_space<hbm>>)
      tpu.yield
    }) : () -> ()
    return
  }
}

#map = affine_map<(d0, d1) -> (0, 0)>
#map1 = affine_map<(d0, d1) -> (0, 0, 0)>
module attributes {stable_mosaic.version = 14 : i64} {
  func.func @agg_kernel(%arg0: i32, %arg1: i32, %arg2: memref<10000x128xf32, #tpu.memory_space<hbm>>, %arg3: memref<10000x128xf32, #tpu.memory_space<hbm>>, %arg4: memref<32x80x128xi32, #tpu.memory_space<hbm>>, %arg5: memref<32x80x128xi32, #tpu.memory_space<hbm>>, %arg6: memref<2x10112x128xf32, #tpu.memory_space<hbm>>, %arg7: memref<2x10112x128xf32, #tpu.memory_space<hbm>>, %arg8: memref<40x128xi32, #tpu.memory_space<vmem>>, %arg9: memref<40x128xi32, #tpu.memory_space<vmem>>, %arg10: memref<128x128xf32, #tpu.memory_space<vmem>>, %arg11: memref<128x128xf32, #tpu.memory_space<vmem>>, %arg12: memref<10112x128xf32, #tpu.memory_space<vmem_shared>>, %arg13: memref<!tpu.dma_semaphore, #tpu.memory_space<semaphore_mem>>) attributes {dimension_semantics = [#tpu.dimension_semantics<core_parallel>, #tpu.dimension_semantics<subcore_parallel>], iteration_bounds = array<i64: 2, 16>, scalar_prefetch = 0 : i64, scratch_operands = 6 : i64, tpu.core_type = #tpu.core_type<sc_vector_subcore>, window_params = [{transform_indices = #map}, {transform_indices = #map}, {transform_indices = #map1}, {transform_indices = #map1}, {transform_indices = #map1}, {transform_indices = #map1}]} {
    %mul3A = arith.constant 2 : i32
    %mul3A_0 = arith.muli %arg1, %mul3A : i32
    %add3A = arith.addi %mul3A_0, %arg0 : i32
    %mul3A_1 = arith.constant 632 : i32
    %mul3A_2 = arith.muli %arg1, %mul3A_1 : i32
    %broadcast_in_dim3A = arith.constant 0.000000e+00 : f32
    %broadcast_in_dim3A_3 = vector.broadcast %broadcast_in_dim3A : f32 to vector<16xf32>
    %scan3A = arith.constant 0 : i32
    %scan3A_4 = arith.constant 0 : i32
    %scan3A_5 = arith.constant 128 : i32
    %scan3A_6 = arith.addi %scan3A_4, %scan3A_5 : i32
    %scan3A_7 = arith.constant 1 : i32
    scf.for %scan3A_92 = %scan3A_4 to %scan3A_6 step %scan3A_7  : i32 {
      %swap3A = arith.index_cast %scan3A_92 : i32 to index
      %swap3A_93 = arith.constant 0 : index
      %swap3A_94 = tpu.vector_load %arg10[%swap3A, %swap3A_93] {strides = array<i32>} : memref<128x128xf32, #tpu.memory_space<vmem>>, vector<1x16xf32>,
      %swap3A_95 = vector.shape_cast %swap3A_94 : vector<1x16xf32> to vector<16xf32>
      %swap3A_96 = vector.shape_cast %broadcast_in_dim3A_3 : vector<16xf32> to vector<1x16xf32>
      tpu.vector_store %arg10[%swap3A, %swap3A_93], %swap3A_96 {strides = array<i32>} : memref<128x128xf32, #tpu.memory_space<vmem>>, vector<1x16xf32>,
      %swap3A_97 = arith.index_cast %scan3A_92 : i32 to index
      %swap3A_98 = arith.constant 16 : index
      %swap3A_99 = tpu.vector_load %arg10[%swap3A_97, %swap3A_98] {strides = array<i32>} : memref<128x128xf32, #tpu.memory_space<vmem>>, vector<1x16xf32>,
      %swap3A_100 = vector.shape_cast %swap3A_99 : vector<1x16xf32> to vector<16xf32>
      %swap3A_101 = vector.shape_cast %broadcast_in_dim3A_3 : vector<16xf32> to vector<1x16xf32>
      tpu.vector_store %arg10[%swap3A_97, %swap3A_98], %swap3A_101 {strides = array<i32>} : memref<128x128xf32, #tpu.memory_space<vmem>>, vector<1x16xf32>,
      %swap3A_102 = arith.index_cast %scan3A_92 : i32 to index
      %swap3A_103 = arith.constant 32 : index
      %swap3A_104 = tpu.vector_load %arg10[%swap3A_102, %swap3A_103] {strides = array<i32>} : memref<128x128xf32, #tpu.memory_space<vmem>>, vector<1x16xf32>,
      %swap3A_105 = vector.shape_cast %swap3A_104 : vector<1x16xf32> to vector<16xf32>
      %swap3A_106 = vector.shape_cast %broadcast_in_dim3A_3 : vector<16xf32> to vector<1x16xf32>
      tpu.vector_store %arg10[%swap3A_102, %swap3A_103], %swap3A_106 {strides = array<i32>} : memref<128x128xf32, #tpu.memory_space<vmem>>, vector<1x16xf32>,
      %swap3A_107 = arith.index_cast %scan3A_92 : i32 to index
      %swap3A_108 = arith.constant 48 : index
      %swap3A_109 = tpu.vector_load %arg10[%swap3A_107, %swap3A_108] {strides = array<i32>} : memref<128x128xf32, #tpu.memory_space<vmem>>, vector<1x16xf32>,
      %swap3A_110 = vector.shape_cast %swap3A_109 : vector<1x16xf32> to vector<16xf32>
      %swap3A_111 = vector.shape_cast %broadcast_in_dim3A_3 : vector<16xf32> to vector<1x16xf32>
      tpu.vector_store %arg10[%swap3A_107, %swap3A_108], %swap3A_111 {strides = array<i32>} : memref<128x128xf32, #tpu.memory_space<vmem>>, vector<1x16xf32>,
      %swap3A_112 = arith.index_cast %scan3A_92 : i32 to index
      %swap3A_113 = arith.constant 64 : index
      %swap3A_114 = tpu.vector_load %arg10[%swap3A_112, %swap3A_113] {strides = array<i32>} : memref<128x128xf32, #tpu.memory_space<vmem>>, vector<1x16xf32>,
      %swap3A_115 = vector.shape_cast %swap3A_114 : vector<1x16xf32> to vector<16xf32>
      %swap3A_116 = vector.shape_cast %broadcast_in_dim3A_3 : vector<16xf32> to vector<1x16xf32>
      tpu.vector_store %arg10[%swap3A_112, %swap3A_113], %swap3A_116 {strides = array<i32>} : memref<128x128xf32, #tpu.memory_space<vmem>>, vector<1x16xf32>,
      %swap3A_117 = arith.index_cast %scan3A_92 : i32 to index
      %swap3A_118 = arith.constant 80 : index
      %swap3A_119 = tpu.vector_load %arg10[%swap3A_117, %swap3A_118] {strides = array<i32>} : memref<128x128xf32, #tpu.memory_space<vmem>>, vector<1x16xf32>,
      %swap3A_120 = vector.shape_cast %swap3A_119 : vector<1x16xf32> to vector<16xf32>
      %swap3A_121 = vector.shape_cast %broadcast_in_dim3A_3 : vector<16xf32> to vector<1x16xf32>
      tpu.vector_store %arg10[%swap3A_117, %swap3A_118], %swap3A_121 {strides = array<i32>} : memref<128x128xf32, #tpu.memory_space<vmem>>, vector<1x16xf32>,
      %swap3A_122 = arith.index_cast %scan3A_92 : i32 to index
      %swap3A_123 = arith.constant 96 : index
      %swap3A_124 = tpu.vector_load %arg10[%swap3A_122, %swap3A_123] {strides = array<i32>} : memref<128x128xf32, #tpu.memory_space<vmem>>, vector<1x16xf32>,
      %swap3A_125 = vector.shape_cast %swap3A_124 : vector<1x16xf32> to vector<16xf32>
      %swap3A_126 = vector.shape_cast %broadcast_in_dim3A_3 : vector<16xf32> to vector<1x16xf32>
      tpu.vector_store %arg10[%swap3A_122, %swap3A_123], %swap3A_126 {strides = array<i32>} : memref<128x128xf32, #tpu.memory_space<vmem>>, vector<1x16xf32>,
      %swap3A_127 = arith.index_cast %scan3A_92 : i32 to index
      %swap3A_128 = arith.constant 112 : index
      %swap3A_129 = tpu.vector_load %arg10[%swap3A_127, %swap3A_128] {strides = array<i32>} : memref<128x128xf32, #tpu.memory_space<vmem>>, vector<1x16xf32>,
      %swap3A_130 = vector.shape_cast %swap3A_129 : vector<1x16xf32> to vector<16xf32>
      %swap3A_131 = vector.shape_cast %broadcast_in_dim3A_3 : vector<16xf32> to vector<1x16xf32>
      tpu.vector_store %arg10[%swap3A_127, %swap3A_128], %swap3A_131 {strides = array<i32>} : memref<128x128xf32, #tpu.memory_space<vmem>>, vector<1x16xf32>,
    }
    %scan3A_8 = arith.constant 128 : i32
    %add3A_9 = arith.constant 0 : i32
    %add3A_10 = arith.addi %mul3A_2, %add3A_9 : i32
    "tpu.region"() ({
      %run_scoped3A = tpu.sem_alloc : memref<!tpu.dma_semaphore, #tpu.memory_space<semaphore_mem>>
      %dma_start3A_92 = arith.constant 0 : i32
      %dma_start3A_93 = tpu.memref_slice %arg12[%add3A_10, %dma_start3A_92] : memref<10112x128xf32, #tpu.memory_space<vmem_shared>> -> memref<128x128xf32, #tpu.memory_space<vmem_shared>>
      %dma_start3A_94 = arith.constant 0 : i32
      %dma_start3A_95 = tpu.memref_slice %arg12[%add3A_10, %dma_start3A_94] : memref<10112x128xf32, #tpu.memory_space<vmem_shared>> -> memref<128x128xf32, #tpu.memory_space<vmem_shared>>
      tpu.enqueue_dma source(%arg10 : memref<128x128xf32, #tpu.memory_space<vmem>>) target(%dma_start3A_95 : memref<128x128xf32, #tpu.memory_space<vmem_shared>>) target_semaphore(%run_scoped3A : memref<!tpu.dma_semaphore, #tpu.memory_space<semaphore_mem>>)
      %dma_wait3A = arith.constant 0 : i32
      %dma_wait3A_96 = tpu.memref_slice %arg12[%add3A_10, %dma_wait3A] : memref<10112x128xf32, #tpu.memory_space<vmem_shared>> -> memref<128x128xf32, #tpu.memory_space<vmem_shared>>
      %dma_wait3A_97 = arith.constant 0 : i32
      %dma_wait3A_98 = tpu.memref_slice %arg12[%add3A_10, %dma_wait3A_97] : memref<10112x128xf32, #tpu.memory_space<vmem_shared>> -> memref<128x128xf32, #tpu.memory_space<vmem_shared>>
      tpu.wait_dma2 semaphore(%run_scoped3A : memref<!tpu.dma_semaphore, #tpu.memory_space<semaphore_mem>>) src(%arg10 : memref<128x128xf32, #tpu.memory_space<vmem>>) dst(%dma_wait3A_98 : memref<128x128xf32, #tpu.memory_space<vmem_shared>>)
      tpu.yield
    }) : () -> ()
    %add3A_11 = arith.constant 128 : i32
    %add3A_12 = arith.addi %mul3A_2, %add3A_11 : i32
    "tpu.region"() ({
      %run_scoped3A = tpu.sem_alloc : memref<!tpu.dma_semaphore, #tpu.memory_space<semaphore_mem>>
      %dma_start3A_92 = arith.constant 0 : i32
      %dma_start3A_93 = tpu.memref_slice %arg12[%add3A_12, %dma_start3A_92] : memref<10112x128xf32, #tpu.memory_space<vmem_shared>> -> memref<128x128xf32, #tpu.memory_space<vmem_shared>>
      %dma_start3A_94 = arith.constant 0 : i32
      %dma_start3A_95 = tpu.memref_slice %arg12[%add3A_12, %dma_start3A_94] : memref<10112x128xf32, #tpu.memory_space<vmem_shared>> -> memref<128x128xf32, #tpu.memory_space<vmem_shared>>
      tpu.enqueue_dma source(%arg10 : memref<128x128xf32, #tpu.memory_space<vmem>>) target(%dma_start3A_95 : memref<128x128xf32, #tpu.memory_space<vmem_shared>>) target_semaphore(%run_scoped3A : memref<!tpu.dma_semaphore, #tpu.memory_space<semaphore_mem>>)
      %dma_wait3A = arith.constant 0 : i32
      %dma_wait3A_96 = tpu.memref_slice %arg12[%add3A_12, %dma_wait3A] : memref<10112x128xf32, #tpu.memory_space<vmem_shared>> -> memref<128x128xf32, #tpu.memory_space<vmem_shared>>
      %dma_wait3A_97 = arith.constant 0 : i32
      %dma_wait3A_98 = tpu.memref_slice %arg12[%add3A_12, %dma_wait3A_97] : memref<10112x128xf32, #tpu.memory_space<vmem_shared>> -> memref<128x128xf32, #tpu.memory_space<vmem_shared>>
      tpu.wait_dma2 semaphore(%run_scoped3A : memref<!tpu.dma_semaphore, #tpu.memory_space<semaphore_mem>>) src(%arg10 : memref<128x128xf32, #tpu.memory_space<vmem>>) dst(%dma_wait3A_98 : memref<128x128xf32, #tpu.memory_space<vmem_shared>>)
      tpu.yield
    }) : () -> ()
    %add3A_13 = arith.constant 256 : i32
    %add3A_14 = arith.addi %mul3A_2, %add3A_13 : i32
    "tpu.region"() ({
      %run_scoped3A = tpu.sem_alloc : memref<!tpu.dma_semaphore, #tpu.memory_space<semaphore_mem>>
      %dma_start3A_92 = arith.constant 0 : i32
      %dma_start3A_93 = tpu.memref_slice %arg12[%add3A_14, %dma_start3A_92] : memref<10112x128xf32, #tpu.memory_space<vmem_shared>> -> memref<128x128xf32, #tpu.memory_space<vmem_shared>>
      %dma_start3A_94 = arith.constant 0 : i32
      %dma_start3A_95 = tpu.memref_slice %arg12[%add3A_14, %dma_start3A_94] : memref<10112x128xf32, #tpu.memory_space<vmem_shared>> -> memref<128x128xf32, #tpu.memory_space<vmem_shared>>
      tpu.enqueue_dma source(%arg10 : memref<128x128xf32, #tpu.memory_space<vmem>>) target(%dma_start3A_95 : memref<128x128xf32, #tpu.memory_space<vmem_shared>>) target_semaphore(%run_scoped3A : memref<!tpu.dma_semaphore, #tpu.memory_space<semaphore_mem>>)
      %dma_wait3A = arith.constant 0 : i32
      %dma_wait3A_96 = tpu.memref_slice %arg12[%add3A_14, %dma_wait3A] : memref<10112x128xf32, #tpu.memory_space<vmem_shared>> -> memref<128x128xf32, #tpu.memory_space<vmem_shared>>
      %dma_wait3A_97 = arith.constant 0 : i32
      %dma_wait3A_98 = tpu.memref_slice %arg12[%add3A_14, %dma_wait3A_97] : memref<10112x128xf32, #tpu.memory_space<vmem_shared>> -> memref<128x128xf32, #tpu.memory_space<vmem_shared>>
      tpu.wait_dma2 semaphore(%run_scoped3A : memref<!tpu.dma_semaphore, #tpu.memory_space<semaphore_mem>>) src(%arg10 : memref<128x128xf32, #tpu.memory_space<vmem>>) dst(%dma_wait3A_98 : memref<128x128xf32, #tpu.memory_space<vmem_shared>>)
      tpu.yield
    }) : () -> ()
    %add3A_15 = arith.constant 384 : i32
    %add3A_16 = arith.addi %mul3A_2, %add3A_15 : i32
    "tpu.region"() ({
      %run_scoped3A = tpu.sem_alloc : memref<!tpu.dma_semaphore, #tpu.memory_space<semaphore_mem>>
      %dma_start3A_92 = arith.constant 0 : i32
      %dma_start3A_93 = tpu.memref_slice %arg12[%add3A_16, %dma_start3A_92] : memref<10112x128xf32, #tpu.memory_space<vmem_shared>> -> memref<128x128xf32, #tpu.memory_space<vmem_shared>>
      %dma_start3A_94 = arith.constant 0 : i32
      %dma_start3A_95 = tpu.memref_slice %arg12[%add3A_16, %dma_start3A_94] : memref<10112x128xf32, #tpu.memory_space<vmem_shared>> -> memref<128x128xf32, #tpu.memory_space<vmem_shared>>
      tpu.enqueue_dma source(%arg10 : memref<128x128xf32, #tpu.memory_space<vmem>>) target(%dma_start3A_95 : memref<128x128xf32, #tpu.memory_space<vmem_shared>>) target_semaphore(%run_scoped3A : memref<!tpu.dma_semaphore, #tpu.memory_space<semaphore_mem>>)
      %dma_wait3A = arith.constant 0 : i32
      %dma_wait3A_96 = tpu.memref_slice %arg12[%add3A_16, %dma_wait3A] : memref<10112x128xf32, #tpu.memory_space<vmem_shared>> -> memref<128x128xf32, #tpu.memory_space<vmem_shared>>
      %dma_wait3A_97 = arith.constant 0 : i32
      %dma_wait3A_98 = tpu.memref_slice %arg12[%add3A_16, %dma_wait3A_97] : memref<10112x128xf32, #tpu.memory_space<vmem_shared>> -> memref<128x128xf32, #tpu.memory_space<vmem_shared>>
      tpu.wait_dma2 semaphore(%run_scoped3A : memref<!tpu.dma_semaphore, #tpu.memory_space<semaphore_mem>>) src(%arg10 : memref<128x128xf32, #tpu.memory_space<vmem>>) dst(%dma_wait3A_98 : memref<128x128xf32, #tpu.memory_space<vmem_shared>>)
      tpu.yield
    }) : () -> ()
    %add3A_17 = arith.constant 512 : i32
    %add3A_18 = arith.addi %mul3A_2, %add3A_17 : i32
    "tpu.region"() ({
      %run_scoped3A = tpu.sem_alloc : memref<!tpu.dma_semaphore, #tpu.memory_space<semaphore_mem>>
      %dma_start3A_92 = arith.constant 0 : i32
      %dma_start3A_93 = arith.constant 0 : i32
      %dma_start3A_94 = tpu.memref_slice %arg10[%dma_start3A_92, %dma_start3A_93] : memref<128x128xf32, #tpu.memory_space<vmem>> -> memref<120x128xf32, #tpu.memory_space<vmem>>
      %dma_start3A_95 = arith.constant 0 : i32
      %dma_start3A_96 = tpu.memref_slice %arg12[%add3A_18, %dma_start3A_95] : memref<10112x128xf32, #tpu.memory_space<vmem_shared>> -> memref<120x128xf32, #tpu.memory_space<vmem_shared>>
      %dma_start3A_97 = arith.constant 0 : i32
      %dma_start3A_98 = tpu.memref_slice %arg12[%add3A_18, %dma_start3A_97] : memref<10112x128xf32, #tpu.memory_space<vmem_shared>> -> memref<120x128xf32, #tpu.memory_space<vmem_shared>>
      %dma_start3A_99 = arith.constant 0 : i32
      %dma_start3A_100 = arith.constant 0 : i32
      %dma_start3A_101 = tpu.memref_slice %arg10[%dma_start3A_99, %dma_start3A_100] : memref<128x128xf32, #tpu.memory_space<vmem>> -> memref<120x128xf32, #tpu.memory_space<vmem>>
      tpu.enqueue_dma source(%dma_start3A_101 : memref<120x128xf32, #tpu.memory_space<vmem>>) target(%dma_start3A_98 : memref<120x128xf32, #tpu.memory_space<vmem_shared>>) target_semaphore(%run_scoped3A : memref<!tpu.dma_semaphore, #tpu.memory_space<semaphore_mem>>)
      %dma_wait3A = arith.constant 0 : i32
      %dma_wait3A_102 = arith.constant 0 : i32
      %dma_wait3A_103 = tpu.memref_slice %arg10[%dma_wait3A, %dma_wait3A_102] : memref<128x128xf32, #tpu.memory_space<vmem>> -> memref<120x128xf32, #tpu.memory_space<vmem>>
      %dma_wait3A_104 = arith.constant 0 : i32
      %dma_wait3A_105 = tpu.memref_slice %arg12[%add3A_18, %dma_wait3A_104] : memref<10112x128xf32, #tpu.memory_space<vmem_shared>> -> memref<120x128xf32, #tpu.memory_space<vmem_shared>>
      %dma_wait3A_106 = arith.constant 0 : i32
      %dma_wait3A_107 = tpu.memref_slice %arg12[%add3A_18, %dma_wait3A_106] : memref<10112x128xf32, #tpu.memory_space<vmem_shared>> -> memref<120x128xf32, #tpu.memory_space<vmem_shared>>
      %dma_wait3A_108 = arith.constant 0 : i32
      %dma_wait3A_109 = arith.constant 0 : i32
      %dma_wait3A_110 = tpu.memref_slice %arg10[%dma_wait3A_108, %dma_wait3A_109] : memref<128x128xf32, #tpu.memory_space<vmem>> -> memref<120x128xf32, #tpu.memory_space<vmem>>
      tpu.wait_dma2 semaphore(%run_scoped3A : memref<!tpu.dma_semaphore, #tpu.memory_space<semaphore_mem>>) src(%dma_wait3A_110 : memref<120x128xf32, #tpu.memory_space<vmem>>) dst(%dma_wait3A_107 : memref<120x128xf32, #tpu.memory_space<vmem_shared>>)
      tpu.yield
    }) : () -> ()
    %barrier3A = arith.constant 0 : index
    tpu.barrier barrier_id(%barrier3A)
    "tpu.region"() ({
      %run_scoped3A = tpu.sem_alloc : memref<!tpu.dma_semaphore, #tpu.memory_space<semaphore_mem>>
      %dma_start3A_92 = arith.constant 0 : i32
      %dma_start3A_93 = arith.constant 0 : i32
      %dma_start3A_94 = tpu.memref_slice %arg4[%add3A, %dma_start3A_92, %dma_start3A_93] : memref<32x80x128xi32, #tpu.memory_space<hbm>> -> memref<1x40x128xi32, #tpu.memory_space<hbm>>
      %dma_start3A_95 = tpu.memref_squeeze %dma_start3A_94 : memref<1x40x128xi32, #tpu.memory_space<hbm>> -> memref<40x128xi32, #tpu.memory_space<hbm>>
      %dma_start3A_96 = arith.constant 0 : i32
      %dma_start3A_97 = arith.constant 0 : i32
      %dma_start3A_98 = tpu.memref_slice %arg4[%add3A, %dma_start3A_96, %dma_start3A_97] : memref<32x80x128xi32, #tpu.memory_space<hbm>> -> memref<1x40x128xi32, #tpu.memory_space<hbm>>
      %dma_start3A_99 = tpu.memref_squeeze %dma_start3A_98 : memref<1x40x128xi32, #tpu.memory_space<hbm>> -> memref<40x128xi32, #tpu.memory_space<hbm>>
      tpu.enqueue_dma source(%dma_start3A_99 : memref<40x128xi32, #tpu.memory_space<hbm>>) target(%arg8 : memref<40x128xi32, #tpu.memory_space<vmem>>) target_semaphore(%run_scoped3A : memref<!tpu.dma_semaphore, #tpu.memory_space<semaphore_mem>>)
      %dma_wait3A = arith.constant 0 : i32
      %dma_wait3A_100 = arith.constant 0 : i32
      %dma_wait3A_101 = tpu.memref_slice %arg4[%add3A, %dma_wait3A, %dma_wait3A_100] : memref<32x80x128xi32, #tpu.memory_space<hbm>> -> memref<1x40x128xi32, #tpu.memory_space<hbm>>
      %dma_wait3A_102 = tpu.memref_squeeze %dma_wait3A_101 : memref<1x40x128xi32, #tpu.memory_space<hbm>> -> memref<40x128xi32, #tpu.memory_space<hbm>>
      %dma_wait3A_103 = arith.constant 0 : i32
      %dma_wait3A_104 = arith.constant 0 : i32
      %dma_wait3A_105 = tpu.memref_slice %arg4[%add3A, %dma_wait3A_103, %dma_wait3A_104] : memref<32x80x128xi32, #tpu.memory_space<hbm>> -> memref<1x40x128xi32, #tpu.memory_space<hbm>>
      %dma_wait3A_106 = tpu.memref_squeeze %dma_wait3A_105 : memref<1x40x128xi32, #tpu.memory_space<hbm>> -> memref<40x128xi32, #tpu.memory_space<hbm>>
      tpu.wait_dma2 semaphore(%run_scoped3A : memref<!tpu.dma_semaphore, #tpu.memory_space<semaphore_mem>>) src(%dma_wait3A_106 : memref<40x128xi32, #tpu.memory_space<hbm>>) dst(%arg8 : memref<40x128xi32, #tpu.memory_space<vmem>>)
      tpu.yield
    }) : () -> ()
    "tpu.region"() ({
      %run_scoped3A = tpu.sem_alloc : memref<!tpu.dma_semaphore, #tpu.memory_space<semaphore_mem>>
      %dma_start3A_92 = arith.constant 0 : i32
      %dma_start3A_93 = arith.constant 0 : i32
      %dma_start3A_94 = tpu.memref_slice %arg5[%add3A, %dma_start3A_92, %dma_start3A_93] : memref<32x80x128xi32, #tpu.memory_space<hbm>> -> memref<1x40x128xi32, #tpu.memory_space<hbm>>
      %dma_start3A_95 = tpu.memref_squeeze %dma_start3A_94 : memref<1x40x128xi32, #tpu.memory_space<hbm>> -> memref<40x128xi32, #tpu.memory_space<hbm>>
      %dma_start3A_96 = arith.constant 0 : i32
      %dma_start3A_97 = arith.constant 0 : i32
      %dma_start3A_98 = tpu.memref_slice %arg5[%add3A, %dma_start3A_96, %dma_start3A_97] : memref<32x80x128xi32, #tpu.memory_space<hbm>> -> memref<1x40x128xi32, #tpu.memory_space<hbm>>
      %dma_start3A_99 = tpu.memref_squeeze %dma_start3A_98 : memref<1x40x128xi32, #tpu.memory_space<hbm>> -> memref<40x128xi32, #tpu.memory_space<hbm>>
      tpu.enqueue_dma source(%dma_start3A_99 : memref<40x128xi32, #tpu.memory_space<hbm>>) target(%arg9 : memref<40x128xi32, #tpu.memory_space<vmem>>) target_semaphore(%run_scoped3A : memref<!tpu.dma_semaphore, #tpu.memory_space<semaphore_mem>>)
      %dma_wait3A = arith.constant 0 : i32
      %dma_wait3A_100 = arith.constant 0 : i32
      %dma_wait3A_101 = tpu.memref_slice %arg5[%add3A, %dma_wait3A, %dma_wait3A_100] : memref<32x80x128xi32, #tpu.memory_space<hbm>> -> memref<1x40x128xi32, #tpu.memory_space<hbm>>
      %dma_wait3A_102 = tpu.memref_squeeze %dma_wait3A_101 : memref<1x40x128xi32, #tpu.memory_space<hbm>> -> memref<40x128xi32, #tpu.memory_space<hbm>>
      %dma_wait3A_103 = arith.constant 0 : i32
      %dma_wait3A_104 = arith.constant 0 : i32
      %dma_wait3A_105 = tpu.memref_slice %arg5[%add3A, %dma_wait3A_103, %dma_wait3A_104] : memref<32x80x128xi32, #tpu.memory_space<hbm>> -> memref<1x40x128xi32, #tpu.memory_space<hbm>>
      %dma_wait3A_106 = tpu.memref_squeeze %dma_wait3A_105 : memref<1x40x128xi32, #tpu.memory_space<hbm>> -> memref<40x128xi32, #tpu.memory_space<hbm>>
      tpu.wait_dma2 semaphore(%run_scoped3A : memref<!tpu.dma_semaphore, #tpu.memory_space<semaphore_mem>>) src(%dma_wait3A_106 : memref<40x128xi32, #tpu.memory_space<hbm>>) dst(%arg9 : memref<40x128xi32, #tpu.memory_space<vmem>>)
      tpu.yield
    }) : () -> ()
    %dma_start3A = arith.constant 0 : i32
    %dma_start3A_19 = arith.constant 0 : i32
    %dma_start3A_20 = tpu.memref_slice %arg8[%dma_start3A, %dma_start3A_19] : memref<40x128xi32, #tpu.memory_space<vmem>> -> memref<1x128xi32, #tpu.memory_space<vmem>>
    %dma_start3A_21 = tpu.memref_squeeze %dma_start3A_20 : memref<1x128xi32, #tpu.memory_space<vmem>> -> memref<128xi32, #tpu.memory_space<vmem>>
    %dma_start3A_22 = arith.constant 0 : i32
    %dma_start3A_23 = arith.constant 0 : i32
    %dma_start3A_24 = tpu.memref_slice %arg2[%dma_start3A_22, %dma_start3A_23] : memref<10000x128xf32, #tpu.memory_space<hbm>> -> memref<10000x128xf32, #tpu.memory_space<hbm>>
    tpu.enqueue_indirect_dma source(%dma_start3A_24 : memref<10000x128xf32, #tpu.memory_space<hbm>>) target(%arg10 : memref<128x128xf32, #tpu.memory_space<vmem>>) offsets(%dma_start3A_21 : memref<128xi32, #tpu.memory_space<vmem>>) semaphore(%arg13 : memref<!tpu.dma_semaphore, #tpu.memory_space<semaphore_mem>>)
    %scan3A_25 = arith.constant 0 : i32
    %scan3A_26 = arith.constant 0 : i32
    %scan3A_27 = arith.constant 20 : i32
    %scan3A_28 = arith.addi %scan3A_26, %scan3A_27 : i32
    %scan3A_29 = arith.constant 1 : i32
    scf.for %scan3A_92 = %scan3A_26 to %scan3A_28 step %scan3A_29  : i32 {
      %mul3A_93 = arith.constant 2 : i32
      %mul3A_94 = arith.muli %mul3A_93, %scan3A_92 : i32
      %dma_wait3A = arith.constant 0 : i32
      %dma_wait3A_95 = arith.constant 0 : i32
      %dma_wait3A_96 = tpu.memref_slice %arg2[%dma_wait3A, %dma_wait3A_95] : memref<10000x128xf32, #tpu.memory_space<hbm>> -> memref<128x128xf32, #tpu.memory_space<hbm>>
      %dma_wait3A_97 = arith.constant 0 : i32
      %dma_wait3A_98 = arith.constant 0 : i32
      %dma_wait3A_99 = tpu.memref_slice %arg2[%dma_wait3A_97, %dma_wait3A_98] : memref<10000x128xf32, #tpu.memory_space<hbm>> -> memref<128x128xf32, #tpu.memory_space<hbm>>
      tpu.wait_dma2 semaphore(%arg13 : memref<!tpu.dma_semaphore, #tpu.memory_space<semaphore_mem>>) src(%dma_wait3A_99 : memref<128x128xf32, #tpu.memory_space<hbm>>) dst(%arg10 : memref<128x128xf32, #tpu.memory_space<vmem>>)
      %add3A_100 = arith.constant 1 : i32
      %add3A_101 = arith.addi %mul3A_94, %add3A_100 : i32
      %dma_start3A_102 = arith.constant 0 : i32
      %dma_start3A_103 = tpu.memref_slice %arg8[%add3A_101, %dma_start3A_102] : memref<40x128xi32, #tpu.memory_space<vmem>> -> memref<1x128xi32, #tpu.memory_space<vmem>>
      %dma_start3A_104 = tpu.memref_squeeze %dma_start3A_103 : memref<1x128xi32, #tpu.memory_space<vmem>> -> memref<128xi32, #tpu.memory_space<vmem>>
      %dma_start3A_105 = arith.constant 0 : i32
      %dma_start3A_106 = arith.constant 0 : i32
      %dma_start3A_107 = tpu.memref_slice %arg2[%dma_start3A_105, %dma_start3A_106] : memref<10000x128xf32, #tpu.memory_space<hbm>> -> memref<10000x128xf32, #tpu.memory_space<hbm>>
      tpu.enqueue_indirect_dma source(%dma_start3A_107 : memref<10000x128xf32, #tpu.memory_space<hbm>>) target(%arg11 : memref<128x128xf32, #tpu.memory_space<vmem>>) offsets(%dma_start3A_104 : memref<128xi32, #tpu.memory_space<vmem>>) semaphore(%arg13 : memref<!tpu.dma_semaphore, #tpu.memory_space<semaphore_mem>>)
      "tpu.region"() ({
        %run_scoped3A = tpu.sem_alloc : memref<!tpu.dma_semaphore, #tpu.memory_space<semaphore_mem>>
        %dma_start3A_118 = arith.constant 0 : i32
        %dma_start3A_119 = tpu.memref_slice %arg9[%mul3A_94, %dma_start3A_118] : memref<40x128xi32, #tpu.memory_space<vmem>> -> memref<1x128xi32, #tpu.memory_space<vmem>>
        %dma_start3A_120 = tpu.memref_squeeze %dma_start3A_119 : memref<1x128xi32, #tpu.memory_space<vmem>> -> memref<128xi32, #tpu.memory_space<vmem>>
        %dma_start3A_121 = arith.constant 0 : i32
        %dma_start3A_122 = arith.constant 0 : i32
        %dma_start3A_123 = tpu.memref_slice %arg12[%dma_start3A_121, %dma_start3A_122] : memref<10112x128xf32, #tpu.memory_space<vmem_shared>> -> memref<10112x128xf32, #tpu.memory_space<vmem_shared>>
        tpu.enqueue_indirect_dma source(%arg10 : memref<128x128xf32, #tpu.memory_space<vmem>>) target(%dma_start3A_123 : memref<10112x128xf32, #tpu.memory_space<vmem_shared>>) offsets(%dma_start3A_120 : memref<128xi32, #tpu.memory_space<vmem>>) semaphore(%run_scoped3A : memref<!tpu.dma_semaphore, #tpu.memory_space<semaphore_mem>>) {add = true}
        %dma_wait3A_124 = arith.constant 0 : i32
        %dma_wait3A_125 = tpu.memref_slice %arg9[%mul3A_94, %dma_wait3A_124] : memref<40x128xi32, #tpu.memory_space<vmem>> -> memref<1x128xi32, #tpu.memory_space<vmem>>
        %dma_wait3A_126 = tpu.memref_squeeze %dma_wait3A_125 : memref<1x128xi32, #tpu.memory_space<vmem>> -> memref<128xi32, #tpu.memory_space<vmem>>
        %dma_wait3A_127 = arith.constant 0 : i32
        %dma_wait3A_128 = arith.constant 0 : i32
        %dma_wait3A_129 = tpu.memref_slice %arg12[%dma_wait3A_127, %dma_wait3A_128] : memref<10112x128xf32, #tpu.memory_space<vmem_shared>> -> memref<10112x128xf32, #tpu.memory_space<vmem_shared>>
        tpu.wait_indirect_dma semaphore(%run_scoped3A : memref<!tpu.dma_semaphore, #tpu.memory_space<semaphore_mem>>) src(%arg10 : memref<128x128xf32, #tpu.memory_space<vmem>>) dst(%dma_wait3A_129 : memref<10112x128xf32, #tpu.memory_space<vmem_shared>>)
        tpu.yield
      }) : () -> ()
      %dma_wait3A_108 = arith.constant 0 : i32
      %dma_wait3A_109 = arith.constant 0 : i32
      %dma_wait3A_110 = tpu.memref_slice %arg2[%dma_wait3A_108, %dma_wait3A_109] : memref<10000x128xf32, #tpu.memory_space<hbm>> -> memref<128x128xf32, #tpu.memory_space<hbm>>
      %dma_wait3A_111 = arith.constant 0 : i32
      %dma_wait3A_112 = arith.constant 0 : i32
      %dma_wait3A_113 = tpu.memref_slice %arg2[%dma_wait3A_111, %dma_wait3A_112] : memref<10000x128xf32, #tpu.memory_space<hbm>> -> memref<128x128xf32, #tpu.memory_space<hbm>>
      tpu.wait_dma2 semaphore(%arg13 : memref<!tpu.dma_semaphore, #tpu.memory_space<semaphore_mem>>) src(%dma_wait3A_113 : memref<128x128xf32, #tpu.memory_space<hbm>>) dst(%arg11 : memref<128x128xf32, #tpu.memory_space<vmem>>)
      %lt3A = arith.constant 19 : i32
      %lt3A_114 = arith.cmpi slt, %scan3A_92, %lt3A : i32
      %convert_element_type3A = arith.extui %lt3A_114 : i1 to i32
      %cond3A = arith.constant 0 : i32
      %cond3A_115 = arith.cmpi ne, %convert_element_type3A, %cond3A : i32
      scf.if %cond3A_115 {
        %add3A_118 = arith.constant 2 : i32
        %add3A_119 = arith.addi %mul3A_94, %add3A_118 : i32
        %dma_start3A_120 = arith.constant 0 : i32
        %dma_start3A_121 = tpu.memref_slice %arg8[%add3A_119, %dma_start3A_120] : memref<40x128xi32, #tpu.memory_space<vmem>> -> memref<1x128xi32, #tpu.memory_space<vmem>>
        %dma_start3A_122 = tpu.memref_squeeze %dma_start3A_121 : memref<1x128xi32, #tpu.memory_space<vmem>> -> memref<128xi32, #tpu.memory_space<vmem>>
        %dma_start3A_123 = arith.constant 0 : i32
        %dma_start3A_124 = arith.constant 0 : i32
        %dma_start3A_125 = tpu.memref_slice %arg2[%dma_start3A_123, %dma_start3A_124] : memref<10000x128xf32, #tpu.memory_space<hbm>> -> memref<10000x128xf32, #tpu.memory_space<hbm>>
        tpu.enqueue_indirect_dma source(%dma_start3A_125 : memref<10000x128xf32, #tpu.memory_space<hbm>>) target(%arg10 : memref<128x128xf32, #tpu.memory_space<vmem>>) offsets(%dma_start3A_122 : memref<128xi32, #tpu.memory_space<vmem>>) semaphore(%arg13 : memref<!tpu.dma_semaphore, #tpu.memory_space<semaphore_mem>>)
      } else {
      }
      %add3A_116 = arith.constant 1 : i32
      %add3A_117 = arith.addi %mul3A_94, %add3A_116 : i32
      "tpu.region"() ({
        %run_scoped3A = tpu.sem_alloc : memref<!tpu.dma_semaphore, #tpu.memory_space<semaphore_mem>>
        %dma_start3A_118 = arith.constant 0 : i32
        %dma_start3A_119 = tpu.memref_slice %arg9[%add3A_117, %dma_start3A_118] : memref<40x128xi32, #tpu.memory_space<vmem>> -> memref<1x128xi32, #tpu.memory_space<vmem>>
        %dma_start3A_120 = tpu.memref_squeeze %dma_start3A_119 : memref<1x128xi32, #tpu.memory_space<vmem>> -> memref<128xi32, #tpu.memory_space<vmem>>
        %dma_start3A_121 = arith.constant 0 : i32
        %dma_start3A_122 = arith.constant 0 : i32
        %dma_start3A_123 = tpu.memref_slice %arg12[%dma_start3A_121, %dma_start3A_122] : memref<10112x128xf32, #tpu.memory_space<vmem_shared>> -> memref<10112x128xf32, #tpu.memory_space<vmem_shared>>
        tpu.enqueue_indirect_dma source(%arg11 : memref<128x128xf32, #tpu.memory_space<vmem>>) target(%dma_start3A_123 : memref<10112x128xf32, #tpu.memory_space<vmem_shared>>) offsets(%dma_start3A_120 : memref<128xi32, #tpu.memory_space<vmem>>) semaphore(%run_scoped3A : memref<!tpu.dma_semaphore, #tpu.memory_space<semaphore_mem>>) {add = true}
        %dma_wait3A_124 = arith.constant 0 : i32
        %dma_wait3A_125 = tpu.memref_slice %arg9[%add3A_117, %dma_wait3A_124] : memref<40x128xi32, #tpu.memory_space<vmem>> -> memref<1x128xi32, #tpu.memory_space<vmem>>
        %dma_wait3A_126 = tpu.memref_squeeze %dma_wait3A_125 : memref<1x128xi32, #tpu.memory_space<vmem>> -> memref<128xi32, #tpu.memory_space<vmem>>
        %dma_wait3A_127 = arith.constant 0 : i32
        %dma_wait3A_128 = arith.constant 0 : i32
        %dma_wait3A_129 = tpu.memref_slice %arg12[%dma_wait3A_127, %dma_wait3A_128] : memref<10112x128xf32, #tpu.memory_space<vmem_shared>> -> memref<10112x128xf32, #tpu.memory_space<vmem_shared>>
        tpu.wait_indirect_dma semaphore(%run_scoped3A : memref<!tpu.dma_semaphore, #tpu.memory_space<semaphore_mem>>) src(%arg11 : memref<128x128xf32, #tpu.memory_space<vmem>>) dst(%dma_wait3A_129 : memref<10112x128xf32, #tpu.memory_space<vmem_shared>>)
        tpu.yield
      }) : () -> ()
    }
    %scan3A_30 = arith.constant 20 : i32
    "tpu.region"() ({
      %run_scoped3A = tpu.sem_alloc : memref<!tpu.dma_semaphore, #tpu.memory_space<semaphore_mem>>
      %dma_start3A_92 = arith.constant 40 : i32
      %dma_start3A_93 = arith.constant 0 : i32
      %dma_start3A_94 = tpu.memref_slice %arg4[%add3A, %dma_start3A_92, %dma_start3A_93] : memref<32x80x128xi32, #tpu.memory_space<hbm>> -> memref<1x40x128xi32, #tpu.memory_space<hbm>>
      %dma_start3A_95 = tpu.memref_squeeze %dma_start3A_94 : memref<1x40x128xi32, #tpu.memory_space<hbm>> -> memref<40x128xi32, #tpu.memory_space<hbm>>
      %dma_start3A_96 = arith.constant 40 : i32
      %dma_start3A_97 = arith.constant 0 : i32
      %dma_start3A_98 = tpu.memref_slice %arg4[%add3A, %dma_start3A_96, %dma_start3A_97] : memref<32x80x128xi32, #tpu.memory_space<hbm>> -> memref<1x40x128xi32, #tpu.memory_space<hbm>>
      %dma_start3A_99 = tpu.memref_squeeze %dma_start3A_98 : memref<1x40x128xi32, #tpu.memory_space<hbm>> -> memref<40x128xi32, #tpu.memory_space<hbm>>
      tpu.enqueue_dma source(%dma_start3A_99 : memref<40x128xi32, #tpu.memory_space<hbm>>) target(%arg8 : memref<40x128xi32, #tpu.memory_space<vmem>>) target_semaphore(%run_scoped3A : memref<!tpu.dma_semaphore, #tpu.memory_space<semaphore_mem>>)
      %dma_wait3A = arith.constant 40 : i32
      %dma_wait3A_100 = arith.constant 0 : i32
      %dma_wait3A_101 = tpu.memref_slice %arg4[%add3A, %dma_wait3A, %dma_wait3A_100] : memref<32x80x128xi32, #tpu.memory_space<hbm>> -> memref<1x40x128xi32, #tpu.memory_space<hbm>>
      %dma_wait3A_102 = tpu.memref_squeeze %dma_wait3A_101 : memref<1x40x128xi32, #tpu.memory_space<hbm>> -> memref<40x128xi32, #tpu.memory_space<hbm>>
      %dma_wait3A_103 = arith.constant 40 : i32
      %dma_wait3A_104 = arith.constant 0 : i32
      %dma_wait3A_105 = tpu.memref_slice %arg4[%add3A, %dma_wait3A_103, %dma_wait3A_104] : memref<32x80x128xi32, #tpu.memory_space<hbm>> -> memref<1x40x128xi32, #tpu.memory_space<hbm>>
      %dma_wait3A_106 = tpu.memref_squeeze %dma_wait3A_105 : memref<1x40x128xi32, #tpu.memory_space<hbm>> -> memref<40x128xi32, #tpu.memory_space<hbm>>
      tpu.wait_dma2 semaphore(%run_scoped3A : memref<!tpu.dma_semaphore, #tpu.memory_space<semaphore_mem>>) src(%dma_wait3A_106 : memref<40x128xi32, #tpu.memory_space<hbm>>) dst(%arg8 : memref<40x128xi32, #tpu.memory_space<vmem>>)
      tpu.yield
    }) : () -> ()
    "tpu.region"() ({
      %run_scoped3A = tpu.sem_alloc : memref<!tpu.dma_semaphore, #tpu.memory_space<semaphore_mem>>
      %dma_start3A_92 = arith.constant 40 : i32
      %dma_start3A_93 = arith.constant 0 : i32
      %dma_start3A_94 = tpu.memref_slice %arg5[%add3A, %dma_start3A_92, %dma_start3A_93] : memref<32x80x128xi32, #tpu.memory_space<hbm>> -> memref<1x40x128xi32, #tpu.memory_space<hbm>>
      %dma_start3A_95 = tpu.memref_squeeze %dma_start3A_94 : memref<1x40x128xi32, #tpu.memory_space<hbm>> -> memref<40x128xi32, #tpu.memory_space<hbm>>
      %dma_start3A_96 = arith.constant 40 : i32
      %dma_start3A_97 = arith.constant 0 : i32
      %dma_start3A_98 = tpu.memref_slice %arg5[%add3A, %dma_start3A_96, %dma_start3A_97] : memref<32x80x128xi32, #tpu.memory_space<hbm>> -> memref<1x40x128xi32, #tpu.memory_space<hbm>>
      %dma_start3A_99 = tpu.memref_squeeze %dma_start3A_98 : memref<1x40x128xi32, #tpu.memory_space<hbm>> -> memref<40x128xi32, #tpu.memory_space<hbm>>
      tpu.enqueue_dma source(%dma_start3A_99 : memref<40x128xi32, #tpu.memory_space<hbm>>) target(%arg9 : memref<40x128xi32, #tpu.memory_space<vmem>>) target_semaphore(%run_scoped3A : memref<!tpu.dma_semaphore, #tpu.memory_space<semaphore_mem>>)
      %dma_wait3A = arith.constant 40 : i32
      %dma_wait3A_100 = arith.constant 0 : i32
      %dma_wait3A_101 = tpu.memref_slice %arg5[%add3A, %dma_wait3A, %dma_wait3A_100] : memref<32x80x128xi32, #tpu.memory_space<hbm>> -> memref<1x40x128xi32, #tpu.memory_space<hbm>>
      %dma_wait3A_102 = tpu.memref_squeeze %dma_wait3A_101 : memref<1x40x128xi32, #tpu.memory_space<hbm>> -> memref<40x128xi32, #tpu.memory_space<hbm>>
      %dma_wait3A_103 = arith.constant 40 : i32
      %dma_wait3A_104 = arith.constant 0 : i32
      %dma_wait3A_105 = tpu.memref_slice %arg5[%add3A, %dma_wait3A_103, %dma_wait3A_104] : memref<32x80x128xi32, #tpu.memory_space<hbm>> -> memref<1x40x128xi32, #tpu.memory_space<hbm>>
      %dma_wait3A_106 = tpu.memref_squeeze %dma_wait3A_105 : memref<1x40x128xi32, #tpu.memory_space<hbm>> -> memref<40x128xi32, #tpu.memory_space<hbm>>
      tpu.wait_dma2 semaphore(%run_scoped3A : memref<!tpu.dma_semaphore, #tpu.memory_space<semaphore_mem>>) src(%dma_wait3A_106 : memref<40x128xi32, #tpu.memory_space<hbm>>) dst(%arg9 : memref<40x128xi32, #tpu.memory_space<vmem>>)
      tpu.yield
    }) : () -> ()
    %dma_start3A_31 = arith.constant 0 : i32
    %dma_start3A_32 = arith.constant 0 : i32
    %dma_start3A_33 = tpu.memref_slice %arg8[%dma_start3A_31, %dma_start3A_32] : memref<40x128xi32, #tpu.memory_space<vmem>> -> memref<1x128xi32, #tpu.memory_space<vmem>>
    %dma_start3A_34 = tpu.memref_squeeze %dma_start3A_33 : memref<1x128xi32, #tpu.memory_space<vmem>> -> memref<128xi32, #tpu.memory_space<vmem>>
    %dma_start3A_35 = arith.constant 0 : i32
    %dma_start3A_36 = arith.constant 0 : i32
    %dma_start3A_37 = tpu.memref_slice %arg2[%dma_start3A_35, %dma_start3A_36] : memref<10000x128xf32, #tpu.memory_space<hbm>> -> memref<10000x128xf32, #tpu.memory_space<hbm>>
    tpu.enqueue_indirect_dma source(%dma_start3A_37 : memref<10000x128xf32, #tpu.memory_space<hbm>>) target(%arg10 : memref<128x128xf32, #tpu.memory_space<vmem>>) offsets(%dma_start3A_34 : memref<128xi32, #tpu.memory_space<vmem>>) semaphore(%arg13 : memref<!tpu.dma_semaphore, #tpu.memory_space<semaphore_mem>>)
    %scan3A_38 = arith.constant 0 : i32
    %scan3A_39 = arith.constant 0 : i32
    %scan3A_40 = arith.constant 20 : i32
    %scan3A_41 = arith.addi %scan3A_39, %scan3A_40 : i32
    %scan3A_42 = arith.constant 1 : i32
    scf.for %scan3A_92 = %scan3A_39 to %scan3A_41 step %scan3A_42  : i32 {
      %mul3A_93 = arith.constant 2 : i32
      %mul3A_94 = arith.muli %mul3A_93, %scan3A_92 : i32
      %dma_wait3A = arith.constant 0 : i32
      %dma_wait3A_95 = arith.constant 0 : i32
      %dma_wait3A_96 = tpu.memref_slice %arg2[%dma_wait3A, %dma_wait3A_95] : memref<10000x128xf32, #tpu.memory_space<hbm>> -> memref<128x128xf32, #tpu.memory_space<hbm>>
      %dma_wait3A_97 = arith.constant 0 : i32
      %dma_wait3A_98 = arith.constant 0 : i32
      %dma_wait3A_99 = tpu.memref_slice %arg2[%dma_wait3A_97, %dma_wait3A_98] : memref<10000x128xf32, #tpu.memory_space<hbm>> -> memref<128x128xf32, #tpu.memory_space<hbm>>
      tpu.wait_dma2 semaphore(%arg13 : memref<!tpu.dma_semaphore, #tpu.memory_space<semaphore_mem>>) src(%dma_wait3A_99 : memref<128x128xf32, #tpu.memory_space<hbm>>) dst(%arg10 : memref<128x128xf32, #tpu.memory_space<vmem>>)
      %add3A_100 = arith.constant 1 : i32
      %add3A_101 = arith.addi %mul3A_94, %add3A_100 : i32
      %dma_start3A_102 = arith.constant 0 : i32
      %dma_start3A_103 = tpu.memref_slice %arg8[%add3A_101, %dma_start3A_102] : memref<40x128xi32, #tpu.memory_space<vmem>> -> memref<1x128xi32, #tpu.memory_space<vmem>>
      %dma_start3A_104 = tpu.memref_squeeze %dma_start3A_103 : memref<1x128xi32, #tpu.memory_space<vmem>> -> memref<128xi32, #tpu.memory_space<vmem>>
      %dma_start3A_105 = arith.constant 0 : i32
      %dma_start3A_106 = arith.constant 0 : i32
      %dma_start3A_107 = tpu.memref_slice %arg2[%dma_start3A_105, %dma_start3A_106] : memref<10000x128xf32, #tpu.memory_space<hbm>> -> memref<10000x128xf32, #tpu.memory_space<hbm>>
      tpu.enqueue_indirect_dma source(%dma_start3A_107 : memref<10000x128xf32, #tpu.memory_space<hbm>>) target(%arg11 : memref<128x128xf32, #tpu.memory_space<vmem>>) offsets(%dma_start3A_104 : memref<128xi32, #tpu.memory_space<vmem>>) semaphore(%arg13 : memref<!tpu.dma_semaphore, #tpu.memory_space<semaphore_mem>>)
      "tpu.region"() ({
        %run_scoped3A = tpu.sem_alloc : memref<!tpu.dma_semaphore, #tpu.memory_space<semaphore_mem>>
        %dma_start3A_118 = arith.constant 0 : i32
        %dma_start3A_119 = tpu.memref_slice %arg9[%mul3A_94, %dma_start3A_118] : memref<40x128xi32, #tpu.memory_space<vmem>> -> memref<1x128xi32, #tpu.memory_space<vmem>>
        %dma_start3A_120 = tpu.memref_squeeze %dma_start3A_119 : memref<1x128xi32, #tpu.memory_space<vmem>> -> memref<128xi32, #tpu.memory_space<vmem>>
        %dma_start3A_121 = arith.constant 0 : i32
        %dma_start3A_122 = arith.constant 0 : i32
        %dma_start3A_123 = tpu.memref_slice %arg12[%dma_start3A_121, %dma_start3A_122] : memref<10112x128xf32, #tpu.memory_space<vmem_shared>> -> memref<10112x128xf32, #tpu.memory_space<vmem_shared>>
        tpu.enqueue_indirect_dma source(%arg10 : memref<128x128xf32, #tpu.memory_space<vmem>>) target(%dma_start3A_123 : memref<10112x128xf32, #tpu.memory_space<vmem_shared>>) offsets(%dma_start3A_120 : memref<128xi32, #tpu.memory_space<vmem>>) semaphore(%run_scoped3A : memref<!tpu.dma_semaphore, #tpu.memory_space<semaphore_mem>>) {add = true}
        %dma_wait3A_124 = arith.constant 0 : i32
        %dma_wait3A_125 = tpu.memref_slice %arg9[%mul3A_94, %dma_wait3A_124] : memref<40x128xi32, #tpu.memory_space<vmem>> -> memref<1x128xi32, #tpu.memory_space<vmem>>
        %dma_wait3A_126 = tpu.memref_squeeze %dma_wait3A_125 : memref<1x128xi32, #tpu.memory_space<vmem>> -> memref<128xi32, #tpu.memory_space<vmem>>
        %dma_wait3A_127 = arith.constant 0 : i32
        %dma_wait3A_128 = arith.constant 0 : i32
        %dma_wait3A_129 = tpu.memref_slice %arg12[%dma_wait3A_127, %dma_wait3A_128] : memref<10112x128xf32, #tpu.memory_space<vmem_shared>> -> memref<10112x128xf32, #tpu.memory_space<vmem_shared>>
        tpu.wait_indirect_dma semaphore(%run_scoped3A : memref<!tpu.dma_semaphore, #tpu.memory_space<semaphore_mem>>) src(%arg10 : memref<128x128xf32, #tpu.memory_space<vmem>>) dst(%dma_wait3A_129 : memref<10112x128xf32, #tpu.memory_space<vmem_shared>>)
        tpu.yield
      }) : () -> ()
      %dma_wait3A_108 = arith.constant 0 : i32
      %dma_wait3A_109 = arith.constant 0 : i32
      %dma_wait3A_110 = tpu.memref_slice %arg2[%dma_wait3A_108, %dma_wait3A_109] : memref<10000x128xf32, #tpu.memory_space<hbm>> -> memref<128x128xf32, #tpu.memory_space<hbm>>
      %dma_wait3A_111 = arith.constant 0 : i32
      %dma_wait3A_112 = arith.constant 0 : i32
      %dma_wait3A_113 = tpu.memref_slice %arg2[%dma_wait3A_111, %dma_wait3A_112] : memref<10000x128xf32, #tpu.memory_space<hbm>> -> memref<128x128xf32, #tpu.memory_space<hbm>>
      tpu.wait_dma2 semaphore(%arg13 : memref<!tpu.dma_semaphore, #tpu.memory_space<semaphore_mem>>) src(%dma_wait3A_113 : memref<128x128xf32, #tpu.memory_space<hbm>>) dst(%arg11 : memref<128x128xf32, #tpu.memory_space<vmem>>)
      %lt3A = arith.constant 19 : i32
      %lt3A_114 = arith.cmpi slt, %scan3A_92, %lt3A : i32
      %convert_element_type3A = arith.extui %lt3A_114 : i1 to i32
      %cond3A = arith.constant 0 : i32
      %cond3A_115 = arith.cmpi ne, %convert_element_type3A, %cond3A : i32
      scf.if %cond3A_115 {
        %add3A_118 = arith.constant 2 : i32
        %add3A_119 = arith.addi %mul3A_94, %add3A_118 : i32
        %dma_start3A_120 = arith.constant 0 : i32
        %dma_start3A_121 = tpu.memref_slice %arg8[%add3A_119, %dma_start3A_120] : memref<40x128xi32, #tpu.memory_space<vmem>> -> memref<1x128xi32, #tpu.memory_space<vmem>>
        %dma_start3A_122 = tpu.memref_squeeze %dma_start3A_121 : memref<1x128xi32, #tpu.memory_space<vmem>> -> memref<128xi32, #tpu.memory_space<vmem>>
        %dma_start3A_123 = arith.constant 0 : i32
        %dma_start3A_124 = arith.constant 0 : i32
        %dma_start3A_125 = tpu.memref_slice %arg2[%dma_start3A_123, %dma_start3A_124] : memref<10000x128xf32, #tpu.memory_space<hbm>> -> memref<10000x128xf32, #tpu.memory_space<hbm>>
        tpu.enqueue_indirect_dma source(%dma_start3A_125 : memref<10000x128xf32, #tpu.memory_space<hbm>>) target(%arg10 : memref<128x128xf32, #tpu.memory_space<vmem>>) offsets(%dma_start3A_122 : memref<128xi32, #tpu.memory_space<vmem>>) semaphore(%arg13 : memref<!tpu.dma_semaphore, #tpu.memory_space<semaphore_mem>>)
      } else {
      }
      %add3A_116 = arith.constant 1 : i32
      %add3A_117 = arith.addi %mul3A_94, %add3A_116 : i32
      "tpu.region"() ({
        %run_scoped3A = tpu.sem_alloc : memref<!tpu.dma_semaphore, #tpu.memory_space<semaphore_mem>>
        %dma_start3A_118 = arith.constant 0 : i32
        %dma_start3A_119 = tpu.memref_slice %arg9[%add3A_117, %dma_start3A_118] : memref<40x128xi32, #tpu.memory_space<vmem>> -> memref<1x128xi32, #tpu.memory_space<vmem>>
        %dma_start3A_120 = tpu.memref_squeeze %dma_start3A_119 : memref<1x128xi32, #tpu.memory_space<vmem>> -> memref<128xi32, #tpu.memory_space<vmem>>
        %dma_start3A_121 = arith.constant 0 : i32
        %dma_start3A_122 = arith.constant 0 : i32
        %dma_start3A_123 = tpu.memref_slice %arg12[%dma_start3A_121, %dma_start3A_122] : memref<10112x128xf32, #tpu.memory_space<vmem_shared>> -> memref<10112x128xf32, #tpu.memory_space<vmem_shared>>
        tpu.enqueue_indirect_dma source(%arg11 : memref<128x128xf32, #tpu.memory_space<vmem>>) target(%dma_start3A_123 : memref<10112x128xf32, #tpu.memory_space<vmem_shared>>) offsets(%dma_start3A_120 : memref<128xi32, #tpu.memory_space<vmem>>) semaphore(%run_scoped3A : memref<!tpu.dma_semaphore, #tpu.memory_space<semaphore_mem>>) {add = true}
        %dma_wait3A_124 = arith.constant 0 : i32
        %dma_wait3A_125 = tpu.memref_slice %arg9[%add3A_117, %dma_wait3A_124] : memref<40x128xi32, #tpu.memory_space<vmem>> -> memref<1x128xi32, #tpu.memory_space<vmem>>
        %dma_wait3A_126 = tpu.memref_squeeze %dma_wait3A_125 : memref<1x128xi32, #tpu.memory_space<vmem>> -> memref<128xi32, #tpu.memory_space<vmem>>
        %dma_wait3A_127 = arith.constant 0 : i32
        %dma_wait3A_128 = arith.constant 0 : i32
        %dma_wait3A_129 = tpu.memref_slice %arg12[%dma_wait3A_127, %dma_wait3A_128] : memref<10112x128xf32, #tpu.memory_space<vmem_shared>> -> memref<10112x128xf32, #tpu.memory_space<vmem_shared>>
        tpu.wait_indirect_dma semaphore(%run_scoped3A : memref<!tpu.dma_semaphore, #tpu.memory_space<semaphore_mem>>) src(%arg11 : memref<128x128xf32, #tpu.memory_space<vmem>>) dst(%dma_wait3A_129 : memref<10112x128xf32, #tpu.memory_space<vmem_shared>>)
        tpu.yield
      }) : () -> ()
    }
    %scan3A_43 = arith.constant 20 : i32
    %barrier3A_44 = arith.constant 0 : index
    tpu.barrier barrier_id(%barrier3A_44)
    "tpu.region"() ({
      %run_scoped3A = tpu.sem_alloc : memref<!tpu.dma_semaphore, #tpu.memory_space<semaphore_mem>>
      %dma_start3A_92 = arith.constant 0 : i32
      %dma_start3A_93 = tpu.memref_slice %arg6[%arg0, %mul3A_2, %dma_start3A_92] : memref<2x10112x128xf32, #tpu.memory_space<hbm>> -> memref<1x632x128xf32, #tpu.memory_space<hbm>>
      %dma_start3A_94 = tpu.memref_squeeze %dma_start3A_93 : memref<1x632x128xf32, #tpu.memory_space<hbm>> -> memref<632x128xf32, #tpu.memory_space<hbm>>
      %dma_start3A_95 = arith.constant 0 : i32
      %dma_start3A_96 = tpu.memref_slice %arg12[%mul3A_2, %dma_start3A_95] : memref<10112x128xf32, #tpu.memory_space<vmem_shared>> -> memref<632x128xf32, #tpu.memory_space<vmem_shared>>
      tpu.enqueue_dma source(%dma_start3A_96 : memref<632x128xf32, #tpu.memory_space<vmem_shared>>) target(%dma_start3A_94 : memref<632x128xf32, #tpu.memory_space<hbm>>) target_semaphore(%run_scoped3A : memref<!tpu.dma_semaphore, #tpu.memory_space<semaphore_mem>>)
      %dma_wait3A = arith.constant 0 : i32
      %dma_wait3A_97 = tpu.memref_slice %arg6[%arg0, %mul3A_2, %dma_wait3A] : memref<2x10112x128xf32, #tpu.memory_space<hbm>> -> memref<1x632x128xf32, #tpu.memory_space<hbm>>
      %dma_wait3A_98 = tpu.memref_squeeze %dma_wait3A_97 : memref<1x632x128xf32, #tpu.memory_space<hbm>> -> memref<632x128xf32, #tpu.memory_space<hbm>>
      %dma_wait3A_99 = arith.constant 0 : i32
      %dma_wait3A_100 = tpu.memref_slice %arg12[%mul3A_2, %dma_wait3A_99] : memref<10112x128xf32, #tpu.memory_space<vmem_shared>> -> memref<632x128xf32, #tpu.memory_space<vmem_shared>>
      tpu.wait_dma2 semaphore(%run_scoped3A : memref<!tpu.dma_semaphore, #tpu.memory_space<semaphore_mem>>) src(%dma_wait3A_100 : memref<632x128xf32, #tpu.memory_space<vmem_shared>>) dst(%dma_wait3A_98 : memref<632x128xf32, #tpu.memory_space<hbm>>)
      tpu.yield
    }) : () -> ()
    %barrier3A_45 = arith.constant 0 : index
    tpu.barrier barrier_id(%barrier3A_45)
    %broadcast_in_dim3A_46 = arith.constant 0.000000e+00 : f32
    %broadcast_in_dim3A_47 = vector.broadcast %broadcast_in_dim3A_46 : f32 to vector<16xf32>
    %scan3A_48 = arith.constant 0 : i32
    %scan3A_49 = arith.constant 0 : i32
    %scan3A_50 = arith.constant 128 : i32
    %scan3A_51 = arith.addi %scan3A_49, %scan3A_50 : i32
    %scan3A_52 = arith.constant 1 : i32
    scf.for %scan3A_92 = %scan3A_49 to %scan3A_51 step %scan3A_52  : i32 {
      %swap3A = arith.index_cast %scan3A_92 : i32 to index
      %swap3A_93 = arith.constant 0 : index
      %swap3A_94 = tpu.vector_load %arg10[%swap3A, %swap3A_93] {strides = array<i32>} : memref<128x128xf32, #tpu.memory_space<vmem>>, vector<1x16xf32>,
      %swap3A_95 = vector.shape_cast %swap3A_94 : vector<1x16xf32> to vector<16xf32>
      %swap3A_96 = vector.shape_cast %broadcast_in_dim3A_47 : vector<16xf32> to vector<1x16xf32>
      tpu.vector_store %arg10[%swap3A, %swap3A_93], %swap3A_96 {strides = array<i32>} : memref<128x128xf32, #tpu.memory_space<vmem>>, vector<1x16xf32>,
      %swap3A_97 = arith.index_cast %scan3A_92 : i32 to index
      %swap3A_98 = arith.constant 16 : index
      %swap3A_99 = tpu.vector_load %arg10[%swap3A_97, %swap3A_98] {strides = array<i32>} : memref<128x128xf32, #tpu.memory_space<vmem>>, vector<1x16xf32>,
      %swap3A_100 = vector.shape_cast %swap3A_99 : vector<1x16xf32> to vector<16xf32>
      %swap3A_101 = vector.shape_cast %broadcast_in_dim3A_47 : vector<16xf32> to vector<1x16xf32>
      tpu.vector_store %arg10[%swap3A_97, %swap3A_98], %swap3A_101 {strides = array<i32>} : memref<128x128xf32, #tpu.memory_space<vmem>>, vector<1x16xf32>,
      %swap3A_102 = arith.index_cast %scan3A_92 : i32 to index
      %swap3A_103 = arith.constant 32 : index
      %swap3A_104 = tpu.vector_load %arg10[%swap3A_102, %swap3A_103] {strides = array<i32>} : memref<128x128xf32, #tpu.memory_space<vmem>>, vector<1x16xf32>,
      %swap3A_105 = vector.shape_cast %swap3A_104 : vector<1x16xf32> to vector<16xf32>
      %swap3A_106 = vector.shape_cast %broadcast_in_dim3A_47 : vector<16xf32> to vector<1x16xf32>
      tpu.vector_store %arg10[%swap3A_102, %swap3A_103], %swap3A_106 {strides = array<i32>} : memref<128x128xf32, #tpu.memory_space<vmem>>, vector<1x16xf32>,
      %swap3A_107 = arith.index_cast %scan3A_92 : i32 to index
      %swap3A_108 = arith.constant 48 : index
      %swap3A_109 = tpu.vector_load %arg10[%swap3A_107, %swap3A_108] {strides = array<i32>} : memref<128x128xf32, #tpu.memory_space<vmem>>, vector<1x16xf32>,
      %swap3A_110 = vector.shape_cast %swap3A_109 : vector<1x16xf32> to vector<16xf32>
      %swap3A_111 = vector.shape_cast %broadcast_in_dim3A_47 : vector<16xf32> to vector<1x16xf32>
      tpu.vector_store %arg10[%swap3A_107, %swap3A_108], %swap3A_111 {strides = array<i32>} : memref<128x128xf32, #tpu.memory_space<vmem>>, vector<1x16xf32>,
      %swap3A_112 = arith.index_cast %scan3A_92 : i32 to index
      %swap3A_113 = arith.constant 64 : index
      %swap3A_114 = tpu.vector_load %arg10[%swap3A_112, %swap3A_113] {strides = array<i32>} : memref<128x128xf32, #tpu.memory_space<vmem>>, vector<1x16xf32>,
      %swap3A_115 = vector.shape_cast %swap3A_114 : vector<1x16xf32> to vector<16xf32>
      %swap3A_116 = vector.shape_cast %broadcast_in_dim3A_47 : vector<16xf32> to vector<1x16xf32>
      tpu.vector_store %arg10[%swap3A_112, %swap3A_113], %swap3A_116 {strides = array<i32>} : memref<128x128xf32, #tpu.memory_space<vmem>>, vector<1x16xf32>,
      %swap3A_117 = arith.index_cast %scan3A_92 : i32 to index
      %swap3A_118 = arith.constant 80 : index
      %swap3A_119 = tpu.vector_load %arg10[%swap3A_117, %swap3A_118] {strides = array<i32>} : memref<128x128xf32, #tpu.memory_space<vmem>>, vector<1x16xf32>,
      %swap3A_120 = vector.shape_cast %swap3A_119 : vector<1x16xf32> to vector<16xf32>
      %swap3A_121 = vector.shape_cast %broadcast_in_dim3A_47 : vector<16xf32> to vector<1x16xf32>
      tpu.vector_store %arg10[%swap3A_117, %swap3A_118], %swap3A_121 {strides = array<i32>} : memref<128x128xf32, #tpu.memory_space<vmem>>, vector<1x16xf32>,
      %swap3A_122 = arith.index_cast %scan3A_92 : i32 to index
      %swap3A_123 = arith.constant 96 : index
      %swap3A_124 = tpu.vector_load %arg10[%swap3A_122, %swap3A_123] {strides = array<i32>} : memref<128x128xf32, #tpu.memory_space<vmem>>, vector<1x16xf32>,
      %swap3A_125 = vector.shape_cast %swap3A_124 : vector<1x16xf32> to vector<16xf32>
      %swap3A_126 = vector.shape_cast %broadcast_in_dim3A_47 : vector<16xf32> to vector<1x16xf32>
      tpu.vector_store %arg10[%swap3A_122, %swap3A_123], %swap3A_126 {strides = array<i32>} : memref<128x128xf32, #tpu.memory_space<vmem>>, vector<1x16xf32>,
      %swap3A_127 = arith.index_cast %scan3A_92 : i32 to index
      %swap3A_128 = arith.constant 112 : index
      %swap3A_129 = tpu.vector_load %arg10[%swap3A_127, %swap3A_128] {strides = array<i32>} : memref<128x128xf32, #tpu.memory_space<vmem>>, vector<1x16xf32>,
      %swap3A_130 = vector.shape_cast %swap3A_129 : vector<1x16xf32> to vector<16xf32>
      %swap3A_131 = vector.shape_cast %broadcast_in_dim3A_47 : vector<16xf32> to vector<1x16xf32>
      tpu.vector_store %arg10[%swap3A_127, %swap3A_128], %swap3A_131 {strides = array<i32>} : memref<128x128xf32, #tpu.memory_space<vmem>>, vector<1x16xf32>,
    }
    %scan3A_53 = arith.constant 128 : i32
    %add3A_54 = arith.constant 0 : i32
    %add3A_55 = arith.addi %mul3A_2, %add3A_54 : i32
    "tpu.region"() ({
      %run_scoped3A = tpu.sem_alloc : memref<!tpu.dma_semaphore, #tpu.memory_space<semaphore_mem>>
      %dma_start3A_92 = arith.constant 0 : i32
      %dma_start3A_93 = tpu.memref_slice %arg12[%add3A_55, %dma_start3A_92] : memref<10112x128xf32, #tpu.memory_space<vmem_shared>> -> memref<128x128xf32, #tpu.memory_space<vmem_shared>>
      %dma_start3A_94 = arith.constant 0 : i32
      %dma_start3A_95 = tpu.memref_slice %arg12[%add3A_55, %dma_start3A_94] : memref<10112x128xf32, #tpu.memory_space<vmem_shared>> -> memref<128x128xf32, #tpu.memory_space<vmem_shared>>
      tpu.enqueue_dma source(%arg10 : memref<128x128xf32, #tpu.memory_space<vmem>>) target(%dma_start3A_95 : memref<128x128xf32, #tpu.memory_space<vmem_shared>>) target_semaphore(%run_scoped3A : memref<!tpu.dma_semaphore, #tpu.memory_space<semaphore_mem>>)
      %dma_wait3A = arith.constant 0 : i32
      %dma_wait3A_96 = tpu.memref_slice %arg12[%add3A_55, %dma_wait3A] : memref<10112x128xf32, #tpu.memory_space<vmem_shared>> -> memref<128x128xf32, #tpu.memory_space<vmem_shared>>
      %dma_wait3A_97 = arith.constant 0 : i32
      %dma_wait3A_98 = tpu.memref_slice %arg12[%add3A_55, %dma_wait3A_97] : memref<10112x128xf32, #tpu.memory_space<vmem_shared>> -> memref<128x128xf32, #tpu.memory_space<vmem_shared>>
      tpu.wait_dma2 semaphore(%run_scoped3A : memref<!tpu.dma_semaphore, #tpu.memory_space<semaphore_mem>>) src(%arg10 : memref<128x128xf32, #tpu.memory_space<vmem>>) dst(%dma_wait3A_98 : memref<128x128xf32, #tpu.memory_space<vmem_shared>>)
      tpu.yield
    }) : () -> ()
    %add3A_56 = arith.constant 128 : i32
    %add3A_57 = arith.addi %mul3A_2, %add3A_56 : i32
    "tpu.region"() ({
      %run_scoped3A = tpu.sem_alloc : memref<!tpu.dma_semaphore, #tpu.memory_space<semaphore_mem>>
      %dma_start3A_92 = arith.constant 0 : i32
      %dma_start3A_93 = tpu.memref_slice %arg12[%add3A_57, %dma_start3A_92] : memref<10112x128xf32, #tpu.memory_space<vmem_shared>> -> memref<128x128xf32, #tpu.memory_space<vmem_shared>>
      %dma_start3A_94 = arith.constant 0 : i32
      %dma_start3A_95 = tpu.memref_slice %arg12[%add3A_57, %dma_start3A_94] : memref<10112x128xf32, #tpu.memory_space<vmem_shared>> -> memref<128x128xf32, #tpu.memory_space<vmem_shared>>
      tpu.enqueue_dma source(%arg10 : memref<128x128xf32, #tpu.memory_space<vmem>>) target(%dma_start3A_95 : memref<128x128xf32, #tpu.memory_space<vmem_shared>>) target_semaphore(%run_scoped3A : memref<!tpu.dma_semaphore, #tpu.memory_space<semaphore_mem>>)
      %dma_wait3A = arith.constant 0 : i32
      %dma_wait3A_96 = tpu.memref_slice %arg12[%add3A_57, %dma_wait3A] : memref<10112x128xf32, #tpu.memory_space<vmem_shared>> -> memref<128x128xf32, #tpu.memory_space<vmem_shared>>
      %dma_wait3A_97 = arith.constant 0 : i32
      %dma_wait3A_98 = tpu.memref_slice %arg12[%add3A_57, %dma_wait3A_97] : memref<10112x128xf32, #tpu.memory_space<vmem_shared>> -> memref<128x128xf32, #tpu.memory_space<vmem_shared>>
      tpu.wait_dma2 semaphore(%run_scoped3A : memref<!tpu.dma_semaphore, #tpu.memory_space<semaphore_mem>>) src(%arg10 : memref<128x128xf32, #tpu.memory_space<vmem>>) dst(%dma_wait3A_98 : memref<128x128xf32, #tpu.memory_space<vmem_shared>>)
      tpu.yield
    }) : () -> ()
    %add3A_58 = arith.constant 256 : i32
    %add3A_59 = arith.addi %mul3A_2, %add3A_58 : i32
    "tpu.region"() ({
      %run_scoped3A = tpu.sem_alloc : memref<!tpu.dma_semaphore, #tpu.memory_space<semaphore_mem>>
      %dma_start3A_92 = arith.constant 0 : i32
      %dma_start3A_93 = tpu.memref_slice %arg12[%add3A_59, %dma_start3A_92] : memref<10112x128xf32, #tpu.memory_space<vmem_shared>> -> memref<128x128xf32, #tpu.memory_space<vmem_shared>>
      %dma_start3A_94 = arith.constant 0 : i32
      %dma_start3A_95 = tpu.memref_slice %arg12[%add3A_59, %dma_start3A_94] : memref<10112x128xf32, #tpu.memory_space<vmem_shared>> -> memref<128x128xf32, #tpu.memory_space<vmem_shared>>
      tpu.enqueue_dma source(%arg10 : memref<128x128xf32, #tpu.memory_space<vmem>>) target(%dma_start3A_95 : memref<128x128xf32, #tpu.memory_space<vmem_shared>>) target_semaphore(%run_scoped3A : memref<!tpu.dma_semaphore, #tpu.memory_space<semaphore_mem>>)
      %dma_wait3A = arith.constant 0 : i32
      %dma_wait3A_96 = tpu.memref_slice %arg12[%add3A_59, %dma_wait3A] : memref<10112x128xf32, #tpu.memory_space<vmem_shared>> -> memref<128x128xf32, #tpu.memory_space<vmem_shared>>
      %dma_wait3A_97 = arith.constant 0 : i32
      %dma_wait3A_98 = tpu.memref_slice %arg12[%add3A_59, %dma_wait3A_97] : memref<10112x128xf32, #tpu.memory_space<vmem_shared>> -> memref<128x128xf32, #tpu.memory_space<vmem_shared>>
      tpu.wait_dma2 semaphore(%run_scoped3A : memref<!tpu.dma_semaphore, #tpu.memory_space<semaphore_mem>>) src(%arg10 : memref<128x128xf32, #tpu.memory_space<vmem>>) dst(%dma_wait3A_98 : memref<128x128xf32, #tpu.memory_space<vmem_shared>>)
      tpu.yield
    }) : () -> ()
    %add3A_60 = arith.constant 384 : i32
    %add3A_61 = arith.addi %mul3A_2, %add3A_60 : i32
    "tpu.region"() ({
      %run_scoped3A = tpu.sem_alloc : memref<!tpu.dma_semaphore, #tpu.memory_space<semaphore_mem>>
      %dma_start3A_92 = arith.constant 0 : i32
      %dma_start3A_93 = tpu.memref_slice %arg12[%add3A_61, %dma_start3A_92] : memref<10112x128xf32, #tpu.memory_space<vmem_shared>> -> memref<128x128xf32, #tpu.memory_space<vmem_shared>>
      %dma_start3A_94 = arith.constant 0 : i32
      %dma_start3A_95 = tpu.memref_slice %arg12[%add3A_61, %dma_start3A_94] : memref<10112x128xf32, #tpu.memory_space<vmem_shared>> -> memref<128x128xf32, #tpu.memory_space<vmem_shared>>
      tpu.enqueue_dma source(%arg10 : memref<128x128xf32, #tpu.memory_space<vmem>>) target(%dma_start3A_95 : memref<128x128xf32, #tpu.memory_space<vmem_shared>>) target_semaphore(%run_scoped3A : memref<!tpu.dma_semaphore, #tpu.memory_space<semaphore_mem>>)
      %dma_wait3A = arith.constant 0 : i32
      %dma_wait3A_96 = tpu.memref_slice %arg12[%add3A_61, %dma_wait3A] : memref<10112x128xf32, #tpu.memory_space<vmem_shared>> -> memref<128x128xf32, #tpu.memory_space<vmem_shared>>
      %dma_wait3A_97 = arith.constant 0 : i32
      %dma_wait3A_98 = tpu.memref_slice %arg12[%add3A_61, %dma_wait3A_97] : memref<10112x128xf32, #tpu.memory_space<vmem_shared>> -> memref<128x128xf32, #tpu.memory_space<vmem_shared>>
      tpu.wait_dma2 semaphore(%run_scoped3A : memref<!tpu.dma_semaphore, #tpu.memory_space<semaphore_mem>>) src(%arg10 : memref<128x128xf32, #tpu.memory_space<vmem>>) dst(%dma_wait3A_98 : memref<128x128xf32, #tpu.memory_space<vmem_shared>>)
      tpu.yield
    }) : () -> ()
    %add3A_62 = arith.constant 512 : i32
    %add3A_63 = arith.addi %mul3A_2, %add3A_62 : i32
    "tpu.region"() ({
      %run_scoped3A = tpu.sem_alloc : memref<!tpu.dma_semaphore, #tpu.memory_space<semaphore_mem>>
      %dma_start3A_92 = arith.constant 0 : i32
      %dma_start3A_93 = arith.constant 0 : i32
      %dma_start3A_94 = tpu.memref_slice %arg10[%dma_start3A_92, %dma_start3A_93] : memref<128x128xf32, #tpu.memory_space<vmem>> -> memref<120x128xf32, #tpu.memory_space<vmem>>
      %dma_start3A_95 = arith.constant 0 : i32
      %dma_start3A_96 = tpu.memref_slice %arg12[%add3A_63, %dma_start3A_95] : memref<10112x128xf32, #tpu.memory_space<vmem_shared>> -> memref<120x128xf32, #tpu.memory_space<vmem_shared>>
      %dma_start3A_97 = arith.constant 0 : i32
      %dma_start3A_98 = tpu.memref_slice %arg12[%add3A_63, %dma_start3A_97] : memref<10112x128xf32, #tpu.memory_space<vmem_shared>> -> memref<120x128xf32, #tpu.memory_space<vmem_shared>>
      %dma_start3A_99 = arith.constant 0 : i32
      %dma_start3A_100 = arith.constant 0 : i32
      %dma_start3A_101 = tpu.memref_slice %arg10[%dma_start3A_99, %dma_start3A_100] : memref<128x128xf32, #tpu.memory_space<vmem>> -> memref<120x128xf32, #tpu.memory_space<vmem>>
      tpu.enqueue_dma source(%dma_start3A_101 : memref<120x128xf32, #tpu.memory_space<vmem>>) target(%dma_start3A_98 : memref<120x128xf32, #tpu.memory_space<vmem_shared>>) target_semaphore(%run_scoped3A : memref<!tpu.dma_semaphore, #tpu.memory_space<semaphore_mem>>)
      %dma_wait3A = arith.constant 0 : i32
      %dma_wait3A_102 = arith.constant 0 : i32
      %dma_wait3A_103 = tpu.memref_slice %arg10[%dma_wait3A, %dma_wait3A_102] : memref<128x128xf32, #tpu.memory_space<vmem>> -> memref<120x128xf32, #tpu.memory_space<vmem>>
      %dma_wait3A_104 = arith.constant 0 : i32
      %dma_wait3A_105 = tpu.memref_slice %arg12[%add3A_63, %dma_wait3A_104] : memref<10112x128xf32, #tpu.memory_space<vmem_shared>> -> memref<120x128xf32, #tpu.memory_space<vmem_shared>>
      %dma_wait3A_106 = arith.constant 0 : i32
      %dma_wait3A_107 = tpu.memref_slice %arg12[%add3A_63, %dma_wait3A_106] : memref<10112x128xf32, #tpu.memory_space<vmem_shared>> -> memref<120x128xf32, #tpu.memory_space<vmem_shared>>
      %dma_wait3A_108 = arith.constant 0 : i32
      %dma_wait3A_109 = arith.constant 0 : i32
      %dma_wait3A_110 = tpu.memref_slice %arg10[%dma_wait3A_108, %dma_wait3A_109] : memref<128x128xf32, #tpu.memory_space<vmem>> -> memref<120x128xf32, #tpu.memory_space<vmem>>
      tpu.wait_dma2 semaphore(%run_scoped3A : memref<!tpu.dma_semaphore, #tpu.memory_space<semaphore_mem>>) src(%dma_wait3A_110 : memref<120x128xf32, #tpu.memory_space<vmem>>) dst(%dma_wait3A_107 : memref<120x128xf32, #tpu.memory_space<vmem_shared>>)
      tpu.yield
    }) : () -> ()
    %barrier3A_64 = arith.constant 0 : index
    tpu.barrier barrier_id(%barrier3A_64)
    "tpu.region"() ({
      %run_scoped3A = tpu.sem_alloc : memref<!tpu.dma_semaphore, #tpu.memory_space<semaphore_mem>>
      %dma_start3A_92 = arith.constant 0 : i32
      %dma_start3A_93 = arith.constant 0 : i32
      %dma_start3A_94 = tpu.memref_slice %arg4[%add3A, %dma_start3A_92, %dma_start3A_93] : memref<32x80x128xi32, #tpu.memory_space<hbm>> -> memref<1x40x128xi32, #tpu.memory_space<hbm>>
      %dma_start3A_95 = tpu.memref_squeeze %dma_start3A_94 : memref<1x40x128xi32, #tpu.memory_space<hbm>> -> memref<40x128xi32, #tpu.memory_space<hbm>>
      %dma_start3A_96 = arith.constant 0 : i32
      %dma_start3A_97 = arith.constant 0 : i32
      %dma_start3A_98 = tpu.memref_slice %arg4[%add3A, %dma_start3A_96, %dma_start3A_97] : memref<32x80x128xi32, #tpu.memory_space<hbm>> -> memref<1x40x128xi32, #tpu.memory_space<hbm>>
      %dma_start3A_99 = tpu.memref_squeeze %dma_start3A_98 : memref<1x40x128xi32, #tpu.memory_space<hbm>> -> memref<40x128xi32, #tpu.memory_space<hbm>>
      tpu.enqueue_dma source(%dma_start3A_99 : memref<40x128xi32, #tpu.memory_space<hbm>>) target(%arg8 : memref<40x128xi32, #tpu.memory_space<vmem>>) target_semaphore(%run_scoped3A : memref<!tpu.dma_semaphore, #tpu.memory_space<semaphore_mem>>)
      %dma_wait3A = arith.constant 0 : i32
      %dma_wait3A_100 = arith.constant 0 : i32
      %dma_wait3A_101 = tpu.memref_slice %arg4[%add3A, %dma_wait3A, %dma_wait3A_100] : memref<32x80x128xi32, #tpu.memory_space<hbm>> -> memref<1x40x128xi32, #tpu.memory_space<hbm>>
      %dma_wait3A_102 = tpu.memref_squeeze %dma_wait3A_101 : memref<1x40x128xi32, #tpu.memory_space<hbm>> -> memref<40x128xi32, #tpu.memory_space<hbm>>
      %dma_wait3A_103 = arith.constant 0 : i32
      %dma_wait3A_104 = arith.constant 0 : i32
      %dma_wait3A_105 = tpu.memref_slice %arg4[%add3A, %dma_wait3A_103, %dma_wait3A_104] : memref<32x80x128xi32, #tpu.memory_space<hbm>> -> memref<1x40x128xi32, #tpu.memory_space<hbm>>
      %dma_wait3A_106 = tpu.memref_squeeze %dma_wait3A_105 : memref<1x40x128xi32, #tpu.memory_space<hbm>> -> memref<40x128xi32, #tpu.memory_space<hbm>>
      tpu.wait_dma2 semaphore(%run_scoped3A : memref<!tpu.dma_semaphore, #tpu.memory_space<semaphore_mem>>) src(%dma_wait3A_106 : memref<40x128xi32, #tpu.memory_space<hbm>>) dst(%arg8 : memref<40x128xi32, #tpu.memory_space<vmem>>)
      tpu.yield
    }) : () -> ()
    "tpu.region"() ({
      %run_scoped3A = tpu.sem_alloc : memref<!tpu.dma_semaphore, #tpu.memory_space<semaphore_mem>>
      %dma_start3A_92 = arith.constant 0 : i32
      %dma_start3A_93 = arith.constant 0 : i32
      %dma_start3A_94 = tpu.memref_slice %arg5[%add3A, %dma_start3A_92, %dma_start3A_93] : memref<32x80x128xi32, #tpu.memory_space<hbm>> -> memref<1x40x128xi32, #tpu.memory_space<hbm>>
      %dma_start3A_95 = tpu.memref_squeeze %dma_start3A_94 : memref<1x40x128xi32, #tpu.memory_space<hbm>> -> memref<40x128xi32, #tpu.memory_space<hbm>>
      %dma_start3A_96 = arith.constant 0 : i32
      %dma_start3A_97 = arith.constant 0 : i32
      %dma_start3A_98 = tpu.memref_slice %arg5[%add3A, %dma_start3A_96, %dma_start3A_97] : memref<32x80x128xi32, #tpu.memory_space<hbm>> -> memref<1x40x128xi32, #tpu.memory_space<hbm>>
      %dma_start3A_99 = tpu.memref_squeeze %dma_start3A_98 : memref<1x40x128xi32, #tpu.memory_space<hbm>> -> memref<40x128xi32, #tpu.memory_space<hbm>>
      tpu.enqueue_dma source(%dma_start3A_99 : memref<40x128xi32, #tpu.memory_space<hbm>>) target(%arg9 : memref<40x128xi32, #tpu.memory_space<vmem>>) target_semaphore(%run_scoped3A : memref<!tpu.dma_semaphore, #tpu.memory_space<semaphore_mem>>)
      %dma_wait3A = arith.constant 0 : i32
      %dma_wait3A_100 = arith.constant 0 : i32
      %dma_wait3A_101 = tpu.memref_slice %arg5[%add3A, %dma_wait3A, %dma_wait3A_100] : memref<32x80x128xi32, #tpu.memory_space<hbm>> -> memref<1x40x128xi32, #tpu.memory_space<hbm>>
      %dma_wait3A_102 = tpu.memref_squeeze %dma_wait3A_101 : memref<1x40x128xi32, #tpu.memory_space<hbm>> -> memref<40x128xi32, #tpu.memory_space<hbm>>
      %dma_wait3A_103 = arith.constant 0 : i32
      %dma_wait3A_104 = arith.constant 0 : i32
      %dma_wait3A_105 = tpu.memref_slice %arg5[%add3A, %dma_wait3A_103, %dma_wait3A_104] : memref<32x80x128xi32, #tpu.memory_space<hbm>> -> memref<1x40x128xi32, #tpu.memory_space<hbm>>
      %dma_wait3A_106 = tpu.memref_squeeze %dma_wait3A_105 : memref<1x40x128xi32, #tpu.memory_space<hbm>> -> memref<40x128xi32, #tpu.memory_space<hbm>>
      tpu.wait_dma2 semaphore(%run_scoped3A : memref<!tpu.dma_semaphore, #tpu.memory_space<semaphore_mem>>) src(%dma_wait3A_106 : memref<40x128xi32, #tpu.memory_space<hbm>>) dst(%arg9 : memref<40x128xi32, #tpu.memory_space<vmem>>)
      tpu.yield
    }) : () -> ()
    %dma_start3A_65 = arith.constant 0 : i32
    %dma_start3A_66 = arith.constant 0 : i32
    %dma_start3A_67 = tpu.memref_slice %arg8[%dma_start3A_65, %dma_start3A_66] : memref<40x128xi32, #tpu.memory_space<vmem>> -> memref<1x128xi32, #tpu.memory_space<vmem>>
    %dma_start3A_68 = tpu.memref_squeeze %dma_start3A_67 : memref<1x128xi32, #tpu.memory_space<vmem>> -> memref<128xi32, #tpu.memory_space<vmem>>
    %dma_start3A_69 = arith.constant 0 : i32
    %dma_start3A_70 = arith.constant 0 : i32
    %dma_start3A_71 = tpu.memref_slice %arg3[%dma_start3A_69, %dma_start3A_70] : memref<10000x128xf32, #tpu.memory_space<hbm>> -> memref<10000x128xf32, #tpu.memory_space<hbm>>
    tpu.enqueue_indirect_dma source(%dma_start3A_71 : memref<10000x128xf32, #tpu.memory_space<hbm>>) target(%arg10 : memref<128x128xf32, #tpu.memory_space<vmem>>) offsets(%dma_start3A_68 : memref<128xi32, #tpu.memory_space<vmem>>) semaphore(%arg13 : memref<!tpu.dma_semaphore, #tpu.memory_space<semaphore_mem>>)
    %scan3A_72 = arith.constant 0 : i32
    %scan3A_73 = arith.constant 0 : i32
    %scan3A_74 = arith.constant 20 : i32
    %scan3A_75 = arith.addi %scan3A_73, %scan3A_74 : i32
    %scan3A_76 = arith.constant 1 : i32
    scf.for %scan3A_92 = %scan3A_73 to %scan3A_75 step %scan3A_76  : i32 {
      %mul3A_93 = arith.constant 2 : i32
      %mul3A_94 = arith.muli %mul3A_93, %scan3A_92 : i32
      %dma_wait3A = arith.constant 0 : i32
      %dma_wait3A_95 = arith.constant 0 : i32
      %dma_wait3A_96 = tpu.memref_slice %arg3[%dma_wait3A, %dma_wait3A_95] : memref<10000x128xf32, #tpu.memory_space<hbm>> -> memref<128x128xf32, #tpu.memory_space<hbm>>
      %dma_wait3A_97 = arith.constant 0 : i32
      %dma_wait3A_98 = arith.constant 0 : i32
      %dma_wait3A_99 = tpu.memref_slice %arg3[%dma_wait3A_97, %dma_wait3A_98] : memref<10000x128xf32, #tpu.memory_space<hbm>> -> memref<128x128xf32, #tpu.memory_space<hbm>>
      tpu.wait_dma2 semaphore(%arg13 : memref<!tpu.dma_semaphore, #tpu.memory_space<semaphore_mem>>) src(%dma_wait3A_99 : memref<128x128xf32, #tpu.memory_space<hbm>>) dst(%arg10 : memref<128x128xf32, #tpu.memory_space<vmem>>)
      %add3A_100 = arith.constant 1 : i32
      %add3A_101 = arith.addi %mul3A_94, %add3A_100 : i32
      %dma_start3A_102 = arith.constant 0 : i32
      %dma_start3A_103 = tpu.memref_slice %arg8[%add3A_101, %dma_start3A_102] : memref<40x128xi32, #tpu.memory_space<vmem>> -> memref<1x128xi32, #tpu.memory_space<vmem>>
      %dma_start3A_104 = tpu.memref_squeeze %dma_start3A_103 : memref<1x128xi32, #tpu.memory_space<vmem>> -> memref<128xi32, #tpu.memory_space<vmem>>
      %dma_start3A_105 = arith.constant 0 : i32
      %dma_start3A_106 = arith.constant 0 : i32
      %dma_start3A_107 = tpu.memref_slice %arg3[%dma_start3A_105, %dma_start3A_106] : memref<10000x128xf32, #tpu.memory_space<hbm>> -> memref<10000x128xf32, #tpu.memory_space<hbm>>
      tpu.enqueue_indirect_dma source(%dma_start3A_107 : memref<10000x128xf32, #tpu.memory_space<hbm>>) target(%arg11 : memref<128x128xf32, #tpu.memory_space<vmem>>) offsets(%dma_start3A_104 : memref<128xi32, #tpu.memory_space<vmem>>) semaphore(%arg13 : memref<!tpu.dma_semaphore, #tpu.memory_space<semaphore_mem>>)
      "tpu.region"() ({
        %run_scoped3A = tpu.sem_alloc : memref<!tpu.dma_semaphore, #tpu.memory_space<semaphore_mem>>
        %dma_start3A_118 = arith.constant 0 : i32
        %dma_start3A_119 = tpu.memref_slice %arg9[%mul3A_94, %dma_start3A_118] : memref<40x128xi32, #tpu.memory_space<vmem>> -> memref<1x128xi32, #tpu.memory_space<vmem>>
        %dma_start3A_120 = tpu.memref_squeeze %dma_start3A_119 : memref<1x128xi32, #tpu.memory_space<vmem>> -> memref<128xi32, #tpu.memory_space<vmem>>
        %dma_start3A_121 = arith.constant 0 : i32
        %dma_start3A_122 = arith.constant 0 : i32
        %dma_start3A_123 = tpu.memref_slice %arg12[%dma_start3A_121, %dma_start3A_122] : memref<10112x128xf32, #tpu.memory_space<vmem_shared>> -> memref<10112x128xf32, #tpu.memory_space<vmem_shared>>
        tpu.enqueue_indirect_dma source(%arg10 : memref<128x128xf32, #tpu.memory_space<vmem>>) target(%dma_start3A_123 : memref<10112x128xf32, #tpu.memory_space<vmem_shared>>) offsets(%dma_start3A_120 : memref<128xi32, #tpu.memory_space<vmem>>) semaphore(%run_scoped3A : memref<!tpu.dma_semaphore, #tpu.memory_space<semaphore_mem>>) {add = true}
        %dma_wait3A_124 = arith.constant 0 : i32
        %dma_wait3A_125 = tpu.memref_slice %arg9[%mul3A_94, %dma_wait3A_124] : memref<40x128xi32, #tpu.memory_space<vmem>> -> memref<1x128xi32, #tpu.memory_space<vmem>>
        %dma_wait3A_126 = tpu.memref_squeeze %dma_wait3A_125 : memref<1x128xi32, #tpu.memory_space<vmem>> -> memref<128xi32, #tpu.memory_space<vmem>>
        %dma_wait3A_127 = arith.constant 0 : i32
        %dma_wait3A_128 = arith.constant 0 : i32
        %dma_wait3A_129 = tpu.memref_slice %arg12[%dma_wait3A_127, %dma_wait3A_128] : memref<10112x128xf32, #tpu.memory_space<vmem_shared>> -> memref<10112x128xf32, #tpu.memory_space<vmem_shared>>
        tpu.wait_indirect_dma semaphore(%run_scoped3A : memref<!tpu.dma_semaphore, #tpu.memory_space<semaphore_mem>>) src(%arg10 : memref<128x128xf32, #tpu.memory_space<vmem>>) dst(%dma_wait3A_129 : memref<10112x128xf32, #tpu.memory_space<vmem_shared>>)
        tpu.yield
      }) : () -> ()
      %dma_wait3A_108 = arith.constant 0 : i32
      %dma_wait3A_109 = arith.constant 0 : i32
      %dma_wait3A_110 = tpu.memref_slice %arg3[%dma_wait3A_108, %dma_wait3A_109] : memref<10000x128xf32, #tpu.memory_space<hbm>> -> memref<128x128xf32, #tpu.memory_space<hbm>>
      %dma_wait3A_111 = arith.constant 0 : i32
      %dma_wait3A_112 = arith.constant 0 : i32
      %dma_wait3A_113 = tpu.memref_slice %arg3[%dma_wait3A_111, %dma_wait3A_112] : memref<10000x128xf32, #tpu.memory_space<hbm>> -> memref<128x128xf32, #tpu.memory_space<hbm>>
      tpu.wait_dma2 semaphore(%arg13 : memref<!tpu.dma_semaphore, #tpu.memory_space<semaphore_mem>>) src(%dma_wait3A_113 : memref<128x128xf32, #tpu.memory_space<hbm>>) dst(%arg11 : memref<128x128xf32, #tpu.memory_space<vmem>>)
      %lt3A = arith.constant 19 : i32
      %lt3A_114 = arith.cmpi slt, %scan3A_92, %lt3A : i32
      %convert_element_type3A = arith.extui %lt3A_114 : i1 to i32
      %cond3A = arith.constant 0 : i32
      %cond3A_115 = arith.cmpi ne, %convert_element_type3A, %cond3A : i32
      scf.if %cond3A_115 {
        %add3A_118 = arith.constant 2 : i32
        %add3A_119 = arith.addi %mul3A_94, %add3A_118 : i32
        %dma_start3A_120 = arith.constant 0 : i32
        %dma_start3A_121 = tpu.memref_slice %arg8[%add3A_119, %dma_start3A_120] : memref<40x128xi32, #tpu.memory_space<vmem>> -> memref<1x128xi32, #tpu.memory_space<vmem>>
        %dma_start3A_122 = tpu.memref_squeeze %dma_start3A_121 : memref<1x128xi32, #tpu.memory_space<vmem>> -> memref<128xi32, #tpu.memory_space<vmem>>
        %dma_start3A_123 = arith.constant 0 : i32
        %dma_start3A_124 = arith.constant 0 : i32
        %dma_start3A_125 = tpu.memref_slice %arg3[%dma_start3A_123, %dma_start3A_124] : memref<10000x128xf32, #tpu.memory_space<hbm>> -> memref<10000x128xf32, #tpu.memory_space<hbm>>
        tpu.enqueue_indirect_dma source(%dma_start3A_125 : memref<10000x128xf32, #tpu.memory_space<hbm>>) target(%arg10 : memref<128x128xf32, #tpu.memory_space<vmem>>) offsets(%dma_start3A_122 : memref<128xi32, #tpu.memory_space<vmem>>) semaphore(%arg13 : memref<!tpu.dma_semaphore, #tpu.memory_space<semaphore_mem>>)
      } else {
      }
      %add3A_116 = arith.constant 1 : i32
      %add3A_117 = arith.addi %mul3A_94, %add3A_116 : i32
      "tpu.region"() ({
        %run_scoped3A = tpu.sem_alloc : memref<!tpu.dma_semaphore, #tpu.memory_space<semaphore_mem>>
        %dma_start3A_118 = arith.constant 0 : i32
        %dma_start3A_119 = tpu.memref_slice %arg9[%add3A_117, %dma_start3A_118] : memref<40x128xi32, #tpu.memory_space<vmem>> -> memref<1x128xi32, #tpu.memory_space<vmem>>
        %dma_start3A_120 = tpu.memref_squeeze %dma_start3A_119 : memref<1x128xi32, #tpu.memory_space<vmem>> -> memref<128xi32, #tpu.memory_space<vmem>>
        %dma_start3A_121 = arith.constant 0 : i32
        %dma_start3A_122 = arith.constant 0 : i32
        %dma_start3A_123 = tpu.memref_slice %arg12[%dma_start3A_121, %dma_start3A_122] : memref<10112x128xf32, #tpu.memory_space<vmem_shared>> -> memref<10112x128xf32, #tpu.memory_space<vmem_shared>>
        tpu.enqueue_indirect_dma source(%arg11 : memref<128x128xf32, #tpu.memory_space<vmem>>) target(%dma_start3A_123 : memref<10112x128xf32, #tpu.memory_space<vmem_shared>>) offsets(%dma_start3A_120 : memref<128xi32, #tpu.memory_space<vmem>>) semaphore(%run_scoped3A : memref<!tpu.dma_semaphore, #tpu.memory_space<semaphore_mem>>) {add = true}
        %dma_wait3A_124 = arith.constant 0 : i32
        %dma_wait3A_125 = tpu.memref_slice %arg9[%add3A_117, %dma_wait3A_124] : memref<40x128xi32, #tpu.memory_space<vmem>> -> memref<1x128xi32, #tpu.memory_space<vmem>>
        %dma_wait3A_126 = tpu.memref_squeeze %dma_wait3A_125 : memref<1x128xi32, #tpu.memory_space<vmem>> -> memref<128xi32, #tpu.memory_space<vmem>>
        %dma_wait3A_127 = arith.constant 0 : i32
        %dma_wait3A_128 = arith.constant 0 : i32
        %dma_wait3A_129 = tpu.memref_slice %arg12[%dma_wait3A_127, %dma_wait3A_128] : memref<10112x128xf32, #tpu.memory_space<vmem_shared>> -> memref<10112x128xf32, #tpu.memory_space<vmem_shared>>
        tpu.wait_indirect_dma semaphore(%run_scoped3A : memref<!tpu.dma_semaphore, #tpu.memory_space<semaphore_mem>>) src(%arg11 : memref<128x128xf32, #tpu.memory_space<vmem>>) dst(%dma_wait3A_129 : memref<10112x128xf32, #tpu.memory_space<vmem_shared>>)
        tpu.yield
      }) : () -> ()
    }
    %scan3A_77 = arith.constant 20 : i32
    "tpu.region"() ({
      %run_scoped3A = tpu.sem_alloc : memref<!tpu.dma_semaphore, #tpu.memory_space<semaphore_mem>>
      %dma_start3A_92 = arith.constant 40 : i32
      %dma_start3A_93 = arith.constant 0 : i32
      %dma_start3A_94 = tpu.memref_slice %arg4[%add3A, %dma_start3A_92, %dma_start3A_93] : memref<32x80x128xi32, #tpu.memory_space<hbm>> -> memref<1x40x128xi32, #tpu.memory_space<hbm>>
      %dma_start3A_95 = tpu.memref_squeeze %dma_start3A_94 : memref<1x40x128xi32, #tpu.memory_space<hbm>> -> memref<40x128xi32, #tpu.memory_space<hbm>>
      %dma_start3A_96 = arith.constant 40 : i32
      %dma_start3A_97 = arith.constant 0 : i32
      %dma_start3A_98 = tpu.memref_slice %arg4[%add3A, %dma_start3A_96, %dma_start3A_97] : memref<32x80x128xi32, #tpu.memory_space<hbm>> -> memref<1x40x128xi32, #tpu.memory_space<hbm>>
      %dma_start3A_99 = tpu.memref_squeeze %dma_start3A_98 : memref<1x40x128xi32, #tpu.memory_space<hbm>> -> memref<40x128xi32, #tpu.memory_space<hbm>>
      tpu.enqueue_dma source(%dma_start3A_99 : memref<40x128xi32, #tpu.memory_space<hbm>>) target(%arg8 : memref<40x128xi32, #tpu.memory_space<vmem>>) target_semaphore(%run_scoped3A : memref<!tpu.dma_semaphore, #tpu.memory_space<semaphore_mem>>)
      %dma_wait3A = arith.constant 40 : i32
      %dma_wait3A_100 = arith.constant 0 : i32
      %dma_wait3A_101 = tpu.memref_slice %arg4[%add3A, %dma_wait3A, %dma_wait3A_100] : memref<32x80x128xi32, #tpu.memory_space<hbm>> -> memref<1x40x128xi32, #tpu.memory_space<hbm>>
      %dma_wait3A_102 = tpu.memref_squeeze %dma_wait3A_101 : memref<1x40x128xi32, #tpu.memory_space<hbm>> -> memref<40x128xi32, #tpu.memory_space<hbm>>
      %dma_wait3A_103 = arith.constant 40 : i32
      %dma_wait3A_104 = arith.constant 0 : i32
      %dma_wait3A_105 = tpu.memref_slice %arg4[%add3A, %dma_wait3A_103, %dma_wait3A_104] : memref<32x80x128xi32, #tpu.memory_space<hbm>> -> memref<1x40x128xi32, #tpu.memory_space<hbm>>
      %dma_wait3A_106 = tpu.memref_squeeze %dma_wait3A_105 : memref<1x40x128xi32, #tpu.memory_space<hbm>> -> memref<40x128xi32, #tpu.memory_space<hbm>>
      tpu.wait_dma2 semaphore(%run_scoped3A : memref<!tpu.dma_semaphore, #tpu.memory_space<semaphore_mem>>) src(%dma_wait3A_106 : memref<40x128xi32, #tpu.memory_space<hbm>>) dst(%arg8 : memref<40x128xi32, #tpu.memory_space<vmem>>)
      tpu.yield
    }) : () -> ()
    "tpu.region"() ({
      %run_scoped3A = tpu.sem_alloc : memref<!tpu.dma_semaphore, #tpu.memory_space<semaphore_mem>>
      %dma_start3A_92 = arith.constant 40 : i32
      %dma_start3A_93 = arith.constant 0 : i32
      %dma_start3A_94 = tpu.memref_slice %arg5[%add3A, %dma_start3A_92, %dma_start3A_93] : memref<32x80x128xi32, #tpu.memory_space<hbm>> -> memref<1x40x128xi32, #tpu.memory_space<hbm>>
      %dma_start3A_95 = tpu.memref_squeeze %dma_start3A_94 : memref<1x40x128xi32, #tpu.memory_space<hbm>> -> memref<40x128xi32, #tpu.memory_space<hbm>>
      %dma_start3A_96 = arith.constant 40 : i32
      %dma_start3A_97 = arith.constant 0 : i32
      %dma_start3A_98 = tpu.memref_slice %arg5[%add3A, %dma_start3A_96, %dma_start3A_97] : memref<32x80x128xi32, #tpu.memory_space<hbm>> -> memref<1x40x128xi32, #tpu.memory_space<hbm>>
      %dma_start3A_99 = tpu.memref_squeeze %dma_start3A_98 : memref<1x40x128xi32, #tpu.memory_space<hbm>> -> memref<40x128xi32, #tpu.memory_space<hbm>>
      tpu.enqueue_dma source(%dma_start3A_99 : memref<40x128xi32, #tpu.memory_space<hbm>>) target(%arg9 : memref<40x128xi32, #tpu.memory_space<vmem>>) target_semaphore(%run_scoped3A : memref<!tpu.dma_semaphore, #tpu.memory_space<semaphore_mem>>)
      %dma_wait3A = arith.constant 40 : i32
      %dma_wait3A_100 = arith.constant 0 : i32
      %dma_wait3A_101 = tpu.memref_slice %arg5[%add3A, %dma_wait3A, %dma_wait3A_100] : memref<32x80x128xi32, #tpu.memory_space<hbm>> -> memref<1x40x128xi32, #tpu.memory_space<hbm>>
      %dma_wait3A_102 = tpu.memref_squeeze %dma_wait3A_101 : memref<1x40x128xi32, #tpu.memory_space<hbm>> -> memref<40x128xi32, #tpu.memory_space<hbm>>
      %dma_wait3A_103 = arith.constant 40 : i32
      %dma_wait3A_104 = arith.constant 0 : i32
      %dma_wait3A_105 = tpu.memref_slice %arg5[%add3A, %dma_wait3A_103, %dma_wait3A_104] : memref<32x80x128xi32, #tpu.memory_space<hbm>> -> memref<1x40x128xi32, #tpu.memory_space<hbm>>
      %dma_wait3A_106 = tpu.memref_squeeze %dma_wait3A_105 : memref<1x40x128xi32, #tpu.memory_space<hbm>> -> memref<40x128xi32, #tpu.memory_space<hbm>>
      tpu.wait_dma2 semaphore(%run_scoped3A : memref<!tpu.dma_semaphore, #tpu.memory_space<semaphore_mem>>) src(%dma_wait3A_106 : memref<40x128xi32, #tpu.memory_space<hbm>>) dst(%arg9 : memref<40x128xi32, #tpu.memory_space<vmem>>)
      tpu.yield
    }) : () -> ()
    %dma_start3A_78 = arith.constant 0 : i32
    %dma_start3A_79 = arith.constant 0 : i32
    %dma_start3A_80 = tpu.memref_slice %arg8[%dma_start3A_78, %dma_start3A_79] : memref<40x128xi32, #tpu.memory_space<vmem>> -> memref<1x128xi32, #tpu.memory_space<vmem>>
    %dma_start3A_81 = tpu.memref_squeeze %dma_start3A_80 : memref<1x128xi32, #tpu.memory_space<vmem>> -> memref<128xi32, #tpu.memory_space<vmem>>
    %dma_start3A_82 = arith.constant 0 : i32
    %dma_start3A_83 = arith.constant 0 : i32
    %dma_start3A_84 = tpu.memref_slice %arg3[%dma_start3A_82, %dma_start3A_83] : memref<10000x128xf32, #tpu.memory_space<hbm>> -> memref<10000x128xf32, #tpu.memory_space<hbm>>
    tpu.enqueue_indirect_dma source(%dma_start3A_84 : memref<10000x128xf32, #tpu.memory_space<hbm>>) target(%arg10 : memref<128x128xf32, #tpu.memory_space<vmem>>) offsets(%dma_start3A_81 : memref<128xi32, #tpu.memory_space<vmem>>) semaphore(%arg13 : memref<!tpu.dma_semaphore, #tpu.memory_space<semaphore_mem>>)
    %scan3A_85 = arith.constant 0 : i32
    %scan3A_86 = arith.constant 0 : i32
    %scan3A_87 = arith.constant 20 : i32
    %scan3A_88 = arith.addi %scan3A_86, %scan3A_87 : i32
    %scan3A_89 = arith.constant 1 : i32
    scf.for %scan3A_92 = %scan3A_86 to %scan3A_88 step %scan3A_89  : i32 {
      %mul3A_93 = arith.constant 2 : i32
      %mul3A_94 = arith.muli %mul3A_93, %scan3A_92 : i32
      %dma_wait3A = arith.constant 0 : i32
      %dma_wait3A_95 = arith.constant 0 : i32
      %dma_wait3A_96 = tpu.memref_slice %arg3[%dma_wait3A, %dma_wait3A_95] : memref<10000x128xf32, #tpu.memory_space<hbm>> -> memref<128x128xf32, #tpu.memory_space<hbm>>
      %dma_wait3A_97 = arith.constant 0 : i32
      %dma_wait3A_98 = arith.constant 0 : i32
      %dma_wait3A_99 = tpu.memref_slice %arg3[%dma_wait3A_97, %dma_wait3A_98] : memref<10000x128xf32, #tpu.memory_space<hbm>> -> memref<128x128xf32, #tpu.memory_space<hbm>>
      tpu.wait_dma2 semaphore(%arg13 : memref<!tpu.dma_semaphore, #tpu.memory_space<semaphore_mem>>) src(%dma_wait3A_99 : memref<128x128xf32, #tpu.memory_space<hbm>>) dst(%arg10 : memref<128x128xf32, #tpu.memory_space<vmem>>)
      %add3A_100 = arith.constant 1 : i32
      %add3A_101 = arith.addi %mul3A_94, %add3A_100 : i32
      %dma_start3A_102 = arith.constant 0 : i32
      %dma_start3A_103 = tpu.memref_slice %arg8[%add3A_101, %dma_start3A_102] : memref<40x128xi32, #tpu.memory_space<vmem>> -> memref<1x128xi32, #tpu.memory_space<vmem>>
      %dma_start3A_104 = tpu.memref_squeeze %dma_start3A_103 : memref<1x128xi32, #tpu.memory_space<vmem>> -> memref<128xi32, #tpu.memory_space<vmem>>
      %dma_start3A_105 = arith.constant 0 : i32
      %dma_start3A_106 = arith.constant 0 : i32
      %dma_start3A_107 = tpu.memref_slice %arg3[%dma_start3A_105, %dma_start3A_106] : memref<10000x128xf32, #tpu.memory_space<hbm>> -> memref<10000x128xf32, #tpu.memory_space<hbm>>
      tpu.enqueue_indirect_dma source(%dma_start3A_107 : memref<10000x128xf32, #tpu.memory_space<hbm>>) target(%arg11 : memref<128x128xf32, #tpu.memory_space<vmem>>) offsets(%dma_start3A_104 : memref<128xi32, #tpu.memory_space<vmem>>) semaphore(%arg13 : memref<!tpu.dma_semaphore, #tpu.memory_space<semaphore_mem>>)
      "tpu.region"() ({
        %run_scoped3A = tpu.sem_alloc : memref<!tpu.dma_semaphore, #tpu.memory_space<semaphore_mem>>
        %dma_start3A_118 = arith.constant 0 : i32
        %dma_start3A_119 = tpu.memref_slice %arg9[%mul3A_94, %dma_start3A_118] : memref<40x128xi32, #tpu.memory_space<vmem>> -> memref<1x128xi32, #tpu.memory_space<vmem>>
        %dma_start3A_120 = tpu.memref_squeeze %dma_start3A_119 : memref<1x128xi32, #tpu.memory_space<vmem>> -> memref<128xi32, #tpu.memory_space<vmem>>
        %dma_start3A_121 = arith.constant 0 : i32
        %dma_start3A_122 = arith.constant 0 : i32
        %dma_start3A_123 = tpu.memref_slice %arg12[%dma_start3A_121, %dma_start3A_122] : memref<10112x128xf32, #tpu.memory_space<vmem_shared>> -> memref<10112x128xf32, #tpu.memory_space<vmem_shared>>
        tpu.enqueue_indirect_dma source(%arg10 : memref<128x128xf32, #tpu.memory_space<vmem>>) target(%dma_start3A_123 : memref<10112x128xf32, #tpu.memory_space<vmem_shared>>) offsets(%dma_start3A_120 : memref<128xi32, #tpu.memory_space<vmem>>) semaphore(%run_scoped3A : memref<!tpu.dma_semaphore, #tpu.memory_space<semaphore_mem>>) {add = true}
        %dma_wait3A_124 = arith.constant 0 : i32
        %dma_wait3A_125 = tpu.memref_slice %arg9[%mul3A_94, %dma_wait3A_124] : memref<40x128xi32, #tpu.memory_space<vmem>> -> memref<1x128xi32, #tpu.memory_space<vmem>>
        %dma_wait3A_126 = tpu.memref_squeeze %dma_wait3A_125 : memref<1x128xi32, #tpu.memory_space<vmem>> -> memref<128xi32, #tpu.memory_space<vmem>>
        %dma_wait3A_127 = arith.constant 0 : i32
        %dma_wait3A_128 = arith.constant 0 : i32
        %dma_wait3A_129 = tpu.memref_slice %arg12[%dma_wait3A_127, %dma_wait3A_128] : memref<10112x128xf32, #tpu.memory_space<vmem_shared>> -> memref<10112x128xf32, #tpu.memory_space<vmem_shared>>
        tpu.wait_indirect_dma semaphore(%run_scoped3A : memref<!tpu.dma_semaphore, #tpu.memory_space<semaphore_mem>>) src(%arg10 : memref<128x128xf32, #tpu.memory_space<vmem>>) dst(%dma_wait3A_129 : memref<10112x128xf32, #tpu.memory_space<vmem_shared>>)
        tpu.yield
      }) : () -> ()
      %dma_wait3A_108 = arith.constant 0 : i32
      %dma_wait3A_109 = arith.constant 0 : i32
      %dma_wait3A_110 = tpu.memref_slice %arg3[%dma_wait3A_108, %dma_wait3A_109] : memref<10000x128xf32, #tpu.memory_space<hbm>> -> memref<128x128xf32, #tpu.memory_space<hbm>>
      %dma_wait3A_111 = arith.constant 0 : i32
      %dma_wait3A_112 = arith.constant 0 : i32
      %dma_wait3A_113 = tpu.memref_slice %arg3[%dma_wait3A_111, %dma_wait3A_112] : memref<10000x128xf32, #tpu.memory_space<hbm>> -> memref<128x128xf32, #tpu.memory_space<hbm>>
      tpu.wait_dma2 semaphore(%arg13 : memref<!tpu.dma_semaphore, #tpu.memory_space<semaphore_mem>>) src(%dma_wait3A_113 : memref<128x128xf32, #tpu.memory_space<hbm>>) dst(%arg11 : memref<128x128xf32, #tpu.memory_space<vmem>>)
      %lt3A = arith.constant 19 : i32
      %lt3A_114 = arith.cmpi slt, %scan3A_92, %lt3A : i32
      %convert_element_type3A = arith.extui %lt3A_114 : i1 to i32
      %cond3A = arith.constant 0 : i32
      %cond3A_115 = arith.cmpi ne, %convert_element_type3A, %cond3A : i32
      scf.if %cond3A_115 {
        %add3A_118 = arith.constant 2 : i32
        %add3A_119 = arith.addi %mul3A_94, %add3A_118 : i32
        %dma_start3A_120 = arith.constant 0 : i32
        %dma_start3A_121 = tpu.memref_slice %arg8[%add3A_119, %dma_start3A_120] : memref<40x128xi32, #tpu.memory_space<vmem>> -> memref<1x128xi32, #tpu.memory_space<vmem>>
        %dma_start3A_122 = tpu.memref_squeeze %dma_start3A_121 : memref<1x128xi32, #tpu.memory_space<vmem>> -> memref<128xi32, #tpu.memory_space<vmem>>
        %dma_start3A_123 = arith.constant 0 : i32
        %dma_start3A_124 = arith.constant 0 : i32
        %dma_start3A_125 = tpu.memref_slice %arg3[%dma_start3A_123, %dma_start3A_124] : memref<10000x128xf32, #tpu.memory_space<hbm>> -> memref<10000x128xf32, #tpu.memory_space<hbm>>
        tpu.enqueue_indirect_dma source(%dma_start3A_125 : memref<10000x128xf32, #tpu.memory_space<hbm>>) target(%arg10 : memref<128x128xf32, #tpu.memory_space<vmem>>) offsets(%dma_start3A_122 : memref<128xi32, #tpu.memory_space<vmem>>) semaphore(%arg13 : memref<!tpu.dma_semaphore, #tpu.memory_space<semaphore_mem>>)
      } else {
      }
      %add3A_116 = arith.constant 1 : i32
      %add3A_117 = arith.addi %mul3A_94, %add3A_116 : i32
      "tpu.region"() ({
        %run_scoped3A = tpu.sem_alloc : memref<!tpu.dma_semaphore, #tpu.memory_space<semaphore_mem>>
        %dma_start3A_118 = arith.constant 0 : i32
        %dma_start3A_119 = tpu.memref_slice %arg9[%add3A_117, %dma_start3A_118] : memref<40x128xi32, #tpu.memory_space<vmem>> -> memref<1x128xi32, #tpu.memory_space<vmem>>
        %dma_start3A_120 = tpu.memref_squeeze %dma_start3A_119 : memref<1x128xi32, #tpu.memory_space<vmem>> -> memref<128xi32, #tpu.memory_space<vmem>>
        %dma_start3A_121 = arith.constant 0 : i32
        %dma_start3A_122 = arith.constant 0 : i32
        %dma_start3A_123 = tpu.memref_slice %arg12[%dma_start3A_121, %dma_start3A_122] : memref<10112x128xf32, #tpu.memory_space<vmem_shared>> -> memref<10112x128xf32, #tpu.memory_space<vmem_shared>>
        tpu.enqueue_indirect_dma source(%arg11 : memref<128x128xf32, #tpu.memory_space<vmem>>) target(%dma_start3A_123 : memref<10112x128xf32, #tpu.memory_space<vmem_shared>>) offsets(%dma_start3A_120 : memref<128xi32, #tpu.memory_space<vmem>>) semaphore(%run_scoped3A : memref<!tpu.dma_semaphore, #tpu.memory_space<semaphore_mem>>) {add = true}
        %dma_wait3A_124 = arith.constant 0 : i32
        %dma_wait3A_125 = tpu.memref_slice %arg9[%add3A_117, %dma_wait3A_124] : memref<40x128xi32, #tpu.memory_space<vmem>> -> memref<1x128xi32, #tpu.memory_space<vmem>>
        %dma_wait3A_126 = tpu.memref_squeeze %dma_wait3A_125 : memref<1x128xi32, #tpu.memory_space<vmem>> -> memref<128xi32, #tpu.memory_space<vmem>>
        %dma_wait3A_127 = arith.constant 0 : i32
        %dma_wait3A_128 = arith.constant 0 : i32
        %dma_wait3A_129 = tpu.memref_slice %arg12[%dma_wait3A_127, %dma_wait3A_128] : memref<10112x128xf32, #tpu.memory_space<vmem_shared>> -> memref<10112x128xf32, #tpu.memory_space<vmem_shared>>
        tpu.wait_indirect_dma semaphore(%run_scoped3A : memref<!tpu.dma_semaphore, #tpu.memory_space<semaphore_mem>>) src(%arg11 : memref<128x128xf32, #tpu.memory_space<vmem>>) dst(%dma_wait3A_129 : memref<10112x128xf32, #tpu.memory_space<vmem_shared>>)
        tpu.yield
      }) : () -> ()
    }
    %scan3A_90 = arith.constant 20 : i32
    %barrier3A_91 = arith.constant 0 : index
    tpu.barrier barrier_id(%barrier3A_91)
    "tpu.region"() ({
      %run_scoped3A = tpu.sem_alloc : memref<!tpu.dma_semaphore, #tpu.memory_space<semaphore_mem>>
      %dma_start3A_92 = arith.constant 0 : i32
      %dma_start3A_93 = tpu.memref_slice %arg7[%arg0, %mul3A_2, %dma_start3A_92] : memref<2x10112x128xf32, #tpu.memory_space<hbm>> -> memref<1x632x128xf32, #tpu.memory_space<hbm>>
      %dma_start3A_94 = tpu.memref_squeeze %dma_start3A_93 : memref<1x632x128xf32, #tpu.memory_space<hbm>> -> memref<632x128xf32, #tpu.memory_space<hbm>>
      %dma_start3A_95 = arith.constant 0 : i32
      %dma_start3A_96 = tpu.memref_slice %arg12[%mul3A_2, %dma_start3A_95] : memref<10112x128xf32, #tpu.memory_space<vmem_shared>> -> memref<632x128xf32, #tpu.memory_space<vmem_shared>>
      tpu.enqueue_dma source(%dma_start3A_96 : memref<632x128xf32, #tpu.memory_space<vmem_shared>>) target(%dma_start3A_94 : memref<632x128xf32, #tpu.memory_space<hbm>>) target_semaphore(%run_scoped3A : memref<!tpu.dma_semaphore, #tpu.memory_space<semaphore_mem>>)
      %dma_wait3A = arith.constant 0 : i32
      %dma_wait3A_97 = tpu.memref_slice %arg7[%arg0, %mul3A_2, %dma_wait3A] : memref<2x10112x128xf32, #tpu.memory_space<hbm>> -> memref<1x632x128xf32, #tpu.memory_space<hbm>>
      %dma_wait3A_98 = tpu.memref_squeeze %dma_wait3A_97 : memref<1x632x128xf32, #tpu.memory_space<hbm>> -> memref<632x128xf32, #tpu.memory_space<hbm>>
      %dma_wait3A_99 = arith.constant 0 : i32
      %dma_wait3A_100 = tpu.memref_slice %arg12[%mul3A_2, %dma_wait3A_99] : memref<10112x128xf32, #tpu.memory_space<vmem_shared>> -> memref<632x128xf32, #tpu.memory_space<vmem_shared>>
      tpu.wait_dma2 semaphore(%run_scoped3A : memref<!tpu.dma_semaphore, #tpu.memory_space<semaphore_mem>>) src(%dma_wait3A_100 : memref<632x128xf32, #tpu.memory_space<vmem_shared>>) dst(%dma_wait3A_98 : memref<632x128xf32, #tpu.memory_space<hbm>>)
      tpu.yield
    }) : () -> ()
    return
  }
}

#map = affine_map<(d0, d1) -> (0, 0)>
#map1 = affine_map<(d0, d1) -> (0, 0, 0)>
module attributes {stable_mosaic.version = 14 : i64} {
  func.func @agg_kernel(%arg0: i32, %arg1: i32, %arg2: memref<10000x128xf32, #tpu.memory_space<hbm>>, %arg3: memref<32x80x128xi32, #tpu.memory_space<hbm>>, %arg4: memref<32x80x128xi32, #tpu.memory_space<hbm>>, %arg5: memref<2x10112x128xf32, #tpu.memory_space<hbm>>, %arg6: memref<40x128xi32, #tpu.memory_space<vmem>>, %arg7: memref<40x128xi32, #tpu.memory_space<vmem>>, %arg8: memref<128x128xf32, #tpu.memory_space<vmem>>, %arg9: memref<128x128xf32, #tpu.memory_space<vmem>>, %arg10: memref<10112x128xf32, #tpu.memory_space<vmem_shared>>, %arg11: memref<!tpu.dma_semaphore, #tpu.memory_space<semaphore_mem>>) attributes {dimension_semantics = [#tpu.dimension_semantics<core_parallel>, #tpu.dimension_semantics<subcore_parallel>], iteration_bounds = array<i64: 2, 16>, scalar_prefetch = 0 : i64, scratch_operands = 6 : i64, tpu.core_type = #tpu.core_type<sc_vector_subcore>, window_params = [{transform_indices = #map}, {transform_indices = #map1}, {transform_indices = #map1}, {transform_indices = #map1}]} {
    %mul3A = arith.constant 2 : i32
    %mul3A_0 = arith.muli %arg1, %mul3A : i32
    %add3A = arith.addi %mul3A_0, %arg0 : i32
    %mul3A_1 = arith.constant 632 : i32
    %mul3A_2 = arith.muli %arg1, %mul3A_1 : i32
    %broadcast_in_dim3A = arith.constant 0.000000e+00 : f32
    %broadcast_in_dim3A_3 = vector.broadcast %broadcast_in_dim3A : f32 to vector<16xf32>
    %scan3A = arith.constant 0 : i32
    %scan3A_4 = arith.constant 0 : i32
    %scan3A_5 = arith.constant 128 : i32
    %scan3A_6 = arith.addi %scan3A_4, %scan3A_5 : i32
    %scan3A_7 = arith.constant 1 : i32
    scf.for %scan3A_45 = %scan3A_4 to %scan3A_6 step %scan3A_7  : i32 {
      %swap3A = arith.index_cast %scan3A_45 : i32 to index
      %swap3A_46 = arith.constant 0 : index
      %swap3A_47 = tpu.vector_load %arg8[%swap3A, %swap3A_46] {strides = array<i32>} : memref<128x128xf32, #tpu.memory_space<vmem>>, vector<1x16xf32>,
      %swap3A_48 = vector.shape_cast %swap3A_47 : vector<1x16xf32> to vector<16xf32>
      %swap3A_49 = vector.shape_cast %broadcast_in_dim3A_3 : vector<16xf32> to vector<1x16xf32>
      tpu.vector_store %arg8[%swap3A, %swap3A_46], %swap3A_49 {strides = array<i32>} : memref<128x128xf32, #tpu.memory_space<vmem>>, vector<1x16xf32>,
      %swap3A_50 = arith.index_cast %scan3A_45 : i32 to index
      %swap3A_51 = arith.constant 16 : index
      %swap3A_52 = tpu.vector_load %arg8[%swap3A_50, %swap3A_51] {strides = array<i32>} : memref<128x128xf32, #tpu.memory_space<vmem>>, vector<1x16xf32>,
      %swap3A_53 = vector.shape_cast %swap3A_52 : vector<1x16xf32> to vector<16xf32>
      %swap3A_54 = vector.shape_cast %broadcast_in_dim3A_3 : vector<16xf32> to vector<1x16xf32>
      tpu.vector_store %arg8[%swap3A_50, %swap3A_51], %swap3A_54 {strides = array<i32>} : memref<128x128xf32, #tpu.memory_space<vmem>>, vector<1x16xf32>,
      %swap3A_55 = arith.index_cast %scan3A_45 : i32 to index
      %swap3A_56 = arith.constant 32 : index
      %swap3A_57 = tpu.vector_load %arg8[%swap3A_55, %swap3A_56] {strides = array<i32>} : memref<128x128xf32, #tpu.memory_space<vmem>>, vector<1x16xf32>,
      %swap3A_58 = vector.shape_cast %swap3A_57 : vector<1x16xf32> to vector<16xf32>
      %swap3A_59 = vector.shape_cast %broadcast_in_dim3A_3 : vector<16xf32> to vector<1x16xf32>
      tpu.vector_store %arg8[%swap3A_55, %swap3A_56], %swap3A_59 {strides = array<i32>} : memref<128x128xf32, #tpu.memory_space<vmem>>, vector<1x16xf32>,
      %swap3A_60 = arith.index_cast %scan3A_45 : i32 to index
      %swap3A_61 = arith.constant 48 : index
      %swap3A_62 = tpu.vector_load %arg8[%swap3A_60, %swap3A_61] {strides = array<i32>} : memref<128x128xf32, #tpu.memory_space<vmem>>, vector<1x16xf32>,
      %swap3A_63 = vector.shape_cast %swap3A_62 : vector<1x16xf32> to vector<16xf32>
      %swap3A_64 = vector.shape_cast %broadcast_in_dim3A_3 : vector<16xf32> to vector<1x16xf32>
      tpu.vector_store %arg8[%swap3A_60, %swap3A_61], %swap3A_64 {strides = array<i32>} : memref<128x128xf32, #tpu.memory_space<vmem>>, vector<1x16xf32>,
      %swap3A_65 = arith.index_cast %scan3A_45 : i32 to index
      %swap3A_66 = arith.constant 64 : index
      %swap3A_67 = tpu.vector_load %arg8[%swap3A_65, %swap3A_66] {strides = array<i32>} : memref<128x128xf32, #tpu.memory_space<vmem>>, vector<1x16xf32>,
      %swap3A_68 = vector.shape_cast %swap3A_67 : vector<1x16xf32> to vector<16xf32>
      %swap3A_69 = vector.shape_cast %broadcast_in_dim3A_3 : vector<16xf32> to vector<1x16xf32>
      tpu.vector_store %arg8[%swap3A_65, %swap3A_66], %swap3A_69 {strides = array<i32>} : memref<128x128xf32, #tpu.memory_space<vmem>>, vector<1x16xf32>,
      %swap3A_70 = arith.index_cast %scan3A_45 : i32 to index
      %swap3A_71 = arith.constant 80 : index
      %swap3A_72 = tpu.vector_load %arg8[%swap3A_70, %swap3A_71] {strides = array<i32>} : memref<128x128xf32, #tpu.memory_space<vmem>>, vector<1x16xf32>,
      %swap3A_73 = vector.shape_cast %swap3A_72 : vector<1x16xf32> to vector<16xf32>
      %swap3A_74 = vector.shape_cast %broadcast_in_dim3A_3 : vector<16xf32> to vector<1x16xf32>
      tpu.vector_store %arg8[%swap3A_70, %swap3A_71], %swap3A_74 {strides = array<i32>} : memref<128x128xf32, #tpu.memory_space<vmem>>, vector<1x16xf32>,
      %swap3A_75 = arith.index_cast %scan3A_45 : i32 to index
      %swap3A_76 = arith.constant 96 : index
      %swap3A_77 = tpu.vector_load %arg8[%swap3A_75, %swap3A_76] {strides = array<i32>} : memref<128x128xf32, #tpu.memory_space<vmem>>, vector<1x16xf32>,
      %swap3A_78 = vector.shape_cast %swap3A_77 : vector<1x16xf32> to vector<16xf32>
      %swap3A_79 = vector.shape_cast %broadcast_in_dim3A_3 : vector<16xf32> to vector<1x16xf32>
      tpu.vector_store %arg8[%swap3A_75, %swap3A_76], %swap3A_79 {strides = array<i32>} : memref<128x128xf32, #tpu.memory_space<vmem>>, vector<1x16xf32>,
      %swap3A_80 = arith.index_cast %scan3A_45 : i32 to index
      %swap3A_81 = arith.constant 112 : index
      %swap3A_82 = tpu.vector_load %arg8[%swap3A_80, %swap3A_81] {strides = array<i32>} : memref<128x128xf32, #tpu.memory_space<vmem>>, vector<1x16xf32>,
      %swap3A_83 = vector.shape_cast %swap3A_82 : vector<1x16xf32> to vector<16xf32>
      %swap3A_84 = vector.shape_cast %broadcast_in_dim3A_3 : vector<16xf32> to vector<1x16xf32>
      tpu.vector_store %arg8[%swap3A_80, %swap3A_81], %swap3A_84 {strides = array<i32>} : memref<128x128xf32, #tpu.memory_space<vmem>>, vector<1x16xf32>,
    }
    %scan3A_8 = arith.constant 128 : i32
    %add3A_9 = arith.constant 0 : i32
    %add3A_10 = arith.addi %mul3A_2, %add3A_9 : i32
    "tpu.region"() ({
      %run_scoped3A = tpu.sem_alloc : memref<!tpu.dma_semaphore, #tpu.memory_space<semaphore_mem>>
      %dma_start3A_45 = arith.constant 0 : i32
      %dma_start3A_46 = tpu.memref_slice %arg10[%add3A_10, %dma_start3A_45] : memref<10112x128xf32, #tpu.memory_space<vmem_shared>> -> memref<128x128xf32, #tpu.memory_space<vmem_shared>>
      %dma_start3A_47 = arith.constant 0 : i32
      %dma_start3A_48 = tpu.memref_slice %arg10[%add3A_10, %dma_start3A_47] : memref<10112x128xf32, #tpu.memory_space<vmem_shared>> -> memref<128x128xf32, #tpu.memory_space<vmem_shared>>
      tpu.enqueue_dma source(%arg8 : memref<128x128xf32, #tpu.memory_space<vmem>>) target(%dma_start3A_48 : memref<128x128xf32, #tpu.memory_space<vmem_shared>>) target_semaphore(%run_scoped3A : memref<!tpu.dma_semaphore, #tpu.memory_space<semaphore_mem>>)
      %dma_wait3A = arith.constant 0 : i32
      %dma_wait3A_49 = tpu.memref_slice %arg10[%add3A_10, %dma_wait3A] : memref<10112x128xf32, #tpu.memory_space<vmem_shared>> -> memref<128x128xf32, #tpu.memory_space<vmem_shared>>
      %dma_wait3A_50 = arith.constant 0 : i32
      %dma_wait3A_51 = tpu.memref_slice %arg10[%add3A_10, %dma_wait3A_50] : memref<10112x128xf32, #tpu.memory_space<vmem_shared>> -> memref<128x128xf32, #tpu.memory_space<vmem_shared>>
      tpu.wait_dma2 semaphore(%run_scoped3A : memref<!tpu.dma_semaphore, #tpu.memory_space<semaphore_mem>>) src(%arg8 : memref<128x128xf32, #tpu.memory_space<vmem>>) dst(%dma_wait3A_51 : memref<128x128xf32, #tpu.memory_space<vmem_shared>>)
      tpu.yield
    }) : () -> ()
    %add3A_11 = arith.constant 128 : i32
    %add3A_12 = arith.addi %mul3A_2, %add3A_11 : i32
    "tpu.region"() ({
      %run_scoped3A = tpu.sem_alloc : memref<!tpu.dma_semaphore, #tpu.memory_space<semaphore_mem>>
      %dma_start3A_45 = arith.constant 0 : i32
      %dma_start3A_46 = tpu.memref_slice %arg10[%add3A_12, %dma_start3A_45] : memref<10112x128xf32, #tpu.memory_space<vmem_shared>> -> memref<128x128xf32, #tpu.memory_space<vmem_shared>>
      %dma_start3A_47 = arith.constant 0 : i32
      %dma_start3A_48 = tpu.memref_slice %arg10[%add3A_12, %dma_start3A_47] : memref<10112x128xf32, #tpu.memory_space<vmem_shared>> -> memref<128x128xf32, #tpu.memory_space<vmem_shared>>
      tpu.enqueue_dma source(%arg8 : memref<128x128xf32, #tpu.memory_space<vmem>>) target(%dma_start3A_48 : memref<128x128xf32, #tpu.memory_space<vmem_shared>>) target_semaphore(%run_scoped3A : memref<!tpu.dma_semaphore, #tpu.memory_space<semaphore_mem>>)
      %dma_wait3A = arith.constant 0 : i32
      %dma_wait3A_49 = tpu.memref_slice %arg10[%add3A_12, %dma_wait3A] : memref<10112x128xf32, #tpu.memory_space<vmem_shared>> -> memref<128x128xf32, #tpu.memory_space<vmem_shared>>
      %dma_wait3A_50 = arith.constant 0 : i32
      %dma_wait3A_51 = tpu.memref_slice %arg10[%add3A_12, %dma_wait3A_50] : memref<10112x128xf32, #tpu.memory_space<vmem_shared>> -> memref<128x128xf32, #tpu.memory_space<vmem_shared>>
      tpu.wait_dma2 semaphore(%run_scoped3A : memref<!tpu.dma_semaphore, #tpu.memory_space<semaphore_mem>>) src(%arg8 : memref<128x128xf32, #tpu.memory_space<vmem>>) dst(%dma_wait3A_51 : memref<128x128xf32, #tpu.memory_space<vmem_shared>>)
      tpu.yield
    }) : () -> ()
    %add3A_13 = arith.constant 256 : i32
    %add3A_14 = arith.addi %mul3A_2, %add3A_13 : i32
    "tpu.region"() ({
      %run_scoped3A = tpu.sem_alloc : memref<!tpu.dma_semaphore, #tpu.memory_space<semaphore_mem>>
      %dma_start3A_45 = arith.constant 0 : i32
      %dma_start3A_46 = tpu.memref_slice %arg10[%add3A_14, %dma_start3A_45] : memref<10112x128xf32, #tpu.memory_space<vmem_shared>> -> memref<128x128xf32, #tpu.memory_space<vmem_shared>>
      %dma_start3A_47 = arith.constant 0 : i32
      %dma_start3A_48 = tpu.memref_slice %arg10[%add3A_14, %dma_start3A_47] : memref<10112x128xf32, #tpu.memory_space<vmem_shared>> -> memref<128x128xf32, #tpu.memory_space<vmem_shared>>
      tpu.enqueue_dma source(%arg8 : memref<128x128xf32, #tpu.memory_space<vmem>>) target(%dma_start3A_48 : memref<128x128xf32, #tpu.memory_space<vmem_shared>>) target_semaphore(%run_scoped3A : memref<!tpu.dma_semaphore, #tpu.memory_space<semaphore_mem>>)
      %dma_wait3A = arith.constant 0 : i32
      %dma_wait3A_49 = tpu.memref_slice %arg10[%add3A_14, %dma_wait3A] : memref<10112x128xf32, #tpu.memory_space<vmem_shared>> -> memref<128x128xf32, #tpu.memory_space<vmem_shared>>
      %dma_wait3A_50 = arith.constant 0 : i32
      %dma_wait3A_51 = tpu.memref_slice %arg10[%add3A_14, %dma_wait3A_50] : memref<10112x128xf32, #tpu.memory_space<vmem_shared>> -> memref<128x128xf32, #tpu.memory_space<vmem_shared>>
      tpu.wait_dma2 semaphore(%run_scoped3A : memref<!tpu.dma_semaphore, #tpu.memory_space<semaphore_mem>>) src(%arg8 : memref<128x128xf32, #tpu.memory_space<vmem>>) dst(%dma_wait3A_51 : memref<128x128xf32, #tpu.memory_space<vmem_shared>>)
      tpu.yield
    }) : () -> ()
    %add3A_15 = arith.constant 384 : i32
    %add3A_16 = arith.addi %mul3A_2, %add3A_15 : i32
    "tpu.region"() ({
      %run_scoped3A = tpu.sem_alloc : memref<!tpu.dma_semaphore, #tpu.memory_space<semaphore_mem>>
      %dma_start3A_45 = arith.constant 0 : i32
      %dma_start3A_46 = tpu.memref_slice %arg10[%add3A_16, %dma_start3A_45] : memref<10112x128xf32, #tpu.memory_space<vmem_shared>> -> memref<128x128xf32, #tpu.memory_space<vmem_shared>>
      %dma_start3A_47 = arith.constant 0 : i32
      %dma_start3A_48 = tpu.memref_slice %arg10[%add3A_16, %dma_start3A_47] : memref<10112x128xf32, #tpu.memory_space<vmem_shared>> -> memref<128x128xf32, #tpu.memory_space<vmem_shared>>
      tpu.enqueue_dma source(%arg8 : memref<128x128xf32, #tpu.memory_space<vmem>>) target(%dma_start3A_48 : memref<128x128xf32, #tpu.memory_space<vmem_shared>>) target_semaphore(%run_scoped3A : memref<!tpu.dma_semaphore, #tpu.memory_space<semaphore_mem>>)
      %dma_wait3A = arith.constant 0 : i32
      %dma_wait3A_49 = tpu.memref_slice %arg10[%add3A_16, %dma_wait3A] : memref<10112x128xf32, #tpu.memory_space<vmem_shared>> -> memref<128x128xf32, #tpu.memory_space<vmem_shared>>
      %dma_wait3A_50 = arith.constant 0 : i32
      %dma_wait3A_51 = tpu.memref_slice %arg10[%add3A_16, %dma_wait3A_50] : memref<10112x128xf32, #tpu.memory_space<vmem_shared>> -> memref<128x128xf32, #tpu.memory_space<vmem_shared>>
      tpu.wait_dma2 semaphore(%run_scoped3A : memref<!tpu.dma_semaphore, #tpu.memory_space<semaphore_mem>>) src(%arg8 : memref<128x128xf32, #tpu.memory_space<vmem>>) dst(%dma_wait3A_51 : memref<128x128xf32, #tpu.memory_space<vmem_shared>>)
      tpu.yield
    }) : () -> ()
    %add3A_17 = arith.constant 512 : i32
    %add3A_18 = arith.addi %mul3A_2, %add3A_17 : i32
    "tpu.region"() ({
      %run_scoped3A = tpu.sem_alloc : memref<!tpu.dma_semaphore, #tpu.memory_space<semaphore_mem>>
      %dma_start3A_45 = arith.constant 0 : i32
      %dma_start3A_46 = arith.constant 0 : i32
      %dma_start3A_47 = tpu.memref_slice %arg8[%dma_start3A_45, %dma_start3A_46] : memref<128x128xf32, #tpu.memory_space<vmem>> -> memref<120x128xf32, #tpu.memory_space<vmem>>
      %dma_start3A_48 = arith.constant 0 : i32
      %dma_start3A_49 = tpu.memref_slice %arg10[%add3A_18, %dma_start3A_48] : memref<10112x128xf32, #tpu.memory_space<vmem_shared>> -> memref<120x128xf32, #tpu.memory_space<vmem_shared>>
      %dma_start3A_50 = arith.constant 0 : i32
      %dma_start3A_51 = tpu.memref_slice %arg10[%add3A_18, %dma_start3A_50] : memref<10112x128xf32, #tpu.memory_space<vmem_shared>> -> memref<120x128xf32, #tpu.memory_space<vmem_shared>>
      %dma_start3A_52 = arith.constant 0 : i32
      %dma_start3A_53 = arith.constant 0 : i32
      %dma_start3A_54 = tpu.memref_slice %arg8[%dma_start3A_52, %dma_start3A_53] : memref<128x128xf32, #tpu.memory_space<vmem>> -> memref<120x128xf32, #tpu.memory_space<vmem>>
      tpu.enqueue_dma source(%dma_start3A_54 : memref<120x128xf32, #tpu.memory_space<vmem>>) target(%dma_start3A_51 : memref<120x128xf32, #tpu.memory_space<vmem_shared>>) target_semaphore(%run_scoped3A : memref<!tpu.dma_semaphore, #tpu.memory_space<semaphore_mem>>)
      %dma_wait3A = arith.constant 0 : i32
      %dma_wait3A_55 = arith.constant 0 : i32
      %dma_wait3A_56 = tpu.memref_slice %arg8[%dma_wait3A, %dma_wait3A_55] : memref<128x128xf32, #tpu.memory_space<vmem>> -> memref<120x128xf32, #tpu.memory_space<vmem>>
      %dma_wait3A_57 = arith.constant 0 : i32
      %dma_wait3A_58 = tpu.memref_slice %arg10[%add3A_18, %dma_wait3A_57] : memref<10112x128xf32, #tpu.memory_space<vmem_shared>> -> memref<120x128xf32, #tpu.memory_space<vmem_shared>>
      %dma_wait3A_59 = arith.constant 0 : i32
      %dma_wait3A_60 = tpu.memref_slice %arg10[%add3A_18, %dma_wait3A_59] : memref<10112x128xf32, #tpu.memory_space<vmem_shared>> -> memref<120x128xf32, #tpu.memory_space<vmem_shared>>
      %dma_wait3A_61 = arith.constant 0 : i32
      %dma_wait3A_62 = arith.constant 0 : i32
      %dma_wait3A_63 = tpu.memref_slice %arg8[%dma_wait3A_61, %dma_wait3A_62] : memref<128x128xf32, #tpu.memory_space<vmem>> -> memref<120x128xf32, #tpu.memory_space<vmem>>
      tpu.wait_dma2 semaphore(%run_scoped3A : memref<!tpu.dma_semaphore, #tpu.memory_space<semaphore_mem>>) src(%dma_wait3A_63 : memref<120x128xf32, #tpu.memory_space<vmem>>) dst(%dma_wait3A_60 : memref<120x128xf32, #tpu.memory_space<vmem_shared>>)
      tpu.yield
    }) : () -> ()
    %barrier3A = arith.constant 0 : index
    tpu.barrier barrier_id(%barrier3A)
    "tpu.region"() ({
      %run_scoped3A = tpu.sem_alloc : memref<!tpu.dma_semaphore, #tpu.memory_space<semaphore_mem>>
      %dma_start3A_45 = arith.constant 0 : i32
      %dma_start3A_46 = arith.constant 0 : i32
      %dma_start3A_47 = tpu.memref_slice %arg3[%add3A, %dma_start3A_45, %dma_start3A_46] : memref<32x80x128xi32, #tpu.memory_space<hbm>> -> memref<1x40x128xi32, #tpu.memory_space<hbm>>
      %dma_start3A_48 = tpu.memref_squeeze %dma_start3A_47 : memref<1x40x128xi32, #tpu.memory_space<hbm>> -> memref<40x128xi32, #tpu.memory_space<hbm>>
      %dma_start3A_49 = arith.constant 0 : i32
      %dma_start3A_50 = arith.constant 0 : i32
      %dma_start3A_51 = tpu.memref_slice %arg3[%add3A, %dma_start3A_49, %dma_start3A_50] : memref<32x80x128xi32, #tpu.memory_space<hbm>> -> memref<1x40x128xi32, #tpu.memory_space<hbm>>
      %dma_start3A_52 = tpu.memref_squeeze %dma_start3A_51 : memref<1x40x128xi32, #tpu.memory_space<hbm>> -> memref<40x128xi32, #tpu.memory_space<hbm>>
      tpu.enqueue_dma source(%dma_start3A_52 : memref<40x128xi32, #tpu.memory_space<hbm>>) target(%arg6 : memref<40x128xi32, #tpu.memory_space<vmem>>) target_semaphore(%run_scoped3A : memref<!tpu.dma_semaphore, #tpu.memory_space<semaphore_mem>>)
      %dma_wait3A = arith.constant 0 : i32
      %dma_wait3A_53 = arith.constant 0 : i32
      %dma_wait3A_54 = tpu.memref_slice %arg3[%add3A, %dma_wait3A, %dma_wait3A_53] : memref<32x80x128xi32, #tpu.memory_space<hbm>> -> memref<1x40x128xi32, #tpu.memory_space<hbm>>
      %dma_wait3A_55 = tpu.memref_squeeze %dma_wait3A_54 : memref<1x40x128xi32, #tpu.memory_space<hbm>> -> memref<40x128xi32, #tpu.memory_space<hbm>>
      %dma_wait3A_56 = arith.constant 0 : i32
      %dma_wait3A_57 = arith.constant 0 : i32
      %dma_wait3A_58 = tpu.memref_slice %arg3[%add3A, %dma_wait3A_56, %dma_wait3A_57] : memref<32x80x128xi32, #tpu.memory_space<hbm>> -> memref<1x40x128xi32, #tpu.memory_space<hbm>>
      %dma_wait3A_59 = tpu.memref_squeeze %dma_wait3A_58 : memref<1x40x128xi32, #tpu.memory_space<hbm>> -> memref<40x128xi32, #tpu.memory_space<hbm>>
      tpu.wait_dma2 semaphore(%run_scoped3A : memref<!tpu.dma_semaphore, #tpu.memory_space<semaphore_mem>>) src(%dma_wait3A_59 : memref<40x128xi32, #tpu.memory_space<hbm>>) dst(%arg6 : memref<40x128xi32, #tpu.memory_space<vmem>>)
      tpu.yield
    }) : () -> ()
    "tpu.region"() ({
      %run_scoped3A = tpu.sem_alloc : memref<!tpu.dma_semaphore, #tpu.memory_space<semaphore_mem>>
      %dma_start3A_45 = arith.constant 0 : i32
      %dma_start3A_46 = arith.constant 0 : i32
      %dma_start3A_47 = tpu.memref_slice %arg4[%add3A, %dma_start3A_45, %dma_start3A_46] : memref<32x80x128xi32, #tpu.memory_space<hbm>> -> memref<1x40x128xi32, #tpu.memory_space<hbm>>
      %dma_start3A_48 = tpu.memref_squeeze %dma_start3A_47 : memref<1x40x128xi32, #tpu.memory_space<hbm>> -> memref<40x128xi32, #tpu.memory_space<hbm>>
      %dma_start3A_49 = arith.constant 0 : i32
      %dma_start3A_50 = arith.constant 0 : i32
      %dma_start3A_51 = tpu.memref_slice %arg4[%add3A, %dma_start3A_49, %dma_start3A_50] : memref<32x80x128xi32, #tpu.memory_space<hbm>> -> memref<1x40x128xi32, #tpu.memory_space<hbm>>
      %dma_start3A_52 = tpu.memref_squeeze %dma_start3A_51 : memref<1x40x128xi32, #tpu.memory_space<hbm>> -> memref<40x128xi32, #tpu.memory_space<hbm>>
      tpu.enqueue_dma source(%dma_start3A_52 : memref<40x128xi32, #tpu.memory_space<hbm>>) target(%arg7 : memref<40x128xi32, #tpu.memory_space<vmem>>) target_semaphore(%run_scoped3A : memref<!tpu.dma_semaphore, #tpu.memory_space<semaphore_mem>>)
      %dma_wait3A = arith.constant 0 : i32
      %dma_wait3A_53 = arith.constant 0 : i32
      %dma_wait3A_54 = tpu.memref_slice %arg4[%add3A, %dma_wait3A, %dma_wait3A_53] : memref<32x80x128xi32, #tpu.memory_space<hbm>> -> memref<1x40x128xi32, #tpu.memory_space<hbm>>
      %dma_wait3A_55 = tpu.memref_squeeze %dma_wait3A_54 : memref<1x40x128xi32, #tpu.memory_space<hbm>> -> memref<40x128xi32, #tpu.memory_space<hbm>>
      %dma_wait3A_56 = arith.constant 0 : i32
      %dma_wait3A_57 = arith.constant 0 : i32
      %dma_wait3A_58 = tpu.memref_slice %arg4[%add3A, %dma_wait3A_56, %dma_wait3A_57] : memref<32x80x128xi32, #tpu.memory_space<hbm>> -> memref<1x40x128xi32, #tpu.memory_space<hbm>>
      %dma_wait3A_59 = tpu.memref_squeeze %dma_wait3A_58 : memref<1x40x128xi32, #tpu.memory_space<hbm>> -> memref<40x128xi32, #tpu.memory_space<hbm>>
      tpu.wait_dma2 semaphore(%run_scoped3A : memref<!tpu.dma_semaphore, #tpu.memory_space<semaphore_mem>>) src(%dma_wait3A_59 : memref<40x128xi32, #tpu.memory_space<hbm>>) dst(%arg7 : memref<40x128xi32, #tpu.memory_space<vmem>>)
      tpu.yield
    }) : () -> ()
    %dma_start3A = arith.constant 0 : i32
    %dma_start3A_19 = arith.constant 0 : i32
    %dma_start3A_20 = tpu.memref_slice %arg6[%dma_start3A, %dma_start3A_19] : memref<40x128xi32, #tpu.memory_space<vmem>> -> memref<1x128xi32, #tpu.memory_space<vmem>>
    %dma_start3A_21 = tpu.memref_squeeze %dma_start3A_20 : memref<1x128xi32, #tpu.memory_space<vmem>> -> memref<128xi32, #tpu.memory_space<vmem>>
    %dma_start3A_22 = arith.constant 0 : i32
    %dma_start3A_23 = arith.constant 0 : i32
    %dma_start3A_24 = tpu.memref_slice %arg2[%dma_start3A_22, %dma_start3A_23] : memref<10000x128xf32, #tpu.memory_space<hbm>> -> memref<10000x128xf32, #tpu.memory_space<hbm>>
    tpu.enqueue_indirect_dma source(%dma_start3A_24 : memref<10000x128xf32, #tpu.memory_space<hbm>>) target(%arg8 : memref<128x128xf32, #tpu.memory_space<vmem>>) offsets(%dma_start3A_21 : memref<128xi32, #tpu.memory_space<vmem>>) semaphore(%arg11 : memref<!tpu.dma_semaphore, #tpu.memory_space<semaphore_mem>>)
    %scan3A_25 = arith.constant 0 : i32
    %scan3A_26 = arith.constant 0 : i32
    %scan3A_27 = arith.constant 20 : i32
    %scan3A_28 = arith.addi %scan3A_26, %scan3A_27 : i32
    %scan3A_29 = arith.constant 1 : i32
    scf.for %scan3A_45 = %scan3A_26 to %scan3A_28 step %scan3A_29  : i32 {
      %mul3A_46 = arith.constant 2 : i32
      %mul3A_47 = arith.muli %mul3A_46, %scan3A_45 : i32
      %dma_wait3A = arith.constant 0 : i32
      %dma_wait3A_48 = arith.constant 0 : i32
      %dma_wait3A_49 = tpu.memref_slice %arg2[%dma_wait3A, %dma_wait3A_48] : memref<10000x128xf32, #tpu.memory_space<hbm>> -> memref<128x128xf32, #tpu.memory_space<hbm>>
      %dma_wait3A_50 = arith.constant 0 : i32
      %dma_wait3A_51 = arith.constant 0 : i32
      %dma_wait3A_52 = tpu.memref_slice %arg2[%dma_wait3A_50, %dma_wait3A_51] : memref<10000x128xf32, #tpu.memory_space<hbm>> -> memref<128x128xf32, #tpu.memory_space<hbm>>
      tpu.wait_dma2 semaphore(%arg11 : memref<!tpu.dma_semaphore, #tpu.memory_space<semaphore_mem>>) src(%dma_wait3A_52 : memref<128x128xf32, #tpu.memory_space<hbm>>) dst(%arg8 : memref<128x128xf32, #tpu.memory_space<vmem>>)
      %add3A_53 = arith.constant 1 : i32
      %add3A_54 = arith.addi %mul3A_47, %add3A_53 : i32
      %dma_start3A_55 = arith.constant 0 : i32
      %dma_start3A_56 = tpu.memref_slice %arg6[%add3A_54, %dma_start3A_55] : memref<40x128xi32, #tpu.memory_space<vmem>> -> memref<1x128xi32, #tpu.memory_space<vmem>>
      %dma_start3A_57 = tpu.memref_squeeze %dma_start3A_56 : memref<1x128xi32, #tpu.memory_space<vmem>> -> memref<128xi32, #tpu.memory_space<vmem>>
      %dma_start3A_58 = arith.constant 0 : i32
      %dma_start3A_59 = arith.constant 0 : i32
      %dma_start3A_60 = tpu.memref_slice %arg2[%dma_start3A_58, %dma_start3A_59] : memref<10000x128xf32, #tpu.memory_space<hbm>> -> memref<10000x128xf32, #tpu.memory_space<hbm>>
      tpu.enqueue_indirect_dma source(%dma_start3A_60 : memref<10000x128xf32, #tpu.memory_space<hbm>>) target(%arg9 : memref<128x128xf32, #tpu.memory_space<vmem>>) offsets(%dma_start3A_57 : memref<128xi32, #tpu.memory_space<vmem>>) semaphore(%arg11 : memref<!tpu.dma_semaphore, #tpu.memory_space<semaphore_mem>>)
      "tpu.region"() ({
        %run_scoped3A = tpu.sem_alloc : memref<!tpu.dma_semaphore, #tpu.memory_space<semaphore_mem>>
        %dma_start3A_71 = arith.constant 0 : i32
        %dma_start3A_72 = tpu.memref_slice %arg7[%mul3A_47, %dma_start3A_71] : memref<40x128xi32, #tpu.memory_space<vmem>> -> memref<1x128xi32, #tpu.memory_space<vmem>>
        %dma_start3A_73 = tpu.memref_squeeze %dma_start3A_72 : memref<1x128xi32, #tpu.memory_space<vmem>> -> memref<128xi32, #tpu.memory_space<vmem>>
        %dma_start3A_74 = arith.constant 0 : i32
        %dma_start3A_75 = arith.constant 0 : i32
        %dma_start3A_76 = tpu.memref_slice %arg10[%dma_start3A_74, %dma_start3A_75] : memref<10112x128xf32, #tpu.memory_space<vmem_shared>> -> memref<10112x128xf32, #tpu.memory_space<vmem_shared>>
        tpu.enqueue_indirect_dma source(%arg8 : memref<128x128xf32, #tpu.memory_space<vmem>>) target(%dma_start3A_76 : memref<10112x128xf32, #tpu.memory_space<vmem_shared>>) offsets(%dma_start3A_73 : memref<128xi32, #tpu.memory_space<vmem>>) semaphore(%run_scoped3A : memref<!tpu.dma_semaphore, #tpu.memory_space<semaphore_mem>>) {add = true}
        %dma_wait3A_77 = arith.constant 0 : i32
        %dma_wait3A_78 = tpu.memref_slice %arg7[%mul3A_47, %dma_wait3A_77] : memref<40x128xi32, #tpu.memory_space<vmem>> -> memref<1x128xi32, #tpu.memory_space<vmem>>
        %dma_wait3A_79 = tpu.memref_squeeze %dma_wait3A_78 : memref<1x128xi32, #tpu.memory_space<vmem>> -> memref<128xi32, #tpu.memory_space<vmem>>
        %dma_wait3A_80 = arith.constant 0 : i32
        %dma_wait3A_81 = arith.constant 0 : i32
        %dma_wait3A_82 = tpu.memref_slice %arg10[%dma_wait3A_80, %dma_wait3A_81] : memref<10112x128xf32, #tpu.memory_space<vmem_shared>> -> memref<10112x128xf32, #tpu.memory_space<vmem_shared>>
        tpu.wait_indirect_dma semaphore(%run_scoped3A : memref<!tpu.dma_semaphore, #tpu.memory_space<semaphore_mem>>) src(%arg8 : memref<128x128xf32, #tpu.memory_space<vmem>>) dst(%dma_wait3A_82 : memref<10112x128xf32, #tpu.memory_space<vmem_shared>>)
        tpu.yield
      }) : () -> ()
      %dma_wait3A_61 = arith.constant 0 : i32
      %dma_wait3A_62 = arith.constant 0 : i32
      %dma_wait3A_63 = tpu.memref_slice %arg2[%dma_wait3A_61, %dma_wait3A_62] : memref<10000x128xf32, #tpu.memory_space<hbm>> -> memref<128x128xf32, #tpu.memory_space<hbm>>
      %dma_wait3A_64 = arith.constant 0 : i32
      %dma_wait3A_65 = arith.constant 0 : i32
      %dma_wait3A_66 = tpu.memref_slice %arg2[%dma_wait3A_64, %dma_wait3A_65] : memref<10000x128xf32, #tpu.memory_space<hbm>> -> memref<128x128xf32, #tpu.memory_space<hbm>>
      tpu.wait_dma2 semaphore(%arg11 : memref<!tpu.dma_semaphore, #tpu.memory_space<semaphore_mem>>) src(%dma_wait3A_66 : memref<128x128xf32, #tpu.memory_space<hbm>>) dst(%arg9 : memref<128x128xf32, #tpu.memory_space<vmem>>)
      %lt3A = arith.constant 19 : i32
      %lt3A_67 = arith.cmpi slt, %scan3A_45, %lt3A : i32
      %convert_element_type3A = arith.extui %lt3A_67 : i1 to i32
      %cond3A = arith.constant 0 : i32
      %cond3A_68 = arith.cmpi ne, %convert_element_type3A, %cond3A : i32
      scf.if %cond3A_68 {
        %add3A_71 = arith.constant 2 : i32
        %add3A_72 = arith.addi %mul3A_47, %add3A_71 : i32
        %dma_start3A_73 = arith.constant 0 : i32
        %dma_start3A_74 = tpu.memref_slice %arg6[%add3A_72, %dma_start3A_73] : memref<40x128xi32, #tpu.memory_space<vmem>> -> memref<1x128xi32, #tpu.memory_space<vmem>>
        %dma_start3A_75 = tpu.memref_squeeze %dma_start3A_74 : memref<1x128xi32, #tpu.memory_space<vmem>> -> memref<128xi32, #tpu.memory_space<vmem>>
        %dma_start3A_76 = arith.constant 0 : i32
        %dma_start3A_77 = arith.constant 0 : i32
        %dma_start3A_78 = tpu.memref_slice %arg2[%dma_start3A_76, %dma_start3A_77] : memref<10000x128xf32, #tpu.memory_space<hbm>> -> memref<10000x128xf32, #tpu.memory_space<hbm>>
        tpu.enqueue_indirect_dma source(%dma_start3A_78 : memref<10000x128xf32, #tpu.memory_space<hbm>>) target(%arg8 : memref<128x128xf32, #tpu.memory_space<vmem>>) offsets(%dma_start3A_75 : memref<128xi32, #tpu.memory_space<vmem>>) semaphore(%arg11 : memref<!tpu.dma_semaphore, #tpu.memory_space<semaphore_mem>>)
      } else {
      }
      %add3A_69 = arith.constant 1 : i32
      %add3A_70 = arith.addi %mul3A_47, %add3A_69 : i32
      "tpu.region"() ({
        %run_scoped3A = tpu.sem_alloc : memref<!tpu.dma_semaphore, #tpu.memory_space<semaphore_mem>>
        %dma_start3A_71 = arith.constant 0 : i32
        %dma_start3A_72 = tpu.memref_slice %arg7[%add3A_70, %dma_start3A_71] : memref<40x128xi32, #tpu.memory_space<vmem>> -> memref<1x128xi32, #tpu.memory_space<vmem>>
        %dma_start3A_73 = tpu.memref_squeeze %dma_start3A_72 : memref<1x128xi32, #tpu.memory_space<vmem>> -> memref<128xi32, #tpu.memory_space<vmem>>
        %dma_start3A_74 = arith.constant 0 : i32
        %dma_start3A_75 = arith.constant 0 : i32
        %dma_start3A_76 = tpu.memref_slice %arg10[%dma_start3A_74, %dma_start3A_75] : memref<10112x128xf32, #tpu.memory_space<vmem_shared>> -> memref<10112x128xf32, #tpu.memory_space<vmem_shared>>
        tpu.enqueue_indirect_dma source(%arg9 : memref<128x128xf32, #tpu.memory_space<vmem>>) target(%dma_start3A_76 : memref<10112x128xf32, #tpu.memory_space<vmem_shared>>) offsets(%dma_start3A_73 : memref<128xi32, #tpu.memory_space<vmem>>) semaphore(%run_scoped3A : memref<!tpu.dma_semaphore, #tpu.memory_space<semaphore_mem>>) {add = true}
        %dma_wait3A_77 = arith.constant 0 : i32
        %dma_wait3A_78 = tpu.memref_slice %arg7[%add3A_70, %dma_wait3A_77] : memref<40x128xi32, #tpu.memory_space<vmem>> -> memref<1x128xi32, #tpu.memory_space<vmem>>
        %dma_wait3A_79 = tpu.memref_squeeze %dma_wait3A_78 : memref<1x128xi32, #tpu.memory_space<vmem>> -> memref<128xi32, #tpu.memory_space<vmem>>
        %dma_wait3A_80 = arith.constant 0 : i32
        %dma_wait3A_81 = arith.constant 0 : i32
        %dma_wait3A_82 = tpu.memref_slice %arg10[%dma_wait3A_80, %dma_wait3A_81] : memref<10112x128xf32, #tpu.memory_space<vmem_shared>> -> memref<10112x128xf32, #tpu.memory_space<vmem_shared>>
        tpu.wait_indirect_dma semaphore(%run_scoped3A : memref<!tpu.dma_semaphore, #tpu.memory_space<semaphore_mem>>) src(%arg9 : memref<128x128xf32, #tpu.memory_space<vmem>>) dst(%dma_wait3A_82 : memref<10112x128xf32, #tpu.memory_space<vmem_shared>>)
        tpu.yield
      }) : () -> ()
    }
    %scan3A_30 = arith.constant 20 : i32
    "tpu.region"() ({
      %run_scoped3A = tpu.sem_alloc : memref<!tpu.dma_semaphore, #tpu.memory_space<semaphore_mem>>
      %dma_start3A_45 = arith.constant 40 : i32
      %dma_start3A_46 = arith.constant 0 : i32
      %dma_start3A_47 = tpu.memref_slice %arg3[%add3A, %dma_start3A_45, %dma_start3A_46] : memref<32x80x128xi32, #tpu.memory_space<hbm>> -> memref<1x40x128xi32, #tpu.memory_space<hbm>>
      %dma_start3A_48 = tpu.memref_squeeze %dma_start3A_47 : memref<1x40x128xi32, #tpu.memory_space<hbm>> -> memref<40x128xi32, #tpu.memory_space<hbm>>
      %dma_start3A_49 = arith.constant 40 : i32
      %dma_start3A_50 = arith.constant 0 : i32
      %dma_start3A_51 = tpu.memref_slice %arg3[%add3A, %dma_start3A_49, %dma_start3A_50] : memref<32x80x128xi32, #tpu.memory_space<hbm>> -> memref<1x40x128xi32, #tpu.memory_space<hbm>>
      %dma_start3A_52 = tpu.memref_squeeze %dma_start3A_51 : memref<1x40x128xi32, #tpu.memory_space<hbm>> -> memref<40x128xi32, #tpu.memory_space<hbm>>
      tpu.enqueue_dma source(%dma_start3A_52 : memref<40x128xi32, #tpu.memory_space<hbm>>) target(%arg6 : memref<40x128xi32, #tpu.memory_space<vmem>>) target_semaphore(%run_scoped3A : memref<!tpu.dma_semaphore, #tpu.memory_space<semaphore_mem>>)
      %dma_wait3A = arith.constant 40 : i32
      %dma_wait3A_53 = arith.constant 0 : i32
      %dma_wait3A_54 = tpu.memref_slice %arg3[%add3A, %dma_wait3A, %dma_wait3A_53] : memref<32x80x128xi32, #tpu.memory_space<hbm>> -> memref<1x40x128xi32, #tpu.memory_space<hbm>>
      %dma_wait3A_55 = tpu.memref_squeeze %dma_wait3A_54 : memref<1x40x128xi32, #tpu.memory_space<hbm>> -> memref<40x128xi32, #tpu.memory_space<hbm>>
      %dma_wait3A_56 = arith.constant 40 : i32
      %dma_wait3A_57 = arith.constant 0 : i32
      %dma_wait3A_58 = tpu.memref_slice %arg3[%add3A, %dma_wait3A_56, %dma_wait3A_57] : memref<32x80x128xi32, #tpu.memory_space<hbm>> -> memref<1x40x128xi32, #tpu.memory_space<hbm>>
      %dma_wait3A_59 = tpu.memref_squeeze %dma_wait3A_58 : memref<1x40x128xi32, #tpu.memory_space<hbm>> -> memref<40x128xi32, #tpu.memory_space<hbm>>
      tpu.wait_dma2 semaphore(%run_scoped3A : memref<!tpu.dma_semaphore, #tpu.memory_space<semaphore_mem>>) src(%dma_wait3A_59 : memref<40x128xi32, #tpu.memory_space<hbm>>) dst(%arg6 : memref<40x128xi32, #tpu.memory_space<vmem>>)
      tpu.yield
    }) : () -> ()
    "tpu.region"() ({
      %run_scoped3A = tpu.sem_alloc : memref<!tpu.dma_semaphore, #tpu.memory_space<semaphore_mem>>
      %dma_start3A_45 = arith.constant 40 : i32
      %dma_start3A_46 = arith.constant 0 : i32
      %dma_start3A_47 = tpu.memref_slice %arg4[%add3A, %dma_start3A_45, %dma_start3A_46] : memref<32x80x128xi32, #tpu.memory_space<hbm>> -> memref<1x40x128xi32, #tpu.memory_space<hbm>>
      %dma_start3A_48 = tpu.memref_squeeze %dma_start3A_47 : memref<1x40x128xi32, #tpu.memory_space<hbm>> -> memref<40x128xi32, #tpu.memory_space<hbm>>
      %dma_start3A_49 = arith.constant 40 : i32
      %dma_start3A_50 = arith.constant 0 : i32
      %dma_start3A_51 = tpu.memref_slice %arg4[%add3A, %dma_start3A_49, %dma_start3A_50] : memref<32x80x128xi32, #tpu.memory_space<hbm>> -> memref<1x40x128xi32, #tpu.memory_space<hbm>>
      %dma_start3A_52 = tpu.memref_squeeze %dma_start3A_51 : memref<1x40x128xi32, #tpu.memory_space<hbm>> -> memref<40x128xi32, #tpu.memory_space<hbm>>
      tpu.enqueue_dma source(%dma_start3A_52 : memref<40x128xi32, #tpu.memory_space<hbm>>) target(%arg7 : memref<40x128xi32, #tpu.memory_space<vmem>>) target_semaphore(%run_scoped3A : memref<!tpu.dma_semaphore, #tpu.memory_space<semaphore_mem>>)
      %dma_wait3A = arith.constant 40 : i32
      %dma_wait3A_53 = arith.constant 0 : i32
      %dma_wait3A_54 = tpu.memref_slice %arg4[%add3A, %dma_wait3A, %dma_wait3A_53] : memref<32x80x128xi32, #tpu.memory_space<hbm>> -> memref<1x40x128xi32, #tpu.memory_space<hbm>>
      %dma_wait3A_55 = tpu.memref_squeeze %dma_wait3A_54 : memref<1x40x128xi32, #tpu.memory_space<hbm>> -> memref<40x128xi32, #tpu.memory_space<hbm>>
      %dma_wait3A_56 = arith.constant 40 : i32
      %dma_wait3A_57 = arith.constant 0 : i32
      %dma_wait3A_58 = tpu.memref_slice %arg4[%add3A, %dma_wait3A_56, %dma_wait3A_57] : memref<32x80x128xi32, #tpu.memory_space<hbm>> -> memref<1x40x128xi32, #tpu.memory_space<hbm>>
      %dma_wait3A_59 = tpu.memref_squeeze %dma_wait3A_58 : memref<1x40x128xi32, #tpu.memory_space<hbm>> -> memref<40x128xi32, #tpu.memory_space<hbm>>
      tpu.wait_dma2 semaphore(%run_scoped3A : memref<!tpu.dma_semaphore, #tpu.memory_space<semaphore_mem>>) src(%dma_wait3A_59 : memref<40x128xi32, #tpu.memory_space<hbm>>) dst(%arg7 : memref<40x128xi32, #tpu.memory_space<vmem>>)
      tpu.yield
    }) : () -> ()
    %dma_start3A_31 = arith.constant 0 : i32
    %dma_start3A_32 = arith.constant 0 : i32
    %dma_start3A_33 = tpu.memref_slice %arg6[%dma_start3A_31, %dma_start3A_32] : memref<40x128xi32, #tpu.memory_space<vmem>> -> memref<1x128xi32, #tpu.memory_space<vmem>>
    %dma_start3A_34 = tpu.memref_squeeze %dma_start3A_33 : memref<1x128xi32, #tpu.memory_space<vmem>> -> memref<128xi32, #tpu.memory_space<vmem>>
    %dma_start3A_35 = arith.constant 0 : i32
    %dma_start3A_36 = arith.constant 0 : i32
    %dma_start3A_37 = tpu.memref_slice %arg2[%dma_start3A_35, %dma_start3A_36] : memref<10000x128xf32, #tpu.memory_space<hbm>> -> memref<10000x128xf32, #tpu.memory_space<hbm>>
    tpu.enqueue_indirect_dma source(%dma_start3A_37 : memref<10000x128xf32, #tpu.memory_space<hbm>>) target(%arg8 : memref<128x128xf32, #tpu.memory_space<vmem>>) offsets(%dma_start3A_34 : memref<128xi32, #tpu.memory_space<vmem>>) semaphore(%arg11 : memref<!tpu.dma_semaphore, #tpu.memory_space<semaphore_mem>>)
    %scan3A_38 = arith.constant 0 : i32
    %scan3A_39 = arith.constant 0 : i32
    %scan3A_40 = arith.constant 20 : i32
    %scan3A_41 = arith.addi %scan3A_39, %scan3A_40 : i32
    %scan3A_42 = arith.constant 1 : i32
    scf.for %scan3A_45 = %scan3A_39 to %scan3A_41 step %scan3A_42  : i32 {
      %mul3A_46 = arith.constant 2 : i32
      %mul3A_47 = arith.muli %mul3A_46, %scan3A_45 : i32
      %dma_wait3A = arith.constant 0 : i32
      %dma_wait3A_48 = arith.constant 0 : i32
      %dma_wait3A_49 = tpu.memref_slice %arg2[%dma_wait3A, %dma_wait3A_48] : memref<10000x128xf32, #tpu.memory_space<hbm>> -> memref<128x128xf32, #tpu.memory_space<hbm>>
      %dma_wait3A_50 = arith.constant 0 : i32
      %dma_wait3A_51 = arith.constant 0 : i32
      %dma_wait3A_52 = tpu.memref_slice %arg2[%dma_wait3A_50, %dma_wait3A_51] : memref<10000x128xf32, #tpu.memory_space<hbm>> -> memref<128x128xf32, #tpu.memory_space<hbm>>
      tpu.wait_dma2 semaphore(%arg11 : memref<!tpu.dma_semaphore, #tpu.memory_space<semaphore_mem>>) src(%dma_wait3A_52 : memref<128x128xf32, #tpu.memory_space<hbm>>) dst(%arg8 : memref<128x128xf32, #tpu.memory_space<vmem>>)
      %add3A_53 = arith.constant 1 : i32
      %add3A_54 = arith.addi %mul3A_47, %add3A_53 : i32
      %dma_start3A_55 = arith.constant 0 : i32
      %dma_start3A_56 = tpu.memref_slice %arg6[%add3A_54, %dma_start3A_55] : memref<40x128xi32, #tpu.memory_space<vmem>> -> memref<1x128xi32, #tpu.memory_space<vmem>>
      %dma_start3A_57 = tpu.memref_squeeze %dma_start3A_56 : memref<1x128xi32, #tpu.memory_space<vmem>> -> memref<128xi32, #tpu.memory_space<vmem>>
      %dma_start3A_58 = arith.constant 0 : i32
      %dma_start3A_59 = arith.constant 0 : i32
      %dma_start3A_60 = tpu.memref_slice %arg2[%dma_start3A_58, %dma_start3A_59] : memref<10000x128xf32, #tpu.memory_space<hbm>> -> memref<10000x128xf32, #tpu.memory_space<hbm>>
      tpu.enqueue_indirect_dma source(%dma_start3A_60 : memref<10000x128xf32, #tpu.memory_space<hbm>>) target(%arg9 : memref<128x128xf32, #tpu.memory_space<vmem>>) offsets(%dma_start3A_57 : memref<128xi32, #tpu.memory_space<vmem>>) semaphore(%arg11 : memref<!tpu.dma_semaphore, #tpu.memory_space<semaphore_mem>>)
      "tpu.region"() ({
        %run_scoped3A = tpu.sem_alloc : memref<!tpu.dma_semaphore, #tpu.memory_space<semaphore_mem>>
        %dma_start3A_71 = arith.constant 0 : i32
        %dma_start3A_72 = tpu.memref_slice %arg7[%mul3A_47, %dma_start3A_71] : memref<40x128xi32, #tpu.memory_space<vmem>> -> memref<1x128xi32, #tpu.memory_space<vmem>>
        %dma_start3A_73 = tpu.memref_squeeze %dma_start3A_72 : memref<1x128xi32, #tpu.memory_space<vmem>> -> memref<128xi32, #tpu.memory_space<vmem>>
        %dma_start3A_74 = arith.constant 0 : i32
        %dma_start3A_75 = arith.constant 0 : i32
        %dma_start3A_76 = tpu.memref_slice %arg10[%dma_start3A_74, %dma_start3A_75] : memref<10112x128xf32, #tpu.memory_space<vmem_shared>> -> memref<10112x128xf32, #tpu.memory_space<vmem_shared>>
        tpu.enqueue_indirect_dma source(%arg8 : memref<128x128xf32, #tpu.memory_space<vmem>>) target(%dma_start3A_76 : memref<10112x128xf32, #tpu.memory_space<vmem_shared>>) offsets(%dma_start3A_73 : memref<128xi32, #tpu.memory_space<vmem>>) semaphore(%run_scoped3A : memref<!tpu.dma_semaphore, #tpu.memory_space<semaphore_mem>>) {add = true}
        %dma_wait3A_77 = arith.constant 0 : i32
        %dma_wait3A_78 = tpu.memref_slice %arg7[%mul3A_47, %dma_wait3A_77] : memref<40x128xi32, #tpu.memory_space<vmem>> -> memref<1x128xi32, #tpu.memory_space<vmem>>
        %dma_wait3A_79 = tpu.memref_squeeze %dma_wait3A_78 : memref<1x128xi32, #tpu.memory_space<vmem>> -> memref<128xi32, #tpu.memory_space<vmem>>
        %dma_wait3A_80 = arith.constant 0 : i32
        %dma_wait3A_81 = arith.constant 0 : i32
        %dma_wait3A_82 = tpu.memref_slice %arg10[%dma_wait3A_80, %dma_wait3A_81] : memref<10112x128xf32, #tpu.memory_space<vmem_shared>> -> memref<10112x128xf32, #tpu.memory_space<vmem_shared>>
        tpu.wait_indirect_dma semaphore(%run_scoped3A : memref<!tpu.dma_semaphore, #tpu.memory_space<semaphore_mem>>) src(%arg8 : memref<128x128xf32, #tpu.memory_space<vmem>>) dst(%dma_wait3A_82 : memref<10112x128xf32, #tpu.memory_space<vmem_shared>>)
        tpu.yield
      }) : () -> ()
      %dma_wait3A_61 = arith.constant 0 : i32
      %dma_wait3A_62 = arith.constant 0 : i32
      %dma_wait3A_63 = tpu.memref_slice %arg2[%dma_wait3A_61, %dma_wait3A_62] : memref<10000x128xf32, #tpu.memory_space<hbm>> -> memref<128x128xf32, #tpu.memory_space<hbm>>
      %dma_wait3A_64 = arith.constant 0 : i32
      %dma_wait3A_65 = arith.constant 0 : i32
      %dma_wait3A_66 = tpu.memref_slice %arg2[%dma_wait3A_64, %dma_wait3A_65] : memref<10000x128xf32, #tpu.memory_space<hbm>> -> memref<128x128xf32, #tpu.memory_space<hbm>>
      tpu.wait_dma2 semaphore(%arg11 : memref<!tpu.dma_semaphore, #tpu.memory_space<semaphore_mem>>) src(%dma_wait3A_66 : memref<128x128xf32, #tpu.memory_space<hbm>>) dst(%arg9 : memref<128x128xf32, #tpu.memory_space<vmem>>)
      %lt3A = arith.constant 19 : i32
      %lt3A_67 = arith.cmpi slt, %scan3A_45, %lt3A : i32
      %convert_element_type3A = arith.extui %lt3A_67 : i1 to i32
      %cond3A = arith.constant 0 : i32
      %cond3A_68 = arith.cmpi ne, %convert_element_type3A, %cond3A : i32
      scf.if %cond3A_68 {
        %add3A_71 = arith.constant 2 : i32
        %add3A_72 = arith.addi %mul3A_47, %add3A_71 : i32
        %dma_start3A_73 = arith.constant 0 : i32
        %dma_start3A_74 = tpu.memref_slice %arg6[%add3A_72, %dma_start3A_73] : memref<40x128xi32, #tpu.memory_space<vmem>> -> memref<1x128xi32, #tpu.memory_space<vmem>>
        %dma_start3A_75 = tpu.memref_squeeze %dma_start3A_74 : memref<1x128xi32, #tpu.memory_space<vmem>> -> memref<128xi32, #tpu.memory_space<vmem>>
        %dma_start3A_76 = arith.constant 0 : i32
        %dma_start3A_77 = arith.constant 0 : i32
        %dma_start3A_78 = tpu.memref_slice %arg2[%dma_start3A_76, %dma_start3A_77] : memref<10000x128xf32, #tpu.memory_space<hbm>> -> memref<10000x128xf32, #tpu.memory_space<hbm>>
        tpu.enqueue_indirect_dma source(%dma_start3A_78 : memref<10000x128xf32, #tpu.memory_space<hbm>>) target(%arg8 : memref<128x128xf32, #tpu.memory_space<vmem>>) offsets(%dma_start3A_75 : memref<128xi32, #tpu.memory_space<vmem>>) semaphore(%arg11 : memref<!tpu.dma_semaphore, #tpu.memory_space<semaphore_mem>>)
      } else {
      }
      %add3A_69 = arith.constant 1 : i32
      %add3A_70 = arith.addi %mul3A_47, %add3A_69 : i32
      "tpu.region"() ({
        %run_scoped3A = tpu.sem_alloc : memref<!tpu.dma_semaphore, #tpu.memory_space<semaphore_mem>>
        %dma_start3A_71 = arith.constant 0 : i32
        %dma_start3A_72 = tpu.memref_slice %arg7[%add3A_70, %dma_start3A_71] : memref<40x128xi32, #tpu.memory_space<vmem>> -> memref<1x128xi32, #tpu.memory_space<vmem>>
        %dma_start3A_73 = tpu.memref_squeeze %dma_start3A_72 : memref<1x128xi32, #tpu.memory_space<vmem>> -> memref<128xi32, #tpu.memory_space<vmem>>
        %dma_start3A_74 = arith.constant 0 : i32
        %dma_start3A_75 = arith.constant 0 : i32
        %dma_start3A_76 = tpu.memref_slice %arg10[%dma_start3A_74, %dma_start3A_75] : memref<10112x128xf32, #tpu.memory_space<vmem_shared>> -> memref<10112x128xf32, #tpu.memory_space<vmem_shared>>
        tpu.enqueue_indirect_dma source(%arg9 : memref<128x128xf32, #tpu.memory_space<vmem>>) target(%dma_start3A_76 : memref<10112x128xf32, #tpu.memory_space<vmem_shared>>) offsets(%dma_start3A_73 : memref<128xi32, #tpu.memory_space<vmem>>) semaphore(%run_scoped3A : memref<!tpu.dma_semaphore, #tpu.memory_space<semaphore_mem>>) {add = true}
        %dma_wait3A_77 = arith.constant 0 : i32
        %dma_wait3A_78 = tpu.memref_slice %arg7[%add3A_70, %dma_wait3A_77] : memref<40x128xi32, #tpu.memory_space<vmem>> -> memref<1x128xi32, #tpu.memory_space<vmem>>
        %dma_wait3A_79 = tpu.memref_squeeze %dma_wait3A_78 : memref<1x128xi32, #tpu.memory_space<vmem>> -> memref<128xi32, #tpu.memory_space<vmem>>
        %dma_wait3A_80 = arith.constant 0 : i32
        %dma_wait3A_81 = arith.constant 0 : i32
        %dma_wait3A_82 = tpu.memref_slice %arg10[%dma_wait3A_80, %dma_wait3A_81] : memref<10112x128xf32, #tpu.memory_space<vmem_shared>> -> memref<10112x128xf32, #tpu.memory_space<vmem_shared>>
        tpu.wait_indirect_dma semaphore(%run_scoped3A : memref<!tpu.dma_semaphore, #tpu.memory_space<semaphore_mem>>) src(%arg9 : memref<128x128xf32, #tpu.memory_space<vmem>>) dst(%dma_wait3A_82 : memref<10112x128xf32, #tpu.memory_space<vmem_shared>>)
        tpu.yield
      }) : () -> ()
    }
    %scan3A_43 = arith.constant 20 : i32
    %barrier3A_44 = arith.constant 0 : index
    tpu.barrier barrier_id(%barrier3A_44)
    "tpu.region"() ({
      %run_scoped3A = tpu.sem_alloc : memref<!tpu.dma_semaphore, #tpu.memory_space<semaphore_mem>>
      %dma_start3A_45 = arith.constant 0 : i32
      %dma_start3A_46 = tpu.memref_slice %arg5[%arg0, %mul3A_2, %dma_start3A_45] : memref<2x10112x128xf32, #tpu.memory_space<hbm>> -> memref<1x632x128xf32, #tpu.memory_space<hbm>>
      %dma_start3A_47 = tpu.memref_squeeze %dma_start3A_46 : memref<1x632x128xf32, #tpu.memory_space<hbm>> -> memref<632x128xf32, #tpu.memory_space<hbm>>
      %dma_start3A_48 = arith.constant 0 : i32
      %dma_start3A_49 = tpu.memref_slice %arg10[%mul3A_2, %dma_start3A_48] : memref<10112x128xf32, #tpu.memory_space<vmem_shared>> -> memref<632x128xf32, #tpu.memory_space<vmem_shared>>
      tpu.enqueue_dma source(%dma_start3A_49 : memref<632x128xf32, #tpu.memory_space<vmem_shared>>) target(%dma_start3A_47 : memref<632x128xf32, #tpu.memory_space<hbm>>) target_semaphore(%run_scoped3A : memref<!tpu.dma_semaphore, #tpu.memory_space<semaphore_mem>>)
      %dma_wait3A = arith.constant 0 : i32
      %dma_wait3A_50 = tpu.memref_slice %arg5[%arg0, %mul3A_2, %dma_wait3A] : memref<2x10112x128xf32, #tpu.memory_space<hbm>> -> memref<1x632x128xf32, #tpu.memory_space<hbm>>
      %dma_wait3A_51 = tpu.memref_squeeze %dma_wait3A_50 : memref<1x632x128xf32, #tpu.memory_space<hbm>> -> memref<632x128xf32, #tpu.memory_space<hbm>>
      %dma_wait3A_52 = arith.constant 0 : i32
      %dma_wait3A_53 = tpu.memref_slice %arg10[%mul3A_2, %dma_wait3A_52] : memref<10112x128xf32, #tpu.memory_space<vmem_shared>> -> memref<632x128xf32, #tpu.memory_space<vmem_shared>>
      tpu.wait_dma2 semaphore(%run_scoped3A : memref<!tpu.dma_semaphore, #tpu.memory_space<semaphore_mem>>) src(%dma_wait3A_53 : memref<632x128xf32, #tpu.memory_space<vmem_shared>>) dst(%dma_wait3A_51 : memref<632x128xf32, #tpu.memory_space<hbm>>)
      tpu.yield
    }) : () -> ()
    return
  }
}

module attributes {stable_mosaic.version = 14 : i64} {
  func.func @_l1_body(%arg0: i32, %arg1: memref<2x1000x128xf32, #tpu.memory_space<vmem>>, %arg2: memref<1000x128xf32, #tpu.memory_space<vmem>>, %arg3: memref<2x1000x16xf32, #tpu.memory_space<vmem>>, %arg4: memref<128x256xf32, #tpu.memory_space<vmem>>, %arg5: memref<1x256xf32, #tpu.memory_space<vmem>>, %arg6: memref<1000x128xf32, #tpu.memory_space<vmem>>, %arg7: memref<1000x128xf32, #tpu.memory_space<vmem>>) attributes {dimension_semantics = [#tpu.dimension_semantics<arbitrary>], iteration_bounds = array<i64: 10>, scalar_prefetch = 0 : i64, scratch_operands = 0 : i64, tpu.core_type = #tpu.core_type<tc>, window_params = [{transform_indices = @transform_0, window_bounds = array<i64: 2, 1000, 128>}, {transform_indices = @transform_1, window_bounds = array<i64: 1000, 128>}, {transform_indices = @transform_2, window_bounds = array<i64: 2, 1000, 16>}, {pipeline_mode = #tpu.pipeline_mode<synchronous>, transform_indices = @transform_3, window_bounds = array<i64: 128, 256>}, {pipeline_mode = #tpu.pipeline_mode<synchronous>, transform_indices = @transform_4, window_bounds = array<i64: 1, 256>}, {transform_indices = @transform_5, window_bounds = array<i64: 1000, 128>}, {transform_indices = @transform_6, window_bounds = array<i64: 1000, 128>}]} {
    %get3A = arith.constant 0 : index
    %get3A_0 = arith.constant 0 : index
    %get3A_1 = arith.constant 0 : index
    %get3A_2 = vector.load %arg3[%get3A, %get3A_0, %get3A_1] : memref<2x1000x16xf32, #tpu.memory_space<vmem>>, vector<1x1000x1xf32>
    %get3A_3 = vector.shape_cast %get3A_2 : vector<1x1000x1xf32> to vector<1000x1xf32>
    %get3A_4 = arith.constant 1 : index
    %get3A_5 = arith.constant 0 : index
    %get3A_6 = arith.constant 0 : index
    %get3A_7 = vector.load %arg3[%get3A_4, %get3A_5, %get3A_6] : memref<2x1000x16xf32, #tpu.memory_space<vmem>>, vector<1x1000x1xf32>
    %get3A_8 = vector.shape_cast %get3A_7 : vector<1x1000x1xf32> to vector<1000x1xf32>
    %add3A = arith.addf %get3A_3, %get3A_8 : vector<1000x1xf32>
    %add3A_9 = arith.constant 1.000000e+00 : f32
    %add3A_10 = vector.broadcast %add3A_9 : f32 to vector<1000x1xf32>
    %add3A_11 = arith.addf %add3A, %add3A_10 : vector<1000x1xf32>
    %rsqrt3A = math.rsqrt %add3A_11 : vector<1000x1xf32>
    %get3A_12 = arith.constant 0 : index
    %get3A_13 = arith.constant 0 : index
    %get3A_14 = arith.constant 0 : index
    %get3A_15 = vector.load %arg1[%get3A_12, %get3A_13, %get3A_14] : memref<2x1000x128xf32, #tpu.memory_space<vmem>>, vector<1x1000x128xf32>
    %get3A_16 = vector.shape_cast %get3A_15 : vector<1x1000x128xf32> to vector<1000x128xf32>
    %get3A_17 = arith.constant 1 : index
    %get3A_18 = arith.constant 0 : index
    %get3A_19 = arith.constant 0 : index
    %get3A_20 = vector.load %arg1[%get3A_17, %get3A_18, %get3A_19] : memref<2x1000x128xf32, #tpu.memory_space<vmem>>, vector<1x1000x128xf32>
    %get3A_21 = vector.shape_cast %get3A_20 : vector<1x1000x128xf32> to vector<1000x128xf32>
    %add3A_22 = arith.addf %get3A_16, %get3A_21 : vector<1000x128xf32>
    %get3A_23 = arith.constant 0 : index
    %get3A_24 = arith.constant 0 : index
    %get3A_25 = vector.load %arg2[%get3A_23, %get3A_24] : memref<1000x128xf32, #tpu.memory_space<vmem>>, vector<1000x128xf32>
    %add3A_26 = arith.addf %add3A_22, %get3A_25 : vector<1000x128xf32>
    %mul3A = vector.broadcast %rsqrt3A : vector<1000x1xf32> to vector<1000x128xf32>
    %mul3A_27 = arith.mulf %mul3A, %add3A_26 : vector<1000x128xf32>
    %get3A_28 = arith.constant 0 : index
    %get3A_29 = arith.constant 0 : index
    %get3A_30 = vector.load %arg4[%get3A_28, %get3A_29] : memref<128x256xf32, #tpu.memory_space<vmem>>, vector<128x256xf32>
    %dot_general3A = arith.constant dense<0.000000e+00> : vector<1000x256xf32>
    %dot_general3A_31 = tpu.matmul %mul3A_27, %get3A_30, %dot_general3A {dimension_numbers = #tpu.dot_dimension_numbers<[1], [0], [0], [1], [0, 0, 1, 1], [], []>, transpose_lhs_hint = false} : vector<1000x128xf32>, vector<128x256xf32>, vector<1000x256xf32> -> vector<1000x256xf32>
    %get3A_32 = arith.constant 0 : index
    %get3A_33 = arith.constant 0 : index
    %get3A_34 = vector.load %arg5[%get3A_32, %get3A_33] : memref<1x256xf32, #tpu.memory_space<vmem>>, vector<1x256xf32>
    %add3A_35 = vector.broadcast %get3A_34 : vector<1x256xf32> to vector<1000x256xf32>
    %add3A_36 = arith.addf %dot_general3A_31, %add3A_35 : vector<1000x256xf32>
    %max3A = arith.constant 0.000000e+00 : f32
    %max3A_37 = vector.broadcast %max3A : f32 to vector<1000x256xf32>
    %max3A_38 = arith.maximumf %add3A_36, %max3A_37 : vector<1000x256xf32>
    %mul3A_39 = vector.broadcast %rsqrt3A : vector<1000x1xf32> to vector<1000x256xf32>
    %mul3A_40 = arith.mulf %mul3A_39, %max3A_38 : vector<1000x256xf32>
    %slice3A = vector.extract_strided_slice %mul3A_40 {offsets = [0, 0], sizes = [1000, 128], strides = [1, 1]} : vector<1000x256xf32> to vector<1000x128xf32>
    %swap3A = arith.constant 0 : index
    %swap3A_41 = arith.constant 0 : index
    %swap3A_42 = vector.load %arg6[%swap3A, %swap3A_41] : memref<1000x128xf32, #tpu.memory_space<vmem>>, vector<1000x128xf32>
    tpu.vector_store %arg6[%swap3A, %swap3A_41], %slice3A {strides = array<i32>} : memref<1000x128xf32, #tpu.memory_space<vmem>>, vector<1000x128xf32>,
    %slice3A_43 = vector.extract_strided_slice %mul3A_40 {offsets = [0, 128], sizes = [1000, 128], strides = [1, 1]} : vector<1000x256xf32> to vector<1000x128xf32>
    %swap3A_44 = arith.constant 0 : index
    %swap3A_45 = arith.constant 0 : index
    %swap3A_46 = vector.load %arg7[%swap3A_44, %swap3A_45] : memref<1000x128xf32, #tpu.memory_space<vmem>>, vector<1000x128xf32>
    tpu.vector_store %arg7[%swap3A_44, %swap3A_45], %slice3A_43 {strides = array<i32>} : memref<1000x128xf32, #tpu.memory_space<vmem>>, vector<1000x128xf32>,
    return
  }
  func.func @transform_0(%arg0: i32) -> (i32, i32, i32) {
    %c0_i32 = arith.constant 0 : i32
    %c0_i32_0 = arith.constant 0 : i32
    %c0_i32_1 = arith.constant 0 : i32
    return %c0_i32, %arg0, %c0_i32_0 : i32, i32, i32
  }
  func.func @transform_1(%arg0: i32) -> (i32, i32) {
    %c0_i32 = arith.constant 0 : i32
    %c0_i32_0 = arith.constant 0 : i32
    return %arg0, %c0_i32 : i32, i32
  }
  func.func @transform_2(%arg0: i32) -> (i32, i32, i32) {
    %c0_i32 = arith.constant 0 : i32
    %c0_i32_0 = arith.constant 0 : i32
    %c0_i32_1 = arith.constant 0 : i32
    return %c0_i32, %arg0, %c0_i32_0 : i32, i32, i32
  }
  func.func @transform_3(%arg0: i32) -> (i32, i32) {
    %c0_i32 = arith.constant 0 : i32
    %c0_i32_0 = arith.constant 0 : i32
    %c0_i32_1 = arith.constant 0 : i32
    return %c0_i32, %c0_i32_0 : i32, i32
  }
  func.func @transform_4(%arg0: i32) -> (i32, i32) {
    %c0_i32 = arith.constant 0 : i32
    %c0_i32_0 = arith.constant 0 : i32
    %c0_i32_1 = arith.constant 0 : i32
    return %c0_i32, %c0_i32_0 : i32, i32
  }
  func.func @transform_5(%arg0: i32) -> (i32, i32) {
    %c0_i32 = arith.constant 0 : i32
    %c0_i32_0 = arith.constant 0 : i32
    return %arg0, %c0_i32 : i32, i32
  }
  func.func @transform_6(%arg0: i32) -> (i32, i32) {
    %c0_i32 = arith.constant 0 : i32
    %c0_i32_0 = arith.constant 0 : i32
    return %arg0, %c0_i32 : i32, i32
  }
}

module attributes {stable_mosaic.version = 14 : i64} {
  func.func @_scale_body(%arg0: i32, %arg1: memref<1000x128xf32, #tpu.memory_space<vmem>>, %arg2: memref<2x1000x16xf32, #tpu.memory_space<vmem>>, %arg3: memref<1000x128xf32, #tpu.memory_space<vmem>>) attributes {dimension_semantics = [#tpu.dimension_semantics<arbitrary>], iteration_bounds = array<i64: 10>, scalar_prefetch = 0 : i64, scratch_operands = 0 : i64, tpu.core_type = #tpu.core_type<tc>, window_params = [{transform_indices = @transform_0, window_bounds = array<i64: 1000, 128>}, {transform_indices = @transform_1, window_bounds = array<i64: 2, 1000, 16>}, {transform_indices = @transform_2, window_bounds = array<i64: 1000, 128>}]} {
    %get3A = arith.constant 0 : index
    %get3A_0 = arith.constant 0 : index
    %get3A_1 = vector.load %arg1[%get3A, %get3A_0] : memref<1000x128xf32, #tpu.memory_space<vmem>>, vector<1000x128xf32>
    %get3A_2 = arith.constant 0 : index
    %get3A_3 = arith.constant 0 : index
    %get3A_4 = arith.constant 0 : index
    %get3A_5 = vector.load %arg2[%get3A_2, %get3A_3, %get3A_4] : memref<2x1000x16xf32, #tpu.memory_space<vmem>>, vector<1x1000x1xf32>
    %get3A_6 = vector.shape_cast %get3A_5 : vector<1x1000x1xf32> to vector<1000x1xf32>
    %get3A_7 = arith.constant 1 : index
    %get3A_8 = arith.constant 0 : index
    %get3A_9 = arith.constant 0 : index
    %get3A_10 = vector.load %arg2[%get3A_7, %get3A_8, %get3A_9] : memref<2x1000x16xf32, #tpu.memory_space<vmem>>, vector<1x1000x1xf32>
    %get3A_11 = vector.shape_cast %get3A_10 : vector<1x1000x1xf32> to vector<1000x1xf32>
    %add3A = arith.addf %get3A_6, %get3A_11 : vector<1000x1xf32>
    %add3A_12 = arith.constant 1.000000e+00 : f32
    %add3A_13 = vector.broadcast %add3A_12 : f32 to vector<1000x1xf32>
    %add3A_14 = arith.addf %add3A, %add3A_13 : vector<1000x1xf32>
    %rsqrt3A = math.rsqrt %add3A_14 : vector<1000x1xf32>
    %mul3A = vector.broadcast %rsqrt3A : vector<1000x1xf32> to vector<1000x128xf32>
    %mul3A_15 = arith.mulf %get3A_1, %mul3A : vector<1000x128xf32>
    %swap3A = arith.constant 0 : index
    %swap3A_16 = arith.constant 0 : index
    %swap3A_17 = vector.load %arg3[%swap3A, %swap3A_16] : memref<1000x128xf32, #tpu.memory_space<vmem>>, vector<1000x128xf32>
    tpu.vector_store %arg3[%swap3A, %swap3A_16], %mul3A_15 {strides = array<i32>} : memref<1000x128xf32, #tpu.memory_space<vmem>>, vector<1000x128xf32>,
    return
  }
  func.func @transform_0(%arg0: i32) -> (i32, i32) {
    %c0_i32 = arith.constant 0 : i32
    %c0_i32_0 = arith.constant 0 : i32
    return %arg0, %c0_i32 : i32, i32
  }
  func.func @transform_1(%arg0: i32) -> (i32, i32, i32) {
    %c0_i32 = arith.constant 0 : i32
    %c0_i32_0 = arith.constant 0 : i32
    %c0_i32_1 = arith.constant 0 : i32
    return %c0_i32, %arg0, %c0_i32_0 : i32, i32, i32
  }
  func.func @transform_2(%arg0: i32) -> (i32, i32) {
    %c0_i32 = arith.constant 0 : i32
    %c0_i32_0 = arith.constant 0 : i32
    return %arg0, %c0_i32 : i32, i32
  }
}

module attributes {stable_mosaic.version = 14 : i64} {
  func.func @_l2_body(%arg0: i32, %arg1: memref<2x1000x128xf32, #tpu.memory_space<vmem>>, %arg2: memref<2x1000x128xf32, #tpu.memory_space<vmem>>, %arg3: memref<1000x128xf32, #tpu.memory_space<vmem>>, %arg4: memref<1000x128xf32, #tpu.memory_space<vmem>>, %arg5: memref<2x1000x16xf32, #tpu.memory_space<vmem>>, %arg6: memref<256x256xf32, #tpu.memory_space<vmem>>, %arg7: memref<1x256xf32, #tpu.memory_space<vmem>>, %arg8: memref<256x128xf32, #tpu.memory_space<vmem>>, %arg9: memref<1000x128xf32, #tpu.memory_space<vmem>>) attributes {dimension_semantics = [#tpu.dimension_semantics<arbitrary>], iteration_bounds = array<i64: 10>, scalar_prefetch = 0 : i64, scratch_operands = 0 : i64, tpu.core_type = #tpu.core_type<tc>, window_params = [{transform_indices = @transform_0, window_bounds = array<i64: 2, 1000, 128>}, {transform_indices = @transform_1, window_bounds = array<i64: 2, 1000, 128>}, {transform_indices = @transform_2, window_bounds = array<i64: 1000, 128>}, {transform_indices = @transform_3, window_bounds = array<i64: 1000, 128>}, {transform_indices = @transform_4, window_bounds = array<i64: 2, 1000, 16>}, {pipeline_mode = #tpu.pipeline_mode<synchronous>, transform_indices = @transform_5, window_bounds = array<i64: 256, 256>}, {pipeline_mode = #tpu.pipeline_mode<synchronous>, transform_indices = @transform_6, window_bounds = array<i64: 1, 256>}, {pipeline_mode = #tpu.pipeline_mode<synchronous>, transform_indices = @transform_7, window_bounds = array<i64: 256, 128>}, {transform_indices = @transform_8, window_bounds = array<i64: 1000, 128>}]} {
    %get3A = arith.constant 0 : index
    %get3A_0 = arith.constant 0 : index
    %get3A_1 = arith.constant 0 : index
    %get3A_2 = vector.load %arg5[%get3A, %get3A_0, %get3A_1] : memref<2x1000x16xf32, #tpu.memory_space<vmem>>, vector<1x1000x1xf32>
    %get3A_3 = vector.shape_cast %get3A_2 : vector<1x1000x1xf32> to vector<1000x1xf32>
    %get3A_4 = arith.constant 1 : index
    %get3A_5 = arith.constant 0 : index
    %get3A_6 = arith.constant 0 : index
    %get3A_7 = vector.load %arg5[%get3A_4, %get3A_5, %get3A_6] : memref<2x1000x16xf32, #tpu.memory_space<vmem>>, vector<1x1000x1xf32>
    %get3A_8 = vector.shape_cast %get3A_7 : vector<1x1000x1xf32> to vector<1000x1xf32>
    %add3A = arith.addf %get3A_3, %get3A_8 : vector<1000x1xf32>
    %add3A_9 = arith.constant 1.000000e+00 : f32
    %add3A_10 = vector.broadcast %add3A_9 : f32 to vector<1000x1xf32>
    %add3A_11 = arith.addf %add3A, %add3A_10 : vector<1000x1xf32>
    %rsqrt3A = math.rsqrt %add3A_11 : vector<1000x1xf32>
    %get3A_12 = arith.constant 0 : index
    %get3A_13 = arith.constant 0 : index
    %get3A_14 = arith.constant 0 : index
    %get3A_15 = vector.load %arg1[%get3A_12, %get3A_13, %get3A_14] : memref<2x1000x128xf32, #tpu.memory_space<vmem>>, vector<1x1000x128xf32>
    %get3A_16 = vector.shape_cast %get3A_15 : vector<1x1000x128xf32> to vector<1000x128xf32>
    %get3A_17 = arith.constant 1 : index
    %get3A_18 = arith.constant 0 : index
    %get3A_19 = arith.constant 0 : index
    %get3A_20 = vector.load %arg1[%get3A_17, %get3A_18, %get3A_19] : memref<2x1000x128xf32, #tpu.memory_space<vmem>>, vector<1x1000x128xf32>
    %get3A_21 = vector.shape_cast %get3A_20 : vector<1x1000x128xf32> to vector<1000x128xf32>
    %add3A_22 = arith.addf %get3A_16, %get3A_21 : vector<1000x128xf32>
    %get3A_23 = arith.constant 0 : index
    %get3A_24 = arith.constant 0 : index
    %get3A_25 = vector.load %arg3[%get3A_23, %get3A_24] : memref<1000x128xf32, #tpu.memory_space<vmem>>, vector<1000x128xf32>
    %add3A_26 = arith.addf %add3A_22, %get3A_25 : vector<1000x128xf32>
    %mul3A = vector.broadcast %rsqrt3A : vector<1000x1xf32> to vector<1000x128xf32>
    %mul3A_27 = arith.mulf %mul3A, %add3A_26 : vector<1000x128xf32>
    %get3A_28 = arith.constant 0 : index
    %get3A_29 = arith.constant 0 : index
    %get3A_30 = arith.constant 0 : index
    %get3A_31 = vector.load %arg2[%get3A_28, %get3A_29, %get3A_30] : memref<2x1000x128xf32, #tpu.memory_space<vmem>>, vector<1x1000x128xf32>
    %get3A_32 = vector.shape_cast %get3A_31 : vector<1x1000x128xf32> to vector<1000x128xf32>
    %get3A_33 = arith.constant 1 : index
    %get3A_34 = arith.constant 0 : index
    %get3A_35 = arith.constant 0 : index
    %get3A_36 = vector.load %arg2[%get3A_33, %get3A_34, %get3A_35] : memref<2x1000x128xf32, #tpu.memory_space<vmem>>, vector<1x1000x128xf32>
    %get3A_37 = vector.shape_cast %get3A_36 : vector<1x1000x128xf32> to vector<1000x128xf32>
    %add3A_38 = arith.addf %get3A_32, %get3A_37 : vector<1000x128xf32>
    %get3A_39 = arith.constant 0 : index
    %get3A_40 = arith.constant 0 : index
    %get3A_41 = vector.load %arg4[%get3A_39, %get3A_40] : memref<1000x128xf32, #tpu.memory_space<vmem>>, vector<1000x128xf32>
    %add3A_42 = arith.addf %add3A_38, %get3A_41 : vector<1000x128xf32>
    %mul3A_43 = vector.broadcast %rsqrt3A : vector<1000x1xf32> to vector<1000x128xf32>
    %mul3A_44 = arith.mulf %mul3A_43, %add3A_42 : vector<1000x128xf32>
    %concatenate3A = tpu.concatenate %mul3A_27, %mul3A_44 in 1 : vector<1000x128xf32>, vector<1000x128xf32> -> vector<1000x256xf32>
    %get3A_45 = arith.constant 0 : index
    %get3A_46 = arith.constant 0 : index
    %get3A_47 = vector.load %arg6[%get3A_45, %get3A_46] : memref<256x256xf32, #tpu.memory_space<vmem>>, vector<256x256xf32>
    %dot_general3A = arith.constant dense<0.000000e+00> : vector<1000x256xf32>
    %dot_general3A_48 = tpu.matmul %concatenate3A, %get3A_47, %dot_general3A {dimension_numbers = #tpu.dot_dimension_numbers<[1], [0], [0], [1], [0, 0, 1, 1], [], []>, transpose_lhs_hint = false} : vector<1000x256xf32>, vector<256x256xf32>, vector<1000x256xf32> -> vector<1000x256xf32>
    %get3A_49 = arith.constant 0 : index
    %get3A_50 = arith.constant 0 : index
    %get3A_51 = vector.load %arg7[%get3A_49, %get3A_50] : memref<1x256xf32, #tpu.memory_space<vmem>>, vector<1x256xf32>
    %add3A_52 = vector.broadcast %get3A_51 : vector<1x256xf32> to vector<1000x256xf32>
    %add3A_53 = arith.addf %dot_general3A_48, %add3A_52 : vector<1000x256xf32>
    %max3A = arith.constant 0.000000e+00 : f32
    %max3A_54 = vector.broadcast %max3A : f32 to vector<1000x256xf32>
    %max3A_55 = arith.maximumf %add3A_53, %max3A_54 : vector<1000x256xf32>
    %get3A_56 = arith.constant 0 : index
    %get3A_57 = arith.constant 0 : index
    %get3A_58 = vector.load %arg8[%get3A_56, %get3A_57] : memref<256x128xf32, #tpu.memory_space<vmem>>, vector<256x128xf32>
    %dot_general3A_59 = arith.constant dense<0.000000e+00> : vector<1000x128xf32>
    %dot_general3A_60 = tpu.matmul %max3A_55, %get3A_58, %dot_general3A_59 {dimension_numbers = #tpu.dot_dimension_numbers<[1], [0], [0], [1], [0, 0, 1, 1], [], []>, transpose_lhs_hint = false} : vector<1000x256xf32>, vector<256x128xf32>, vector<1000x128xf32> -> vector<1000x128xf32>
    %mul3A_61 = vector.broadcast %rsqrt3A : vector<1000x1xf32> to vector<1000x128xf32>
    %mul3A_62 = arith.mulf %mul3A_61, %dot_general3A_60 : vector<1000x128xf32>
    %swap3A = arith.constant 0 : index
    %swap3A_63 = arith.constant 0 : index
    %swap3A_64 = vector.load %arg9[%swap3A, %swap3A_63] : memref<1000x128xf32, #tpu.memory_space<vmem>>, vector<1000x128xf32>
    tpu.vector_store %arg9[%swap3A, %swap3A_63], %mul3A_62 {strides = array<i32>} : memref<1000x128xf32, #tpu.memory_space<vmem>>, vector<1000x128xf32>,
    return
  }
  func.func @transform_0(%arg0: i32) -> (i32, i32, i32) {
    %c0_i32 = arith.constant 0 : i32
    %c0_i32_0 = arith.constant 0 : i32
    %c0_i32_1 = arith.constant 0 : i32
    return %c0_i32, %arg0, %c0_i32_0 : i32, i32, i32
  }
  func.func @transform_1(%arg0: i32) -> (i32, i32, i32) {
    %c0_i32 = arith.constant 0 : i32
    %c0_i32_0 = arith.constant 0 : i32
    %c0_i32_1 = arith.constant 0 : i32
    return %c0_i32, %arg0, %c0_i32_0 : i32, i32, i32
  }
  func.func @transform_2(%arg0: i32) -> (i32, i32) {
    %c0_i32 = arith.constant 0 : i32
    %c0_i32_0 = arith.constant 0 : i32
    return %arg0, %c0_i32 : i32, i32
  }
  func.func @transform_3(%arg0: i32) -> (i32, i32) {
    %c0_i32 = arith.constant 0 : i32
    %c0_i32_0 = arith.constant 0 : i32
    return %arg0, %c0_i32 : i32, i32
  }
  func.func @transform_4(%arg0: i32) -> (i32, i32, i32) {
    %c0_i32 = arith.constant 0 : i32
    %c0_i32_0 = arith.constant 0 : i32
    %c0_i32_1 = arith.constant 0 : i32
    return %c0_i32, %arg0, %c0_i32_0 : i32, i32, i32
  }
  func.func @transform_5(%arg0: i32) -> (i32, i32) {
    %c0_i32 = arith.constant 0 : i32
    %c0_i32_0 = arith.constant 0 : i32
    %c0_i32_1 = arith.constant 0 : i32
    return %c0_i32, %c0_i32_0 : i32, i32
  }
  func.func @transform_6(%arg0: i32) -> (i32, i32) {
    %c0_i32 = arith.constant 0 : i32
    %c0_i32_0 = arith.constant 0 : i32
    %c0_i32_1 = arith.constant 0 : i32
    return %c0_i32, %c0_i32_0 : i32, i32
  }
  func.func @transform_7(%arg0: i32) -> (i32, i32) {
    %c0_i32 = arith.constant 0 : i32
    %c0_i32_0 = arith.constant 0 : i32
    %c0_i32_1 = arith.constant 0 : i32
    return %c0_i32, %c0_i32_0 : i32, i32
  }
  func.func @transform_8(%arg0: i32) -> (i32, i32) {
    %c0_i32 = arith.constant 0 : i32
    %c0_i32_0 = arith.constant 0 : i32
    return %arg0, %c0_i32 : i32, i32
  }
}

module attributes {stable_mosaic.version = 14 : i64} {
  func.func @_l3_body(%arg0: i32, %arg1: memref<2x1000x128xf32, #tpu.memory_space<vmem>>, %arg2: memref<1000x128xf32, #tpu.memory_space<vmem>>, %arg3: memref<2x1000x16xf32, #tpu.memory_space<vmem>>, %arg4: memref<1x128xf32, #tpu.memory_space<vmem>>, %arg5: memref<1000x128xf32, #tpu.memory_space<vmem>>) attributes {dimension_semantics = [#tpu.dimension_semantics<arbitrary>], iteration_bounds = array<i64: 10>, scalar_prefetch = 0 : i64, scratch_operands = 0 : i64, tpu.core_type = #tpu.core_type<tc>, window_params = [{transform_indices = @transform_0, window_bounds = array<i64: 2, 1000, 128>}, {transform_indices = @transform_1, window_bounds = array<i64: 1000, 128>}, {transform_indices = @transform_2, window_bounds = array<i64: 2, 1000, 16>}, {pipeline_mode = #tpu.pipeline_mode<synchronous>, transform_indices = @transform_3, window_bounds = array<i64: 1, 128>}, {transform_indices = @transform_4, window_bounds = array<i64: 1000, 128>}]} {
    %get3A = arith.constant 0 : index
    %get3A_0 = arith.constant 0 : index
    %get3A_1 = arith.constant 0 : index
    %get3A_2 = vector.load %arg3[%get3A, %get3A_0, %get3A_1] : memref<2x1000x16xf32, #tpu.memory_space<vmem>>, vector<1x1000x1xf32>
    %get3A_3 = vector.shape_cast %get3A_2 : vector<1x1000x1xf32> to vector<1000x1xf32>
    %get3A_4 = arith.constant 1 : index
    %get3A_5 = arith.constant 0 : index
    %get3A_6 = arith.constant 0 : index
    %get3A_7 = vector.load %arg3[%get3A_4, %get3A_5, %get3A_6] : memref<2x1000x16xf32, #tpu.memory_space<vmem>>, vector<1x1000x1xf32>
    %get3A_8 = vector.shape_cast %get3A_7 : vector<1x1000x1xf32> to vector<1000x1xf32>
    %add3A = arith.addf %get3A_3, %get3A_8 : vector<1000x1xf32>
    %add3A_9 = arith.constant 1.000000e+00 : f32
    %add3A_10 = vector.broadcast %add3A_9 : f32 to vector<1000x1xf32>
    %add3A_11 = arith.addf %add3A, %add3A_10 : vector<1000x1xf32>
    %rsqrt3A = math.rsqrt %add3A_11 : vector<1000x1xf32>
    %get3A_12 = arith.constant 0 : index
    %get3A_13 = arith.constant 0 : index
    %get3A_14 = arith.constant 0 : index
    %get3A_15 = vector.load %arg1[%get3A_12, %get3A_13, %get3A_14] : memref<2x1000x128xf32, #tpu.memory_space<vmem>>, vector<1x1000x128xf32>
    %get3A_16 = vector.shape_cast %get3A_15 : vector<1x1000x128xf32> to vector<1000x128xf32>
    %get3A_17 = arith.constant 1 : index
    %get3A_18 = arith.constant 0 : index
    %get3A_19 = arith.constant 0 : index
    %get3A_20 = vector.load %arg1[%get3A_17, %get3A_18, %get3A_19] : memref<2x1000x128xf32, #tpu.memory_space<vmem>>, vector<1x1000x128xf32>
    %get3A_21 = vector.shape_cast %get3A_20 : vector<1x1000x128xf32> to vector<1000x128xf32>
    %add3A_22 = arith.addf %get3A_16, %get3A_21 : vector<1000x128xf32>
    %get3A_23 = arith.constant 0 : index
    %get3A_24 = arith.constant 0 : index
    %get3A_25 = vector.load %arg2[%get3A_23, %get3A_24] : memref<1000x128xf32, #tpu.memory_space<vmem>>, vector<1000x128xf32>
    %add3A_26 = arith.addf %add3A_22, %get3A_25 : vector<1000x128xf32>
    %mul3A = vector.broadcast %rsqrt3A : vector<1000x1xf32> to vector<1000x128xf32>
    %mul3A_27 = arith.mulf %mul3A, %add3A_26 : vector<1000x128xf32>
    %get3A_28 = arith.constant 0 : index
    %get3A_29 = arith.constant 0 : index
    %get3A_30 = vector.load %arg4[%get3A_28, %get3A_29] : memref<1x128xf32, #tpu.memory_space<vmem>>, vector<1x128xf32>
    %add3A_31 = vector.broadcast %get3A_30 : vector<1x128xf32> to vector<1000x128xf32>
    %add3A_32 = arith.addf %mul3A_27, %add3A_31 : vector<1000x128xf32>
    %logistic3A = arith.negf %add3A_32 : vector<1000x128xf32>
    %logistic3A_33 = math.exp %logistic3A : vector<1000x128xf32>
    %logistic3A_34 = arith.constant 1.000000e+00 : f32
    %logistic3A_35 = vector.broadcast %logistic3A_34 : f32 to vector<1000x128xf32>
    %logistic3A_36 = arith.addf %logistic3A_35, %logistic3A_33 : vector<1000x128xf32>
    %logistic3A_37 = arith.divf %logistic3A_35, %logistic3A_36 : vector<1000x128xf32>
    %swap3A = arith.constant 0 : index
    %swap3A_38 = arith.constant 0 : index
    %swap3A_39 = vector.load %arg5[%swap3A, %swap3A_38] : memref<1000x128xf32, #tpu.memory_space<vmem>>, vector<1000x128xf32>
    tpu.vector_store %arg5[%swap3A, %swap3A_38], %logistic3A_37 {strides = array<i32>} : memref<1000x128xf32, #tpu.memory_space<vmem>>, vector<1000x128xf32>,
    return
  }
  func.func @transform_0(%arg0: i32) -> (i32, i32, i32) {
    %c0_i32 = arith.constant 0 : i32
    %c0_i32_0 = arith.constant 0 : i32
    %c0_i32_1 = arith.constant 0 : i32
    return %c0_i32, %arg0, %c0_i32_0 : i32, i32, i32
  }
  func.func @transform_1(%arg0: i32) -> (i32, i32) {
    %c0_i32 = arith.constant 0 : i32
    %c0_i32_0 = arith.constant 0 : i32
    return %arg0, %c0_i32 : i32, i32
  }
  func.func @transform_2(%arg0: i32) -> (i32, i32, i32) {
    %c0_i32 = arith.constant 0 : i32
    %c0_i32_0 = arith.constant 0 : i32
    %c0_i32_1 = arith.constant 0 : i32
    return %c0_i32, %arg0, %c0_i32_0 : i32, i32, i32
  }
  func.func @transform_3(%arg0: i32) -> (i32, i32) {
    %c0_i32 = arith.constant 0 : i32
    %c0_i32_0 = arith.constant 0 : i32
    %c0_i32_1 = arith.constant 0 : i32
    return %c0_i32, %c0_i32_0 : i32, i32
  }
  func.func @transform_4(%arg0: i32) -> (i32, i32) {
    %c0_i32 = arith.constant 0 : i32
    %c0_i32_0 = arith.constant 0 : i32
    return %arg0, %c0_i32 : i32, i32
  }
}

</mosaic_0001>

<sc_bundles>
// kernel: kernel.10.cloned.1.call-start
scs
__scs_entry_jumppad:
0x0: {  	(pc) =	sbr.rel $0x88, $3  }
0x1: {  	(tag) =	ssettag $0x0;
	lr =	simm.s32 $0x1  }
0x2: {  	[smem:$0x3F99] =	sst lr;
	_ =	strace $0xD0000000  }
0x3: {  	_ = 	snop  }
0x4: {  	_ = 	snop  }
0x5: {  	_ = 	snop  }
0x6: {  	_ = 	snop  }
0x7: {  	_ = 	snop  }
__scs_overlays_trampoline_lowered:
0x8: {  	[smem:$0x3FA8] =	sst s0  }
0x9: {  	[smem:$0x3FA9] =	sst s1  }
0xa: {  	[smem:$0x3FAA] =	sst s2  }
0xb: {  	[smem:$0x3FAB] =	sst s3  }
0xc: {  	[smem:$0x3FAC] =	sst s4  }
0xd: {  	[smem:$0x3FAD] =	sst s5  }
0xe: {  	[smem:$0x3FAE] =	sst s6  }
0xf: {  	[smem:$0x3FAF] =	sst s7  }
0x10: {  	[smem:$0x3FB0] =	sst s8  }
0x11: {  	[smem:$0x3FB1] =	sst s9;
	s0 =	simm.s32 @!p0 $0x0  }
0x12: {  	s1 =	sld [smem:$0x3F97];
	s0 =	simm.s32 @p0 $0x1  }
0x13: {  	[smem:$0x3FB2] =	sst s0;
	s0 =	simm.s32 @!p1 $0x0  }
0x14: {  	s2 =	sld [smem:$0x3F96];
	s0 =	simm.s32 @p1 $0x1  }
0x15: {  	[smem:$0x3FB3] =	sst s0;
	s0 =	simm.s32 @!p2 $0x0  }
0x16: {  	s3 =	sld [smem:$0x3FDB];
	s0 =	simm.s32 @p2 $0x1  }
0x17: {  	s4 =	simm.s32 $0x1BF5;
	[smem:$0x3FB5] =	sst s0  }
0x18: {  	s0 =	sld [smem:$0x3F98];
	_ =	swait.ge [sflag:s4], $0x0  }
0x19: {  	s7 =	sld [smem:$0x3F99]  }
0x1a: {  	s8 =	sadd.s32 $0xFFFFE003, lr  }
0x1b: {  	s9 =	sadd.s32 $0xFFFFFEF7, lr;
	s5 =	simm.s32 $0xFFFFFFFF;
	p2 =	slt.u32 s8, $0xFFFFF086  }
0x1c: {  	p1 =	slt.u32 s9, $0xF7A;
	s5 =	simm.s32 @!p2 $0x0  }
0x1d: {  	s5 =	simm.s32 @p1 $0x1;
	p0 =	seq.s32 s7, s2  }
0x1e: {  	s7 =	smul.u32 @!p0 $0xF7A, s2;
	p2 =	seq.s32 @!p0 s5, $0x0  }
0x1f: {  	s9 =	smul.u32 $0xF7A, s1;
	s8 =	simm.s32 @!p0 $0x1BF5;
	p2 =	por !p2, p0  }
0x20: {  	[sflag:s8] =	ssyncset.s32 @!p0 $0xFFFFF086;
	s6 =	sadd.s32 @!p0 s3, s7;
	s7 =	simm.s32 @!p0 $0x108  }
0x21: {  	s3 =	sadd.s32 s3, s9;
	s6 =	sadd.s32 @!p0 $0x88, s6;
	s7 =	simm.s32 @p2 $0x1082  }
0x22: {  	[simem:s7], [sflag:s8] =	dma.local @!p0 [hbm:s6], $0xF7A  }
0x23: {  	s9 =	sor.u32 $0xD0000000, s2;
	s6 =	simm.s32 $0x108;
	_ =	swait.ge @!p0 [sflag:s8], $0x0  }
0x24: {  	s3 =	sadd.s32 $0x88, s3;
	s6 =	simm.s32 @!p1 $0x1082;
	[sflag:s4] =	ssyncset.s32 $0xFFFFF086  }
0x25: {  	[simem:s6], [sflag:s4] =	dma.local [hbm:s3], $0xF7A  }
0x26: {  	[smem:$0x3F99] =	sst s1;
	(tag) =	ssettag s2;
	_ =	strace s9  }
0x27: {  	s1 =	sld [smem:$0x3FA9]  }
0x28: {  	s2 =	sld [smem:$0x3FAA]  }
0x29: {  	s4 =	sld [smem:$0x3FAC]  }
0x2a: {  	p0 =	seq.s32 s5, $0x0;
	s5 =	sld [smem:$0x3FAD]  }
0x2b: {  	s6 =	sld [smem:$0x3FAE]  }
0x2c: {  	s7 =	sld [smem:$0x3FAF]  }
0x2d: {  	s3 =	simm.s32 $0x108;
	s8 =	sld [smem:$0x3FB0]  }
0x2e: {  	s3 =	simm.s32 @!p0 $0x1082;
	s9 =	sld [smem:$0x3FB1]  }
0x2f: {  	lr =	sadd.s32 s0, s3;
	s0 =	sld [smem:$0x3FA8]  }
0x30: {  	s3 =	sld [smem:$0x3FAB]  }
0x31: {  	[smem:$0x3FB4] =	sst s10  }
0x32: {  	s10 =	sld [smem:$0x3FB2];
	_ =	sdelay $0x3  }
0x33: {  	p0 =	seq.s32 s10, $0x1;
	s10 =	sld [smem:$0x3FB4];
	_ =	sdelay $0x3  }
0x34: {  	[smem:$0x3FB4] =	sst s10  }
0x35: {  	s10 =	sld [smem:$0x3FB3];
	_ =	sdelay $0x3  }
0x36: {  	p1 =	seq.s32 s10, $0x1;
	s10 =	sld [smem:$0x3FB4];
	_ =	sdelay $0x3  }
0x37: {  	[smem:$0x3FB4] =	sst s10  }
0x38: {  	s10 =	sld [smem:$0x3FB5]  }
0x39: {  	_ = 	snop;
	(pc) =	sbr.ind lr, $3  }
0x3a: {  	_ = 	snop  }
0x3b: {  	_ = 	snop  }
0x3c: {  	p2 =	seq.s32 s10, $0x1;
	s10 =	sld [smem:$0x3FB4]  }
0x3d: {  	_ =	shalt  }
0x3e: {  	_ =	shalt  }
0x3f: {  	_ =	shalt  }
0x40: {  	_ =	shalt  }
0x41: {  	_ =	shalt  }
0x42: {  	_ =	shalt  }
0x43: {  	_ =	shalt  }
0x44: {  	_ =	shalt  }
0x45: {  	_ =	shalt  }
0x46: {  	_ =	shalt  }
0x47: {  	_ =	shalt  }
0x48: {  	_ =	shalt  }
0x49: {  	_ =	shalt  }
0x4a: {  	_ =	shalt  }
0x4b: {  	_ =	shalt  }
0x4c: {  	_ =	shalt  }
0x4d: {  	_ =	shalt  }
0x4e: {  	_ =	shalt  }
0x4f: {  	_ =	shalt  }
0x50: {  	_ =	shalt  }
0x51: {  	_ =	shalt  }
0x52: {  	_ =	shalt  }
0x53: {  	_ =	shalt  }
0x54: {  	_ =	shalt  }
0x55: {  	_ =	shalt  }
0x56: {  	_ =	shalt  }
0x57: {  	_ =	shalt  }
0x58: {  	_ =	shalt  }
0x59: {  	_ =	shalt  }
0x5a: {  	_ =	shalt  }
0x5b: {  	_ =	shalt  }
0x5c: {  	_ =	shalt  }
0x5d: {  	_ =	shalt  }
0x5e: {  	_ =	shalt  }
0x5f: {  	_ =	shalt  }
0x60: {  	_ =	shalt  }
0x61: {  	_ =	shalt  }
0x62: {  	_ =	shalt  }
0x63: {  	_ =	shalt  }
0x64: {  	_ =	shalt  }
0x65: {  	_ =	shalt  }
0x66: {  	_ =	shalt  }
0x67: {  	_ =	shalt  }
0x68: {  	_ =	shalt  }
0x69: {  	_ =	shalt  }
0x6a: {  	_ =	shalt  }
0x6b: {  	_ =	shalt  }
0x6c: {  	_ =	shalt  }
0x6d: {  	_ =	shalt  }
0x6e: {  	_ =	shalt  }
0x6f: {  	_ =	shalt  }
0x70: {  	_ =	shalt  }
0x71: {  	_ =	shalt  }
0x72: {  	_ =	shalt  }
0x73: {  	_ =	shalt  }
0x74: {  	_ =	shalt  }
0x75: {  	_ =	shalt  }
0x76: {  	_ =	shalt  }
0x77: {  	_ =	shalt  }
0x78: {  	_ =	shalt  }
0x79: {  	_ =	shalt  }
0x7a: {  	_ =	shalt  }
0x7b: {  	_ =	shalt  }
0x7c: {  	_ =	shalt  }
0x7d: {  	_ =	shalt  }
0x7e: {  	_ =	shalt  }
0x7f: {  	_ =	shalt  }
0x80: {  	_ =	shalt  }
0x81: {  	_ =	shalt  }
0x82: {  	_ =	shalt  }
0x83: {  	_ =	shalt  }
0x84: {  	_ =	shalt  }
0x85: {  	_ =	shalt  }
0x86: {  	_ =	shalt  }
0x87: {  	_ =	shalt  }
.Lfunc_end0:
.L_simem_size_0:
called_computation_lowered:
.L_overlay_start_0:
0x88: {  	s2 =	sld [smem:$0x3FD9]  }
0x89: {  	s3 =	sld [smem:$0x3FFE];
	_ =	sdelay $0x1  }
0x8a: {  	s1 =	srdreg.scid  }
0x8b: {  	s0 =	sand.u32 $0x1, s1  }
0x8c: {  	s16 =	sshll.u32 s0, $0xA;
	s2 =	sadd.s32 s3, s2  }
0x8d: {  	s2 =	sadd.s32 s2, s16  }
0x8e: {  	[smem:$0x3FC0] =	sst s2  }
0x8f: {  	_ = 	snop  }
0x90: {  	(tm) =	ssettm $0x1  }
0x91: {  	s17 =	sld [smem:$0x3FFB];
	_ =	sdelay $0x3  }
0x92: {  	_ =	strace s17  }
0x93: {  	s2 =	sld [smem:$0x3FFC];
	_ =	sdelay $0x3  }
0x94: {  	_ =	strace s2  }
0x95: {  	s2 =	sld [smem:$0x3FFD];
	_ =	sdelay $0x3  }
0x96: {  	_ =	strace s2  }
0x97: {  	_ =	strace $0x8FFFFFFF  }
0x98: {  	s18 =	sld [smem:$0x3FDB];
	_ =	sdelay $0x1  }
0x99: {  	s19 =	simm.s32 $_scs_section_size  }
0x9a: {  	s4 =	simm.s32 $_size__tile_overlayer_lowered;
	s5 =	simm.s32 $_tile_overlayer_lowered  }
0x9b: {  	s22 =	simm.s32 $0x1BFF;
	s21 =	sshll.u32 s5, $0x1;
	s2 =	sadd.s32 s19, s18  }
0x9c: {  	s6 =	simm.s32 $0x0;
	s20 =	sshll.u32 s4, $0x1;
	s4 =	sadd.s32 s21, s2  }
0x9d: {  	[timem:s6], [sflag:s22] =	dma.local [hbm:s4], s20  }
0x9e: {  	_ =	swait.ge [sflag:s22], s20  }
0x9f: {  	s3 =	ssub.s32 $0x0, s20;
	[sflag:s22] =	ssyncset.done $0x0  }
0xa0: {  	[sflag:s22] =	ssyncadd.s32 s3;
	_ =	sdelay $0x1  }
0xa1: {  	s23 =	simm.s32 $0x1B8B  }
0xa2: {  	_ =	swait.ge [sflag:s23], $0x1  }
0xa3: {  	[sflag:s23] =	ssyncset.done $0x0  }
0xa4: {  	s25 =	simm.s32 $0x1B8E;
	s24 =	sld [smem:$0x3FFE];
	[sflag:s23] =	ssyncadd.s32 $0xFFFFFFFF  }
0xa5: {  	s26 =	simm.s32 $execute0_lowered;
	[smem:$0x3FD2] =	sst s25  }
0xa6: {  	s4 =	sshll.u32 s26, $0x1;
	_ =	strace $0x80000046;
	[dreg:$0x1] =	wrdreg $0xFFFFFFFF  }
0xa7: {  	s28 =	simm.s32 $_size_execute0_lowered;
	s2 =	sadd.s32 s2, s4;
	[dreg:$0x0] =	wrdreg $0x0  }
0xa8: {  	s4 =	sshll.u32 s28, $0x1;
	[dreg:$0x2] =	wrdreg s2  }
0xa9: {  	[dreg:$0x3] =	wrdreg s4  }
0xaa: {  	[dreg:$0x4] =	wrdreg $0xC0  }
0xab: {  	_ =	task [dreg:s6], $0x5FFFF  }
0xac: {  	[dreg:$0x1] =	wrdreg $0xFFFFFFFF  }
0xad: {  	[dreg:$0x0] =	wrdreg $0x60  }
0xae: {  	[dreg:$0x2] =	wrdreg s24  }
0xaf: {  	[dreg:$0x3] =	wrdreg $0x88000  }
0xb0: {  	[dreg:$0x4] =	wrdreg $0x9  }
0xb1: {  	_ =	task.clear_ibuf [dreg:s6], $0x5FFFF;
	_ =	strace $0x90000046  }
0xb2: {  	s29 =	simm.s32 $0x9;
	_ =	strace $0x80000048  }
0xb3: {  	_ =	swait.ge [sflag:s29], $0x1  }
0xb4: {  	[sflag:s29] =	ssyncadd.s32 $0xFFFFFFFF  }
0xb5: {  	_ =	strace $0x90000048  }
0xb6: {  	_ =	sfence  }
0xb7: {  	s30 =	sld [smem:$0x0];
	_ =	sdelay $0x2  }
0xb8: {  	s31 =	sshll.u32 s1, $0xD;
	s1 =	sshrl.u32 s1, $0x2  }
0xb9: {  	s3 =	sand.u32 $0x4000, s31;
	s1 =	sadd.s32 s1, s30  }
0xba: {  	s0 =	sor.u32 s3, s0;
	s1 =	sshll.u32 s1, $0x11  }
0xbb: {  	s0 =	sor.u32 s1, s0  }
0xbc: {  	s0 =	sadd.s32 $0x8F2B, s0  }
0xbd: {  	[sflag:s0] =	ssyncadd.remote.s32 $0x1  }
0xbe: {  	_ =	sfence.sel $0xFFFF  }
0xbf: {  	[dreg:$0x0] =	wrdreg $0xFFFFFFFF;
	(pc) =	sbr.abs _section_cstart, $3  }
0xc0: {  	[dreg:$0x1] =	wrdreg $0xFFFFFFFF  }
0xc1: {  	_ =	task.clear_ibuf [dreg:s6], $0x2FFFF;
	_ =	strace $0x9FFFFFFF  }
0xc2: {  	(tm) =	ssettm $0x7FFFFFFF  }
0xc3: {  	_ =	shalt  }
tec
execute0_lowered:
.L_overlay_start_1:
0x0: {  	(tag) =	ssettag $0x1  }
0x1: {  	s4 =	rddreg [dreg:$0x0];
	s0 =	srdreg.scid  }
0x2: {  	s2 =	rddreg [dreg:$0x1];
	s1 =	stileid.u32  }
0x3: {  	s3 =	simm.s32 $0x0;
	s17 =	simm.s32 $0x1;
	s18 =	simm.s32 $0x6800  }
0x4: {  	s19 =	simm.s32 $0x80;
	s20 =	simm.s32 $0x2800;
	s22 =	simm.s32 $0x0  }
0x5: {  	s5 =	sand.u32 $0x1, s0;
	s0 =	rddreg [dreg:$0x2];
	s8 =	smul.u32 $0x13C00, s1  }
0x6: {  	s6 =	sshll.u32 s1, $0x1;
	[smem:$0x7FF] =	sst s3;
	s29 =	smul.u32 $0x4F000, s1  }
0x7: {  	s21 =	sshll.u32 s1, $0x6;
	s7 =	smul.u32 $0x13C000, s5;
	s6 =	sor.u32 s5, s6  }
0x8: {  	_ =	strace $0x80000047;
	s5 =	ssub.s32 $0x2, s5;
	s21 =	sor.u32 $0x1C01, s21  }
0x9: {  	s6 =	smul.u32 $0x500, s6;
	s30 =	sshrl.u32 s5, $0x1;
	s31 =	sshrl.u32 s29, $0x2  }
0xa: {  	s7 =	sadd.s32 s8, s7;
	s16 =	ssub.s32 s5, s30;
	s5 =	sadd.s32 s31, s2  }
0xb: {  	s6 =	sadd.s32 s6, s4;
	s7 =	sshrl.u32 s7, $0x3;
	s8 =	sadd.s32 $0x6000, s5  }
0xc: {  	s9 =	sadd.s32 $0x8000, s5;
	s10 =	sadd.s32 $0xA000, s5;
	s11 =	sadd.s32 $0xC000, s5  }
0xd: {  	s12 =	sadd.s32 $0xE000, s5;
	s13 =	sadd.s32 $0x10000, s5;
	s14 =	sadd.s32 $0x12000, s5  }
0xe: {  	s16 =	smax.u32 s16, $0x1;
	s15 =	sadd.s32 s7, s4;
	s4 =	sadd.s32 $0x3600, s6  }
0xf: {  	v0 =	vimm.f32 $1.000000000e+00;
	v1 =	vimm.f32 $0.0e+00;
	s6 =	sadd.s32 $0x2000, s5;
	s7 =	sadd.s32 $0x4000, s5;
	s15 =	sadd.s32 $0xD600, s15  }
.LBB2_1:
0x10: {  	[tilespmem:s3], [sflag:$0x1] =	stream.linear.gather [hbm4b:s4+s3], $0x2800, $0x38;
	[tilespmem:$0xAF80] =	vst v63  }
0x11: {  	_ =	swait.ge [sflag:s17], $0x2800  }
0x12: {  	[sflag:s17] =	ssyncset.done $0x0  }
0x13: {  	s23 =	simm.s32 $0x0;
	[sflag:s17] =	ssyncadd.s32 $0xFFFFD800  }
.LBB2_2:
0x14: {  	p0 =	sne.s32 s23, $0xFE00  }
.Ltmp0:
0x15: {  	_ = 	snop;
	(pc) =	sbr.rel @p0 .LBB2_2-.Ltmp0, $3  }
0x16: {  	_ =	sdelay $0x1  }
0x17: {  	s24 =	sshra.s32 s23, $0x2  }
0x18: {  	s23 =	sadd.s32 $0x200, s23;
	[tilespmem:s24+$0x2800] =	vst v0  }
0x19: {  	s23 =	simm.s32 $0x200;
	s24 =	simm.s32 $0x0  }
.LBB2_4:
0x1a: {  	p0 =	sne.s32 s23, $0x7E00;
	[tilespmem:s24+$0x6800] =	vst v1;
	s24 =	smov.u32 s23;
	s23 =	sadd.s32 $0x200, s23  }
.Ltmp1:
0x1b: {  	(pc) =	sbr.rel @p0 .LBB2_4-.Ltmp1, $2  }
0x1c: {  	_ =	sdelay $0x2  }
0x1d: {  	s24 =	sshra.s32 s24, $0x2  }
0x1e: {  	[tilespmem:s24+$0x6800] =	vst v1  }
0x1f: {  	[spmem:s5] =	stream.linear.scatter [tilespmem:s18], [sflag:$0x1], $0x2000, $0x38;
	[tilespmem:$0xAF80] =	vst v63  }
0x20: {  	_ =	swait.ge [sflag:s17], $0x2000  }
0x21: {  	[sflag:s17] =	ssyncset.done $0x0  }
0x22: {  	[sflag:s17] =	ssyncadd.s32 $0xFFFFE000  }
0x23: {  	[spmem:s6] =	stream.linear.scatter [tilespmem:s18], [sflag:$0x1], $0x2000, $0x38;
	[tilespmem:$0xAF80] =	vst v63  }
0x24: {  	_ =	swait.ge [sflag:s17], $0x2000  }
0x25: {  	[sflag:s17] =	ssyncset.done $0x0  }
0x26: {  	[sflag:s17] =	ssyncadd.s32 $0xFFFFE000  }
0x27: {  	[spmem:s7] =	stream.linear.scatter [tilespmem:s18], [sflag:$0x1], $0x2000, $0x38;
	[tilespmem:$0xAF80] =	vst v63  }
0x28: {  	_ =	swait.ge [sflag:s17], $0x2000  }
0x29: {  	[sflag:s17] =	ssyncset.done $0x0  }
0x2a: {  	[sflag:s17] =	ssyncadd.s32 $0xFFFFE000  }
0x2b: {  	[spmem:s8] =	stream.linear.scatter [tilespmem:s18], [sflag:$0x1], $0x2000, $0x38;
	[tilespmem:$0xAF80] =	vst v63  }
0x2c: {  	_ =	swait.ge [sflag:s17], $0x2000  }
0x2d: {  	[sflag:s17] =	ssyncset.done $0x0  }
0x2e: {  	[sflag:s17] =	ssyncadd.s32 $0xFFFFE000  }
0x2f: {  	[spmem:s9] =	stream.linear.scatter [tilespmem:s18], [sflag:$0x1], $0x2000, $0x38;
	[tilespmem:$0xAF80] =	vst v63  }
0x30: {  	_ =	swait.ge [sflag:s17], $0x2000  }
0x31: {  	[sflag:s17] =	ssyncset.done $0x0  }
0x32: {  	[sflag:s17] =	ssyncadd.s32 $0xFFFFE000  }
0x33: {  	[spmem:s10] =	stream.linear.scatter [tilespmem:s18], [sflag:$0x1], $0x2000, $0x38;
	[tilespmem:$0xAF80] =	vst v63  }
0x34: {  	_ =	swait.ge [sflag:s17], $0x2000  }
0x35: {  	[sflag:s17] =	ssyncset.done $0x0  }
0x36: {  	[sflag:s17] =	ssyncadd.s32 $0xFFFFE000  }
0x37: {  	[spmem:s11] =	stream.linear.scatter [tilespmem:s18], [sflag:$0x1], $0x2000, $0x38;
	[tilespmem:$0xAF80] =	vst v63  }
0x38: {  	_ =	swait.ge [sflag:s17], $0x2000  }
0x39: {  	[sflag:s17] =	ssyncset.done $0x0  }
0x3a: {  	[sflag:s17] =	ssyncadd.s32 $0xFFFFE000  }
0x3b: {  	[spmem:s12] =	stream.linear.scatter [tilespmem:s18], [sflag:$0x1], $0x2000, $0x38;
	[tilespmem:$0xAF80] =	vst v63  }
0x3c: {  	_ =	swait.ge [sflag:s17], $0x2000  }
0x3d: {  	[sflag:s17] =	ssyncset.done $0x0  }
0x3e: {  	[sflag:s17] =	ssyncadd.s32 $0xFFFFE000  }
0x3f: {  	[spmem:s13] =	stream.linear.scatter [tilespmem:s18], [sflag:$0x1], $0x2000, $0x38;
	[tilespmem:$0xAF80] =	vst v63  }
0x40: {  	_ =	swait.ge [sflag:s17], $0x2000  }
0x41: {  	[sflag:s17] =	ssyncset.done $0x0  }
0x42: {  	[sflag:s17] =	ssyncadd.s32 $0xFFFFE000  }
0x43: {  	[spmem:s14] =	stream.linear.scatter [tilespmem:s18], [sflag:$0x1], $0x1C00, $0x38;
	[tilespmem:$0xAF80] =	vst v63  }
0x44: {  	_ =	swait.ge [sflag:s17], $0x1C00  }
0x45: {  	[sflag:s17] =	ssyncset.done $0x0  }
0x46: {  	[sflag:s17] =	ssyncadd.s32 $0xFFFFE400  }
0x47: {  	s23 =	simm.s32 $0x0;
	[bflag:$0x0] =	sbarrier.arrive $0xFFFF  }
0x48: {  	[spmem:s2] =	stream.indirect.scatter.add.f32 [tilespmem:s20], [sflag:$0x1], $0x10, s23, s19, $0xb8;
	[tilespmem:$0xAF80] =	vst v63  }
0x49: {  	_ =	swait.ge [sflag:s17], $0x800  }
0x4a: {  	s23 =	simm.s32 $0x200;
	[sflag:s17] =	ssyncset.done $0x0  }
.LBB2_6:
0x4b: {  	s24 =	sshra.s32 s23, $0x2;
	[sflag:s17] =	ssyncadd.s32 $0xFFFFF800;
	p0 =	sne.s32 s23, $0x9E00  }
0x4c: {  	[spmem:s2] =	stream.indirect.scatter.add.f32 [tilespmem:s20], [sflag:$0x1], $0x10, s24, s19, $0xb8;
	[tilespmem:$0xAF80] =	vst v63  }
.Ltmp2:
0x4d: {  	_ = 	snop;
	(pc) =	sbr.rel @p0 .LBB2_6-.Ltmp2, $4  }
0x4e: {  	_ = 	snop  }
0x4f: {  	s23 =	sadd.s32 $0x200, s23  }
0x50: {  	_ =	swait.ge [sflag:s17], $0x800  }
0x51: {  	[sflag:s17] =	ssyncset.done $0x0  }
0x52: {  	s22 =	sadd.s32 $0x1, s22  }
0x53: {  	[sflag:s17] =	ssyncadd.s32 $0xFFFFF800;
	p0 =	sne.s32 s22, s16  }
.Ltmp3:
0x54: {  	s23 =	sshrl.u32 s5, $0x3;
	[bflag:$0x0] =	sbarrier.arrive $0xFFFF;
	(pc) =	sbr.rel @p0 .LBB2_1-.Ltmp3, $4  }
0x55: {  	[hbm:s15], [sflag:s21] =	dma.local [spmem:s23], $0x2780  }
0x56: {  	_ =	swait.ge [sflag:s17], $0x2780  }
0x57: {  	[sflag:s17] =	ssyncset.done $0x0  }
0x58: {  	[sflag:s17] =	ssyncadd.s32 $0xFFFFD880  }
0x59: {  	_ =	sfence.sel $0x180000  }
0x5a: {  	[bflag:$0x0] =	sbarrier.arrive $0xFFFF  }
0x5b: {  	p0 =	sne.s32 s1, $0x0;
	_ =	strace $0x90000047  }
0x5c: {  	s0 =	sadd.s32 @!p0 $0x100000, s0;
	[bflag:$0x2] =	sbarrier.arrive $0xFFFF  }
0x5d: {  	[sflag:s0] =	ssyncadd.tile.s32 @!p0 $0x1;
	_ =	shalt  }
.Lfunc_end2:
_tile_overlayer_lowered:
.L_overlay_start_2:
0x5e: {  	(tag) =	ssettag $0x2  }
0x5f: {  	s0 =	rddreg [dreg:$0x0];
	s2 =	stileid.u32  }
0x60: {  	s1 =	rddreg [dreg:$0x1];
	p0 =	sne.s32 s2, $0x0  }
0x61: {  	s3 =	rddreg [dreg:$0x2];
	[bflag:$0x3] =	sbarrier.arrive $0xFFFF;
	s2 =	simm.s32 @!p0 $0x1C01  }
0x62: {  	[timem:s3], [sflag:s2] =	dma.local @!p0 [hbm:s0], s1  }
0x63: {  	s0 =	simm.s32 @!p0 $0x1  }
0x64: {  	_ =	swait.ge @!p0 [sflag:s0], s1  }
0x65: {  	s1 =	ssub.s32 @!p0 $0x0, s1;
	[sflag:s0] =	ssyncset.done @!p0 $0x0  }
0x66: {  	[sflag:s0] =	ssyncadd.s32 @!p0 s1  }
0x67: {  	[bflag:$0x3] =	sbarrier.arrive $0xFFFF  }
0x68: {  	_ =	shalt  }

// kernel: kernel.13.cloned.1.call-start
scs
__scs_entry_jumppad:
0x0: {  	(pc) =	sbr.rel $0x88, $3  }
0x1: {  	(tag) =	ssettag $0x0;
	lr =	simm.s32 $0x1  }
0x2: {  	[smem:$0x3F99] =	sst lr;
	_ =	strace $0xD0000000  }
0x3: {  	_ = 	snop  }
0x4: {  	_ = 	snop  }
0x5: {  	_ = 	snop  }
0x6: {  	_ = 	snop  }
0x7: {  	_ = 	snop  }
__scs_overlays_trampoline_lowered:
0x8: {  	[smem:$0x3FA8] =	sst s0  }
0x9: {  	[smem:$0x3FA9] =	sst s1  }
0xa: {  	[smem:$0x3FAA] =	sst s2  }
0xb: {  	[smem:$0x3FAB] =	sst s3  }
0xc: {  	[smem:$0x3FAC] =	sst s4  }
0xd: {  	[smem:$0x3FAD] =	sst s5  }
0xe: {  	[smem:$0x3FAE] =	sst s6  }
0xf: {  	[smem:$0x3FAF] =	sst s7  }
0x10: {  	[smem:$0x3FB0] =	sst s8  }
0x11: {  	[smem:$0x3FB1] =	sst s9;
	s0 =	simm.s32 @!p0 $0x0  }
0x12: {  	s1 =	sld [smem:$0x3F97];
	s0 =	simm.s32 @p0 $0x1  }
0x13: {  	[smem:$0x3FB2] =	sst s0;
	s0 =	simm.s32 @!p1 $0x0  }
0x14: {  	s2 =	sld [smem:$0x3F96];
	s0 =	simm.s32 @p1 $0x1  }
0x15: {  	[smem:$0x3FB3] =	sst s0;
	s0 =	simm.s32 @!p2 $0x0  }
0x16: {  	s3 =	sld [smem:$0x3FDB];
	s0 =	simm.s32 @p2 $0x1  }
0x17: {  	s4 =	simm.s32 $0x1BF5;
	[smem:$0x3FB5] =	sst s0  }
0x18: {  	s0 =	sld [smem:$0x3F98];
	_ =	swait.ge [sflag:s4], $0x0  }
0x19: {  	s7 =	sld [smem:$0x3F99]  }
0x1a: {  	s8 =	sadd.s32 $0xFFFFE003, lr  }
0x1b: {  	s9 =	sadd.s32 $0xFFFFFEF7, lr;
	s5 =	simm.s32 $0xFFFFFFFF;
	p2 =	slt.u32 s8, $0xFFFFF086  }
0x1c: {  	p1 =	slt.u32 s9, $0xF7A;
	s5 =	simm.s32 @!p2 $0x0  }
0x1d: {  	s5 =	simm.s32 @p1 $0x1;
	p0 =	seq.s32 s7, s2  }
0x1e: {  	s7 =	smul.u32 @!p0 $0xF7A, s2;
	p2 =	seq.s32 @!p0 s5, $0x0  }
0x1f: {  	s9 =	smul.u32 $0xF7A, s1;
	s8 =	simm.s32 @!p0 $0x1BF5;
	p2 =	por !p2, p0  }
0x20: {  	[sflag:s8] =	ssyncset.s32 @!p0 $0xFFFFF086;
	s6 =	sadd.s32 @!p0 s3, s7;
	s7 =	simm.s32 @!p0 $0x108  }
0x21: {  	s3 =	sadd.s32 s3, s9;
	s6 =	sadd.s32 @!p0 $0x88, s6;
	s7 =	simm.s32 @p2 $0x1082  }
0x22: {  	[simem:s7], [sflag:s8] =	dma.local @!p0 [hbm:s6], $0xF7A  }
0x23: {  	s9 =	sor.u32 $0xD0000000, s2;
	s6 =	simm.s32 $0x108;
	_ =	swait.ge @!p0 [sflag:s8], $0x0  }
0x24: {  	s3 =	sadd.s32 $0x88, s3;
	s6 =	simm.s32 @!p1 $0x1082;
	[sflag:s4] =	ssyncset.s32 $0xFFFFF086  }
0x25: {  	[simem:s6], [sflag:s4] =	dma.local [hbm:s3], $0xF7A  }
0x26: {  	[smem:$0x3F99] =	sst s1;
	(tag) =	ssettag s2;
	_ =	strace s9  }
0x27: {  	s1 =	sld [smem:$0x3FA9]  }
0x28: {  	s2 =	sld [smem:$0x3FAA]  }
0x29: {  	s4 =	sld [smem:$0x3FAC]  }
0x2a: {  	p0 =	seq.s32 s5, $0x0;
	s5 =	sld [smem:$0x3FAD]  }
0x2b: {  	s6 =	sld [smem:$0x3FAE]  }
0x2c: {  	s7 =	sld [smem:$0x3FAF]  }
0x2d: {  	s3 =	simm.s32 $0x108;
	s8 =	sld [smem:$0x3FB0]  }
0x2e: {  	s3 =	simm.s32 @!p0 $0x1082;
	s9 =	sld [smem:$0x3FB1]  }
0x2f: {  	lr =	sadd.s32 s0, s3;
	s0 =	sld [smem:$0x3FA8]  }
0x30: {  	s3 =	sld [smem:$0x3FAB]  }
0x31: {  	[smem:$0x3FB4] =	sst s10  }
0x32: {  	s10 =	sld [smem:$0x3FB2];
	_ =	sdelay $0x3  }
0x33: {  	p0 =	seq.s32 s10, $0x1;
	s10 =	sld [smem:$0x3FB4];
	_ =	sdelay $0x3  }
0x34: {  	[smem:$0x3FB4] =	sst s10  }
0x35: {  	s10 =	sld [smem:$0x3FB3];
	_ =	sdelay $0x3  }
0x36: {  	p1 =	seq.s32 s10, $0x1;
	s10 =	sld [smem:$0x3FB4];
	_ =	sdelay $0x3  }
0x37: {  	[smem:$0x3FB4] =	sst s10  }
0x38: {  	s10 =	sld [smem:$0x3FB5]  }
0x39: {  	_ = 	snop;
	(pc) =	sbr.ind lr, $3  }
0x3a: {  	_ = 	snop  }
0x3b: {  	_ = 	snop  }
0x3c: {  	p2 =	seq.s32 s10, $0x1;
	s10 =	sld [smem:$0x3FB4]  }
0x3d: {  	_ =	shalt  }
0x3e: {  	_ =	shalt  }
0x3f: {  	_ =	shalt  }
0x40: {  	_ =	shalt  }
0x41: {  	_ =	shalt  }
0x42: {  	_ =	shalt  }
0x43: {  	_ =	shalt  }
0x44: {  	_ =	shalt  }
0x45: {  	_ =	shalt  }
0x46: {  	_ =	shalt  }
0x47: {  	_ =	shalt  }
0x48: {  	_ =	shalt  }
0x49: {  	_ =	shalt  }
0x4a: {  	_ =	shalt  }
0x4b: {  	_ =	shalt  }
0x4c: {  	_ =	shalt  }
0x4d: {  	_ =	shalt  }
0x4e: {  	_ =	shalt  }
0x4f: {  	_ =	shalt  }
0x50: {  	_ =	shalt  }
0x51: {  	_ =	shalt  }
0x52: {  	_ =	shalt  }
0x53: {  	_ =	shalt  }
0x54: {  	_ =	shalt  }
0x55: {  	_ =	shalt  }
0x56: {  	_ =	shalt  }
0x57: {  	_ =	shalt  }
0x58: {  	_ =	shalt  }
0x59: {  	_ =	shalt  }
0x5a: {  	_ =	shalt  }
0x5b: {  	_ =	shalt  }
0x5c: {  	_ =	shalt  }
0x5d: {  	_ =	shalt  }
0x5e: {  	_ =	shalt  }
0x5f: {  	_ =	shalt  }
0x60: {  	_ =	shalt  }
0x61: {  	_ =	shalt  }
0x62: {  	_ =	shalt  }
0x63: {  	_ =	shalt  }
0x64: {  	_ =	shalt  }
0x65: {  	_ =	shalt  }
0x66: {  	_ =	shalt  }
0x67: {  	_ =	shalt  }
0x68: {  	_ =	shalt  }
0x69: {  	_ =	shalt  }
0x6a: {  	_ =	shalt  }
0x6b: {  	_ =	shalt  }
0x6c: {  	_ =	shalt  }
0x6d: {  	_ =	shalt  }
0x6e: {  	_ =	shalt  }
0x6f: {  	_ =	shalt  }
0x70: {  	_ =	shalt  }
0x71: {  	_ =	shalt  }
0x72: {  	_ =	shalt  }
0x73: {  	_ =	shalt  }
0x74: {  	_ =	shalt  }
0x75: {  	_ =	shalt  }
0x76: {  	_ =	shalt  }
0x77: {  	_ =	shalt  }
0x78: {  	_ =	shalt  }
0x79: {  	_ =	shalt  }
0x7a: {  	_ =	shalt  }
0x7b: {  	_ =	shalt  }
0x7c: {  	_ =	shalt  }
0x7d: {  	_ =	shalt  }
0x7e: {  	_ =	shalt  }
0x7f: {  	_ =	shalt  }
0x80: {  	_ =	shalt  }
0x81: {  	_ =	shalt  }
0x82: {  	_ =	shalt  }
0x83: {  	_ =	shalt  }
0x84: {  	_ =	shalt  }
0x85: {  	_ =	shalt  }
0x86: {  	_ =	shalt  }
0x87: {  	_ =	shalt  }
.Lfunc_end0:
.L_simem_size_0:
called_computation.1_lowered:
.L_overlay_start_0:
0x88: {  	s2 =	sld [smem:$0x3FD9]  }
0x89: {  	s3 =	sld [smem:$0x3FFE];
	_ =	sdelay $0x1  }
0x8a: {  	s1 =	srdreg.scid  }
0x8b: {  	s0 =	sand.u32 $0x1, s1  }
0x8c: {  	s17 =	sshll.u32 s0, $0xA;
	s2 =	sadd.s32 s3, s2  }
0x8d: {  	s2 =	sadd.s32 s2, s17  }
0x8e: {  	[smem:$0x3FC0] =	sst s2  }
0x8f: {  	_ = 	snop  }
0x90: {  	s2 =	sld [smem:$0x3FD0];
	(tm) =	ssettm $0x1  }
0x91: {  	s18 =	sld [smem:$0x3FFB];
	_ =	sdelay $0x3  }
0x92: {  	_ =	strace s18  }
0x93: {  	s3 =	sld [smem:$0x3FFC];
	_ =	sdelay $0x3  }
0x94: {  	_ =	strace s3  }
0x95: {  	s3 =	sld [smem:$0x3FFD];
	_ =	sdelay $0x3  }
0x96: {  	_ =	strace s3  }
0x97: {  	_ =	strace $0x8FFFFFFF  }
0x98: {  	s19 =	sld [smem:$0x3FDB];
	_ =	sdelay $0x1  }
0x99: {  	s4 =	simm.s32 $_scs_section_size  }
0x9a: {  	s5 =	simm.s32 $_size__tile_overlayer_lowered;
	s6 =	simm.s32 $_tile_overlayer_lowered  }
0x9b: {  	s22 =	simm.s32 $0x1BFF;
	s21 =	sshll.u32 s6, $0x1;
	s3 =	sadd.s32 s4, s19  }
0x9c: {  	s7 =	simm.s32 $0x0;
	s20 =	sshll.u32 s5, $0x1;
	s5 =	sadd.s32 s21, s3  }
0x9d: {  	[timem:s7], [sflag:s22] =	dma.local [hbm:s5], s20  }
0x9e: {  	_ =	swait.ge [sflag:s22], s20  }
0x9f: {  	s4 =	ssub.s32 $0x0, s20;
	[sflag:s22] =	ssyncset.done $0x0  }
0xa0: {  	[sflag:s22] =	ssyncadd.s32 s4;
	_ =	sdelay $0x1  }
0xa1: {  	s23 =	simm.s32 $0x1B8B  }
0xa2: {  	_ =	swait.ge [sflag:s23], $0x1  }
0xa3: {  	[sflag:s23] =	ssyncset.done $0x0  }
0xa4: {  	s25 =	simm.s32 $0x1B8E;
	s24 =	sld [smem:$0x3FFE];
	[sflag:s23] =	ssyncadd.s32 $0xFFFFFFFF  }
0xa5: {  	s26 =	simm.s32 $execute0_lowered;
	[smem:$0x3FD2] =	sst s25  }
0xa6: {  	s5 =	sshll.u32 s26, $0x1;
	_ =	strace $0x80000049;
	[dreg:$0x1] =	wrdreg $0xFFFFFFFF  }
0xa7: {  	s28 =	simm.s32 $_size_execute0_lowered;
	s3 =	sadd.s32 s3, s5;
	[dreg:$0x0] =	wrdreg $0x0  }
0xa8: {  	s5 =	sshll.u32 s28, $0x1;
	[dreg:$0x2] =	wrdreg s3  }
0xa9: {  	[dreg:$0x3] =	wrdreg s5  }
0xaa: {  	[dreg:$0x4] =	wrdreg $0xC0  }
0xab: {  	_ =	task [dreg:s7], $0x5FFFF  }
0xac: {  	[dreg:$0x1] =	wrdreg $0xFFFFFFFF  }
0xad: {  	[dreg:$0x0] =	wrdreg $0x60  }
0xae: {  	[dreg:$0x2] =	wrdreg s2  }
0xaf: {  	[dreg:$0x3] =	wrdreg s24  }
0xb0: {  	[dreg:$0x4] =	wrdreg $0xA8000  }
0xb1: {  	[dreg:$0x5] =	wrdreg $0x9  }
0xb2: {  	_ =	task.clear_ibuf [dreg:s7], $0x6FFFF;
	_ =	strace $0x90000049  }
0xb3: {  	s29 =	simm.s32 $0x9;
	_ =	strace $0x8000004B  }
0xb4: {  	_ =	swait.ge [sflag:s29], $0x1  }
0xb5: {  	[sflag:s29] =	ssyncadd.s32 $0xFFFFFFFF  }
0xb6: {  	_ =	strace $0x9000004B  }
0xb7: {  	_ =	sfence  }
0xb8: {  	s30 =	sld [smem:$0x0];
	_ =	sdelay $0x2  }
0xb9: {  	s31 =	sshll.u32 s1, $0xD;
	s1 =	sshrl.u32 s1, $0x2  }
0xba: {  	s3 =	sand.u32 $0x4000, s31;
	s1 =	sadd.s32 s1, s30  }
0xbb: {  	s0 =	sor.u32 s3, s0;
	s1 =	sshll.u32 s1, $0x11  }
0xbc: {  	s0 =	sor.u32 s1, s0  }
0xbd: {  	s0 =	sadd.s32 $0x8F2B, s0  }
0xbe: {  	[sflag:s0] =	ssyncadd.remote.s32 $0x1  }
0xbf: {  	_ =	sfence.sel $0xFFFF  }
0xc0: {  	[dreg:$0x0] =	wrdreg $0xFFFFFFFF;
	(pc) =	sbr.abs _section_cstart, $3  }
0xc1: {  	[dreg:$0x1] =	wrdreg $0xFFFFFFFF  }
0xc2: {  	_ =	task.clear_ibuf [dreg:s7], $0x2FFFF;
	_ =	strace $0x9FFFFFFF  }
0xc3: {  	(tm) =	ssettm $0x7FFFFFFF  }
tec
execute0_lowered:
.L_overlay_start_1:
0x0: {  	(tag) =	ssettag $0x1  }
0x1: {  	s1 =	rddreg [dreg:$0x0]  }
0x2: {  	s5 =	rddreg [dreg:$0x1]  }
0x3: {  	s2 =	rddreg [dreg:$0x2]  }
0x4: {  	s3 =	srdreg.scid;
	s0 =	rddreg [dreg:$0x3]  }
0x5: {  	s4 =	simm.s32 $0x0;
	s17 =	simm.s32 $0x2;
	s18 =	simm.s32 $0x1400  }
0x6: {  	s19 =	simm.s32 $0x80;
	s20 =	simm.s32 $0x1;
	s21 =	simm.s32 $0x6800  }
0x7: {  	s22 =	simm.s32 $0x1380;
	s23 =	simm.s32 $0x2700;
	s6 =	sand.u32 $0x1, s3  }
0x8: {  	s24 =	simm.s32 $0x2780;
	s3 =	stileid.u32;
	s7 =	smul.u32 $0x13C000, s6  }
0x9: {  	[smem:$0x7FF] =	sst s4;
	s12 =	sadd.s32 $0x5C600, s5;
	s8 =	smul.u32 $0x13C00, s3  }
0xa: {  	s13 =	sadd.s32 $0x3600, s5;
	s30 =	sshll.u32 s3, $0x1;
	s9 =	smul.u32 $0x4F000, s3  }
0xb: {  	_ =	strace $0x8000004A;
	s10 =	ssub.s32 $0x2, s6;
	s6 =	sor.u32 s6, s30  }
0xc: {  	s31 =	sshrl.u32 s10, $0x1;
	s7 =	sadd.s32 s8, s7;
	s9 =	sshrl.u32 s9, $0x2  }
0xd: {  	s11 =	smul.u32 $0x2800, s6;
	s15 =	ssub.s32 s10, s31;
	s7 =	sshrl.u32 s7, $0x3  }
0xe: {  	s15 =	smax.u32 s15, $0x1;
	s14 =	sadd.s32 s7, s5;
	s5 =	sadd.s32 s9, s2  }
0xf: {  	s11 =	sshrl.u32 s11, $0x3;
	s6 =	sadd.s32 $0x4000, s5;
	s7 =	sadd.s32 $0x8000, s5  }
0x10: {  	s8 =	sadd.s32 $0xC000, s5;
	s9 =	sadd.s32 $0x10000, s5;
	s16 =	sadd.s32 $0x280, s11  }
0x11: {  	s10 =	sadd.s32 s12, s11;
	s11 =	sadd.s32 s13, s11;
	s14 =	sadd.s32 $0x66600, s14  }
0x12: {  	v0 =	vimm.f32 $0.0e+00;
	s12 =	sadd.s32 s12, s16;
	s13 =	sadd.s32 s13, s16;
	s16 =	simm.s32 $0x2800  }
.LBB2_1:
0x13: {  	s25 =	simm.s32 $0x0;
	s26 =	simm.s32 $0x200  }
.LBB2_2:
0x14: {  	p0 =	sne.s32 s26, $0xFE00;
	[tilespmem:s25+$0x2870] =	vst v0  }
0x15: {  	[tilespmem:s25+$0x2800] =	vst v0  }
0x16: {  	[tilespmem:s25+$0x2810] =	vst v0  }
.Ltmp0:
0x17: {  	[tilespmem:s25+$0x2820] =	vst v0;
	(pc) =	sbr.rel @p0 .LBB2_2-.Ltmp0, $4  }
0x18: {  	[tilespmem:s25+$0x2830] =	vst v0  }
0x19: {  	[tilespmem:s25+$0x2840] =	vst v0  }
0x1a: {  	[tilespmem:s25+$0x2850] =	vst v0  }
0x1b: {  	[tilespmem:s25+$0x2860] =	vst v0;
	s25 =	sshra.s32 s26, $0x2;
	s26 =	sadd.s32 $0x200, s26  }
0x1c: {  	[tilespmem:s25+$0x2870] =	vst v0  }
0x1d: {  	[tilespmem:s25+$0x2800] =	vst v0  }
0x1e: {  	[tilespmem:s25+$0x2810] =	vst v0  }
0x1f: {  	[tilespmem:s25+$0x2820] =	vst v0  }
0x20: {  	[tilespmem:s25+$0x2830] =	vst v0  }
0x21: {  	[tilespmem:s25+$0x2840] =	vst v0  }
0x22: {  	[tilespmem:s25+$0x2850] =	vst v0  }
0x23: {  	[tilespmem:s25+$0x2860] =	vst v0  }
0x24: {  	[spmem:s5] =	stream.linear.scatter [tilespmem:s16], [sflag:$0x2], $0x4000, $0x38;
	[tilespmem:$0x1E400] =	vst v63  }
0x25: {  	_ =	swait.ge [sflag:s17], $0x4000  }
0x26: {  	[sflag:s17] =	ssyncset.done $0x0  }
0x27: {  	[sflag:s17] =	ssyncadd.s32 $0xFFFFC000  }
0x28: {  	[spmem:s6] =	stream.linear.scatter [tilespmem:s16], [sflag:$0x2], $0x4000, $0x38;
	[tilespmem:$0x1E400] =	vst v63  }
0x29: {  	_ =	swait.ge [sflag:s17], $0x4000  }
0x2a: {  	[sflag:s17] =	ssyncset.done $0x0  }
0x2b: {  	[sflag:s17] =	ssyncadd.s32 $0xFFFFC000  }
0x2c: {  	[spmem:s7] =	stream.linear.scatter [tilespmem:s16], [sflag:$0x2], $0x4000, $0x38;
	[tilespmem:$0x1E400] =	vst v63  }
0x2d: {  	_ =	swait.ge [sflag:s17], $0x4000  }
0x2e: {  	[sflag:s17] =	ssyncset.done $0x0  }
0x2f: {  	[sflag:s17] =	ssyncadd.s32 $0xFFFFC000  }
0x30: {  	[spmem:s8] =	stream.linear.scatter [tilespmem:s16], [sflag:$0x2], $0x4000, $0x38;
	[tilespmem:$0x1E400] =	vst v63  }
0x31: {  	_ =	swait.ge [sflag:s17], $0x4000  }
0x32: {  	[sflag:s17] =	ssyncset.done $0x0  }
0x33: {  	[sflag:s17] =	ssyncadd.s32 $0xFFFFC000  }
0x34: {  	[spmem:s9] =	stream.linear.scatter [tilespmem:s16], [sflag:$0x2], $0x3C00, $0x38;
	[tilespmem:$0x1E400] =	vst v63  }
0x35: {  	_ =	swait.ge [sflag:s17], $0x3C00  }
0x36: {  	[sflag:s17] =	ssyncset.done $0x0  }
0x37: {  	[sflag:s17] =	ssyncadd.s32 $0xFFFFC400  }
0x38: {  	s26 =	simm.s32 $0x0;
	[bflag:$0x0] =	sbarrier.arrive $0xFFFF  }
0x39: {  	[tilespmem:s26], [sflag:$0x2] =	stream.linear.gather [hbm4b:s10+s26], $0x1400, $0x38;
	[tilespmem:$0x1E400] =	vst v63  }
0x3a: {  	_ =	swait.ge [sflag:s17], $0x1400  }
0x3b: {  	[sflag:s17] =	ssyncset.done $0x0  }
0x3c: {  	[sflag:s17] =	ssyncadd.s32 $0xFFFFEC00  }
0x3d: {  	[tilespmem:s18], [sflag:$0x2] =	stream.linear.gather [hbm4b:s11+s26], $0x1400, $0x38;
	[tilespmem:$0x1E400] =	vst v63  }
0x3e: {  	_ =	swait.ge [sflag:s17], $0x1400  }
0x3f: {  	[sflag:s17] =	ssyncset.done $0x0  }
0x40: {  	[sflag:s17] =	ssyncadd.s32 $0xFFFFEC00  }
0x41: {  	[tilespmem:s16], [sflag:$0x1] =	stream.indirect.gather [hbm4b:s1+s19], $0x80, s26, s19, $0xb8;
	[tilespmem:$0x1E400] =	vst v63  }
0x42: {  	_ =	swait.ge [sflag:s20], $0x4000  }
0x43: {  	[sflag:s20] =	ssyncset.done $0x0  }
0x44: {  	s28 =	simm.s32 $0x80;
	[sflag:s20] =	ssyncadd.s32 $0xFFFFC000  }
0x45: {  	[tilespmem:s21], [sflag:$0x1] =	stream.indirect.gather [hbm4b:s1+s19], $0x80, s28, s19, $0xb8;
	[tilespmem:$0x1E400] =	vst v63  }
0x46: {  	s29 =	simm.s32 $0x1400  }
0x47: {  	[spmem:s2] =	stream.indirect.scatter.add.f32 [tilespmem:s16], [sflag:$0x2], $0x80, s29, s19, $0xb8;
	[tilespmem:$0x1E400] =	vst v63  }
0x48: {  	_ =	swait.ge [sflag:s17], $0x4000  }
0x49: {  	[sflag:s17] =	ssyncset.done $0x0  }
0x4a: {  	[sflag:s17] =	ssyncadd.s32 $0xFFFFC000  }
0x4b: {  	_ =	swait.ge [sflag:s20], $0x4000  }
0x4c: {  	[sflag:s20] =	ssyncset.done $0x0  }
0x4d: {  	s30 =	simm.s32 $0x100;
	[sflag:s20] =	ssyncadd.s32 $0xFFFFC000  }
0x4e: {  	[tilespmem:s16], [sflag:$0x1] =	stream.indirect.gather [hbm4b:s1+s19], $0x80, s30, s19, $0xb8;
	[tilespmem:$0x1E400] =	vst v63  }
0x4f: {  	s31 =	simm.s32 $0x1480  }
0x50: {  	[spmem:s2] =	stream.indirect.scatter.add.f32 [tilespmem:s21], [sflag:$0x2], $0x80, s31, s19, $0xb8;
	[tilespmem:$0x1E400] =	vst v63  }
0x51: {  	_ =	swait.ge [sflag:s17], $0x4000  }
0x52: {  	s25 =	simm.s32 $0x400;
	[sflag:s17] =	ssyncset.done $0x0  }
.LBB2_4:
0x53: {  	p0 =	sne.s32 s25, $0x4800  }
0x54: {  	[sflag:s17] =	ssyncadd.s32 $0xFFFFC000;
	s26 =	smov.u32 s25;
	s25 =	sadd.s32 $0x400, s25  }
0x55: {  	_ = 	snop  }
0x56: {  	_ =	swait.ge [sflag:s20], $0x4000  }
0x57: {  	s26 =	sshra.s32 s26, $0x2;
	[sflag:s20] =	ssyncset.done $0x0  }
0x58: {  	s28 =	sadd.s32 $0x80, s26;
	[sflag:s20] =	ssyncadd.s32 $0xFFFFC000  }
0x59: {  	[tilespmem:s21], [sflag:$0x1] =	stream.indirect.gather [hbm4b:s1+s19], $0x80, s28, s19, $0xb8;
	[tilespmem:$0x1E400] =	vst v63  }
0x5a: {  	s28 =	sadd.s32 $0x1400, s26  }
0x5b: {  	[spmem:s2] =	stream.indirect.scatter.add.f32 [tilespmem:s16], [sflag:$0x2], $0x80, s28, s19, $0xb8;
	[tilespmem:$0x1E400] =	vst v63  }
0x5c: {  	_ =	swait.ge [sflag:s17], $0x4000  }
0x5d: {  	[sflag:s17] =	ssyncset.done $0x0  }
0x5e: {  	[sflag:s17] =	ssyncadd.s32 $0xFFFFC000  }
0x5f: {  	_ =	swait.ge [sflag:s20], $0x4000  }
0x60: {  	[sflag:s20] =	ssyncset.done $0x0  }
0x61: {  	s28 =	sadd.s32 $0x100, s26;
	[sflag:s20] =	ssyncadd.s32 $0xFFFFC000  }
0x62: {  	[tilespmem:s16], [sflag:$0x1] =	stream.indirect.gather [hbm4b:s1+s19], $0x80, s28, s19, $0xb8;
	[tilespmem:$0x1E400] =	vst v63  }
.Ltmp1:
0x63: {  	_ = 	snop;
	(pc) =	sbr.rel @p0 .LBB2_4-.Ltmp1, $4  }
0x64: {  	s26 =	sadd.s32 $0x1480, s26  }
0x65: {  	[spmem:s2] =	stream.indirect.scatter.add.f32 [tilespmem:s21], [sflag:$0x2], $0x80, s26, s19, $0xb8;
	[tilespmem:$0x1E400] =	vst v63  }
0x66: {  	_ =	swait.ge [sflag:s17], $0x4000  }
0x67: {  	[sflag:s17] =	ssyncset.done $0x0  }
0x68: {  	[sflag:s17] =	ssyncadd.s32 $0xFFFFC000  }
0x69: {  	_ =	swait.ge [sflag:s20], $0x4000  }
0x6a: {  	[sflag:s20] =	ssyncset.done $0x0  }
0x6b: {  	[sflag:s20] =	ssyncadd.s32 $0xFFFFC000  }
0x6c: {  	[tilespmem:s21], [sflag:$0x1] =	stream.indirect.gather [hbm4b:s1+s19], $0x80, s22, s19, $0xb8;
	[tilespmem:$0x1E400] =	vst v63  }
0x6d: {  	_ = 	snop  }
0x6e: {  	[spmem:s2] =	stream.indirect.scatter.add.f32 [tilespmem:s16], [sflag:$0x2], $0x80, s23, s19, $0xb8;
	[tilespmem:$0x1E400] =	vst v63  }
0x6f: {  	_ =	swait.ge [sflag:s17], $0x4000  }
0x70: {  	[sflag:s17] =	ssyncset.done $0x0  }
0x71: {  	[sflag:s17] =	ssyncadd.s32 $0xFFFFC000  }
0x72: {  	_ =	swait.ge [sflag:s20], $0x4000  }
0x73: {  	[sflag:s20] =	ssyncset.done $0x0  }
0x74: {  	[sflag:s20] =	ssyncadd.s32 $0xFFFFC000  }
0x75: {  	[spmem:s2] =	stream.indirect.scatter.add.f32 [tilespmem:s21], [sflag:$0x2], $0x80, s24, s19, $0xb8;
	[tilespmem:$0x1E400] =	vst v63  }
0x76: {  	_ =	swait.ge [sflag:s17], $0x4000  }
0x77: {  	[sflag:s17] =	ssyncset.done $0x0  }
0x78: {  	s25 =	simm.s32 $0x0;
	[sflag:s17] =	ssyncadd.s32 $0xFFFFC000  }
0x79: {  	[tilespmem:s25], [sflag:$0x2] =	stream.linear.gather [hbm4b:s12+s25], $0x1400, $0x38;
	[tilespmem:$0x1E400] =	vst v63  }
0x7a: {  	_ =	swait.ge [sflag:s17], $0x1400  }
0x7b: {  	[sflag:s17] =	ssyncset.done $0x0  }
0x7c: {  	[sflag:s17] =	ssyncadd.s32 $0xFFFFEC00  }
0x7d: {  	[tilespmem:s18], [sflag:$0x2] =	stream.linear.gather [hbm4b:s13+s25], $0x1400, $0x38;
	[tilespmem:$0x1E400] =	vst v63  }
0x7e: {  	_ =	swait.ge [sflag:s17], $0x1400  }
0x7f: {  	[sflag:s17] =	ssyncset.done $0x0  }
0x80: {  	[sflag:s17] =	ssyncadd.s32 $0xFFFFEC00  }
0x81: {  	[tilespmem:s16], [sflag:$0x1] =	stream.indirect.gather [hbm4b:s1+s19], $0x80, s25, s19, $0xb8;
	[tilespmem:$0x1E400] =	vst v63  }
0x82: {  	_ =	swait.ge [sflag:s20], $0x4000  }
0x83: {  	[sflag:s20] =	ssyncset.done $0x0  }
0x84: {  	s28 =	simm.s32 $0x80;
	[sflag:s20] =	ssyncadd.s32 $0xFFFFC000  }
0x85: {  	[tilespmem:s21], [sflag:$0x1] =	stream.indirect.gather [hbm4b:s1+s19], $0x80, s28, s19, $0xb8;
	[tilespmem:$0x1E400] =	vst v63  }
0x86: {  	s29 =	simm.s32 $0x1400  }
0x87: {  	[spmem:s2] =	stream.indirect.scatter.add.f32 [tilespmem:s16], [sflag:$0x2], $0x80, s29, s19, $0xb8;
	[tilespmem:$0x1E400] =	vst v63  }
0x88: {  	_ =	swait.ge [sflag:s17], $0x4000  }
0x89: {  	[sflag:s17] =	ssyncset.done $0x0  }
0x8a: {  	[sflag:s17] =	ssyncadd.s32 $0xFFFFC000  }
0x8b: {  	_ =	swait.ge [sflag:s20], $0x4000  }
0x8c: {  	[sflag:s20] =	ssyncset.done $0x0  }
0x8d: {  	s30 =	simm.s32 $0x100;
	[sflag:s20] =	ssyncadd.s32 $0xFFFFC000  }
0x8e: {  	[tilespmem:s16], [sflag:$0x1] =	stream.indirect.gather [hbm4b:s1+s19], $0x80, s30, s19, $0xb8;
	[tilespmem:$0x1E400] =	vst v63  }
0x8f: {  	s31 =	simm.s32 $0x1480  }
0x90: {  	[spmem:s2] =	stream.indirect.scatter.add.f32 [tilespmem:s21], [sflag:$0x2], $0x80, s31, s19, $0xb8;
	[tilespmem:$0x1E400] =	vst v63  }
0x91: {  	_ =	swait.ge [sflag:s17], $0x4000  }
0x92: {  	s25 =	simm.s32 $0x400;
	[sflag:s17] =	ssyncset.done $0x0  }
.LBB2_6:
0x93: {  	p0 =	sne.s32 s25, $0x4800  }
0x94: {  	[sflag:s17] =	ssyncadd.s32 $0xFFFFC000;
	s26 =	smov.u32 s25;
	s25 =	sadd.s32 $0x400, s25  }
0x95: {  	_ = 	snop  }
0x96: {  	_ =	swait.ge [sflag:s20], $0x4000  }
0x97: {  	s26 =	sshra.s32 s26, $0x2;
	[sflag:s20] =	ssyncset.done $0x0  }
0x98: {  	s28 =	sadd.s32 $0x80, s26;
	[sflag:s20] =	ssyncadd.s32 $0xFFFFC000  }
0x99: {  	[tilespmem:s21], [sflag:$0x1] =	stream.indirect.gather [hbm4b:s1+s19], $0x80, s28, s19, $0xb8;
	[tilespmem:$0x1E400] =	vst v63  }
0x9a: {  	s28 =	sadd.s32 $0x1400, s26  }
0x9b: {  	[spmem:s2] =	stream.indirect.scatter.add.f32 [tilespmem:s16], [sflag:$0x2], $0x80, s28, s19, $0xb8;
	[tilespmem:$0x1E400] =	vst v63  }
0x9c: {  	_ =	swait.ge [sflag:s17], $0x4000  }
0x9d: {  	[sflag:s17] =	ssyncset.done $0x0  }
0x9e: {  	[sflag:s17] =	ssyncadd.s32 $0xFFFFC000  }
0x9f: {  	_ =	swait.ge [sflag:s20], $0x4000  }
0xa0: {  	[sflag:s20] =	ssyncset.done $0x0  }
0xa1: {  	s28 =	sadd.s32 $0x100, s26;
	[sflag:s20] =	ssyncadd.s32 $0xFFFFC000  }
0xa2: {  	[tilespmem:s16], [sflag:$0x1] =	stream.indirect.gather [hbm4b:s1+s19], $0x80, s28, s19, $0xb8;
	[tilespmem:$0x1E400] =	vst v63  }
.Ltmp2:
0xa3: {  	_ = 	snop;
	(pc) =	sbr.rel @p0 .LBB2_6-.Ltmp2, $4  }
0xa4: {  	s26 =	sadd.s32 $0x1480, s26  }
0xa5: {  	[spmem:s2] =	stream.indirect.scatter.add.f32 [tilespmem:s21], [sflag:$0x2], $0x80, s26, s19, $0xb8;
	[tilespmem:$0x1E400] =	vst v63  }
0xa6: {  	_ =	swait.ge [sflag:s17], $0x4000  }
0xa7: {  	[sflag:s17] =	ssyncset.done $0x0  }
0xa8: {  	[sflag:s17] =	ssyncadd.s32 $0xFFFFC000  }
0xa9: {  	_ =	swait.ge [sflag:s20], $0x4000  }
0xaa: {  	[sflag:s20] =	ssyncset.done $0x0  }
0xab: {  	[sflag:s20] =	ssyncadd.s32 $0xFFFFC000  }
0xac: {  	[tilespmem:s21], [sflag:$0x1] =	stream.indirect.gather [hbm4b:s1+s19], $0x80, s22, s19, $0xb8;
	[tilespmem:$0x1E400] =	vst v63  }
0xad: {  	_ = 	snop  }
0xae: {  	[spmem:s2] =	stream.indirect.scatter.add.f32 [tilespmem:s16], [sflag:$0x2], $0x80, s23, s19, $0xb8;
	[tilespmem:$0x1E400] =	vst v63  }
0xaf: {  	_ =	swait.ge [sflag:s17], $0x4000  }
0xb0: {  	[sflag:s17] =	ssyncset.done $0x0  }
0xb1: {  	[sflag:s17] =	ssyncadd.s32 $0xFFFFC000  }
0xb2: {  	_ =	swait.ge [sflag:s20], $0x4000  }
0xb3: {  	[sflag:s20] =	ssyncset.done $0x0  }
0xb4: {  	[sflag:s20] =	ssyncadd.s32 $0xFFFFC000  }
0xb5: {  	[spmem:s2] =	stream.indirect.scatter.add.f32 [tilespmem:s21], [sflag:$0x2], $0x80, s24, s19, $0xb8;
	[tilespmem:$0x1E400] =	vst v63  }
0xb6: {  	_ =	swait.ge [sflag:s17], $0x4000  }
0xb7: {  	s25 =	sshll.u32 s3, $0x6;
	s4 =	sadd.s32 $0x1, s4;
	[sflag:s17] =	ssyncset.done $0x0  }
0xb8: {  	s26 =	sshrl.u32 s5, $0x3;
	p0 =	sne.s32 s4, s15;
	[sflag:s17] =	ssyncadd.s32 $0xFFFFC000  }
.Ltmp3:
0xb9: {  	s25 =	sor.u32 $0x1C02, s25;
	[bflag:$0x0] =	sbarrier.arrive $0xFFFF;
	(pc) =	sbr.rel @p0 .LBB2_1-.Ltmp3, $4  }
0xba: {  	[hbm:s14], [sflag:s25] =	dma.local [spmem:s26], $0x2780  }
0xbb: {  	_ =	swait.ge [sflag:s17], $0x2780  }
0xbc: {  	[sflag:s17] =	ssyncset.done $0x0  }
0xbd: {  	[sflag:s17] =	ssyncadd.s32 $0xFFFFD880  }
0xbe: {  	_ =	sfence.sel $0x180000  }
0xbf: {  	[bflag:$0x0] =	sbarrier.arrive $0xFFFF  }
0xc0: {  	p0 =	sne.s32 s3, $0x0;
	_ =	strace $0x9000004A  }
0xc1: {  	s0 =	sadd.s32 @!p0 $0x100000, s0;
	[bflag:$0x2] =	sbarrier.arrive $0xFFFF  }
0xc2: {  	[sflag:s0] =	ssyncadd.tile.s32 @!p0 $0x1;
	_ =	shalt  }
.Lfunc_end2:
_tile_overlayer_lowered:
.L_overlay_start_2:
0xc3: {  	(tag) =	ssettag $0x2  }
0xc4: {  	s0 =	rddreg [dreg:$0x0];
	s2 =	stileid.u32  }
0xc5: {  	s1 =	rddreg [dreg:$0x1];
	p0 =	sne.s32 s2, $0x0  }
0xc6: {  	s3 =	rddreg [dreg:$0x2];
	[bflag:$0x3] =	sbarrier.arrive $0xFFFF;
	s2 =	simm.s32 @!p0 $0x1C02  }
0xc7: {  	[timem:s3], [sflag:s2] =	dma.local @!p0 [hbm:s0], s1  }
0xc8: {  	s0 =	simm.s32 @!p0 $0x2  }
0xc9: {  	_ =	swait.ge @!p0 [sflag:s0], s1  }
0xca: {  	s1 =	ssub.s32 @!p0 $0x0, s1;
	[sflag:s0] =	ssyncset.done @!p0 $0x0  }
0xcb: {  	[sflag:s0] =	ssyncadd.s32 @!p0 s1  }
0xcc: {  	[bflag:$0x3] =	sbarrier.arrive $0xFFFF  }
0xcd: {  	_ =	shalt  }

// kernel: kernel.16.cloned.1.call-start
scs
__scs_entry_jumppad:
0x0: {  	(pc) =	sbr.rel $0x88, $3  }
0x1: {  	(tag) =	ssettag $0x0;
	lr =	simm.s32 $0x1  }
0x2: {  	[smem:$0x3F99] =	sst lr;
	_ =	strace $0xD0000000  }
0x3: {  	_ = 	snop  }
0x4: {  	_ = 	snop  }
0x5: {  	_ = 	snop  }
0x6: {  	_ = 	snop  }
0x7: {  	_ = 	snop  }
__scs_overlays_trampoline_lowered:
0x8: {  	[smem:$0x3FA8] =	sst s0  }
0x9: {  	[smem:$0x3FA9] =	sst s1  }
0xa: {  	[smem:$0x3FAA] =	sst s2  }
0xb: {  	[smem:$0x3FAB] =	sst s3  }
0xc: {  	[smem:$0x3FAC] =	sst s4  }
0xd: {  	[smem:$0x3FAD] =	sst s5  }
0xe: {  	[smem:$0x3FAE] =	sst s6  }
0xf: {  	[smem:$0x3FAF] =	sst s7  }
0x10: {  	[smem:$0x3FB0] =	sst s8  }
0x11: {  	[smem:$0x3FB1] =	sst s9;
	s0 =	simm.s32 @!p0 $0x0  }
0x12: {  	s1 =	sld [smem:$0x3F97];
	s0 =	simm.s32 @p0 $0x1  }
0x13: {  	[smem:$0x3FB2] =	sst s0;
	s0 =	simm.s32 @!p1 $0x0  }
0x14: {  	s2 =	sld [smem:$0x3F96];
	s0 =	simm.s32 @p1 $0x1  }
0x15: {  	[smem:$0x3FB3] =	sst s0;
	s0 =	simm.s32 @!p2 $0x0  }
0x16: {  	s3 =	sld [smem:$0x3FDB];
	s0 =	simm.s32 @p2 $0x1  }
0x17: {  	s4 =	simm.s32 $0x1BF5;
	[smem:$0x3FB5] =	sst s0  }
0x18: {  	s0 =	sld [smem:$0x3F98];
	_ =	swait.ge [sflag:s4], $0x0  }
0x19: {  	s7 =	sld [smem:$0x3F99]  }
0x1a: {  	s8 =	sadd.s32 $0xFFFFE003, lr  }
0x1b: {  	s9 =	sadd.s32 $0xFFFFFEF7, lr;
	s5 =	simm.s32 $0xFFFFFFFF;
	p2 =	slt.u32 s8, $0xFFFFF086  }
0x1c: {  	p1 =	slt.u32 s9, $0xF7A;
	s5 =	simm.s32 @!p2 $0x0  }
0x1d: {  	s5 =	simm.s32 @p1 $0x1;
	p0 =	seq.s32 s7, s2  }
0x1e: {  	s7 =	smul.u32 @!p0 $0xF7A, s2;
	p2 =	seq.s32 @!p0 s5, $0x0  }
0x1f: {  	s9 =	smul.u32 $0xF7A, s1;
	s8 =	simm.s32 @!p0 $0x1BF5;
	p2 =	por !p2, p0  }
0x20: {  	[sflag:s8] =	ssyncset.s32 @!p0 $0xFFFFF086;
	s6 =	sadd.s32 @!p0 s3, s7;
	s7 =	simm.s32 @!p0 $0x108  }
0x21: {  	s3 =	sadd.s32 s3, s9;
	s6 =	sadd.s32 @!p0 $0x88, s6;
	s7 =	simm.s32 @p2 $0x1082  }
0x22: {  	[simem:s7], [sflag:s8] =	dma.local @!p0 [hbm:s6], $0xF7A  }
0x23: {  	s9 =	sor.u32 $0xD0000000, s2;
	s6 =	simm.s32 $0x108;
	_ =	swait.ge @!p0 [sflag:s8], $0x0  }
0x24: {  	s3 =	sadd.s32 $0x88, s3;
	s6 =	simm.s32 @!p1 $0x1082;
	[sflag:s4] =	ssyncset.s32 $0xFFFFF086  }
0x25: {  	[simem:s6], [sflag:s4] =	dma.local [hbm:s3], $0xF7A  }
0x26: {  	[smem:$0x3F99] =	sst s1;
	(tag) =	ssettag s2;
	_ =	strace s9  }
0x27: {  	s1 =	sld [smem:$0x3FA9]  }
0x28: {  	s2 =	sld [smem:$0x3FAA]  }
0x29: {  	s4 =	sld [smem:$0x3FAC]  }
0x2a: {  	p0 =	seq.s32 s5, $0x0;
	s5 =	sld [smem:$0x3FAD]  }
0x2b: {  	s6 =	sld [smem:$0x3FAE]  }
0x2c: {  	s7 =	sld [smem:$0x3FAF]  }
0x2d: {  	s3 =	simm.s32 $0x108;
	s8 =	sld [smem:$0x3FB0]  }
0x2e: {  	s3 =	simm.s32 @!p0 $0x1082;
	s9 =	sld [smem:$0x3FB1]  }
0x2f: {  	lr =	sadd.s32 s0, s3;
	s0 =	sld [smem:$0x3FA8]  }
0x30: {  	s3 =	sld [smem:$0x3FAB]  }
0x31: {  	[smem:$0x3FB4] =	sst s10  }
0x32: {  	s10 =	sld [smem:$0x3FB2];
	_ =	sdelay $0x3  }
0x33: {  	p0 =	seq.s32 s10, $0x1;
	s10 =	sld [smem:$0x3FB4];
	_ =	sdelay $0x3  }
0x34: {  	[smem:$0x3FB4] =	sst s10  }
0x35: {  	s10 =	sld [smem:$0x3FB3];
	_ =	sdelay $0x3  }
0x36: {  	p1 =	seq.s32 s10, $0x1;
	s10 =	sld [smem:$0x3FB4];
	_ =	sdelay $0x3  }
0x37: {  	[smem:$0x3FB4] =	sst s10  }
0x38: {  	s10 =	sld [smem:$0x3FB5]  }
0x39: {  	_ = 	snop;
	(pc) =	sbr.ind lr, $3  }
0x3a: {  	_ = 	snop  }
0x3b: {  	_ = 	snop  }
0x3c: {  	p2 =	seq.s32 s10, $0x1;
	s10 =	sld [smem:$0x3FB4]  }
0x3d: {  	_ =	shalt  }
0x3e: {  	_ =	shalt  }
0x3f: {  	_ =	shalt  }
0x40: {  	_ =	shalt  }
0x41: {  	_ =	shalt  }
0x42: {  	_ =	shalt  }
0x43: {  	_ =	shalt  }
0x44: {  	_ =	shalt  }
0x45: {  	_ =	shalt  }
0x46: {  	_ =	shalt  }
0x47: {  	_ =	shalt  }
0x48: {  	_ =	shalt  }
0x49: {  	_ =	shalt  }
0x4a: {  	_ =	shalt  }
0x4b: {  	_ =	shalt  }
0x4c: {  	_ =	shalt  }
0x4d: {  	_ =	shalt  }
0x4e: {  	_ =	shalt  }
0x4f: {  	_ =	shalt  }
0x50: {  	_ =	shalt  }
0x51: {  	_ =	shalt  }
0x52: {  	_ =	shalt  }
0x53: {  	_ =	shalt  }
0x54: {  	_ =	shalt  }
0x55: {  	_ =	shalt  }
0x56: {  	_ =	shalt  }
0x57: {  	_ =	shalt  }
0x58: {  	_ =	shalt  }
0x59: {  	_ =	shalt  }
0x5a: {  	_ =	shalt  }
0x5b: {  	_ =	shalt  }
0x5c: {  	_ =	shalt  }
0x5d: {  	_ =	shalt  }
0x5e: {  	_ =	shalt  }
0x5f: {  	_ =	shalt  }
0x60: {  	_ =	shalt  }
0x61: {  	_ =	shalt  }
0x62: {  	_ =	shalt  }
0x63: {  	_ =	shalt  }
0x64: {  	_ =	shalt  }
0x65: {  	_ =	shalt  }
0x66: {  	_ =	shalt  }
0x67: {  	_ =	shalt  }
0x68: {  	_ =	shalt  }
0x69: {  	_ =	shalt  }
0x6a: {  	_ =	shalt  }
0x6b: {  	_ =	shalt  }
0x6c: {  	_ =	shalt  }
0x6d: {  	_ =	shalt  }
0x6e: {  	_ =	shalt  }
0x6f: {  	_ =	shalt  }
0x70: {  	_ =	shalt  }
0x71: {  	_ =	shalt  }
0x72: {  	_ =	shalt  }
0x73: {  	_ =	shalt  }
0x74: {  	_ =	shalt  }
0x75: {  	_ =	shalt  }
0x76: {  	_ =	shalt  }
0x77: {  	_ =	shalt  }
0x78: {  	_ =	shalt  }
0x79: {  	_ =	shalt  }
0x7a: {  	_ =	shalt  }
0x7b: {  	_ =	shalt  }
0x7c: {  	_ =	shalt  }
0x7d: {  	_ =	shalt  }
0x7e: {  	_ =	shalt  }
0x7f: {  	_ =	shalt  }
0x80: {  	_ =	shalt  }
0x81: {  	_ =	shalt  }
0x82: {  	_ =	shalt  }
0x83: {  	_ =	shalt  }
0x84: {  	_ =	shalt  }
0x85: {  	_ =	shalt  }
0x86: {  	_ =	shalt  }
0x87: {  	_ =	shalt  }
.Lfunc_end0:
.L_simem_size_0:
called_computation.2_lowered:
.L_overlay_start_0:
0x88: {  	s2 =	sld [smem:$0x3FD9]  }
0x89: {  	s3 =	sld [smem:$0x3FFE];
	_ =	sdelay $0x1  }
0x8a: {  	s1 =	srdreg.scid  }
0x8b: {  	s0 =	sand.u32 $0x1, s1  }
0x8c: {  	s17 =	sshll.u32 s0, $0xA;
	s2 =	sadd.s32 s3, s2  }
0x8d: {  	s2 =	sadd.s32 s2, s17  }
0x8e: {  	[smem:$0x3FC0] =	sst s2  }
0x8f: {  	_ = 	snop  }
0x90: {  	s2 =	sld [smem:$0x3FD0];
	(tm) =	ssettm $0x1  }
0x91: {  	s18 =	sld [smem:$0x3FFB];
	_ =	sdelay $0x3  }
0x92: {  	_ =	strace s18  }
0x93: {  	s3 =	sld [smem:$0x3FFC];
	_ =	sdelay $0x3  }
0x94: {  	_ =	strace s3  }
0x95: {  	s3 =	sld [smem:$0x3FFD];
	_ =	sdelay $0x3  }
0x96: {  	_ =	strace s3  }
0x97: {  	_ =	strace $0x8FFFFFFF  }
0x98: {  	s19 =	sld [smem:$0x3FDB];
	_ =	sdelay $0x1  }
0x99: {  	s4 =	simm.s32 $_scs_section_size  }
0x9a: {  	s5 =	simm.s32 $_size__tile_overlayer_lowered;
	s6 =	simm.s32 $_tile_overlayer_lowered  }
0x9b: {  	s22 =	simm.s32 $0x1BFF;
	s21 =	sshll.u32 s6, $0x1;
	s3 =	sadd.s32 s4, s19  }
0x9c: {  	s7 =	simm.s32 $0x0;
	s20 =	sshll.u32 s5, $0x1;
	s5 =	sadd.s32 s21, s3  }
0x9d: {  	[timem:s7], [sflag:s22] =	dma.local [hbm:s5], s20  }
0x9e: {  	_ =	swait.ge [sflag:s22], s20  }
0x9f: {  	s4 =	ssub.s32 $0x0, s20;
	[sflag:s22] =	ssyncset.done $0x0  }
0xa0: {  	[sflag:s22] =	ssyncadd.s32 s4;
	_ =	sdelay $0x1  }
0xa1: {  	s23 =	simm.s32 $0x1B8B  }
0xa2: {  	_ =	swait.ge [sflag:s23], $0x1  }
0xa3: {  	[sflag:s23] =	ssyncset.done $0x0  }
0xa4: {  	s25 =	simm.s32 $0x1B8E;
	s24 =	sld [smem:$0x3FFE];
	[sflag:s23] =	ssyncadd.s32 $0xFFFFFFFF  }
0xa5: {  	s26 =	simm.s32 $execute0_lowered;
	[smem:$0x3FD2] =	sst s25  }
0xa6: {  	s5 =	sshll.u32 s26, $0x1;
	_ =	strace $0x8000004C;
	[dreg:$0x1] =	wrdreg $0xFFFFFFFF  }
0xa7: {  	s28 =	simm.s32 $_size_execute0_lowered;
	s3 =	sadd.s32 s3, s5;
	[dreg:$0x0] =	wrdreg $0x0  }
0xa8: {  	s5 =	sshll.u32 s28, $0x1;
	[dreg:$0x2] =	wrdreg s3  }
0xa9: {  	[dreg:$0x3] =	wrdreg s5  }
0xaa: {  	[dreg:$0x4] =	wrdreg $0xC0  }
0xab: {  	_ =	task [dreg:s7], $0x5FFFF  }
0xac: {  	[dreg:$0x1] =	wrdreg $0xFFFFFFFF  }
0xad: {  	[dreg:$0x0] =	wrdreg $0x60  }
0xae: {  	[dreg:$0x2] =	wrdreg s2  }
0xaf: {  	[dreg:$0x3] =	wrdreg s24  }
0xb0: {  	[dreg:$0x4] =	wrdreg $0xA8000  }
0xb1: {  	[dreg:$0x5] =	wrdreg $0x9  }
0xb2: {  	_ =	task.clear_ibuf [dreg:s7], $0x6FFFF;
	_ =	strace $0x9000004C  }
0xb3: {  	s29 =	simm.s32 $0x9;
	_ =	strace $0x8000004E  }
0xb4: {  	_ =	swait.ge [sflag:s29], $0x1  }
0xb5: {  	[sflag:s29] =	ssyncadd.s32 $0xFFFFFFFF  }
0xb6: {  	_ =	strace $0x9000004E  }
0xb7: {  	_ =	sfence  }
0xb8: {  	s30 =	sld [smem:$0x0];
	_ =	sdelay $0x2  }
0xb9: {  	s31 =	sshll.u32 s1, $0xD;
	s1 =	sshrl.u32 s1, $0x2  }
0xba: {  	s3 =	sand.u32 $0x4000, s31;
	s1 =	sadd.s32 s1, s30  }
0xbb: {  	s0 =	sor.u32 s3, s0;
	s1 =	sshll.u32 s1, $0x11  }
0xbc: {  	s0 =	sor.u32 s1, s0  }
0xbd: {  	s0 =	sadd.s32 $0x8F2B, s0  }
0xbe: {  	[sflag:s0] =	ssyncadd.remote.s32 $0x1  }
0xbf: {  	_ =	sfence.sel $0xFFFF  }
0xc0: {  	[dreg:$0x0] =	wrdreg $0xFFFFFFFF;
	(pc) =	sbr.abs _section_cstart, $3  }
0xc1: {  	[dreg:$0x1] =	wrdreg $0xFFFFFFFF  }
0xc2: {  	_ =	task.clear_ibuf [dreg:s7], $0x2FFFF;
	_ =	strace $0x9FFFFFFF  }
0xc3: {  	(tm) =	ssettm $0x7FFFFFFF  }
tec
execute0_lowered:
.L_overlay_start_1:
0x0: {  	(tag) =	ssettag $0x1  }
0x1: {  	s1 =	rddreg [dreg:$0x0]  }
0x2: {  	s7 =	rddreg [dreg:$0x1]  }
0x3: {  	s2 =	rddreg [dreg:$0x2]  }
0x4: {  	s3 =	srdreg.scid;
	s4 =	simm.s32 $0x0;
	s18 =	simm.s32 $0x2800  }
0x5: {  	s19 =	simm.s32 $0x2;
	s20 =	simm.s32 $0x1400;
	s21 =	simm.s32 $0x80  }
0x6: {  	s22 =	simm.s32 $0x1;
	s23 =	simm.s32 $0x6800;
	s24 =	simm.s32 $0x1380  }
0x7: {  	s25 =	simm.s32 $0x2700;
	s6 =	sand.u32 $0x1, s3;
	s3 =	stileid.u32  }
0x8: {  	s26 =	simm.s32 $0x2780;
	[smem:$0x7FF] =	sst s4;
	s8 =	smul.u32 $0x13C000, s6  }
0x9: {  	s5 =	sadd.s32 $0x66600, s7;
	s13 =	sadd.s32 $0x5C600, s7;
	s9 =	smul.u32 $0x13C00, s3  }
0xa: {  	s14 =	sadd.s32 $0x3600, s7;
	s29 =	smul.u32 $0x4F000, s3;
	s10 =	sshll.u32 s3, $0x1  }
0xb: {  	_ =	strace $0x8000004D;
	s11 =	ssub.s32 $0x2, s6;
	s10 =	sor.u32 s6, s10  }
0xc: {  	s31 =	sshrl.u32 s11, $0x1;
	s8 =	sadd.s32 s9, s8;
	s30 =	sshrl.u32 s29, $0x2  }
0xd: {  	s10 =	smul.u32 $0x2800, s10;
	s17 =	ssub.s32 s11, s31;
	s8 =	sshrl.u32 s8, $0x3  }
0xe: {  	s6 =	sadd.s32 s30, s2;
	s17 =	smax.u32 s17, $0x1;
	s16 =	sadd.s32 s8, s7  }
0xf: {  	s7 =	sadd.s32 $0x4000, s6;
	s8 =	sadd.s32 $0x8000, s6;
	s12 =	sshrl.u32 s10, $0x3  }
0x10: {  	s9 =	sadd.s32 $0xC000, s6;
	s10 =	sadd.s32 $0x10000, s6;
	s15 =	sadd.s32 $0x280, s12  }
0x11: {  	s11 =	sadd.s32 s13, s12;
	s12 =	sadd.s32 s14, s12;
	s13 =	sadd.s32 s13, s15  }
0x12: {  	v0 =	vimm.f32 $0.0e+00;
	s14 =	sadd.s32 s14, s15;
	s15 =	sadd.s32 $0x8D800, s16;
	s16 =	sadd.s32 $0xDC800, s16  }
.LBB2_1:
0x13: {  	s28 =	simm.s32 $0x0;
	s29 =	simm.s32 $0x200  }
.LBB2_2:
0x14: {  	p0 =	sne.s32 s29, $0xFE00;
	[tilespmem:s28+$0x2870] =	vst v0  }
0x15: {  	[tilespmem:s28+$0x2800] =	vst v0  }
0x16: {  	[tilespmem:s28+$0x2810] =	vst v0  }
.Ltmp0:
0x17: {  	[tilespmem:s28+$0x2820] =	vst v0;
	(pc) =	sbr.rel @p0 .LBB2_2-.Ltmp0, $4  }
0x18: {  	[tilespmem:s28+$0x2830] =	vst v0  }
0x19: {  	[tilespmem:s28+$0x2840] =	vst v0  }
0x1a: {  	[tilespmem:s28+$0x2850] =	vst v0  }
0x1b: {  	[tilespmem:s28+$0x2860] =	vst v0;
	s28 =	sshra.s32 s29, $0x2;
	s29 =	sadd.s32 $0x200, s29  }
0x1c: {  	[tilespmem:s28+$0x2870] =	vst v0  }
0x1d: {  	[tilespmem:s28+$0x2800] =	vst v0  }
0x1e: {  	[tilespmem:s28+$0x2810] =	vst v0  }
0x1f: {  	[tilespmem:s28+$0x2820] =	vst v0  }
0x20: {  	[tilespmem:s28+$0x2830] =	vst v0  }
0x21: {  	[tilespmem:s28+$0x2840] =	vst v0  }
0x22: {  	[tilespmem:s28+$0x2850] =	vst v0  }
0x23: {  	[tilespmem:s28+$0x2860] =	vst v0  }
0x24: {  	[spmem:s6] =	stream.linear.scatter [tilespmem:s18], [sflag:$0x2], $0x4000, $0x38;
	[tilespmem:$0x1E400] =	vst v63  }
0x25: {  	_ =	swait.ge [sflag:s19], $0x4000  }
0x26: {  	[sflag:s19] =	ssyncset.done $0x0  }
0x27: {  	[sflag:s19] =	ssyncadd.s32 $0xFFFFC000  }
0x28: {  	[spmem:s7] =	stream.linear.scatter [tilespmem:s18], [sflag:$0x2], $0x4000, $0x38;
	[tilespmem:$0x1E400] =	vst v63  }
0x29: {  	_ =	swait.ge [sflag:s19], $0x4000  }
0x2a: {  	[sflag:s19] =	ssyncset.done $0x0  }
0x2b: {  	[sflag:s19] =	ssyncadd.s32 $0xFFFFC000  }
0x2c: {  	[spmem:s8] =	stream.linear.scatter [tilespmem:s18], [sflag:$0x2], $0x4000, $0x38;
	[tilespmem:$0x1E400] =	vst v63  }
0x2d: {  	_ =	swait.ge [sflag:s19], $0x4000  }
0x2e: {  	[sflag:s19] =	ssyncset.done $0x0  }
0x2f: {  	[sflag:s19] =	ssyncadd.s32 $0xFFFFC000  }
0x30: {  	[spmem:s9] =	stream.linear.scatter [tilespmem:s18], [sflag:$0x2], $0x4000, $0x38;
	[tilespmem:$0x1E400] =	vst v63  }
0x31: {  	_ =	swait.ge [sflag:s19], $0x4000  }
0x32: {  	[sflag:s19] =	ssyncset.done $0x0  }
0x33: {  	[sflag:s19] =	ssyncadd.s32 $0xFFFFC000  }
0x34: {  	[spmem:s10] =	stream.linear.scatter [tilespmem:s18], [sflag:$0x2], $0x3C00, $0x38;
	[tilespmem:$0x1E400] =	vst v63  }
0x35: {  	_ =	swait.ge [sflag:s19], $0x3C00  }
0x36: {  	[sflag:s19] =	ssyncset.done $0x0  }
0x37: {  	[sflag:s19] =	ssyncadd.s32 $0xFFFFC400  }
0x38: {  	s28 =	simm.s32 $0x0;
	[bflag:$0x0] =	sbarrier.arrive $0xFFFF  }
0x39: {  	[tilespmem:s28], [sflag:$0x2] =	stream.linear.gather [hbm4b:s11+s28], $0x1400, $0x38;
	[tilespmem:$0x1E400] =	vst v63  }
0x3a: {  	_ =	swait.ge [sflag:s19], $0x1400  }
0x3b: {  	[sflag:s19] =	ssyncset.done $0x0  }
0x3c: {  	[sflag:s19] =	ssyncadd.s32 $0xFFFFEC00  }
0x3d: {  	[tilespmem:s20], [sflag:$0x2] =	stream.linear.gather [hbm4b:s12+s28], $0x1400, $0x38;
	[tilespmem:$0x1E400] =	vst v63  }
0x3e: {  	_ =	swait.ge [sflag:s19], $0x1400  }
0x3f: {  	[sflag:s19] =	ssyncset.done $0x0  }
0x40: {  	[sflag:s19] =	ssyncadd.s32 $0xFFFFEC00  }
0x41: {  	[tilespmem:s18], [sflag:$0x1] =	stream.indirect.gather [hbm4b:s1+s21], $0x80, s28, s21, $0xb8;
	[tilespmem:$0x1E400] =	vst v63  }
0x42: {  	_ =	swait.ge [sflag:s22], $0x4000  }
0x43: {  	[sflag:s22] =	ssyncset.done $0x0  }
0x44: {  	s28 =	simm.s32 $0x80;
	[sflag:s22] =	ssyncadd.s32 $0xFFFFC000  }
0x45: {  	[tilespmem:s23], [sflag:$0x1] =	stream.indirect.gather [hbm4b:s1+s21], $0x80, s28, s21, $0xb8;
	[tilespmem:$0x1E400] =	vst v63  }
0x46: {  	s28 =	simm.s32 $0x1400  }
0x47: {  	[spmem:s2] =	stream.indirect.scatter.add.f32 [tilespmem:s18], [sflag:$0x2], $0x80, s28, s21, $0xb8;
	[tilespmem:$0x1E400] =	vst v63  }
0x48: {  	_ =	swait.ge [sflag:s19], $0x4000  }
0x49: {  	[sflag:s19] =	ssyncset.done $0x0  }
0x4a: {  	[sflag:s19] =	ssyncadd.s32 $0xFFFFC000  }
0x4b: {  	_ =	swait.ge [sflag:s22], $0x4000  }
0x4c: {  	[sflag:s22] =	ssyncset.done $0x0  }
0x4d: {  	s28 =	simm.s32 $0x100;
	[sflag:s22] =	ssyncadd.s32 $0xFFFFC000  }
0x4e: {  	[tilespmem:s18], [sflag:$0x1] =	stream.indirect.gather [hbm4b:s1+s21], $0x80, s28, s21, $0xb8;
	[tilespmem:$0x1E400] =	vst v63  }
0x4f: {  	s28 =	simm.s32 $0x1480  }
0x50: {  	[spmem:s2] =	stream.indirect.scatter.add.f32 [tilespmem:s23], [sflag:$0x2], $0x80, s28, s21, $0xb8;
	[tilespmem:$0x1E400] =	vst v63  }
0x51: {  	_ =	swait.ge [sflag:s19], $0x4000  }
0x52: {  	s28 =	simm.s32 $0x400;
	[sflag:s19] =	ssyncset.done $0x0  }
.LBB2_4:
0x53: {  	p0 =	sne.s32 s28, $0x4800  }
0x54: {  	[sflag:s19] =	ssyncadd.s32 $0xFFFFC000;
	s29 =	smov.u32 s28;
	s28 =	sadd.s32 $0x400, s28  }
0x55: {  	_ = 	snop  }
0x56: {  	_ =	swait.ge [sflag:s22], $0x4000  }
0x57: {  	s29 =	sshra.s32 s29, $0x2;
	[sflag:s22] =	ssyncset.done $0x0  }
0x58: {  	s30 =	sadd.s32 $0x80, s29;
	[sflag:s22] =	ssyncadd.s32 $0xFFFFC000  }
0x59: {  	[tilespmem:s23], [sflag:$0x1] =	stream.indirect.gather [hbm4b:s1+s21], $0x80, s30, s21, $0xb8;
	[tilespmem:$0x1E400] =	vst v63  }
0x5a: {  	s30 =	sadd.s32 $0x1400, s29  }
0x5b: {  	[spmem:s2] =	stream.indirect.scatter.add.f32 [tilespmem:s18], [sflag:$0x2], $0x80, s30, s21, $0xb8;
	[tilespmem:$0x1E400] =	vst v63  }
0x5c: {  	_ =	swait.ge [sflag:s19], $0x4000  }
0x5d: {  	[sflag:s19] =	ssyncset.done $0x0  }
0x5e: {  	[sflag:s19] =	ssyncadd.s32 $0xFFFFC000  }
0x5f: {  	_ =	swait.ge [sflag:s22], $0x4000  }
0x60: {  	[sflag:s22] =	ssyncset.done $0x0  }
0x61: {  	s30 =	sadd.s32 $0x100, s29;
	[sflag:s22] =	ssyncadd.s32 $0xFFFFC000  }
0x62: {  	[tilespmem:s18], [sflag:$0x1] =	stream.indirect.gather [hbm4b:s1+s21], $0x80, s30, s21, $0xb8;
	[tilespmem:$0x1E400] =	vst v63  }
.Ltmp1:
0x63: {  	_ = 	snop;
	(pc) =	sbr.rel @p0 .LBB2_4-.Ltmp1, $4  }
0x64: {  	s29 =	sadd.s32 $0x1480, s29  }
0x65: {  	[spmem:s2] =	stream.indirect.scatter.add.f32 [tilespmem:s23], [sflag:$0x2], $0x80, s29, s21, $0xb8;
	[tilespmem:$0x1E400] =	vst v63  }
0x66: {  	_ =	swait.ge [sflag:s19], $0x4000  }
0x67: {  	[sflag:s19] =	ssyncset.done $0x0  }
0x68: {  	[sflag:s19] =	ssyncadd.s32 $0xFFFFC000  }
0x69: {  	_ =	swait.ge [sflag:s22], $0x4000  }
0x6a: {  	[sflag:s22] =	ssyncset.done $0x0  }
0x6b: {  	[sflag:s22] =	ssyncadd.s32 $0xFFFFC000  }
0x6c: {  	[tilespmem:s23], [sflag:$0x1] =	stream.indirect.gather [hbm4b:s1+s21], $0x80, s24, s21, $0xb8;
	[tilespmem:$0x1E400] =	vst v63  }
0x6d: {  	_ = 	snop  }
0x6e: {  	[spmem:s2] =	stream.indirect.scatter.add.f32 [tilespmem:s18], [sflag:$0x2], $0x80, s25, s21, $0xb8;
	[tilespmem:$0x1E400] =	vst v63  }
0x6f: {  	_ =	swait.ge [sflag:s19], $0x4000  }
0x70: {  	[sflag:s19] =	ssyncset.done $0x0  }
0x71: {  	[sflag:s19] =	ssyncadd.s32 $0xFFFFC000  }
0x72: {  	_ =	swait.ge [sflag:s22], $0x4000  }
0x73: {  	[sflag:s22] =	ssyncset.done $0x0  }
0x74: {  	[sflag:s22] =	ssyncadd.s32 $0xFFFFC000  }
0x75: {  	[spmem:s2] =	stream.indirect.scatter.add.f32 [tilespmem:s23], [sflag:$0x2], $0x80, s26, s21, $0xb8;
	[tilespmem:$0x1E400] =	vst v63  }
0x76: {  	_ =	swait.ge [sflag:s19], $0x4000  }
0x77: {  	[sflag:s19] =	ssyncset.done $0x0  }
0x78: {  	s28 =	simm.s32 $0x0;
	[sflag:s19] =	ssyncadd.s32 $0xFFFFC000  }
0x79: {  	[tilespmem:s28], [sflag:$0x2] =	stream.linear.gather [hbm4b:s13+s28], $0x1400, $0x38;
	[tilespmem:$0x1E400] =	vst v63  }
0x7a: {  	_ =	swait.ge [sflag:s19], $0x1400  }
0x7b: {  	[sflag:s19] =	ssyncset.done $0x0  }
0x7c: {  	[sflag:s19] =	ssyncadd.s32 $0xFFFFEC00  }
0x7d: {  	[tilespmem:s20], [sflag:$0x2] =	stream.linear.gather [hbm4b:s14+s28], $0x1400, $0x38;
	[tilespmem:$0x1E400] =	vst v63  }
0x7e: {  	_ =	swait.ge [sflag:s19], $0x1400  }
0x7f: {  	[sflag:s19] =	ssyncset.done $0x0  }
0x80: {  	[sflag:s19] =	ssyncadd.s32 $0xFFFFEC00  }
0x81: {  	[tilespmem:s18], [sflag:$0x1] =	stream.indirect.gather [hbm4b:s1+s21], $0x80, s28, s21, $0xb8;
	[tilespmem:$0x1E400] =	vst v63  }
0x82: {  	_ =	swait.ge [sflag:s22], $0x4000  }
0x83: {  	[sflag:s22] =	ssyncset.done $0x0  }
0x84: {  	s28 =	simm.s32 $0x80;
	[sflag:s22] =	ssyncadd.s32 $0xFFFFC000  }
0x85: {  	[tilespmem:s23], [sflag:$0x1] =	stream.indirect.gather [hbm4b:s1+s21], $0x80, s28, s21, $0xb8;
	[tilespmem:$0x1E400] =	vst v63  }
0x86: {  	s28 =	simm.s32 $0x1400  }
0x87: {  	[spmem:s2] =	stream.indirect.scatter.add.f32 [tilespmem:s18], [sflag:$0x2], $0x80, s28, s21, $0xb8;
	[tilespmem:$0x1E400] =	vst v63  }
0x88: {  	_ =	swait.ge [sflag:s19], $0x4000  }
0x89: {  	[sflag:s19] =	ssyncset.done $0x0  }
0x8a: {  	[sflag:s19] =	ssyncadd.s32 $0xFFFFC000  }
0x8b: {  	_ =	swait.ge [sflag:s22], $0x4000  }
0x8c: {  	[sflag:s22] =	ssyncset.done $0x0  }
0x8d: {  	s28 =	simm.s32 $0x100;
	[sflag:s22] =	ssyncadd.s32 $0xFFFFC000  }
0x8e: {  	[tilespmem:s18], [sflag:$0x1] =	stream.indirect.gather [hbm4b:s1+s21], $0x80, s28, s21, $0xb8;
	[tilespmem:$0x1E400] =	vst v63  }
0x8f: {  	s28 =	simm.s32 $0x1480  }
0x90: {  	[spmem:s2] =	stream.indirect.scatter.add.f32 [tilespmem:s23], [sflag:$0x2], $0x80, s28, s21, $0xb8;
	[tilespmem:$0x1E400] =	vst v63  }
0x91: {  	_ =	swait.ge [sflag:s19], $0x4000  }
0x92: {  	s28 =	simm.s32 $0x400;
	[sflag:s19] =	ssyncset.done $0x0  }
.LBB2_6:
0x93: {  	p0 =	sne.s32 s28, $0x4800  }
0x94: {  	[sflag:s19] =	ssyncadd.s32 $0xFFFFC000;
	s29 =	smov.u32 s28;
	s28 =	sadd.s32 $0x400, s28  }
0x95: {  	_ = 	snop  }
0x96: {  	_ =	swait.ge [sflag:s22], $0x4000  }
0x97: {  	s29 =	sshra.s32 s29, $0x2;
	[sflag:s22] =	ssyncset.done $0x0  }
0x98: {  	s30 =	sadd.s32 $0x80, s29;
	[sflag:s22] =	ssyncadd.s32 $0xFFFFC000  }
0x99: {  	[tilespmem:s23], [sflag:$0x1] =	stream.indirect.gather [hbm4b:s1+s21], $0x80, s30, s21, $0xb8;
	[tilespmem:$0x1E400] =	vst v63  }
0x9a: {  	s30 =	sadd.s32 $0x1400, s29  }
0x9b: {  	[spmem:s2] =	stream.indirect.scatter.add.f32 [tilespmem:s18], [sflag:$0x2], $0x80, s30, s21, $0xb8;
	[tilespmem:$0x1E400] =	vst v63  }
0x9c: {  	_ =	swait.ge [sflag:s19], $0x4000  }
0x9d: {  	[sflag:s19] =	ssyncset.done $0x0  }
0x9e: {  	[sflag:s19] =	ssyncadd.s32 $0xFFFFC000  }
0x9f: {  	_ =	swait.ge [sflag:s22], $0x4000  }
0xa0: {  	[sflag:s22] =	ssyncset.done $0x0  }
0xa1: {  	s30 =	sadd.s32 $0x100, s29;
	[sflag:s22] =	ssyncadd.s32 $0xFFFFC000  }
0xa2: {  	[tilespmem:s18], [sflag:$0x1] =	stream.indirect.gather [hbm4b:s1+s21], $0x80, s30, s21, $0xb8;
	[tilespmem:$0x1E400] =	vst v63  }
.Ltmp2:
0xa3: {  	_ = 	snop;
	(pc) =	sbr.rel @p0 .LBB2_6-.Ltmp2, $4  }
0xa4: {  	s29 =	sadd.s32 $0x1480, s29  }
0xa5: {  	[spmem:s2] =	stream.indirect.scatter.add.f32 [tilespmem:s23], [sflag:$0x2], $0x80, s29, s21, $0xb8;
	[tilespmem:$0x1E400] =	vst v63  }
0xa6: {  	_ =	swait.ge [sflag:s19], $0x4000  }
0xa7: {  	[sflag:s19] =	ssyncset.done $0x0  }
0xa8: {  	[sflag:s19] =	ssyncadd.s32 $0xFFFFC000  }
0xa9: {  	_ =	swait.ge [sflag:s22], $0x4000  }
0xaa: {  	[sflag:s22] =	ssyncset.done $0x0  }
0xab: {  	[sflag:s22] =	ssyncadd.s32 $0xFFFFC000  }
0xac: {  	[tilespmem:s23], [sflag:$0x1] =	stream.indirect.gather [hbm4b:s1+s21], $0x80, s24, s21, $0xb8;
	[tilespmem:$0x1E400] =	vst v63  }
0xad: {  	_ = 	snop  }
0xae: {  	[spmem:s2] =	stream.indirect.scatter.add.f32 [tilespmem:s18], [sflag:$0x2], $0x80, s25, s21, $0xb8;
	[tilespmem:$0x1E400] =	vst v63  }
0xaf: {  	_ =	swait.ge [sflag:s19], $0x4000  }
0xb0: {  	[sflag:s19] =	ssyncset.done $0x0  }
0xb1: {  	[sflag:s19] =	ssyncadd.s32 $0xFFFFC000  }
0xb2: {  	_ =	swait.ge [sflag:s22], $0x4000  }
0xb3: {  	[sflag:s22] =	ssyncset.done $0x0  }
0xb4: {  	[sflag:s22] =	ssyncadd.s32 $0xFFFFC000  }
0xb5: {  	[spmem:s2] =	stream.indirect.scatter.add.f32 [tilespmem:s23], [sflag:$0x2], $0x80, s26, s21, $0xb8;
	[tilespmem:$0x1E400] =	vst v63  }
0xb6: {  	_ =	swait.ge [sflag:s19], $0x4000  }
0xb7: {  	[sflag:s19] =	ssyncset.done $0x0  }
0xb8: {  	s28 =	sshll.u32 s3, $0x6;
	[sflag:s19] =	ssyncadd.s32 $0xFFFFC000  }
0xb9: {  	s29 =	sshrl.u32 s6, $0x3;
	s28 =	sor.u32 $0x1C02, s28;
	[bflag:$0x0] =	sbarrier.arrive $0xFFFF  }
0xba: {  	[hbm:s15], [sflag:s28] =	dma.local [spmem:s29], $0x2780  }
0xbb: {  	_ =	swait.ge [sflag:s19], $0x2780  }
0xbc: {  	[sflag:s19] =	ssyncset.done $0x0  }
0xbd: {  	[sflag:s19] =	ssyncadd.s32 $0xFFFFD880  }
0xbe: {  	s30 =	simm.s32 $0x0;
	s31 =	simm.s32 $0x200;
	[bflag:$0x0] =	sbarrier.arrive $0xFFFF  }
.LBB2_8:
0xbf: {  	p0 =	sne.s32 s31, $0xFE00;
	[tilespmem:s30+$0x2870] =	vst v0  }
0xc0: {  	[tilespmem:s30+$0x2800] =	vst v0  }
0xc1: {  	[tilespmem:s30+$0x2810] =	vst v0  }
.Ltmp3:
0xc2: {  	[tilespmem:s30+$0x2820] =	vst v0;
	(pc) =	sbr.rel @p0 .LBB2_8-.Ltmp3, $4  }
0xc3: {  	[tilespmem:s30+$0x2830] =	vst v0  }
0xc4: {  	[tilespmem:s30+$0x2840] =	vst v0  }
0xc5: {  	[tilespmem:s30+$0x2850] =	vst v0  }
0xc6: {  	[tilespmem:s30+$0x2860] =	vst v0;
	s30 =	sshra.s32 s31, $0x2;
	s31 =	sadd.s32 $0x200, s31  }
0xc7: {  	[tilespmem:s30+$0x2870] =	vst v0  }
0xc8: {  	[tilespmem:s30+$0x2800] =	vst v0  }
0xc9: {  	[tilespmem:s30+$0x2810] =	vst v0  }
0xca: {  	[tilespmem:s30+$0x2820] =	vst v0  }
0xcb: {  	[tilespmem:s30+$0x2830] =	vst v0  }
0xcc: {  	[tilespmem:s30+$0x2840] =	vst v0  }
0xcd: {  	[tilespmem:s30+$0x2850] =	vst v0  }
0xce: {  	[tilespmem:s30+$0x2860] =	vst v0  }
0xcf: {  	[spmem:s6] =	stream.linear.scatter [tilespmem:s18], [sflag:$0x2], $0x4000, $0x38;
	[tilespmem:$0x1E400] =	vst v63  }
0xd0: {  	_ =	swait.ge [sflag:s19], $0x4000  }
0xd1: {  	[sflag:s19] =	ssyncset.done $0x0  }
0xd2: {  	[sflag:s19] =	ssyncadd.s32 $0xFFFFC000  }
0xd3: {  	[spmem:s7] =	stream.linear.scatter [tilespmem:s18], [sflag:$0x2], $0x4000, $0x38;
	[tilespmem:$0x1E400] =	vst v63  }
0xd4: {  	_ =	swait.ge [sflag:s19], $0x4000  }
0xd5: {  	[sflag:s19] =	ssyncset.done $0x0  }
0xd6: {  	[sflag:s19] =	ssyncadd.s32 $0xFFFFC000  }
0xd7: {  	[spmem:s8] =	stream.linear.scatter [tilespmem:s18], [sflag:$0x2], $0x4000, $0x38;
	[tilespmem:$0x1E400] =	vst v63  }
0xd8: {  	_ =	swait.ge [sflag:s19], $0x4000  }
0xd9: {  	[sflag:s19] =	ssyncset.done $0x0  }
0xda: {  	[sflag:s19] =	ssyncadd.s32 $0xFFFFC000  }
0xdb: {  	[spmem:s9] =	stream.linear.scatter [tilespmem:s18], [sflag:$0x2], $0x4000, $0x38;
	[tilespmem:$0x1E400] =	vst v63  }
0xdc: {  	_ =	swait.ge [sflag:s19], $0x4000  }
0xdd: {  	[sflag:s19] =	ssyncset.done $0x0  }
0xde: {  	[sflag:s19] =	ssyncadd.s32 $0xFFFFC000  }
0xdf: {  	[spmem:s10] =	stream.linear.scatter [tilespmem:s18], [sflag:$0x2], $0x3C00, $0x38;
	[tilespmem:$0x1E400] =	vst v63  }
0xe0: {  	_ =	swait.ge [sflag:s19], $0x3C00  }
0xe1: {  	[sflag:s19] =	ssyncset.done $0x0  }
0xe2: {  	[sflag:s19] =	ssyncadd.s32 $0xFFFFC400  }
0xe3: {  	s30 =	simm.s32 $0x0;
	[bflag:$0x0] =	sbarrier.arrive $0xFFFF  }
0xe4: {  	[tilespmem:s30], [sflag:$0x2] =	stream.linear.gather [hbm4b:s11+s30], $0x1400, $0x38;
	[tilespmem:$0x1E400] =	vst v63  }
0xe5: {  	_ =	swait.ge [sflag:s19], $0x1400  }
0xe6: {  	[sflag:s19] =	ssyncset.done $0x0  }
0xe7: {  	[sflag:s19] =	ssyncadd.s32 $0xFFFFEC00  }
0xe8: {  	[tilespmem:s20], [sflag:$0x2] =	stream.linear.gather [hbm4b:s12+s30], $0x1400, $0x38;
	[tilespmem:$0x1E400] =	vst v63  }
0xe9: {  	_ =	swait.ge [sflag:s19], $0x1400  }
0xea: {  	[sflag:s19] =	ssyncset.done $0x0  }
0xeb: {  	[sflag:s19] =	ssyncadd.s32 $0xFFFFEC00  }
0xec: {  	[tilespmem:s18], [sflag:$0x1] =	stream.indirect.gather [hbm4b:s5+s21], $0x80, s30, s21, $0xb8;
	[tilespmem:$0x1E400] =	vst v63  }
0xed: {  	_ =	swait.ge [sflag:s22], $0x4000  }
0xee: {  	[sflag:s22] =	ssyncset.done $0x0  }
0xef: {  	s30 =	simm.s32 $0x80;
	[sflag:s22] =	ssyncadd.s32 $0xFFFFC000  }
0xf0: {  	[tilespmem:s23], [sflag:$0x1] =	stream.indirect.gather [hbm4b:s5+s21], $0x80, s30, s21, $0xb8;
	[tilespmem:$0x1E400] =	vst v63  }
0xf1: {  	s30 =	simm.s32 $0x1400  }
0xf2: {  	[spmem:s2] =	stream.indirect.scatter.add.f32 [tilespmem:s18], [sflag:$0x2], $0x80, s30, s21, $0xb8;
	[tilespmem:$0x1E400] =	vst v63  }
0xf3: {  	_ =	swait.ge [sflag:s19], $0x4000  }
0xf4: {  	[sflag:s19] =	ssyncset.done $0x0  }
0xf5: {  	[sflag:s19] =	ssyncadd.s32 $0xFFFFC000  }
0xf6: {  	_ =	swait.ge [sflag:s22], $0x4000  }
0xf7: {  	[sflag:s22] =	ssyncset.done $0x0  }
0xf8: {  	s30 =	simm.s32 $0x100;
	[sflag:s22] =	ssyncadd.s32 $0xFFFFC000  }
0xf9: {  	[tilespmem:s18], [sflag:$0x1] =	stream.indirect.gather [hbm4b:s5+s21], $0x80, s30, s21, $0xb8;
	[tilespmem:$0x1E400] =	vst v63  }
0xfa: {  	s30 =	simm.s32 $0x1480  }
0xfb: {  	[spmem:s2] =	stream.indirect.scatter.add.f32 [tilespmem:s23], [sflag:$0x2], $0x80, s30, s21, $0xb8;
	[tilespmem:$0x1E400] =	vst v63  }
0xfc: {  	_ =	swait.ge [sflag:s19], $0x4000  }
0xfd: {  	s30 =	simm.s32 $0x400;
	[sflag:s19] =	ssyncset.done $0x0  }
.LBB2_10:
0xfe: {  	p0 =	sne.s32 s30, $0x4800  }
0xff: {  	[sflag:s19] =	ssyncadd.s32 $0xFFFFC000;
	s31 =	smov.u32 s30;
	s30 =	sadd.s32 $0x400, s30  }
0x100: {  	_ = 	snop  }
0x101: {  	_ =	swait.ge [sflag:s22], $0x4000  }
0x102: {  	s31 =	sshra.s32 s31, $0x2;
	[sflag:s22] =	ssyncset.done $0x0  }
0x103: {  	s0 =	sadd.s32 $0x80, s31;
	[sflag:s22] =	ssyncadd.s32 $0xFFFFC000  }
0x104: {  	[tilespmem:s23], [sflag:$0x1] =	stream.indirect.gather [hbm4b:s5+s21], $0x80, s0, s21, $0xb8;
	[tilespmem:$0x1E400] =	vst v63  }
0x105: {  	s0 =	sadd.s32 $0x1400, s31  }
0x106: {  	[spmem:s2] =	stream.indirect.scatter.add.f32 [tilespmem:s18], [sflag:$0x2], $0x80, s0, s21, $0xb8;
	[tilespmem:$0x1E400] =	vst v63  }
0x107: {  	_ =	swait.ge [sflag:s19], $0x4000  }
0x108: {  	[sflag:s19] =	ssyncset.done $0x0  }
0x109: {  	[sflag:s19] =	ssyncadd.s32 $0xFFFFC000  }
0x10a: {  	_ =	swait.ge [sflag:s22], $0x4000  }
0x10b: {  	[sflag:s22] =	ssyncset.done $0x0  }
0x10c: {  	s0 =	sadd.s32 $0x100, s31;
	[sflag:s22] =	ssyncadd.s32 $0xFFFFC000  }
0x10d: {  	[tilespmem:s18], [sflag:$0x1] =	stream.indirect.gather [hbm4b:s5+s21], $0x80, s0, s21, $0xb8;
	[tilespmem:$0x1E400] =	vst v63  }
.Ltmp4:
0x10e: {  	_ = 	snop;
	(pc) =	sbr.rel @p0 .LBB2_10-.Ltmp4, $4  }
0x10f: {  	s0 =	sadd.s32 $0x1480, s31  }
0x110: {  	[spmem:s2] =	stream.indirect.scatter.add.f32 [tilespmem:s23], [sflag:$0x2], $0x80, s0, s21, $0xb8;
	[tilespmem:$0x1E400] =	vst v63  }
0x111: {  	_ =	swait.ge [sflag:s19], $0x4000  }
0x112: {  	[sflag:s19] =	ssyncset.done $0x0  }
0x113: {  	[sflag:s19] =	ssyncadd.s32 $0xFFFFC000  }
0x114: {  	_ =	swait.ge [sflag:s22], $0x4000  }
0x115: {  	[sflag:s22] =	ssyncset.done $0x0  }
0x116: {  	[sflag:s22] =	ssyncadd.s32 $0xFFFFC000  }
0x117: {  	[tilespmem:s23], [sflag:$0x1] =	stream.indirect.gather [hbm4b:s5+s21], $0x80, s24, s21, $0xb8;
	[tilespmem:$0x1E400] =	vst v63  }
0x118: {  	_ = 	snop  }
0x119: {  	[spmem:s2] =	stream.indirect.scatter.add.f32 [tilespmem:s18], [sflag:$0x2], $0x80, s25, s21, $0xb8;
	[tilespmem:$0x1E400] =	vst v63  }
0x11a: {  	_ =	swait.ge [sflag:s19], $0x4000  }
0x11b: {  	[sflag:s19] =	ssyncset.done $0x0  }
0x11c: {  	[sflag:s19] =	ssyncadd.s32 $0xFFFFC000  }
0x11d: {  	_ =	swait.ge [sflag:s22], $0x4000  }
0x11e: {  	[sflag:s22] =	ssyncset.done $0x0  }
0x11f: {  	[sflag:s22] =	ssyncadd.s32 $0xFFFFC000  }
0x120: {  	[spmem:s2] =	stream.indirect.scatter.add.f32 [tilespmem:s23], [sflag:$0x2], $0x80, s26, s21, $0xb8;
	[tilespmem:$0x1E400] =	vst v63  }
0x121: {  	_ =	swait.ge [sflag:s19], $0x4000  }
0x122: {  	[sflag:s19] =	ssyncset.done $0x0  }
0x123: {  	s0 =	simm.s32 $0x0;
	[sflag:s19] =	ssyncadd.s32 $0xFFFFC000  }
0x124: {  	[tilespmem:s0], [sflag:$0x2] =	stream.linear.gather [hbm4b:s13+s0], $0x1400, $0x38;
	[tilespmem:$0x1E400] =	vst v63  }
0x125: {  	_ =	swait.ge [sflag:s19], $0x1400  }
0x126: {  	[sflag:s19] =	ssyncset.done $0x0  }
0x127: {  	[sflag:s19] =	ssyncadd.s32 $0xFFFFEC00  }
0x128: {  	[tilespmem:s20], [sflag:$0x2] =	stream.linear.gather [hbm4b:s14+s0], $0x1400, $0x38;
	[tilespmem:$0x1E400] =	vst v63  }
0x129: {  	_ =	swait.ge [sflag:s19], $0x1400  }
0x12a: {  	[sflag:s19] =	ssyncset.done $0x0  }
0x12b: {  	[sflag:s19] =	ssyncadd.s32 $0xFFFFEC00  }
0x12c: {  	[tilespmem:s18], [sflag:$0x1] =	stream.indirect.gather [hbm4b:s5+s21], $0x80, s0, s21, $0xb8;
	[tilespmem:$0x1E400] =	vst v63  }
0x12d: {  	_ =	swait.ge [sflag:s22], $0x4000  }
0x12e: {  	[sflag:s22] =	ssyncset.done $0x0  }
0x12f: {  	s31 =	simm.s32 $0x80;
	[sflag:s22] =	ssyncadd.s32 $0xFFFFC000  }
0x130: {  	[tilespmem:s23], [sflag:$0x1] =	stream.indirect.gather [hbm4b:s5+s21], $0x80, s31, s21, $0xb8;
	[tilespmem:$0x1E400] =	vst v63  }
0x131: {  	s31 =	simm.s32 $0x1400  }
0x132: {  	[spmem:s2] =	stream.indirect.scatter.add.f32 [tilespmem:s18], [sflag:$0x2], $0x80, s31, s21, $0xb8;
	[tilespmem:$0x1E400] =	vst v63  }
0x133: {  	_ =	swait.ge [sflag:s19], $0x4000  }
0x134: {  	[sflag:s19] =	ssyncset.done $0x0  }
0x135: {  	[sflag:s19] =	ssyncadd.s32 $0xFFFFC000  }
0x136: {  	_ =	swait.ge [sflag:s22], $0x4000  }
0x137: {  	[sflag:s22] =	ssyncset.done $0x0  }
0x138: {  	s31 =	simm.s32 $0x100;
	[sflag:s22] =	ssyncadd.s32 $0xFFFFC000  }
0x139: {  	[tilespmem:s18], [sflag:$0x1] =	stream.indirect.gather [hbm4b:s5+s21], $0x80, s31, s21, $0xb8;
	[tilespmem:$0x1E400] =	vst v63  }
0x13a: {  	s31 =	simm.s32 $0x1480  }
0x13b: {  	[spmem:s2] =	stream.indirect.scatter.add.f32 [tilespmem:s23], [sflag:$0x2], $0x80, s31, s21, $0xb8;
	[tilespmem:$0x1E400] =	vst v63  }
0x13c: {  	_ =	swait.ge [sflag:s19], $0x4000  }
0x13d: {  	s30 =	simm.s32 $0x400;
	[sflag:s19] =	ssyncset.done $0x0  }
.LBB2_12:
0x13e: {  	p0 =	sne.s32 s30, $0x4800  }
0x13f: {  	[sflag:s19] =	ssyncadd.s32 $0xFFFFC000;
	s0 =	smov.u32 s30;
	s30 =	sadd.s32 $0x400, s30  }
0x140: {  	_ = 	snop  }
0x141: {  	_ =	swait.ge [sflag:s22], $0x4000  }
0x142: {  	s0 =	sshra.s32 s0, $0x2;
	[sflag:s22] =	ssyncset.done $0x0  }
0x143: {  	s31 =	sadd.s32 $0x80, s0;
	[sflag:s22] =	ssyncadd.s32 $0xFFFFC000  }
0x144: {  	[tilespmem:s23], [sflag:$0x1] =	stream.indirect.gather [hbm4b:s5+s21], $0x80, s31, s21, $0xb8;
	[tilespmem:$0x1E400] =	vst v63  }
0x145: {  	s31 =	sadd.s32 $0x1400, s0  }
0x146: {  	[spmem:s2] =	stream.indirect.scatter.add.f32 [tilespmem:s18], [sflag:$0x2], $0x80, s31, s21, $0xb8;
	[tilespmem:$0x1E400] =	vst v63  }
0x147: {  	_ =	swait.ge [sflag:s19], $0x4000  }
0x148: {  	[sflag:s19] =	ssyncset.done $0x0  }
0x149: {  	[sflag:s19] =	ssyncadd.s32 $0xFFFFC000  }
0x14a: {  	_ =	swait.ge [sflag:s22], $0x4000  }
0x14b: {  	[sflag:s22] =	ssyncset.done $0x0  }
0x14c: {  	s31 =	sadd.s32 $0x100, s0;
	[sflag:s22] =	ssyncadd.s32 $0xFFFFC000  }
0x14d: {  	[tilespmem:s18], [sflag:$0x1] =	stream.indirect.gather [hbm4b:s5+s21], $0x80, s31, s21, $0xb8;
	[tilespmem:$0x1E400] =	vst v63  }
.Ltmp5:
0x14e: {  	_ = 	snop;
	(pc) =	sbr.rel @p0 .LBB2_12-.Ltmp5, $4  }
0x14f: {  	s0 =	sadd.s32 $0x1480, s0  }
0x150: {  	[spmem:s2] =	stream.indirect.scatter.add.f32 [tilespmem:s23], [sflag:$0x2], $0x80, s0, s21, $0xb8;
	[tilespmem:$0x1E400] =	vst v63  }
0x151: {  	_ =	swait.ge [sflag:s19], $0x4000  }
0x152: {  	[sflag:s19] =	ssyncset.done $0x0  }
0x153: {  	[sflag:s19] =	ssyncadd.s32 $0xFFFFC000  }
0x154: {  	_ =	swait.ge [sflag:s22], $0x4000  }
0x155: {  	[sflag:s22] =	ssyncset.done $0x0  }
0x156: {  	[sflag:s22] =	ssyncadd.s32 $0xFFFFC000  }
0x157: {  	[tilespmem:s23], [sflag:$0x1] =	stream.indirect.gather [hbm4b:s5+s21], $0x80, s24, s21, $0xb8;
	[tilespmem:$0x1E400] =	vst v63  }
0x158: {  	_ = 	snop  }
0x159: {  	[spmem:s2] =	stream.indirect.scatter.add.f32 [tilespmem:s18], [sflag:$0x2], $0x80, s25, s21, $0xb8;
	[tilespmem:$0x1E400] =	vst v63  }
0x15a: {  	_ =	swait.ge [sflag:s19], $0x4000  }
0x15b: {  	[sflag:s19] =	ssyncset.done $0x0  }
0x15c: {  	[sflag:s19] =	ssyncadd.s32 $0xFFFFC000  }
0x15d: {  	_ =	swait.ge [sflag:s22], $0x4000  }
0x15e: {  	[sflag:s22] =	ssyncset.done $0x0  }
0x15f: {  	[sflag:s22] =	ssyncadd.s32 $0xFFFFC000  }
0x160: {  	[spmem:s2] =	stream.indirect.scatter.add.f32 [tilespmem:s23], [sflag:$0x2], $0x80, s26, s21, $0xb8;
	[tilespmem:$0x1E400] =	vst v63  }
0x161: {  	_ =	swait.ge [sflag:s19], $0x4000  }
0x162: {  	s4 =	sadd.s32 $0x1, s4;
	[sflag:s19] =	ssyncset.done $0x0  }
0x163: {  	p0 =	sne.s32 s4, s17;
	[sflag:s19] =	ssyncadd.s32 $0xFFFFC000  }
.Ltmp6:
0x164: {  	[bflag:$0x0] =	sbarrier.arrive $0xFFFF;
	(pc) =	sbr.rel @p0 .LBB2_1-.Ltmp6, $4  }
0x165: {  	[hbm:s16], [sflag:s28] =	dma.local [spmem:s29], $0x2780  }
0x166: {  	_ =	swait.ge [sflag:s19], $0x2780  }
0x167: {  	[sflag:s19] =	ssyncset.done $0x0  }
0x168: {  	[sflag:s19] =	ssyncadd.s32 $0xFFFFD880  }
0x169: {  	_ =	sfence.sel $0x180000  }
0x16a: {  	[bflag:$0x0] =	sbarrier.arrive $0xFFFF  }
0x16b: {  	_ =	strace $0x9000004D  }
0x16c: {  	[bflag:$0x2] =	sbarrier.arrive $0xFFFF  }
0x16d: {  	p0 =	sne.s32 s3, $0x0;
	s0 =	rddreg [dreg:$0x3]  }
0x16e: {  	s0 =	sadd.s32 @!p0 $0x100000, s0  }
0x16f: {  	[sflag:s0] =	ssyncadd.tile.s32 @!p0 $0x1;
	_ =	shalt  }
.Lfunc_end2:
_tile_overlayer_lowered:
.L_overlay_start_2:
0x170: {  	(tag) =	ssettag $0x2  }
0x171: {  	s0 =	rddreg [dreg:$0x0];
	s2 =	stileid.u32  }
0x172: {  	s1 =	rddreg [dreg:$0x1];
	p0 =	sne.s32 s2, $0x0  }
0x173: {  	s3 =	rddreg [dreg:$0x2];
	[bflag:$0x3] =	sbarrier.arrive $0xFFFF;
	s2 =	simm.s32 @!p0 $0x1C02  }
0x174: {  	[timem:s3], [sflag:s2] =	dma.local @!p0 [hbm:s0], s1  }
0x175: {  	s0 =	simm.s32 @!p0 $0x2  }
0x176: {  	_ =	swait.ge @!p0 [sflag:s0], s1  }
0x177: {  	s1 =	ssub.s32 @!p0 $0x0, s1;
	[sflag:s0] =	ssyncset.done @!p0 $0x0  }
0x178: {  	[sflag:s0] =	ssyncadd.s32 @!p0 s1  }
0x179: {  	[bflag:$0x3] =	sbarrier.arrive $0xFFFF  }
0x17a: {  	_ =	shalt  }

// kernel: kernel.19.cloned.1.call-start
scs
__scs_entry_jumppad:
0x0: {  	(pc) =	sbr.rel $0x88, $3  }
0x1: {  	(tag) =	ssettag $0x0;
	lr =	simm.s32 $0x1  }
0x2: {  	[smem:$0x3F99] =	sst lr;
	_ =	strace $0xD0000000  }
0x3: {  	_ = 	snop  }
0x4: {  	_ = 	snop  }
0x5: {  	_ = 	snop  }
0x6: {  	_ = 	snop  }
0x7: {  	_ = 	snop  }
__scs_overlays_trampoline_lowered:
0x8: {  	[smem:$0x3FA8] =	sst s0  }
0x9: {  	[smem:$0x3FA9] =	sst s1  }
0xa: {  	[smem:$0x3FAA] =	sst s2  }
0xb: {  	[smem:$0x3FAB] =	sst s3  }
0xc: {  	[smem:$0x3FAC] =	sst s4  }
0xd: {  	[smem:$0x3FAD] =	sst s5  }
0xe: {  	[smem:$0x3FAE] =	sst s6  }
0xf: {  	[smem:$0x3FAF] =	sst s7  }
0x10: {  	[smem:$0x3FB0] =	sst s8  }
0x11: {  	[smem:$0x3FB1] =	sst s9;
	s0 =	simm.s32 @!p0 $0x0  }
0x12: {  	s1 =	sld [smem:$0x3F97];
	s0 =	simm.s32 @p0 $0x1  }
0x13: {  	[smem:$0x3FB2] =	sst s0;
	s0 =	simm.s32 @!p1 $0x0  }
0x14: {  	s2 =	sld [smem:$0x3F96];
	s0 =	simm.s32 @p1 $0x1  }
0x15: {  	[smem:$0x3FB3] =	sst s0;
	s0 =	simm.s32 @!p2 $0x0  }
0x16: {  	s3 =	sld [smem:$0x3FDB];
	s0 =	simm.s32 @p2 $0x1  }
0x17: {  	s4 =	simm.s32 $0x1BF5;
	[smem:$0x3FB5] =	sst s0  }
0x18: {  	s0 =	sld [smem:$0x3F98];
	_ =	swait.ge [sflag:s4], $0x0  }
0x19: {  	s7 =	sld [smem:$0x3F99]  }
0x1a: {  	s8 =	sadd.s32 $0xFFFFE003, lr  }
0x1b: {  	s9 =	sadd.s32 $0xFFFFFEF7, lr;
	s5 =	simm.s32 $0xFFFFFFFF;
	p2 =	slt.u32 s8, $0xFFFFF086  }
0x1c: {  	p1 =	slt.u32 s9, $0xF7A;
	s5 =	simm.s32 @!p2 $0x0  }
0x1d: {  	s5 =	simm.s32 @p1 $0x1;
	p0 =	seq.s32 s7, s2  }
0x1e: {  	s7 =	smul.u32 @!p0 $0xF7A, s2;
	p2 =	seq.s32 @!p0 s5, $0x0  }
0x1f: {  	s9 =	smul.u32 $0xF7A, s1;
	s8 =	simm.s32 @!p0 $0x1BF5;
	p2 =	por !p2, p0  }
0x20: {  	[sflag:s8] =	ssyncset.s32 @!p0 $0xFFFFF086;
	s6 =	sadd.s32 @!p0 s3, s7;
	s7 =	simm.s32 @!p0 $0x108  }
0x21: {  	s3 =	sadd.s32 s3, s9;
	s6 =	sadd.s32 @!p0 $0x88, s6;
	s7 =	simm.s32 @p2 $0x1082  }
0x22: {  	[simem:s7], [sflag:s8] =	dma.local @!p0 [hbm:s6], $0xF7A  }
0x23: {  	s9 =	sor.u32 $0xD0000000, s2;
	s6 =	simm.s32 $0x108;
	_ =	swait.ge @!p0 [sflag:s8], $0x0  }
0x24: {  	s3 =	sadd.s32 $0x88, s3;
	s6 =	simm.s32 @!p1 $0x1082;
	[sflag:s4] =	ssyncset.s32 $0xFFFFF086  }
0x25: {  	[simem:s6], [sflag:s4] =	dma.local [hbm:s3], $0xF7A  }
0x26: {  	[smem:$0x3F99] =	sst s1;
	(tag) =	ssettag s2;
	_ =	strace s9  }
0x27: {  	s1 =	sld [smem:$0x3FA9]  }
0x28: {  	s2 =	sld [smem:$0x3FAA]  }
0x29: {  	s4 =	sld [smem:$0x3FAC]  }
0x2a: {  	p0 =	seq.s32 s5, $0x0;
	s5 =	sld [smem:$0x3FAD]  }
0x2b: {  	s6 =	sld [smem:$0x3FAE]  }
0x2c: {  	s7 =	sld [smem:$0x3FAF]  }
0x2d: {  	s3 =	simm.s32 $0x108;
	s8 =	sld [smem:$0x3FB0]  }
0x2e: {  	s3 =	simm.s32 @!p0 $0x1082;
	s9 =	sld [smem:$0x3FB1]  }
0x2f: {  	lr =	sadd.s32 s0, s3;
	s0 =	sld [smem:$0x3FA8]  }
0x30: {  	s3 =	sld [smem:$0x3FAB]  }
0x31: {  	[smem:$0x3FB4] =	sst s10  }
0x32: {  	s10 =	sld [smem:$0x3FB2];
	_ =	sdelay $0x3  }
0x33: {  	p0 =	seq.s32 s10, $0x1;
	s10 =	sld [smem:$0x3FB4];
	_ =	sdelay $0x3  }
0x34: {  	[smem:$0x3FB4] =	sst s10  }
0x35: {  	s10 =	sld [smem:$0x3FB3];
	_ =	sdelay $0x3  }
0x36: {  	p1 =	seq.s32 s10, $0x1;
	s10 =	sld [smem:$0x3FB4];
	_ =	sdelay $0x3  }
0x37: {  	[smem:$0x3FB4] =	sst s10  }
0x38: {  	s10 =	sld [smem:$0x3FB5]  }
0x39: {  	_ = 	snop;
	(pc) =	sbr.ind lr, $3  }
0x3a: {  	_ = 	snop  }
0x3b: {  	_ = 	snop  }
0x3c: {  	p2 =	seq.s32 s10, $0x1;
	s10 =	sld [smem:$0x3FB4]  }
0x3d: {  	_ =	shalt  }
0x3e: {  	_ =	shalt  }
0x3f: {  	_ =	shalt  }
0x40: {  	_ =	shalt  }
0x41: {  	_ =	shalt  }
0x42: {  	_ =	shalt  }
0x43: {  	_ =	shalt  }
0x44: {  	_ =	shalt  }
0x45: {  	_ =	shalt  }
0x46: {  	_ =	shalt  }
0x47: {  	_ =	shalt  }
0x48: {  	_ =	shalt  }
0x49: {  	_ =	shalt  }
0x4a: {  	_ =	shalt  }
0x4b: {  	_ =	shalt  }
0x4c: {  	_ =	shalt  }
0x4d: {  	_ =	shalt  }
0x4e: {  	_ =	shalt  }
0x4f: {  	_ =	shalt  }
0x50: {  	_ =	shalt  }
0x51: {  	_ =	shalt  }
0x52: {  	_ =	shalt  }
0x53: {  	_ =	shalt  }
0x54: {  	_ =	shalt  }
0x55: {  	_ =	shalt  }
0x56: {  	_ =	shalt  }
0x57: {  	_ =	shalt  }
0x58: {  	_ =	shalt  }
0x59: {  	_ =	shalt  }
0x5a: {  	_ =	shalt  }
0x5b: {  	_ =	shalt  }
0x5c: {  	_ =	shalt  }
0x5d: {  	_ =	shalt  }
0x5e: {  	_ =	shalt  }
0x5f: {  	_ =	shalt  }
0x60: {  	_ =	shalt  }
0x61: {  	_ =	shalt  }
0x62: {  	_ =	shalt  }
0x63: {  	_ =	shalt  }
0x64: {  	_ =	shalt  }
0x65: {  	_ =	shalt  }
0x66: {  	_ =	shalt  }
0x67: {  	_ =	shalt  }
0x68: {  	_ =	shalt  }
0x69: {  	_ =	shalt  }
0x6a: {  	_ =	shalt  }
0x6b: {  	_ =	shalt  }
0x6c: {  	_ =	shalt  }
0x6d: {  	_ =	shalt  }
0x6e: {  	_ =	shalt  }
0x6f: {  	_ =	shalt  }
0x70: {  	_ =	shalt  }
0x71: {  	_ =	shalt  }
0x72: {  	_ =	shalt  }
0x73: {  	_ =	shalt  }
0x74: {  	_ =	shalt  }
0x75: {  	_ =	shalt  }
0x76: {  	_ =	shalt  }
0x77: {  	_ =	shalt  }
0x78: {  	_ =	shalt  }
0x79: {  	_ =	shalt  }
0x7a: {  	_ =	shalt  }
0x7b: {  	_ =	shalt  }
0x7c: {  	_ =	shalt  }
0x7d: {  	_ =	shalt  }
0x7e: {  	_ =	shalt  }
0x7f: {  	_ =	shalt  }
0x80: {  	_ =	shalt  }
0x81: {  	_ =	shalt  }
0x82: {  	_ =	shalt  }
0x83: {  	_ =	shalt  }
0x84: {  	_ =	shalt  }
0x85: {  	_ =	shalt  }
0x86: {  	_ =	shalt  }
0x87: {  	_ =	shalt  }
.Lfunc_end0:
.L_simem_size_0:
called_computation.3_lowered:
.L_overlay_start_0:
0x88: {  	s2 =	sld [smem:$0x3FD9]  }
0x89: {  	s3 =	sld [smem:$0x3FFE];
	_ =	sdelay $0x1  }
0x8a: {  	s1 =	srdreg.scid  }
0x8b: {  	s0 =	sand.u32 $0x1, s1  }
0x8c: {  	s17 =	sshll.u32 s0, $0xA;
	s2 =	sadd.s32 s3, s2  }
0x8d: {  	s2 =	sadd.s32 s2, s17  }
0x8e: {  	[smem:$0x3FC0] =	sst s2  }
0x8f: {  	_ = 	snop  }
0x90: {  	s2 =	sld [smem:$0x3FD0];
	(tm) =	ssettm $0x1  }
0x91: {  	s18 =	sld [smem:$0x3FFB];
	_ =	sdelay $0x3  }
0x92: {  	_ =	strace s18  }
0x93: {  	s3 =	sld [smem:$0x3FFC];
	_ =	sdelay $0x3  }
0x94: {  	_ =	strace s3  }
0x95: {  	s3 =	sld [smem:$0x3FFD];
	_ =	sdelay $0x3  }
0x96: {  	_ =	strace s3  }
0x97: {  	_ =	strace $0x8FFFFFFF  }
0x98: {  	s19 =	sld [smem:$0x3FDB];
	_ =	sdelay $0x1  }
0x99: {  	s4 =	simm.s32 $_scs_section_size  }
0x9a: {  	s5 =	simm.s32 $_size__tile_overlayer_lowered;
	s6 =	simm.s32 $_tile_overlayer_lowered  }
0x9b: {  	s22 =	simm.s32 $0x1BFF;
	s21 =	sshll.u32 s6, $0x1;
	s3 =	sadd.s32 s4, s19  }
0x9c: {  	s7 =	simm.s32 $0x0;
	s20 =	sshll.u32 s5, $0x1;
	s5 =	sadd.s32 s21, s3  }
0x9d: {  	[timem:s7], [sflag:s22] =	dma.local [hbm:s5], s20  }
0x9e: {  	_ =	swait.ge [sflag:s22], s20  }
0x9f: {  	s4 =	ssub.s32 $0x0, s20;
	[sflag:s22] =	ssyncset.done $0x0  }
0xa0: {  	[sflag:s22] =	ssyncadd.s32 s4;
	_ =	sdelay $0x1  }
0xa1: {  	s23 =	simm.s32 $0x1B8B  }
0xa2: {  	_ =	swait.ge [sflag:s23], $0x1  }
0xa3: {  	[sflag:s23] =	ssyncset.done $0x0  }
0xa4: {  	s25 =	simm.s32 $0x1B8E;
	s24 =	sld [smem:$0x3FFE];
	[sflag:s23] =	ssyncadd.s32 $0xFFFFFFFF  }
0xa5: {  	s26 =	simm.s32 $execute0_lowered;
	[smem:$0x3FD2] =	sst s25  }
0xa6: {  	s5 =	sshll.u32 s26, $0x1;
	_ =	strace $0x8000004F;
	[dreg:$0x1] =	wrdreg $0xFFFFFFFF  }
0xa7: {  	s28 =	simm.s32 $_size_execute0_lowered;
	s3 =	sadd.s32 s3, s5;
	[dreg:$0x0] =	wrdreg $0x0  }
0xa8: {  	s5 =	sshll.u32 s28, $0x1;
	[dreg:$0x2] =	wrdreg s3  }
0xa9: {  	[dreg:$0x3] =	wrdreg s5  }
0xaa: {  	[dreg:$0x4] =	wrdreg $0xC0  }
0xab: {  	_ =	task [dreg:s7], $0x5FFFF  }
0xac: {  	[dreg:$0x1] =	wrdreg $0xFFFFFFFF  }
0xad: {  	[dreg:$0x0] =	wrdreg $0x60  }
0xae: {  	[dreg:$0x2] =	wrdreg s2  }
0xaf: {  	[dreg:$0x3] =	wrdreg s24  }
0xb0: {  	[dreg:$0x4] =	wrdreg $0xA8000  }
0xb1: {  	[dreg:$0x5] =	wrdreg $0x9  }
0xb2: {  	_ =	task.clear_ibuf [dreg:s7], $0x6FFFF;
	_ =	strace $0x9000004F  }
0xb3: {  	s29 =	simm.s32 $0x9;
	_ =	strace $0x80000051  }
0xb4: {  	_ =	swait.ge [sflag:s29], $0x1  }
0xb5: {  	[sflag:s29] =	ssyncadd.s32 $0xFFFFFFFF  }
0xb6: {  	_ =	strace $0x90000051  }
0xb7: {  	_ =	sfence  }
0xb8: {  	s30 =	sld [smem:$0x0];
	_ =	sdelay $0x2  }
0xb9: {  	s31 =	sshll.u32 s1, $0xD;
	s1 =	sshrl.u32 s1, $0x2  }
0xba: {  	s3 =	sand.u32 $0x4000, s31;
	s1 =	sadd.s32 s1, s30  }
0xbb: {  	s0 =	sor.u32 s3, s0;
	s1 =	sshll.u32 s1, $0x11  }
0xbc: {  	s0 =	sor.u32 s1, s0  }
0xbd: {  	s0 =	sadd.s32 $0x8F2B, s0  }
0xbe: {  	[sflag:s0] =	ssyncadd.remote.s32 $0x1  }
0xbf: {  	_ =	sfence.sel $0xFFFF  }
0xc0: {  	[dreg:$0x0] =	wrdreg $0xFFFFFFFF;
	(pc) =	sbr.abs _section_cstart, $3  }
0xc1: {  	[dreg:$0x1] =	wrdreg $0xFFFFFFFF  }
0xc2: {  	_ =	task.clear_ibuf [dreg:s7], $0x2FFFF;
	_ =	strace $0x9FFFFFFF  }
0xc3: {  	(tm) =	ssettm $0x7FFFFFFF  }
tec
execute0_lowered:
.L_overlay_start_1:
0x0: {  	(tag) =	ssettag $0x1  }
0x1: {  	s1 =	rddreg [dreg:$0x0]  }
0x2: {  	s5 =	rddreg [dreg:$0x1]  }
0x3: {  	s2 =	rddreg [dreg:$0x2]  }
0x4: {  	s3 =	srdreg.scid;
	s0 =	rddreg [dreg:$0x3]  }
0x5: {  	s4 =	simm.s32 $0x0;
	s17 =	simm.s32 $0x2;
	s18 =	simm.s32 $0x1400  }
0x6: {  	s19 =	simm.s32 $0x80;
	s20 =	simm.s32 $0x1;
	s21 =	simm.s32 $0x6800  }
0x7: {  	s22 =	simm.s32 $0x1380;
	s23 =	simm.s32 $0x2700;
	s6 =	sand.u32 $0x1, s3  }
0x8: {  	s24 =	simm.s32 $0x2780;
	s3 =	stileid.u32;
	s7 =	smul.u32 $0x13C000, s6  }
0x9: {  	[smem:$0x7FF] =	sst s4;
	s12 =	sadd.s32 $0x5C600, s5;
	s8 =	smul.u32 $0x13C00, s3  }
0xa: {  	s13 =	sadd.s32 $0x3600, s5;
	s30 =	sshll.u32 s3, $0x1;
	s9 =	smul.u32 $0x4F000, s3  }
0xb: {  	_ =	strace $0x80000050;
	s10 =	ssub.s32 $0x2, s6;
	s6 =	sor.u32 s6, s30  }
0xc: {  	s31 =	sshrl.u32 s10, $0x1;
	s7 =	sadd.s32 s8, s7;
	s9 =	sshrl.u32 s9, $0x2  }
0xd: {  	s11 =	smul.u32 $0x2800, s6;
	s15 =	ssub.s32 s10, s31;
	s7 =	sshrl.u32 s7, $0x3  }
0xe: {  	s15 =	smax.u32 s15, $0x1;
	s14 =	sadd.s32 s7, s5;
	s5 =	sadd.s32 s9, s2  }
0xf: {  	s11 =	sshrl.u32 s11, $0x3;
	s6 =	sadd.s32 $0x4000, s5;
	s7 =	sadd.s32 $0x8000, s5  }
0x10: {  	s8 =	sadd.s32 $0xC000, s5;
	s9 =	sadd.s32 $0x10000, s5;
	s16 =	sadd.s32 $0x280, s11  }
0x11: {  	s10 =	sadd.s32 s12, s11;
	s11 =	sadd.s32 s13, s11;
	s14 =	sadd.s32 $0x66600, s14  }
0x12: {  	v0 =	vimm.f32 $0.0e+00;
	s12 =	sadd.s32 s12, s16;
	s13 =	sadd.s32 s13, s16;
	s16 =	simm.s32 $0x2800  }
.LBB2_1:
0x13: {  	s25 =	simm.s32 $0x0;
	s26 =	simm.s32 $0x200  }
.LBB2_2:
0x14: {  	p0 =	sne.s32 s26, $0xFE00;
	[tilespmem:s25+$0x2870] =	vst v0  }
0x15: {  	[tilespmem:s25+$0x2800] =	vst v0  }
0x16: {  	[tilespmem:s25+$0x2810] =	vst v0  }
.Ltmp0:
0x17: {  	[tilespmem:s25+$0x2820] =	vst v0;
	(pc) =	sbr.rel @p0 .LBB2_2-.Ltmp0, $4  }
0x18: {  	[tilespmem:s25+$0x2830] =	vst v0  }
0x19: {  	[tilespmem:s25+$0x2840] =	vst v0  }
0x1a: {  	[tilespmem:s25+$0x2850] =	vst v0  }
0x1b: {  	[tilespmem:s25+$0x2860] =	vst v0;
	s25 =	sshra.s32 s26, $0x2;
	s26 =	sadd.s32 $0x200, s26  }
0x1c: {  	[tilespmem:s25+$0x2870] =	vst v0  }
0x1d: {  	[tilespmem:s25+$0x2800] =	vst v0  }
0x1e: {  	[tilespmem:s25+$0x2810] =	vst v0  }
0x1f: {  	[tilespmem:s25+$0x2820] =	vst v0  }
0x20: {  	[tilespmem:s25+$0x2830] =	vst v0  }
0x21: {  	[tilespmem:s25+$0x2840] =	vst v0  }
0x22: {  	[tilespmem:s25+$0x2850] =	vst v0  }
0x23: {  	[tilespmem:s25+$0x2860] =	vst v0  }
0x24: {  	[spmem:s5] =	stream.linear.scatter [tilespmem:s16], [sflag:$0x2], $0x4000, $0x38;
	[tilespmem:$0x1E400] =	vst v63  }
0x25: {  	_ =	swait.ge [sflag:s17], $0x4000  }
0x26: {  	[sflag:s17] =	ssyncset.done $0x0  }
0x27: {  	[sflag:s17] =	ssyncadd.s32 $0xFFFFC000  }
0x28: {  	[spmem:s6] =	stream.linear.scatter [tilespmem:s16], [sflag:$0x2], $0x4000, $0x38;
	[tilespmem:$0x1E400] =	vst v63  }
0x29: {  	_ =	swait.ge [sflag:s17], $0x4000  }
0x2a: {  	[sflag:s17] =	ssyncset.done $0x0  }
0x2b: {  	[sflag:s17] =	ssyncadd.s32 $0xFFFFC000  }
0x2c: {  	[spmem:s7] =	stream.linear.scatter [tilespmem:s16], [sflag:$0x2], $0x4000, $0x38;
	[tilespmem:$0x1E400] =	vst v63  }
0x2d: {  	_ =	swait.ge [sflag:s17], $0x4000  }
0x2e: {  	[sflag:s17] =	ssyncset.done $0x0  }
0x2f: {  	[sflag:s17] =	ssyncadd.s32 $0xFFFFC000  }
0x30: {  	[spmem:s8] =	stream.linear.scatter [tilespmem:s16], [sflag:$0x2], $0x4000, $0x38;
	[tilespmem:$0x1E400] =	vst v63  }
0x31: {  	_ =	swait.ge [sflag:s17], $0x4000  }
0x32: {  	[sflag:s17] =	ssyncset.done $0x0  }
0x33: {  	[sflag:s17] =	ssyncadd.s32 $0xFFFFC000  }
0x34: {  	[spmem:s9] =	stream.linear.scatter [tilespmem:s16], [sflag:$0x2], $0x3C00, $0x38;
	[tilespmem:$0x1E400] =	vst v63  }
0x35: {  	_ =	swait.ge [sflag:s17], $0x3C00  }
0x36: {  	[sflag:s17] =	ssyncset.done $0x0  }
0x37: {  	[sflag:s17] =	ssyncadd.s32 $0xFFFFC400  }
0x38: {  	s26 =	simm.s32 $0x0;
	[bflag:$0x0] =	sbarrier.arrive $0xFFFF  }
0x39: {  	[tilespmem:s26], [sflag:$0x2] =	stream.linear.gather [hbm4b:s10+s26], $0x1400, $0x38;
	[tilespmem:$0x1E400] =	vst v63  }
0x3a: {  	_ =	swait.ge [sflag:s17], $0x1400  }
0x3b: {  	[sflag:s17] =	ssyncset.done $0x0  }
0x3c: {  	[sflag:s17] =	ssyncadd.s32 $0xFFFFEC00  }
0x3d: {  	[tilespmem:s18], [sflag:$0x2] =	stream.linear.gather [hbm4b:s11+s26], $0x1400, $0x38;
	[tilespmem:$0x1E400] =	vst v63  }
0x3e: {  	_ =	swait.ge [sflag:s17], $0x1400  }
0x3f: {  	[sflag:s17] =	ssyncset.done $0x0  }
0x40: {  	[sflag:s17] =	ssyncadd.s32 $0xFFFFEC00  }
0x41: {  	[tilespmem:s16], [sflag:$0x1] =	stream.indirect.gather [hbm4b:s1+s19], $0x80, s26, s19, $0xb8;
	[tilespmem:$0x1E400] =	vst v63  }
0x42: {  	_ =	swait.ge [sflag:s20], $0x4000  }
0x43: {  	[sflag:s20] =	ssyncset.done $0x0  }
0x44: {  	s28 =	simm.s32 $0x80;
	[sflag:s20] =	ssyncadd.s32 $0xFFFFC000  }
0x45: {  	[tilespmem:s21], [sflag:$0x1] =	stream.indirect.gather [hbm4b:s1+s19], $0x80, s28, s19, $0xb8;
	[tilespmem:$0x1E400] =	vst v63  }
0x46: {  	s29 =	simm.s32 $0x1400  }
0x47: {  	[spmem:s2] =	stream.indirect.scatter.add.f32 [tilespmem:s16], [sflag:$0x2], $0x80, s29, s19, $0xb8;
	[tilespmem:$0x1E400] =	vst v63  }
0x48: {  	_ =	swait.ge [sflag:s17], $0x4000  }
0x49: {  	[sflag:s17] =	ssyncset.done $0x0  }
0x4a: {  	[sflag:s17] =	ssyncadd.s32 $0xFFFFC000  }
0x4b: {  	_ =	swait.ge [sflag:s20], $0x4000  }
0x4c: {  	[sflag:s20] =	ssyncset.done $0x0  }
0x4d: {  	s30 =	simm.s32 $0x100;
	[sflag:s20] =	ssyncadd.s32 $0xFFFFC000  }
0x4e: {  	[tilespmem:s16], [sflag:$0x1] =	stream.indirect.gather [hbm4b:s1+s19], $0x80, s30, s19, $0xb8;
	[tilespmem:$0x1E400] =	vst v63  }
0x4f: {  	s31 =	simm.s32 $0x1480  }
0x50: {  	[spmem:s2] =	stream.indirect.scatter.add.f32 [tilespmem:s21], [sflag:$0x2], $0x80, s31, s19, $0xb8;
	[tilespmem:$0x1E400] =	vst v63  }
0x51: {  	_ =	swait.ge [sflag:s17], $0x4000  }
0x52: {  	s25 =	simm.s32 $0x400;
	[sflag:s17] =	ssyncset.done $0x0  }
.LBB2_4:
0x53: {  	p0 =	sne.s32 s25, $0x4800  }
0x54: {  	[sflag:s17] =	ssyncadd.s32 $0xFFFFC000;
	s26 =	smov.u32 s25;
	s25 =	sadd.s32 $0x400, s25  }
0x55: {  	_ = 	snop  }
0x56: {  	_ =	swait.ge [sflag:s20], $0x4000  }
0x57: {  	s26 =	sshra.s32 s26, $0x2;
	[sflag:s20] =	ssyncset.done $0x0  }
0x58: {  	s28 =	sadd.s32 $0x80, s26;
	[sflag:s20] =	ssyncadd.s32 $0xFFFFC000  }
0x59: {  	[tilespmem:s21], [sflag:$0x1] =	stream.indirect.gather [hbm4b:s1+s19], $0x80, s28, s19, $0xb8;
	[tilespmem:$0x1E400] =	vst v63  }
0x5a: {  	s28 =	sadd.s32 $0x1400, s26  }
0x5b: {  	[spmem:s2] =	stream.indirect.scatter.add.f32 [tilespmem:s16], [sflag:$0x2], $0x80, s28, s19, $0xb8;
	[tilespmem:$0x1E400] =	vst v63  }
0x5c: {  	_ =	swait.ge [sflag:s17], $0x4000  }
0x5d: {  	[sflag:s17] =	ssyncset.done $0x0  }
0x5e: {  	[sflag:s17] =	ssyncadd.s32 $0xFFFFC000  }
0x5f: {  	_ =	swait.ge [sflag:s20], $0x4000  }
0x60: {  	[sflag:s20] =	ssyncset.done $0x0  }
0x61: {  	s28 =	sadd.s32 $0x100, s26;
	[sflag:s20] =	ssyncadd.s32 $0xFFFFC000  }
0x62: {  	[tilespmem:s16], [sflag:$0x1] =	stream.indirect.gather [hbm4b:s1+s19], $0x80, s28, s19, $0xb8;
	[tilespmem:$0x1E400] =	vst v63  }
.Ltmp1:
0x63: {  	_ = 	snop;
	(pc) =	sbr.rel @p0 .LBB2_4-.Ltmp1, $4  }
0x64: {  	s26 =	sadd.s32 $0x1480, s26  }
0x65: {  	[spmem:s2] =	stream.indirect.scatter.add.f32 [tilespmem:s21], [sflag:$0x2], $0x80, s26, s19, $0xb8;
	[tilespmem:$0x1E400] =	vst v63  }
0x66: {  	_ =	swait.ge [sflag:s17], $0x4000  }
0x67: {  	[sflag:s17] =	ssyncset.done $0x0  }
0x68: {  	[sflag:s17] =	ssyncadd.s32 $0xFFFFC000  }
0x69: {  	_ =	swait.ge [sflag:s20], $0x4000  }
0x6a: {  	[sflag:s20] =	ssyncset.done $0x0  }
0x6b: {  	[sflag:s20] =	ssyncadd.s32 $0xFFFFC000  }
0x6c: {  	[tilespmem:s21], [sflag:$0x1] =	stream.indirect.gather [hbm4b:s1+s19], $0x80, s22, s19, $0xb8;
	[tilespmem:$0x1E400] =	vst v63  }
0x6d: {  	_ = 	snop  }
0x6e: {  	[spmem:s2] =	stream.indirect.scatter.add.f32 [tilespmem:s16], [sflag:$0x2], $0x80, s23, s19, $0xb8;
	[tilespmem:$0x1E400] =	vst v63  }
0x6f: {  	_ =	swait.ge [sflag:s17], $0x4000  }
0x70: {  	[sflag:s17] =	ssyncset.done $0x0  }
0x71: {  	[sflag:s17] =	ssyncadd.s32 $0xFFFFC000  }
0x72: {  	_ =	swait.ge [sflag:s20], $0x4000  }
0x73: {  	[sflag:s20] =	ssyncset.done $0x0  }
0x74: {  	[sflag:s20] =	ssyncadd.s32 $0xFFFFC000  }
0x75: {  	[spmem:s2] =	stream.indirect.scatter.add.f32 [tilespmem:s21], [sflag:$0x2], $0x80, s24, s19, $0xb8;
	[tilespmem:$0x1E400] =	vst v63  }
0x76: {  	_ =	swait.ge [sflag:s17], $0x4000  }
0x77: {  	[sflag:s17] =	ssyncset.done $0x0  }
0x78: {  	s25 =	simm.s32 $0x0;
	[sflag:s17] =	ssyncadd.s32 $0xFFFFC000  }
0x79: {  	[tilespmem:s25], [sflag:$0x2] =	stream.linear.gather [hbm4b:s12+s25], $0x1400, $0x38;
	[tilespmem:$0x1E400] =	vst v63  }
0x7a: {  	_ =	swait.ge [sflag:s17], $0x1400  }
0x7b: {  	[sflag:s17] =	ssyncset.done $0x0  }
0x7c: {  	[sflag:s17] =	ssyncadd.s32 $0xFFFFEC00  }
0x7d: {  	[tilespmem:s18], [sflag:$0x2] =	stream.linear.gather [hbm4b:s13+s25], $0x1400, $0x38;
	[tilespmem:$0x1E400] =	vst v63  }
0x7e: {  	_ =	swait.ge [sflag:s17], $0x1400  }
0x7f: {  	[sflag:s17] =	ssyncset.done $0x0  }
0x80: {  	[sflag:s17] =	ssyncadd.s32 $0xFFFFEC00  }
0x81: {  	[tilespmem:s16], [sflag:$0x1] =	stream.indirect.gather [hbm4b:s1+s19], $0x80, s25, s19, $0xb8;
	[tilespmem:$0x1E400] =	vst v63  }
0x82: {  	_ =	swait.ge [sflag:s20], $0x4000  }
0x83: {  	[sflag:s20] =	ssyncset.done $0x0  }
0x84: {  	s28 =	simm.s32 $0x80;
	[sflag:s20] =	ssyncadd.s32 $0xFFFFC000  }
0x85: {  	[tilespmem:s21], [sflag:$0x1] =	stream.indirect.gather [hbm4b:s1+s19], $0x80, s28, s19, $0xb8;
	[tilespmem:$0x1E400] =	vst v63  }
0x86: {  	s29 =	simm.s32 $0x1400  }
0x87: {  	[spmem:s2] =	stream.indirect.scatter.add.f32 [tilespmem:s16], [sflag:$0x2], $0x80, s29, s19, $0xb8;
	[tilespmem:$0x1E400] =	vst v63  }
0x88: {  	_ =	swait.ge [sflag:s17], $0x4000  }
0x89: {  	[sflag:s17] =	ssyncset.done $0x0  }
0x8a: {  	[sflag:s17] =	ssyncadd.s32 $0xFFFFC000  }
0x8b: {  	_ =	swait.ge [sflag:s20], $0x4000  }
0x8c: {  	[sflag:s20] =	ssyncset.done $0x0  }
0x8d: {  	s30 =	simm.s32 $0x100;
	[sflag:s20] =	ssyncadd.s32 $0xFFFFC000  }
0x8e: {  	[tilespmem:s16], [sflag:$0x1] =	stream.indirect.gather [hbm4b:s1+s19], $0x80, s30, s19, $0xb8;
	[tilespmem:$0x1E400] =	vst v63  }
0x8f: {  	s31 =	simm.s32 $0x1480  }
0x90: {  	[spmem:s2] =	stream.indirect.scatter.add.f32 [tilespmem:s21], [sflag:$0x2], $0x80, s31, s19, $0xb8;
	[tilespmem:$0x1E400] =	vst v63  }
0x91: {  	_ =	swait.ge [sflag:s17], $0x4000  }
0x92: {  	s25 =	simm.s32 $0x400;
	[sflag:s17] =	ssyncset.done $0x0  }
.LBB2_6:
0x93: {  	p0 =	sne.s32 s25, $0x4800  }
0x94: {  	[sflag:s17] =	ssyncadd.s32 $0xFFFFC000;
	s26 =	smov.u32 s25;
	s25 =	sadd.s32 $0x400, s25  }
0x95: {  	_ = 	snop  }
0x96: {  	_ =	swait.ge [sflag:s20], $0x4000  }
0x97: {  	s26 =	sshra.s32 s26, $0x2;
	[sflag:s20] =	ssyncset.done $0x0  }
0x98: {  	s28 =	sadd.s32 $0x80, s26;
	[sflag:s20] =	ssyncadd.s32 $0xFFFFC000  }
0x99: {  	[tilespmem:s21], [sflag:$0x1] =	stream.indirect.gather [hbm4b:s1+s19], $0x80, s28, s19, $0xb8;
	[tilespmem:$0x1E400] =	vst v63  }
0x9a: {  	s28 =	sadd.s32 $0x1400, s26  }
0x9b: {  	[spmem:s2] =	stream.indirect.scatter.add.f32 [tilespmem:s16], [sflag:$0x2], $0x80, s28, s19, $0xb8;
	[tilespmem:$0x1E400] =	vst v63  }
0x9c: {  	_ =	swait.ge [sflag:s17], $0x4000  }
0x9d: {  	[sflag:s17] =	ssyncset.done $0x0  }
0x9e: {  	[sflag:s17] =	ssyncadd.s32 $0xFFFFC000  }
0x9f: {  	_ =	swait.ge [sflag:s20], $0x4000  }
0xa0: {  	[sflag:s20] =	ssyncset.done $0x0  }
0xa1: {  	s28 =	sadd.s32 $0x100, s26;
	[sflag:s20] =	ssyncadd.s32 $0xFFFFC000  }
0xa2: {  	[tilespmem:s16], [sflag:$0x1] =	stream.indirect.gather [hbm4b:s1+s19], $0x80, s28, s19, $0xb8;
	[tilespmem:$0x1E400] =	vst v63  }
.Ltmp2:
0xa3: {  	_ = 	snop;
	(pc) =	sbr.rel @p0 .LBB2_6-.Ltmp2, $4  }
0xa4: {  	s26 =	sadd.s32 $0x1480, s26  }
0xa5: {  	[spmem:s2] =	stream.indirect.scatter.add.f32 [tilespmem:s21], [sflag:$0x2], $0x80, s26, s19, $0xb8;
	[tilespmem:$0x1E400] =	vst v63  }
0xa6: {  	_ =	swait.ge [sflag:s17], $0x4000  }
0xa7: {  	[sflag:s17] =	ssyncset.done $0x0  }
0xa8: {  	[sflag:s17] =	ssyncadd.s32 $0xFFFFC000  }
0xa9: {  	_ =	swait.ge [sflag:s20], $0x4000  }
0xaa: {  	[sflag:s20] =	ssyncset.done $0x0  }
0xab: {  	[sflag:s20] =	ssyncadd.s32 $0xFFFFC000  }
0xac: {  	[tilespmem:s21], [sflag:$0x1] =	stream.indirect.gather [hbm4b:s1+s19], $0x80, s22, s19, $0xb8;
	[tilespmem:$0x1E400] =	vst v63  }
0xad: {  	_ = 	snop  }
0xae: {  	[spmem:s2] =	stream.indirect.scatter.add.f32 [tilespmem:s16], [sflag:$0x2], $0x80, s23, s19, $0xb8;
	[tilespmem:$0x1E400] =	vst v63  }
0xaf: {  	_ =	swait.ge [sflag:s17], $0x4000  }
0xb0: {  	[sflag:s17] =	ssyncset.done $0x0  }
0xb1: {  	[sflag:s17] =	ssyncadd.s32 $0xFFFFC000  }
0xb2: {  	_ =	swait.ge [sflag:s20], $0x4000  }
0xb3: {  	[sflag:s20] =	ssyncset.done $0x0  }
0xb4: {  	[sflag:s20] =	ssyncadd.s32 $0xFFFFC000  }
0xb5: {  	[spmem:s2] =	stream.indirect.scatter.add.f32 [tilespmem:s21], [sflag:$0x2], $0x80, s24, s19, $0xb8;
	[tilespmem:$0x1E400] =	vst v63  }
0xb6: {  	_ =	swait.ge [sflag:s17], $0x4000  }
0xb7: {  	s25 =	sshll.u32 s3, $0x6;
	s4 =	sadd.s32 $0x1, s4;
	[sflag:s17] =	ssyncset.done $0x0  }
0xb8: {  	s26 =	sshrl.u32 s5, $0x3;
	p0 =	sne.s32 s4, s15;
	[sflag:s17] =	ssyncadd.s32 $0xFFFFC000  }
.Ltmp3:
0xb9: {  	s25 =	sor.u32 $0x1C02, s25;
	[bflag:$0x0] =	sbarrier.arrive $0xFFFF;
	(pc) =	sbr.rel @p0 .LBB2_1-.Ltmp3, $4  }
0xba: {  	[hbm:s14], [sflag:s25] =	dma.local [spmem:s26], $0x2780  }
0xbb: {  	_ =	swait.ge [sflag:s17], $0x2780  }
0xbc: {  	[sflag:s17] =	ssyncset.done $0x0  }
0xbd: {  	[sflag:s17] =	ssyncadd.s32 $0xFFFFD880  }
0xbe: {  	_ =	sfence.sel $0x180000  }
0xbf: {  	[bflag:$0x0] =	sbarrier.arrive $0xFFFF  }
0xc0: {  	p0 =	sne.s32 s3, $0x0;
	_ =	strace $0x90000050  }
0xc1: {  	s0 =	sadd.s32 @!p0 $0x100000, s0;
	[bflag:$0x2] =	sbarrier.arrive $0xFFFF  }
0xc2: {  	[sflag:s0] =	ssyncadd.tile.s32 @!p0 $0x1;
	_ =	shalt  }
.Lfunc_end2:
_tile_overlayer_lowered:
.L_overlay_start_2:
0xc3: {  	(tag) =	ssettag $0x2  }
0xc4: {  	s0 =	rddreg [dreg:$0x0];
	s2 =	stileid.u32  }
0xc5: {  	s1 =	rddreg [dreg:$0x1];
	p0 =	sne.s32 s2, $0x0  }
0xc6: {  	s3 =	rddreg [dreg:$0x2];
	[bflag:$0x3] =	sbarrier.arrive $0xFFFF;
	s2 =	simm.s32 @!p0 $0x1C02  }
0xc7: {  	[timem:s3], [sflag:s2] =	dma.local @!p0 [hbm:s0], s1  }
0xc8: {  	s0 =	simm.s32 @!p0 $0x2  }
0xc9: {  	_ =	swait.ge @!p0 [sflag:s0], s1  }
0xca: {  	s1 =	ssub.s32 @!p0 $0x0, s1;
	[sflag:s0] =	ssyncset.done @!p0 $0x0  }
0xcb: {  	[sflag:s0] =	ssyncadd.s32 @!p0 s1  }
0xcc: {  	[bflag:$0x3] =	sbarrier.arrive $0xFFFF  }
0xcd: {  	_ =	shalt  }

</sc_bundles>
